<compile_context>
chip_gen: v7x
topology: tpu7x:2x2x1
jax: 0.10.2.dev20260603
libtpu: 0.0.44.dev20260713+nightly
codegen_flags: <defaults>
</compile_context>

<pallas_src>
import functools

import jax
import jax.numpy as jnp
from jax import lax
from jax.experimental import pallas as pl
from jax.experimental.pallas import tpu as pltpu
from jax.experimental.pallas import tpu_sc as plsc

N_NODES = 10000
N_EDGES = 320000
D_FEAT = 128

NC = 2
NS = 16
L = 16
NW = NC * NS
EPW = N_EDGES // NW
C = 80
NCHUNK = EPW // C
G = C // L
NB = 4


def _body(z_hbm, src_hbm, dst_hbm, out_hbm,
          z_sh, idx_s_v, idx_d_v, rows_s, rows_d, outb,
          sems_s, sems_d, sems_o):
    cid = lax.axis_index("c")
    sid = lax.axis_index("s")
    wid = sid * NC + cid
    ebase = wid * EPW

    zrows = 2000

    @pl.when(sid < N_NODES // zrows)
    def _stage():
        pltpu.sync_copy(z_hbm.at[pl.ds(sid * zrows, zrows)],
                        z_sh.at[pl.ds(sid * zrows, zrows)])

    pltpu.sync_copy(src_hbm.at[pl.ds(ebase, EPW)], idx_s_v)
    pltpu.sync_copy(dst_hbm.at[pl.ds(ebase, EPW)], idx_d_v)
    plsc.subcore_barrier()

    lanes = lax.iota(jnp.int32, L)

    def start(g, b):
        off = g * C
        pltpu.async_copy(z_sh.at[idx_s_v.at[pl.ds(off, C)]],
                         rows_s.at[b], sems_s.at[b])
        pltpu.async_copy(z_sh.at[idx_d_v.at[pl.ds(off, C)]],
                         rows_d.at[b], sems_d.at[b])

    def wait_rows(b):
        pltpu.make_async_copy(z_hbm.at[pl.ds(0, C)],
                              rows_s.at[b], sems_s.at[b]).wait()
        pltpu.make_async_copy(z_hbm.at[pl.ds(0, C)],
                              rows_d.at[b], sems_d.at[b]).wait()

    def compute(g, b):
        rs = rows_s.at[b]
        rd = rows_d.at[b]
        ob = outb.at[b]

        @pl.when(g >= NB)
        def _drain():
            pltpu.make_async_copy(ob, out_hbm.at[pl.ds(0, C)],
                                  sems_o.at[b]).wait()


        @plsc.parallel_loop(0, G)
        def estep(blk):
            e_base = blk * L

            def dot16(e):
                p = []
                for j in range(D_FEAT // (2 * L)):
                    s2 = rs[e, pl.ds(j * 2 * L, 2 * L)]
                    d2 = rd[e, pl.ds(j * 2 * L, 2 * L)]
                    pa, pb = plsc.unpack(
                        s2 * d2, format=plsc.PackFormat.INTERLEAVED,
                        preferred_element_type=jnp.float32)
                    p.append(pa + pb)
                while len(p) > 1:
                    p = [a + b for a, b in zip(p[::2], p[1::2])]
                return jnp.sum(p[0])

            def four_edges(u, res):
                e = e_base + u * 4
                for q in range(4):
                    res = jnp.where(lanes == u * 4 + q, dot16(e + q), res)
                return res

            res = lax.fori_loop(0, L // 4, four_edges,
                                jnp.zeros((L,), jnp.float32))
            ob[pl.ds(e_base, L)] = 1.0 / (1.0 + jnp.exp(-res))
        pltpu.async_copy(ob, out_hbm.at[pl.ds(ebase + g * C, C)],
                         sems_o.at[b])

    for b in range(NB - 1):
        start(b, b)

    def quad(i, carry):
        g0 = i * NB
        for u in range(NB):
            g = g0 + u

            @pl.when(g + NB - 1 < NCHUNK)
            def _ahead():
                start(g + NB - 1, (g + NB - 1) % NB)

            wait_rows(u)
            compute(g, u)
        return carry

    lax.fori_loop(0, NCHUNK // NB, quad, 0)
    g_last = NCHUNK - 1
    wait_rows(g_last % NB)
    compute(g_last, g_last % NB)

    for b in range(NB):
        pltpu.make_async_copy(outb.at[b], out_hbm.at[pl.ds(0, C)],
                              sems_o.at[b]).wait()


_mesh = plsc.VectorSubcoreMesh(
    core_axis_name="c", subcore_axis_name="s", num_cores=NC, num_subcores=NS)

_call = functools.partial(
    pl.kernel,
    out_type=jax.ShapeDtypeStruct((N_EDGES,), jnp.float32),
    mesh=_mesh,
    scratch_types=[
        pltpu.VMEM_SHARED((N_NODES, D_FEAT), jnp.bfloat16),
        pltpu.VMEM((EPW,), jnp.int32),
        pltpu.VMEM((EPW,), jnp.int32),
        pltpu.VMEM((NB, C, D_FEAT), jnp.bfloat16),
        pltpu.VMEM((NB, C, D_FEAT), jnp.bfloat16),
        pltpu.VMEM((NB, C), jnp.float32),
        pltpu.SemaphoreType.DMA((NB,)),
        pltpu.SemaphoreType.DMA((NB,)),
        pltpu.SemaphoreType.DMA((NB,)),
    ],
    compiler_params=pltpu.CompilerParams(needs_layout_passes=False,
                                         use_tc_tiling_on_sc=False),
)(_body)


def kernel(z, edge_index):
    src = edge_index[0]
    dst = edge_index[1]
    return _call(z.astype(jnp.bfloat16), src, dst)

# --- scband reference (transcript-rebuilt; emitter-appended) ---
"""Pipeline reference for scband-gae-55533927137971 (READ-ONLY COPY).

The authoritative reference and input builder live on the scoring server;
editing this copy changes nothing except your own understanding.
"""

import jax, jax.numpy as jnp
import numpy as np

N_NODES = 10000
N_EDGES = 320000
D_FEAT = 128


def setup_inputs(seed: int = 0) -> dict:
    key = jax.random.key(seed)
    k1, k2 = jax.random.split(key)
    z = jax.random.normal(k1, (N_NODES, D_FEAT), dtype=jnp.float32)
    edge_index = jax.random.randint(k2, (2, N_EDGES), 0, N_NODES, dtype=jnp.int64 if jax.config.jax_enable_x64 else jnp.int32)
    edge_index = edge_index.astype(jnp.int32)
    return {"z": z, "edge_index": edge_index}


def reference(z, edge_index):
    # InnerProductDecoder.forward: sigmoid((z[src] * z[dst]).sum(-1))
    src = edge_index[0]
    dst = edge_index[1]
    z_src = jnp.take(z, src, axis=0)
    z_dst = jnp.take(z, dst, axis=0)
    value = jnp.sum(z_src * z_dst, axis=1)
    return jax.nn.sigmoid(value)

if __name__ == "__main__":
    import jax
    _d = setup_inputs()
    print(jax.jit(kernel)(*tuple(_d.values())))

</pallas_src>

<mosaic_0001>
#map = affine_map<(d0, d1) -> (0, 0)>
#map1 = affine_map<(d0, d1) -> (0)>
module attributes {stable_mosaic.version = 14 : i64} {
  func.func @_body(%arg0: i32, %arg1: i32, %arg2: memref<10000x128xbf16, #tpu.memory_space<hbm>>, %arg3: memref<320000xi32, #tpu.memory_space<hbm>>, %arg4: memref<320000xi32, #tpu.memory_space<hbm>>, %arg5: memref<320000xf32, #tpu.memory_space<hbm>>, %arg6: memref<10000x128xbf16, #tpu.memory_space<vmem_shared>>, %arg7: memref<10000xi32, #tpu.memory_space<vmem>>, %arg8: memref<10000xi32, #tpu.memory_space<vmem>>, %arg9: memref<4x80x128xbf16, #tpu.memory_space<vmem>>, %arg10: memref<4x80x128xbf16, #tpu.memory_space<vmem>>, %arg11: memref<4x80xf32, #tpu.memory_space<vmem>>, %arg12: memref<4x!tpu.dma_semaphore, #tpu.memory_space<semaphore_mem>>, %arg13: memref<4x!tpu.dma_semaphore, #tpu.memory_space<semaphore_mem>>, %arg14: memref<4x!tpu.dma_semaphore, #tpu.memory_space<semaphore_mem>>) attributes {dimension_semantics = [#tpu.dimension_semantics<core_parallel>, #tpu.dimension_semantics<subcore_parallel>], iteration_bounds = array<i64: 2, 16>, scalar_prefetch = 0 : i64, scratch_operands = 9 : i64, tpu.core_type = #tpu.core_type<sc_vector_subcore>, window_params = [{transform_indices = #map}, {transform_indices = #map1}, {transform_indices = #map1}, {transform_indices = #map1}]} {
    %mul3A = arith.constant 2 : i32
    %mul3A_0 = arith.muli %arg1, %mul3A : i32
    %add3A = arith.addi %mul3A_0, %arg0 : i32
    %mul3A_1 = arith.constant 10000 : i32
    %mul3A_2 = arith.muli %add3A, %mul3A_1 : i32
    %lt3A = arith.constant 5 : i32
    %lt3A_3 = arith.cmpi slt, %arg1, %lt3A : i32
    %convert_element_type3A = arith.extui %lt3A_3 : i1 to i32
    %cond3A = arith.constant 0 : i32
    %cond3A_4 = arith.cmpi ne, %convert_element_type3A, %cond3A : i32
    scf.if %cond3A_4 {
      %mul3A_211 = arith.constant 2000 : i32
      %mul3A_212 = arith.muli %arg1, %mul3A_211 : i32
      %mul3A_213 = arith.constant 2000 : i32
      %mul3A_214 = arith.muli %arg1, %mul3A_213 : i32
      "tpu.region"() ({
        %run_scoped3A = tpu.sem_alloc : memref<!tpu.dma_semaphore, #tpu.memory_space<semaphore_mem>>
        %dma_start3A_215 = arith.constant 0 : i32
        %dma_start3A_216 = tpu.memref_slice %arg6[%mul3A_214, %dma_start3A_215] : memref<10000x128xbf16, #tpu.memory_space<vmem_shared>> -> memref<2000x128xbf16, #tpu.memory_space<vmem_shared>>
        %dma_start3A_217 = arith.constant 0 : i32
        %dma_start3A_218 = tpu.memref_slice %arg2[%mul3A_212, %dma_start3A_217] : memref<10000x128xbf16, #tpu.memory_space<hbm>> -> memref<2000x128xbf16, #tpu.memory_space<hbm>>
        tpu.enqueue_dma source(%dma_start3A_218 : memref<2000x128xbf16, #tpu.memory_space<hbm>>) target(%dma_start3A_216 : memref<2000x128xbf16, #tpu.memory_space<vmem_shared>>) target_semaphore(%run_scoped3A : memref<!tpu.dma_semaphore, #tpu.memory_space<semaphore_mem>>)
        %dma_wait3A_219 = arith.constant 0 : i32
        %dma_wait3A_220 = tpu.memref_slice %arg6[%mul3A_214, %dma_wait3A_219] : memref<10000x128xbf16, #tpu.memory_space<vmem_shared>> -> memref<2000x128xbf16, #tpu.memory_space<vmem_shared>>
        %dma_wait3A_221 = arith.constant 0 : i32
        %dma_wait3A_222 = tpu.memref_slice %arg2[%mul3A_212, %dma_wait3A_221] : memref<10000x128xbf16, #tpu.memory_space<hbm>> -> memref<2000x128xbf16, #tpu.memory_space<hbm>>
        tpu.wait_dma2 semaphore(%run_scoped3A : memref<!tpu.dma_semaphore, #tpu.memory_space<semaphore_mem>>) src(%dma_wait3A_222 : memref<2000x128xbf16, #tpu.memory_space<hbm>>) dst(%dma_wait3A_220 : memref<2000x128xbf16, #tpu.memory_space<vmem_shared>>)
        tpu.yield
      }) : () -> ()
    } else {
    }
    "tpu.region"() ({
      %run_scoped3A = tpu.sem_alloc : memref<!tpu.dma_semaphore, #tpu.memory_space<semaphore_mem>>
      %dma_start3A_211 = tpu.memref_slice %arg3[%mul3A_2] : memref<320000xi32, #tpu.memory_space<hbm>> -> memref<10000xi32, #tpu.memory_space<hbm>>
      %dma_start3A_212 = tpu.memref_slice %arg3[%mul3A_2] : memref<320000xi32, #tpu.memory_space<hbm>> -> memref<10000xi32, #tpu.memory_space<hbm>>
      tpu.enqueue_dma source(%dma_start3A_212 : memref<10000xi32, #tpu.memory_space<hbm>>) target(%arg7 : memref<10000xi32, #tpu.memory_space<vmem>>) target_semaphore(%run_scoped3A : memref<!tpu.dma_semaphore, #tpu.memory_space<semaphore_mem>>)
      %dma_wait3A_213 = tpu.memref_slice %arg3[%mul3A_2] : memref<320000xi32, #tpu.memory_space<hbm>> -> memref<10000xi32, #tpu.memory_space<hbm>>
      %dma_wait3A_214 = tpu.memref_slice %arg3[%mul3A_2] : memref<320000xi32, #tpu.memory_space<hbm>> -> memref<10000xi32, #tpu.memory_space<hbm>>
      tpu.wait_dma2 semaphore(%run_scoped3A : memref<!tpu.dma_semaphore, #tpu.memory_space<semaphore_mem>>) src(%dma_wait3A_214 : memref<10000xi32, #tpu.memory_space<hbm>>) dst(%arg7 : memref<10000xi32, #tpu.memory_space<vmem>>)
      tpu.yield
    }) : () -> ()
    "tpu.region"() ({
      %run_scoped3A = tpu.sem_alloc : memref<!tpu.dma_semaphore, #tpu.memory_space<semaphore_mem>>
      %dma_start3A_211 = tpu.memref_slice %arg4[%mul3A_2] : memref<320000xi32, #tpu.memory_space<hbm>> -> memref<10000xi32, #tpu.memory_space<hbm>>
      %dma_start3A_212 = tpu.memref_slice %arg4[%mul3A_2] : memref<320000xi32, #tpu.memory_space<hbm>> -> memref<10000xi32, #tpu.memory_space<hbm>>
      tpu.enqueue_dma source(%dma_start3A_212 : memref<10000xi32, #tpu.memory_space<hbm>>) target(%arg8 : memref<10000xi32, #tpu.memory_space<vmem>>) target_semaphore(%run_scoped3A : memref<!tpu.dma_semaphore, #tpu.memory_space<semaphore_mem>>)
      %dma_wait3A_213 = tpu.memref_slice %arg4[%mul3A_2] : memref<320000xi32, #tpu.memory_space<hbm>> -> memref<10000xi32, #tpu.memory_space<hbm>>
      %dma_wait3A_214 = tpu.memref_slice %arg4[%mul3A_2] : memref<320000xi32, #tpu.memory_space<hbm>> -> memref<10000xi32, #tpu.memory_space<hbm>>
      tpu.wait_dma2 semaphore(%run_scoped3A : memref<!tpu.dma_semaphore, #tpu.memory_space<semaphore_mem>>) src(%dma_wait3A_214 : memref<10000xi32, #tpu.memory_space<hbm>>) dst(%arg8 : memref<10000xi32, #tpu.memory_space<vmem>>)
      tpu.yield
    }) : () -> ()
    %barrier3A = arith.constant 0 : index
    tpu.barrier barrier_id(%barrier3A)
    %iota3A = tpu.iota {dimensions = array<i32: 0>} : vector<16xi32>
    %dma_start3A = arith.constant 0 : i32
    %dma_start3A_5 = arith.constant 0 : i32
    %dma_start3A_6 = arith.constant 0 : i32
    %dma_start3A_7 = arith.constant 0 : i32
    %dma_start3A_8 = tpu.memref_slice %arg9[%dma_start3A, %dma_start3A_6, %dma_start3A_7] : memref<4x80x128xbf16, #tpu.memory_space<vmem>> -> memref<1x80x128xbf16, #tpu.memory_space<vmem>>
    %dma_start3A_9 = tpu.memref_squeeze %dma_start3A_8 : memref<1x80x128xbf16, #tpu.memory_space<vmem>> -> memref<80x128xbf16, #tpu.memory_space<vmem>>
    %dma_start3A_10 = arith.constant 0 : i32
    %dma_start3A_11 = tpu.memref_slice %arg7[%dma_start3A_10] : memref<10000xi32, #tpu.memory_space<vmem>> -> memref<80xi32, #tpu.memory_space<vmem>>
    %dma_start3A_12 = arith.constant 0 : i32
    %dma_start3A_13 = arith.constant 0 : i32
    %dma_start3A_14 = tpu.memref_slice %arg6[%dma_start3A_12, %dma_start3A_13] : memref<10000x128xbf16, #tpu.memory_space<vmem_shared>> -> memref<10000x128xbf16, #tpu.memory_space<vmem_shared>>
    %dma_start3A_15 = tpu.memref_slice %arg12[%dma_start3A_5] : memref<4x!tpu.dma_semaphore, #tpu.memory_space<semaphore_mem>> -> memref<1x!tpu.dma_semaphore, #tpu.memory_space<semaphore_mem>>
    %dma_start3A_16 = tpu.memref_squeeze %dma_start3A_15 : memref<1x!tpu.dma_semaphore, #tpu.memory_space<semaphore_mem>> -> memref<!tpu.dma_semaphore, #tpu.memory_space<semaphore_mem>>
    tpu.enqueue_indirect_dma source(%dma_start3A_14 : memref<10000x128xbf16, #tpu.memory_space<vmem_shared>>) target(%dma_start3A_9 : memref<80x128xbf16, #tpu.memory_space<vmem>>) offsets(%dma_start3A_11 : memref<80xi32, #tpu.memory_space<vmem>>) semaphore(%dma_start3A_16 : memref<!tpu.dma_semaphore, #tpu.memory_space<semaphore_mem>>)
    %dma_start3A_17 = arith.constant 0 : i32
    %dma_start3A_18 = arith.constant 0 : i32
    %dma_start3A_19 = arith.constant 0 : i32
    %dma_start3A_20 = arith.constant 0 : i32
    %dma_start3A_21 = tpu.memref_slice %arg10[%dma_start3A_17, %dma_start3A_19, %dma_start3A_20] : memref<4x80x128xbf16, #tpu.memory_space<vmem>> -> memref<1x80x128xbf16, #tpu.memory_space<vmem>>
    %dma_start3A_22 = tpu.memref_squeeze %dma_start3A_21 : memref<1x80x128xbf16, #tpu.memory_space<vmem>> -> memref<80x128xbf16, #tpu.memory_space<vmem>>
    %dma_start3A_23 = arith.constant 0 : i32
    %dma_start3A_24 = tpu.memref_slice %arg8[%dma_start3A_23] : memref<10000xi32, #tpu.memory_space<vmem>> -> memref<80xi32, #tpu.memory_space<vmem>>
    %dma_start3A_25 = arith.constant 0 : i32
    %dma_start3A_26 = arith.constant 0 : i32
    %dma_start3A_27 = tpu.memref_slice %arg6[%dma_start3A_25, %dma_start3A_26] : memref<10000x128xbf16, #tpu.memory_space<vmem_shared>> -> memref<10000x128xbf16, #tpu.memory_space<vmem_shared>>
    %dma_start3A_28 = tpu.memref_slice %arg13[%dma_start3A_18] : memref<4x!tpu.dma_semaphore, #tpu.memory_space<semaphore_mem>> -> memref<1x!tpu.dma_semaphore, #tpu.memory_space<semaphore_mem>>
    %dma_start3A_29 = tpu.memref_squeeze %dma_start3A_28 : memref<1x!tpu.dma_semaphore, #tpu.memory_space<semaphore_mem>> -> memref<!tpu.dma_semaphore, #tpu.memory_space<semaphore_mem>>
    tpu.enqueue_indirect_dma source(%dma_start3A_27 : memref<10000x128xbf16, #tpu.memory_space<vmem_shared>>) target(%dma_start3A_22 : memref<80x128xbf16, #tpu.memory_space<vmem>>) offsets(%dma_start3A_24 : memref<80xi32, #tpu.memory_space<vmem>>) semaphore(%dma_start3A_29 : memref<!tpu.dma_semaphore, #tpu.memory_space<semaphore_mem>>)
    %dma_start3A_30 = arith.constant 1 : i32
    %dma_start3A_31 = arith.constant 1 : i32
    %dma_start3A_32 = arith.constant 0 : i32
    %dma_start3A_33 = arith.constant 0 : i32
    %dma_start3A_34 = tpu.memref_slice %arg9[%dma_start3A_30, %dma_start3A_32, %dma_start3A_33] : memref<4x80x128xbf16, #tpu.memory_space<vmem>> -> memref<1x80x128xbf16, #tpu.memory_space<vmem>>
    %dma_start3A_35 = tpu.memref_squeeze %dma_start3A_34 : memref<1x80x128xbf16, #tpu.memory_space<vmem>> -> memref<80x128xbf16, #tpu.memory_space<vmem>>
    %dma_start3A_36 = arith.constant 80 : i32
    %dma_start3A_37 = tpu.memref_slice %arg7[%dma_start3A_36] : memref<10000xi32, #tpu.memory_space<vmem>> -> memref<80xi32, #tpu.memory_space<vmem>>
    %dma_start3A_38 = arith.constant 0 : i32
    %dma_start3A_39 = arith.constant 0 : i32
    %dma_start3A_40 = tpu.memref_slice %arg6[%dma_start3A_38, %dma_start3A_39] : memref<10000x128xbf16, #tpu.memory_space<vmem_shared>> -> memref<10000x128xbf16, #tpu.memory_space<vmem_shared>>
    %dma_start3A_41 = tpu.memref_slice %arg12[%dma_start3A_31] : memref<4x!tpu.dma_semaphore, #tpu.memory_space<semaphore_mem>> -> memref<1x!tpu.dma_semaphore, #tpu.memory_space<semaphore_mem>>
    %dma_start3A_42 = tpu.memref_squeeze %dma_start3A_41 : memref<1x!tpu.dma_semaphore, #tpu.memory_space<semaphore_mem>> -> memref<!tpu.dma_semaphore, #tpu.memory_space<semaphore_mem>>
    tpu.enqueue_indirect_dma source(%dma_start3A_40 : memref<10000x128xbf16, #tpu.memory_space<vmem_shared>>) target(%dma_start3A_35 : memref<80x128xbf16, #tpu.memory_space<vmem>>) offsets(%dma_start3A_37 : memref<80xi32, #tpu.memory_space<vmem>>) semaphore(%dma_start3A_42 : memref<!tpu.dma_semaphore, #tpu.memory_space<semaphore_mem>>)
    %dma_start3A_43 = arith.constant 1 : i32
    %dma_start3A_44 = arith.constant 1 : i32
    %dma_start3A_45 = arith.constant 0 : i32
    %dma_start3A_46 = arith.constant 0 : i32
    %dma_start3A_47 = tpu.memref_slice %arg10[%dma_start3A_43, %dma_start3A_45, %dma_start3A_46] : memref<4x80x128xbf16, #tpu.memory_space<vmem>> -> memref<1x80x128xbf16, #tpu.memory_space<vmem>>
    %dma_start3A_48 = tpu.memref_squeeze %dma_start3A_47 : memref<1x80x128xbf16, #tpu.memory_space<vmem>> -> memref<80x128xbf16, #tpu.memory_space<vmem>>
    %dma_start3A_49 = arith.constant 80 : i32
    %dma_start3A_50 = tpu.memref_slice %arg8[%dma_start3A_49] : memref<10000xi32, #tpu.memory_space<vmem>> -> memref<80xi32, #tpu.memory_space<vmem>>
    %dma_start3A_51 = arith.constant 0 : i32
    %dma_start3A_52 = arith.constant 0 : i32
    %dma_start3A_53 = tpu.memref_slice %arg6[%dma_start3A_51, %dma_start3A_52] : memref<10000x128xbf16, #tpu.memory_space<vmem_shared>> -> memref<10000x128xbf16, #tpu.memory_space<vmem_shared>>
    %dma_start3A_54 = tpu.memref_slice %arg13[%dma_start3A_44] : memref<4x!tpu.dma_semaphore, #tpu.memory_space<semaphore_mem>> -> memref<1x!tpu.dma_semaphore, #tpu.memory_space<semaphore_mem>>
    %dma_start3A_55 = tpu.memref_squeeze %dma_start3A_54 : memref<1x!tpu.dma_semaphore, #tpu.memory_space<semaphore_mem>> -> memref<!tpu.dma_semaphore, #tpu.memory_space<semaphore_mem>>
    tpu.enqueue_indirect_dma source(%dma_start3A_53 : memref<10000x128xbf16, #tpu.memory_space<vmem_shared>>) target(%dma_start3A_48 : memref<80x128xbf16, #tpu.memory_space<vmem>>) offsets(%dma_start3A_50 : memref<80xi32, #tpu.memory_space<vmem>>) semaphore(%dma_start3A_55 : memref<!tpu.dma_semaphore, #tpu.memory_space<semaphore_mem>>)
    %dma_start3A_56 = arith.constant 2 : i32
    %dma_start3A_57 = arith.constant 2 : i32
    %dma_start3A_58 = arith.constant 0 : i32
    %dma_start3A_59 = arith.constant 0 : i32
    %dma_start3A_60 = tpu.memref_slice %arg9[%dma_start3A_56, %dma_start3A_58, %dma_start3A_59] : memref<4x80x128xbf16, #tpu.memory_space<vmem>> -> memref<1x80x128xbf16, #tpu.memory_space<vmem>>
    %dma_start3A_61 = tpu.memref_squeeze %dma_start3A_60 : memref<1x80x128xbf16, #tpu.memory_space<vmem>> -> memref<80x128xbf16, #tpu.memory_space<vmem>>
    %dma_start3A_62 = arith.constant 160 : i32
    %dma_start3A_63 = tpu.memref_slice %arg7[%dma_start3A_62] : memref<10000xi32, #tpu.memory_space<vmem>> -> memref<80xi32, #tpu.memory_space<vmem>>
    %dma_start3A_64 = arith.constant 0 : i32
    %dma_start3A_65 = arith.constant 0 : i32
    %dma_start3A_66 = tpu.memref_slice %arg6[%dma_start3A_64, %dma_start3A_65] : memref<10000x128xbf16, #tpu.memory_space<vmem_shared>> -> memref<10000x128xbf16, #tpu.memory_space<vmem_shared>>
    %dma_start3A_67 = tpu.memref_slice %arg12[%dma_start3A_57] : memref<4x!tpu.dma_semaphore, #tpu.memory_space<semaphore_mem>> -> memref<1x!tpu.dma_semaphore, #tpu.memory_space<semaphore_mem>>
    %dma_start3A_68 = tpu.memref_squeeze %dma_start3A_67 : memref<1x!tpu.dma_semaphore, #tpu.memory_space<semaphore_mem>> -> memref<!tpu.dma_semaphore, #tpu.memory_space<semaphore_mem>>
    tpu.enqueue_indirect_dma source(%dma_start3A_66 : memref<10000x128xbf16, #tpu.memory_space<vmem_shared>>) target(%dma_start3A_61 : memref<80x128xbf16, #tpu.memory_space<vmem>>) offsets(%dma_start3A_63 : memref<80xi32, #tpu.memory_space<vmem>>) semaphore(%dma_start3A_68 : memref<!tpu.dma_semaphore, #tpu.memory_space<semaphore_mem>>)
    %dma_start3A_69 = arith.constant 2 : i32
    %dma_start3A_70 = arith.constant 2 : i32
    %dma_start3A_71 = arith.constant 0 : i32
    %dma_start3A_72 = arith.constant 0 : i32
    %dma_start3A_73 = tpu.memref_slice %arg10[%dma_start3A_69, %dma_start3A_71, %dma_start3A_72] : memref<4x80x128xbf16, #tpu.memory_space<vmem>> -> memref<1x80x128xbf16, #tpu.memory_space<vmem>>
    %dma_start3A_74 = tpu.memref_squeeze %dma_start3A_73 : memref<1x80x128xbf16, #tpu.memory_space<vmem>> -> memref<80x128xbf16, #tpu.memory_space<vmem>>
    %dma_start3A_75 = arith.constant 160 : i32
    %dma_start3A_76 = tpu.memref_slice %arg8[%dma_start3A_75] : memref<10000xi32, #tpu.memory_space<vmem>> -> memref<80xi32, #tpu.memory_space<vmem>>
    %dma_start3A_77 = arith.constant 0 : i32
    %dma_start3A_78 = arith.constant 0 : i32
    %dma_start3A_79 = tpu.memref_slice %arg6[%dma_start3A_77, %dma_start3A_78] : memref<10000x128xbf16, #tpu.memory_space<vmem_shared>> -> memref<10000x128xbf16, #tpu.memory_space<vmem_shared>>
    %dma_start3A_80 = tpu.memref_slice %arg13[%dma_start3A_70] : memref<4x!tpu.dma_semaphore, #tpu.memory_space<semaphore_mem>> -> memref<1x!tpu.dma_semaphore, #tpu.memory_space<semaphore_mem>>
    %dma_start3A_81 = tpu.memref_squeeze %dma_start3A_80 : memref<1x!tpu.dma_semaphore, #tpu.memory_space<semaphore_mem>> -> memref<!tpu.dma_semaphore, #tpu.memory_space<semaphore_mem>>
    tpu.enqueue_indirect_dma source(%dma_start3A_79 : memref<10000x128xbf16, #tpu.memory_space<vmem_shared>>) target(%dma_start3A_74 : memref<80x128xbf16, #tpu.memory_space<vmem>>) offsets(%dma_start3A_76 : memref<80xi32, #tpu.memory_space<vmem>>) semaphore(%dma_start3A_81 : memref<!tpu.dma_semaphore, #tpu.memory_space<semaphore_mem>>)
    %scan3A = arith.constant 0 : i32
    %scan3A_82 = arith.constant 0 : i32
    %scan3A_83 = arith.constant 31 : i32
    %scan3A_84 = arith.addi %scan3A_82, %scan3A_83 : i32
    %scan3A_85 = arith.constant 1 : i32
    scf.for %scan3A_211 = %scan3A_82 to %scan3A_84 step %scan3A_85  : i32 {
      %mul3A_212 = arith.constant 4 : i32
      %mul3A_213 = arith.muli %scan3A_211, %mul3A_212 : i32
      %add3A_214 = arith.constant 0 : i32
      %add3A_215 = arith.addi %mul3A_213, %add3A_214 : i32
      %add3A_216 = arith.constant 4 : i32
      %add3A_217 = arith.addi %add3A_215, %add3A_216 : i32
      %sub3A = arith.constant 1 : i32
      %sub3A_218 = arith.subi %add3A_217, %sub3A : i32
      %lt3A_219 = arith.constant 125 : i32
      %lt3A_220 = arith.cmpi slt, %sub3A_218, %lt3A_219 : i32
      %convert_element_type3A_221 = arith.extui %lt3A_220 : i1 to i32
      %cond3A_222 = arith.constant 0 : i32
      %cond3A_223 = arith.cmpi ne, %convert_element_type3A_221, %cond3A_222 : i32
      scf.if %cond3A_223 {
        %add3A_508 = arith.constant 4 : i32
        %add3A_509 = arith.addi %add3A_215, %add3A_508 : i32
        %sub3A_510 = arith.constant 1 : i32
        %sub3A_511 = arith.subi %add3A_509, %sub3A_510 : i32
        %add3A_512 = arith.constant 4 : i32
        %add3A_513 = arith.addi %add3A_215, %add3A_512 : i32
        %sub3A_514 = arith.constant 1 : i32
        %sub3A_515 = arith.subi %add3A_513, %sub3A_514 : i32
        %jit3A = arith.constant 4 : i32
        %eq3A = arith.constant 0 : i32
        %eq3A_516 = arith.cmpi eq, %jit3A, %eq3A : i32
        %jit3A_517 = arith.constant 1 : i32
        %select_n3A = arith.select %eq3A_516, %jit3A_517, %jit3A : i32
        %rem3A = arith.remsi %sub3A_515, %select_n3A : i32
        %ne3A = arith.constant 0 : i32
        %ne3A_518 = arith.cmpi ne, %rem3A, %ne3A : i32
        %lt3A_519 = arith.constant 0 : i32
        %lt3A_520 = arith.cmpi slt, %rem3A, %lt3A_519 : i32
        %lt3A_521 = arith.constant 0 : i32
        %lt3A_522 = arith.cmpi slt, %select_n3A, %lt3A_521 : i32
        %ne3A_523 = arith.xori %lt3A_520, %lt3A_522 : i1
        %and3A = arith.andi %ne3A_523, %ne3A_518 : i1
        %add3A_524 = arith.addi %rem3A, %select_n3A : i32
        %select_n3A_525 = arith.select %and3A, %add3A_524, %rem3A : i32
        %mul3A_526 = arith.constant 80 : i32
        %mul3A_527 = arith.muli %sub3A_511, %mul3A_526 : i32
        %dma_start3A_528 = arith.constant 0 : i32
        %dma_start3A_529 = arith.constant 0 : i32
        %dma_start3A_530 = tpu.memref_slice %arg9[%select_n3A_525, %dma_start3A_528, %dma_start3A_529] : memref<4x80x128xbf16, #tpu.memory_space<vmem>> -> memref<1x80x128xbf16, #tpu.memory_space<vmem>>
        %dma_start3A_531 = tpu.memref_squeeze %dma_start3A_530 : memref<1x80x128xbf16, #tpu.memory_space<vmem>> -> memref<80x128xbf16, #tpu.memory_space<vmem>>
        %dma_start3A_532 = tpu.memref_slice %arg7[%mul3A_527] : memref<10000xi32, #tpu.memory_space<vmem>> -> memref<80xi32, #tpu.memory_space<vmem>>
        %dma_start3A_533 = arith.constant 0 : i32
        %dma_start3A_534 = arith.constant 0 : i32
        %dma_start3A_535 = tpu.memref_slice %arg6[%dma_start3A_533, %dma_start3A_534] : memref<10000x128xbf16, #tpu.memory_space<vmem_shared>> -> memref<10000x128xbf16, #tpu.memory_space<vmem_shared>>
        %dma_start3A_536 = tpu.memref_slice %arg12[%select_n3A_525] : memref<4x!tpu.dma_semaphore, #tpu.memory_space<semaphore_mem>> -> memref<1x!tpu.dma_semaphore, #tpu.memory_space<semaphore_mem>>
        %dma_start3A_537 = tpu.memref_squeeze %dma_start3A_536 : memref<1x!tpu.dma_semaphore, #tpu.memory_space<semaphore_mem>> -> memref<!tpu.dma_semaphore, #tpu.memory_space<semaphore_mem>>
        tpu.enqueue_indirect_dma source(%dma_start3A_535 : memref<10000x128xbf16, #tpu.memory_space<vmem_shared>>) target(%dma_start3A_531 : memref<80x128xbf16, #tpu.memory_space<vmem>>) offsets(%dma_start3A_532 : memref<80xi32, #tpu.memory_space<vmem>>) semaphore(%dma_start3A_537 : memref<!tpu.dma_semaphore, #tpu.memory_space<semaphore_mem>>)
        %dma_start3A_538 = arith.constant 0 : i32
        %dma_start3A_539 = arith.constant 0 : i32
        %dma_start3A_540 = tpu.memref_slice %arg10[%select_n3A_525, %dma_start3A_538, %dma_start3A_539] : memref<4x80x128xbf16, #tpu.memory_space<vmem>> -> memref<1x80x128xbf16, #tpu.memory_space<vmem>>
        %dma_start3A_541 = tpu.memref_squeeze %dma_start3A_540 : memref<1x80x128xbf16, #tpu.memory_space<vmem>> -> memref<80x128xbf16, #tpu.memory_space<vmem>>
        %dma_start3A_542 = tpu.memref_slice %arg8[%mul3A_527] : memref<10000xi32, #tpu.memory_space<vmem>> -> memref<80xi32, #tpu.memory_space<vmem>>
        %dma_start3A_543 = arith.constant 0 : i32
        %dma_start3A_544 = arith.constant 0 : i32
        %dma_start3A_545 = tpu.memref_slice %arg6[%dma_start3A_543, %dma_start3A_544] : memref<10000x128xbf16, #tpu.memory_space<vmem_shared>> -> memref<10000x128xbf16, #tpu.memory_space<vmem_shared>>
        %dma_start3A_546 = tpu.memref_slice %arg13[%select_n3A_525] : memref<4x!tpu.dma_semaphore, #tpu.memory_space<semaphore_mem>> -> memref<1x!tpu.dma_semaphore, #tpu.memory_space<semaphore_mem>>
        %dma_start3A_547 = tpu.memref_squeeze %dma_start3A_546 : memref<1x!tpu.dma_semaphore, #tpu.memory_space<semaphore_mem>> -> memref<!tpu.dma_semaphore, #tpu.memory_space<semaphore_mem>>
        tpu.enqueue_indirect_dma source(%dma_start3A_545 : memref<10000x128xbf16, #tpu.memory_space<vmem_shared>>) target(%dma_start3A_541 : memref<80x128xbf16, #tpu.memory_space<vmem>>) offsets(%dma_start3A_542 : memref<80xi32, #tpu.memory_space<vmem>>) semaphore(%dma_start3A_547 : memref<!tpu.dma_semaphore, #tpu.memory_space<semaphore_mem>>)
      } else {
      }
      %dma_wait3A_224 = arith.constant 0 : i32
      %dma_wait3A_225 = arith.constant 0 : i32
      %dma_wait3A_226 = arith.constant 0 : i32
      %dma_wait3A_227 = arith.constant 0 : i32
      %dma_wait3A_228 = tpu.memref_slice %arg9[%dma_wait3A_224, %dma_wait3A_226, %dma_wait3A_227] : memref<4x80x128xbf16, #tpu.memory_space<vmem>> -> memref<1x80x128xbf16, #tpu.memory_space<vmem>>
      %dma_wait3A_229 = tpu.memref_squeeze %dma_wait3A_228 : memref<1x80x128xbf16, #tpu.memory_space<vmem>> -> memref<80x128xbf16, #tpu.memory_space<vmem>>
      %dma_wait3A_230 = arith.constant 0 : i32
      %dma_wait3A_231 = arith.constant 0 : i32
      %dma_wait3A_232 = tpu.memref_slice %arg2[%dma_wait3A_230, %dma_wait3A_231] : memref<10000x128xbf16, #tpu.memory_space<hbm>> -> memref<80x128xbf16, #tpu.memory_space<hbm>>
      %dma_wait3A_233 = tpu.memref_slice %arg12[%dma_wait3A_225] : memref<4x!tpu.dma_semaphore, #tpu.memory_space<semaphore_mem>> -> memref<1x!tpu.dma_semaphore, #tpu.memory_space<semaphore_mem>>
      %dma_wait3A_234 = tpu.memref_squeeze %dma_wait3A_233 : memref<1x!tpu.dma_semaphore, #tpu.memory_space<semaphore_mem>> -> memref<!tpu.dma_semaphore, #tpu.memory_space<semaphore_mem>>
      %dma_wait3A_235 = arith.constant 0 : i32
      %dma_wait3A_236 = arith.constant 0 : i32
      %dma_wait3A_237 = tpu.memref_slice %arg9[%dma_wait3A_224, %dma_wait3A_235, %dma_wait3A_236] : memref<4x80x128xbf16, #tpu.memory_space<vmem>> -> memref<1x80x128xbf16, #tpu.memory_space<vmem>>
      %dma_wait3A_238 = tpu.memref_squeeze %dma_wait3A_237 : memref<1x80x128xbf16, #tpu.memory_space<vmem>> -> memref<80x128xbf16, #tpu.memory_space<vmem>>
      %dma_wait3A_239 = arith.constant 0 : i32
      %dma_wait3A_240 = arith.constant 0 : i32
      %dma_wait3A_241 = tpu.memref_slice %arg2[%dma_wait3A_239, %dma_wait3A_240] : memref<10000x128xbf16, #tpu.memory_space<hbm>> -> memref<80x128xbf16, #tpu.memory_space<hbm>>
      tpu.wait_dma2 semaphore(%dma_wait3A_234 : memref<!tpu.dma_semaphore, #tpu.memory_space<semaphore_mem>>) src(%dma_wait3A_241 : memref<80x128xbf16, #tpu.memory_space<hbm>>) dst(%dma_wait3A_238 : memref<80x128xbf16, #tpu.memory_space<vmem>>)
      %dma_wait3A_242 = arith.constant 0 : i32
      %dma_wait3A_243 = arith.constant 0 : i32
      %dma_wait3A_244 = arith.constant 0 : i32
      %dma_wait3A_245 = arith.constant 0 : i32
      %dma_wait3A_246 = tpu.memref_slice %arg10[%dma_wait3A_242, %dma_wait3A_244, %dma_wait3A_245] : memref<4x80x128xbf16, #tpu.memory_space<vmem>> -> memref<1x80x128xbf16, #tpu.memory_space<vmem>>
      %dma_wait3A_247 = tpu.memref_squeeze %dma_wait3A_246 : memref<1x80x128xbf16, #tpu.memory_space<vmem>> -> memref<80x128xbf16, #tpu.memory_space<vmem>>
      %dma_wait3A_248 = arith.constant 0 : i32
      %dma_wait3A_249 = arith.constant 0 : i32
      %dma_wait3A_250 = tpu.memref_slice %arg2[%dma_wait3A_248, %dma_wait3A_249] : memref<10000x128xbf16, #tpu.memory_space<hbm>> -> memref<80x128xbf16, #tpu.memory_space<hbm>>
      %dma_wait3A_251 = tpu.memref_slice %arg13[%dma_wait3A_243] : memref<4x!tpu.dma_semaphore, #tpu.memory_space<semaphore_mem>> -> memref<1x!tpu.dma_semaphore, #tpu.memory_space<semaphore_mem>>
      %dma_wait3A_252 = tpu.memref_squeeze %dma_wait3A_251 : memref<1x!tpu.dma_semaphore, #tpu.memory_space<semaphore_mem>> -> memref<!tpu.dma_semaphore, #tpu.memory_space<semaphore_mem>>
      %dma_wait3A_253 = arith.constant 0 : i32
      %dma_wait3A_254 = arith.constant 0 : i32
      %dma_wait3A_255 = tpu.memref_slice %arg10[%dma_wait3A_242, %dma_wait3A_253, %dma_wait3A_254] : memref<4x80x128xbf16, #tpu.memory_space<vmem>> -> memref<1x80x128xbf16, #tpu.memory_space<vmem>>
      %dma_wait3A_256 = tpu.memref_squeeze %dma_wait3A_255 : memref<1x80x128xbf16, #tpu.memory_space<vmem>> -> memref<80x128xbf16, #tpu.memory_space<vmem>>
      %dma_wait3A_257 = arith.constant 0 : i32
      %dma_wait3A_258 = arith.constant 0 : i32
      %dma_wait3A_259 = tpu.memref_slice %arg2[%dma_wait3A_257, %dma_wait3A_258] : memref<10000x128xbf16, #tpu.memory_space<hbm>> -> memref<80x128xbf16, #tpu.memory_space<hbm>>
      tpu.wait_dma2 semaphore(%dma_wait3A_252 : memref<!tpu.dma_semaphore, #tpu.memory_space<semaphore_mem>>) src(%dma_wait3A_259 : memref<80x128xbf16, #tpu.memory_space<hbm>>) dst(%dma_wait3A_256 : memref<80x128xbf16, #tpu.memory_space<vmem>>)
      %ge3A = arith.constant 4 : i32
      %ge3A_260 = arith.cmpi sge, %add3A_215, %ge3A : i32
      %convert_element_type3A_261 = arith.extui %ge3A_260 : i1 to i32
      %cond3A_262 = arith.constant 0 : i32
      %cond3A_263 = arith.constant 0 : i32
      %cond3A_264 = arith.cmpi ne, %convert_element_type3A_261, %cond3A_263 : i32
      scf.if %cond3A_264 {
        %dma_wait3A_508 = arith.constant 0 : i32
        %dma_wait3A_509 = arith.constant 0 : i32
        %dma_wait3A_510 = tpu.memref_slice %arg11[%cond3A_262, %dma_wait3A_509] : memref<4x80xf32, #tpu.memory_space<vmem>> -> memref<1x80xf32, #tpu.memory_space<vmem>>
        %dma_wait3A_511 = tpu.memref_squeeze %dma_wait3A_510 : memref<1x80xf32, #tpu.memory_space<vmem>> -> memref<80xf32, #tpu.memory_space<vmem>>
        %dma_wait3A_512 = arith.constant 0 : i32
        %dma_wait3A_513 = tpu.memref_slice %arg5[%dma_wait3A_512] : memref<320000xf32, #tpu.memory_space<hbm>> -> memref<80xf32, #tpu.memory_space<hbm>>
        %dma_wait3A_514 = tpu.memref_slice %arg14[%dma_wait3A_508] : memref<4x!tpu.dma_semaphore, #tpu.memory_space<semaphore_mem>> -> memref<1x!tpu.dma_semaphore, #tpu.memory_space<semaphore_mem>>
        %dma_wait3A_515 = tpu.memref_squeeze %dma_wait3A_514 : memref<1x!tpu.dma_semaphore, #tpu.memory_space<semaphore_mem>> -> memref<!tpu.dma_semaphore, #tpu.memory_space<semaphore_mem>>
        %dma_wait3A_516 = arith.constant 0 : i32
        %dma_wait3A_517 = tpu.memref_slice %arg5[%dma_wait3A_516] : memref<320000xf32, #tpu.memory_space<hbm>> -> memref<80xf32, #tpu.memory_space<hbm>>
        %dma_wait3A_518 = arith.constant 0 : i32
        %dma_wait3A_519 = tpu.memref_slice %arg11[%cond3A_262, %dma_wait3A_518] : memref<4x80xf32, #tpu.memory_space<vmem>> -> memref<1x80xf32, #tpu.memory_space<vmem>>
        %dma_wait3A_520 = tpu.memref_squeeze %dma_wait3A_519 : memref<1x80xf32, #tpu.memory_space<vmem>> -> memref<80xf32, #tpu.memory_space<vmem>>
        tpu.wait_dma2 semaphore(%dma_wait3A_515 : memref<!tpu.dma_semaphore, #tpu.memory_space<semaphore_mem>>) src(%dma_wait3A_520 : memref<80xf32, #tpu.memory_space<vmem>>) dst(%dma_wait3A_517 : memref<80xf32, #tpu.memory_space<hbm>>)
      } else {
      }
      %parallel_loop3A_265 = arith.constant 0 : i32
      %parallel_loop3A_266 = arith.constant 5 : i32
      %parallel_loop3A_267 = arith.constant 1 : i32
      %parallel_loop3A_268 = arith.constant 0 : i32
      %parallel_loop3A_269 = arith.constant 0 : i32
      %parallel_loop3A_270 = arith.constant 0 : i32
      scf.for %parallel_loop3A_508 = %parallel_loop3A_265 to %parallel_loop3A_266 step %parallel_loop3A_267  : i32 {
        %parallel_loop3A_509 = arith.constant 16 : i32
        %parallel_loop3A_510 = arith.muli %parallel_loop3A_508, %parallel_loop3A_509 : i32
        %parallel_loop3A_511 = arith.constant 0.000000e+00 : f32
        %parallel_loop3A_512 = vector.broadcast %parallel_loop3A_511 : f32 to vector<16xf32>
        %parallel_loop3A_513 = arith.constant 0 : i32
        %parallel_loop3A_514 = arith.constant 4 : i32
        %parallel_loop3A_515 = arith.addi %parallel_loop3A_513, %parallel_loop3A_514 : i32
        %parallel_loop3A_516 = arith.constant 1 : i32
        %parallel_loop3A_517 = scf.for %scan3A_534 = %parallel_loop3A_513 to %parallel_loop3A_515 step %parallel_loop3A_516 iter_args(%scan3A_535 = %parallel_loop3A_512) -> (vector<16xf32>)  : i32 {
          %parallel_loop3A_536 = arith.constant 4 : i32
          %parallel_loop3A_537 = arith.muli %scan3A_534, %parallel_loop3A_536 : i32
          %parallel_loop3A_538 = arith.addi %parallel_loop3A_510, %parallel_loop3A_537 : i32
          %parallel_loop3A_539 = arith.constant 4 : i32
          %parallel_loop3A_540 = arith.muli %scan3A_534, %parallel_loop3A_539 : i32
          %parallel_loop3A_541 = arith.constant 0 : i32
          %parallel_loop3A_542 = arith.addi %parallel_loop3A_540, %parallel_loop3A_541 : i32
          %parallel_loop3A_543 = vector.broadcast %parallel_loop3A_542 : i32 to vector<16xi32>
          %parallel_loop3A_544 = arith.cmpi eq, %iota3A, %parallel_loop3A_543 : vector<16xi32>
          %parallel_loop3A_545 = arith.constant 0 : i32
          %parallel_loop3A_546 = arith.addi %parallel_loop3A_538, %parallel_loop3A_545 : i32
          %parallel_loop3A_547 = arith.constant 0 : i32
          %parallel_loop3A_548 = arith.constant 0 : i32
          %parallel_loop3A_549 = tpu.memref_slice %arg9[%parallel_loop3A_268, %parallel_loop3A_547, %parallel_loop3A_548] : memref<4x80x128xbf16, #tpu.memory_space<vmem>> -> memref<1x80x128xbf16, #tpu.memory_space<vmem>>
          %parallel_loop3A_550 = tpu.memref_squeeze %parallel_loop3A_549 : memref<1x80x128xbf16, #tpu.memory_space<vmem>> -> memref<80x128xbf16, #tpu.memory_space<vmem>>
          %parallel_loop3A_551 = arith.index_cast %parallel_loop3A_546 : i32 to index
          %parallel_loop3A_552 = arith.constant 0 : index
          %parallel_loop3A_553 = tpu.vector_load %parallel_loop3A_550[%parallel_loop3A_551, %parallel_loop3A_552] {strides = array<i32>} : memref<80x128xbf16, #tpu.memory_space<vmem>>, vector<32xbf16>,
          %parallel_loop3A_554 = arith.constant 0 : i32
          %parallel_loop3A_555 = arith.constant 0 : i32
          %parallel_loop3A_556 = tpu.memref_slice %arg10[%parallel_loop3A_269, %parallel_loop3A_554, %parallel_loop3A_555] : memref<4x80x128xbf16, #tpu.memory_space<vmem>> -> memref<1x80x128xbf16, #tpu.memory_space<vmem>>
          %parallel_loop3A_557 = tpu.memref_squeeze %parallel_loop3A_556 : memref<1x80x128xbf16, #tpu.memory_space<vmem>> -> memref<80x128xbf16, #tpu.memory_space<vmem>>
          %parallel_loop3A_558 = arith.index_cast %parallel_loop3A_546 : i32 to index
          %parallel_loop3A_559 = arith.constant 0 : index
          %parallel_loop3A_560 = tpu.vector_load %parallel_loop3A_557[%parallel_loop3A_558, %parallel_loop3A_559] {strides = array<i32>} : memref<80x128xbf16, #tpu.memory_space<vmem>>, vector<32xbf16>,
          %parallel_loop3A_561 = arith.mulf %parallel_loop3A_553, %parallel_loop3A_560 : vector<32xbf16>
          %parallel_loop3A_562 = tpu.unpack_subelements %parallel_loop3A_561, 0 {pack_format = #tpu.pack_format<interleaved>} : vector<32xbf16> -> vector<16xf32>
          %parallel_loop3A_563 = tpu.unpack_subelements %parallel_loop3A_561, 1 {pack_format = #tpu.pack_format<interleaved>} : vector<32xbf16> -> vector<16xf32>
          %parallel_loop3A_564 = arith.addf %parallel_loop3A_562, %parallel_loop3A_563 : vector<16xf32>
          %parallel_loop3A_565 = arith.constant 0 : i32
          %parallel_loop3A_566 = arith.constant 0 : i32
          %parallel_loop3A_567 = tpu.memref_slice %arg9[%parallel_loop3A_268, %parallel_loop3A_565, %parallel_loop3A_566] : memref<4x80x128xbf16, #tpu.memory_space<vmem>> -> memref<1x80x128xbf16, #tpu.memory_space<vmem>>
          %parallel_loop3A_568 = tpu.memref_squeeze %parallel_loop3A_567 : memref<1x80x128xbf16, #tpu.memory_space<vmem>> -> memref<80x128xbf16, #tpu.memory_space<vmem>>
          %parallel_loop3A_569 = arith.index_cast %parallel_loop3A_546 : i32 to index
          %parallel_loop3A_570 = arith.constant 32 : index
          %parallel_loop3A_571 = tpu.vector_load %parallel_loop3A_568[%parallel_loop3A_569, %parallel_loop3A_570] {strides = array<i32>} : memref<80x128xbf16, #tpu.memory_space<vmem>>, vector<32xbf16>,
          %parallel_loop3A_572 = arith.constant 0 : i32
          %parallel_loop3A_573 = arith.constant 0 : i32
          %parallel_loop3A_574 = tpu.memref_slice %arg10[%parallel_loop3A_269, %parallel_loop3A_572, %parallel_loop3A_573] : memref<4x80x128xbf16, #tpu.memory_space<vmem>> -> memref<1x80x128xbf16, #tpu.memory_space<vmem>>
          %parallel_loop3A_575 = tpu.memref_squeeze %parallel_loop3A_574 : memref<1x80x128xbf16, #tpu.memory_space<vmem>> -> memref<80x128xbf16, #tpu.memory_space<vmem>>
          %parallel_loop3A_576 = arith.index_cast %parallel_loop3A_546 : i32 to index
          %parallel_loop3A_577 = arith.constant 32 : index
          %parallel_loop3A_578 = tpu.vector_load %parallel_loop3A_575[%parallel_loop3A_576, %parallel_loop3A_577] {strides = array<i32>} : memref<80x128xbf16, #tpu.memory_space<vmem>>, vector<32xbf16>,
          %parallel_loop3A_579 = arith.mulf %parallel_loop3A_571, %parallel_loop3A_578 : vector<32xbf16>
          %parallel_loop3A_580 = tpu.unpack_subelements %parallel_loop3A_579, 0 {pack_format = #tpu.pack_format<interleaved>} : vector<32xbf16> -> vector<16xf32>
          %parallel_loop3A_581 = tpu.unpack_subelements %parallel_loop3A_579, 1 {pack_format = #tpu.pack_format<interleaved>} : vector<32xbf16> -> vector<16xf32>
          %parallel_loop3A_582 = arith.addf %parallel_loop3A_580, %parallel_loop3A_581 : vector<16xf32>
          %parallel_loop3A_583 = arith.constant 0 : i32
          %parallel_loop3A_584 = arith.constant 0 : i32
          %parallel_loop3A_585 = tpu.memref_slice %arg9[%parallel_loop3A_268, %parallel_loop3A_583, %parallel_loop3A_584] : memref<4x80x128xbf16, #tpu.memory_space<vmem>> -> memref<1x80x128xbf16, #tpu.memory_space<vmem>>
          %parallel_loop3A_586 = tpu.memref_squeeze %parallel_loop3A_585 : memref<1x80x128xbf16, #tpu.memory_space<vmem>> -> memref<80x128xbf16, #tpu.memory_space<vmem>>
          %parallel_loop3A_587 = arith.index_cast %parallel_loop3A_546 : i32 to index
          %parallel_loop3A_588 = arith.constant 64 : index
          %parallel_loop3A_589 = tpu.vector_load %parallel_loop3A_586[%parallel_loop3A_587, %parallel_loop3A_588] {strides = array<i32>} : memref<80x128xbf16, #tpu.memory_space<vmem>>, vector<32xbf16>,
          %parallel_loop3A_590 = arith.constant 0 : i32
          %parallel_loop3A_591 = arith.constant 0 : i32
          %parallel_loop3A_592 = tpu.memref_slice %arg10[%parallel_loop3A_269, %parallel_loop3A_590, %parallel_loop3A_591] : memref<4x80x128xbf16, #tpu.memory_space<vmem>> -> memref<1x80x128xbf16, #tpu.memory_space<vmem>>
          %parallel_loop3A_593 = tpu.memref_squeeze %parallel_loop3A_592 : memref<1x80x128xbf16, #tpu.memory_space<vmem>> -> memref<80x128xbf16, #tpu.memory_space<vmem>>
          %parallel_loop3A_594 = arith.index_cast %parallel_loop3A_546 : i32 to index
          %parallel_loop3A_595 = arith.constant 64 : index
          %parallel_loop3A_596 = tpu.vector_load %parallel_loop3A_593[%parallel_loop3A_594, %parallel_loop3A_595] {strides = array<i32>} : memref<80x128xbf16, #tpu.memory_space<vmem>>, vector<32xbf16>,
          %parallel_loop3A_597 = arith.mulf %parallel_loop3A_589, %parallel_loop3A_596 : vector<32xbf16>
          %parallel_loop3A_598 = tpu.unpack_subelements %parallel_loop3A_597, 0 {pack_format = #tpu.pack_format<interleaved>} : vector<32xbf16> -> vector<16xf32>
          %parallel_loop3A_599 = tpu.unpack_subelements %parallel_loop3A_597, 1 {pack_format = #tpu.pack_format<interleaved>} : vector<32xbf16> -> vector<16xf32>
          %parallel_loop3A_600 = arith.addf %parallel_loop3A_598, %parallel_loop3A_599 : vector<16xf32>
          %parallel_loop3A_601 = arith.constant 0 : i32
          %parallel_loop3A_602 = arith.constant 0 : i32
          %parallel_loop3A_603 = tpu.memref_slice %arg9[%parallel_loop3A_268, %parallel_loop3A_601, %parallel_loop3A_602] : memref<4x80x128xbf16, #tpu.memory_space<vmem>> -> memref<1x80x128xbf16, #tpu.memory_space<vmem>>
          %parallel_loop3A_604 = tpu.memref_squeeze %parallel_loop3A_603 : memref<1x80x128xbf16, #tpu.memory_space<vmem>> -> memref<80x128xbf16, #tpu.memory_space<vmem>>
          %parallel_loop3A_605 = arith.index_cast %parallel_loop3A_546 : i32 to index
          %parallel_loop3A_606 = arith.constant 96 : index
          %parallel_loop3A_607 = tpu.vector_load %parallel_loop3A_604[%parallel_loop3A_605, %parallel_loop3A_606] {strides = array<i32>} : memref<80x128xbf16, #tpu.memory_space<vmem>>, vector<32xbf16>,
          %parallel_loop3A_608 = arith.constant 0 : i32
          %parallel_loop3A_609 = arith.constant 0 : i32
          %parallel_loop3A_610 = tpu.memref_slice %arg10[%parallel_loop3A_269, %parallel_loop3A_608, %parallel_loop3A_609] : memref<4x80x128xbf16, #tpu.memory_space<vmem>> -> memref<1x80x128xbf16, #tpu.memory_space<vmem>>
          %parallel_loop3A_611 = tpu.memref_squeeze %parallel_loop3A_610 : memref<1x80x128xbf16, #tpu.memory_space<vmem>> -> memref<80x128xbf16, #tpu.memory_space<vmem>>
          %parallel_loop3A_612 = arith.index_cast %parallel_loop3A_546 : i32 to index
          %parallel_loop3A_613 = arith.constant 96 : index
          %parallel_loop3A_614 = tpu.vector_load %parallel_loop3A_611[%parallel_loop3A_612, %parallel_loop3A_613] {strides = array<i32>} : memref<80x128xbf16, #tpu.memory_space<vmem>>, vector<32xbf16>,
          %parallel_loop3A_615 = arith.mulf %parallel_loop3A_607, %parallel_loop3A_614 : vector<32xbf16>
          %parallel_loop3A_616 = tpu.unpack_subelements %parallel_loop3A_615, 0 {pack_format = #tpu.pack_format<interleaved>} : vector<32xbf16> -> vector<16xf32>
          %parallel_loop3A_617 = tpu.unpack_subelements %parallel_loop3A_615, 1 {pack_format = #tpu.pack_format<interleaved>} : vector<32xbf16> -> vector<16xf32>
          %parallel_loop3A_618 = arith.addf %parallel_loop3A_616, %parallel_loop3A_617 : vector<16xf32>
          %parallel_loop3A_619 = arith.addf %parallel_loop3A_564, %parallel_loop3A_582 : vector<16xf32>
          %parallel_loop3A_620 = arith.addf %parallel_loop3A_600, %parallel_loop3A_618 : vector<16xf32>
          %parallel_loop3A_621 = arith.addf %parallel_loop3A_619, %parallel_loop3A_620 : vector<16xf32>
          %parallel_loop3A_622 = arith.constant true
          %parallel_loop3A_623 = vector.broadcast %parallel_loop3A_622 : i1 to vector<16xi1>
          %parallel_loop3A_624 = tpu.scan <sum>, %parallel_loop3A_621 masked %parallel_loop3A_623 : vector<16xf32>, vector<16xi1> -> vector<16xf32>
          %parallel_loop3A_625 = vector.extract %parallel_loop3A_624[15] : f32 from vector<16xf32>
          %parallel_loop3A_626 = vector.broadcast %parallel_loop3A_625 : f32 to vector<16xf32>
          %parallel_loop3A_627 = arith.select %parallel_loop3A_544, %parallel_loop3A_626, %scan3A_535 : vector<16xi1>, vector<16xf32>
          %parallel_loop3A_628 = arith.constant 4 : i32
          %parallel_loop3A_629 = arith.muli %scan3A_534, %parallel_loop3A_628 : i32
          %parallel_loop3A_630 = arith.constant 1 : i32
          %parallel_loop3A_631 = arith.addi %parallel_loop3A_629, %parallel_loop3A_630 : i32
          %parallel_loop3A_632 = vector.broadcast %parallel_loop3A_631 : i32 to vector<16xi32>
          %parallel_loop3A_633 = arith.cmpi eq, %iota3A, %parallel_loop3A_632 : vector<16xi32>
          %parallel_loop3A_634 = arith.constant 1 : i32
          %parallel_loop3A_635 = arith.addi %parallel_loop3A_538, %parallel_loop3A_634 : i32
          %parallel_loop3A_636 = arith.constant 0 : i32
          %parallel_loop3A_637 = arith.constant 0 : i32
          %parallel_loop3A_638 = tpu.memref_slice %arg9[%parallel_loop3A_268, %parallel_loop3A_636, %parallel_loop3A_637] : memref<4x80x128xbf16, #tpu.memory_space<vmem>> -> memref<1x80x128xbf16, #tpu.memory_space<vmem>>
          %parallel_loop3A_639 = tpu.memref_squeeze %parallel_loop3A_638 : memref<1x80x128xbf16, #tpu.memory_space<vmem>> -> memref<80x128xbf16, #tpu.memory_space<vmem>>
          %parallel_loop3A_640 = arith.index_cast %parallel_loop3A_635 : i32 to index
          %parallel_loop3A_641 = arith.constant 0 : index
          %parallel_loop3A_642 = tpu.vector_load %parallel_loop3A_639[%parallel_loop3A_640, %parallel_loop3A_641] {strides = array<i32>} : memref<80x128xbf16, #tpu.memory_space<vmem>>, vector<32xbf16>,
          %parallel_loop3A_643 = arith.constant 0 : i32
          %parallel_loop3A_644 = arith.constant 0 : i32
          %parallel_loop3A_645 = tpu.memref_slice %arg10[%parallel_loop3A_269, %parallel_loop3A_643, %parallel_loop3A_644] : memref<4x80x128xbf16, #tpu.memory_space<vmem>> -> memref<1x80x128xbf16, #tpu.memory_space<vmem>>
          %parallel_loop3A_646 = tpu.memref_squeeze %parallel_loop3A_645 : memref<1x80x128xbf16, #tpu.memory_space<vmem>> -> memref<80x128xbf16, #tpu.memory_space<vmem>>
          %parallel_loop3A_647 = arith.index_cast %parallel_loop3A_635 : i32 to index
          %parallel_loop3A_648 = arith.constant 0 : index
          %parallel_loop3A_649 = tpu.vector_load %parallel_loop3A_646[%parallel_loop3A_647, %parallel_loop3A_648] {strides = array<i32>} : memref<80x128xbf16, #tpu.memory_space<vmem>>, vector<32xbf16>,
          %parallel_loop3A_650 = arith.mulf %parallel_loop3A_642, %parallel_loop3A_649 : vector<32xbf16>
          %parallel_loop3A_651 = tpu.unpack_subelements %parallel_loop3A_650, 0 {pack_format = #tpu.pack_format<interleaved>} : vector<32xbf16> -> vector<16xf32>
          %parallel_loop3A_652 = tpu.unpack_subelements %parallel_loop3A_650, 1 {pack_format = #tpu.pack_format<interleaved>} : vector<32xbf16> -> vector<16xf32>
          %parallel_loop3A_653 = arith.addf %parallel_loop3A_651, %parallel_loop3A_652 : vector<16xf32>
          %parallel_loop3A_654 = arith.constant 0 : i32
          %parallel_loop3A_655 = arith.constant 0 : i32
          %parallel_loop3A_656 = tpu.memref_slice %arg9[%parallel_loop3A_268, %parallel_loop3A_654, %parallel_loop3A_655] : memref<4x80x128xbf16, #tpu.memory_space<vmem>> -> memref<1x80x128xbf16, #tpu.memory_space<vmem>>
          %parallel_loop3A_657 = tpu.memref_squeeze %parallel_loop3A_656 : memref<1x80x128xbf16, #tpu.memory_space<vmem>> -> memref<80x128xbf16, #tpu.memory_space<vmem>>
          %parallel_loop3A_658 = arith.index_cast %parallel_loop3A_635 : i32 to index
          %parallel_loop3A_659 = arith.constant 32 : index
          %parallel_loop3A_660 = tpu.vector_load %parallel_loop3A_657[%parallel_loop3A_658, %parallel_loop3A_659] {strides = array<i32>} : memref<80x128xbf16, #tpu.memory_space<vmem>>, vector<32xbf16>,
          %parallel_loop3A_661 = arith.constant 0 : i32
          %parallel_loop3A_662 = arith.constant 0 : i32
          %parallel_loop3A_663 = tpu.memref_slice %arg10[%parallel_loop3A_269, %parallel_loop3A_661, %parallel_loop3A_662] : memref<4x80x128xbf16, #tpu.memory_space<vmem>> -> memref<1x80x128xbf16, #tpu.memory_space<vmem>>
          %parallel_loop3A_664 = tpu.memref_squeeze %parallel_loop3A_663 : memref<1x80x128xbf16, #tpu.memory_space<vmem>> -> memref<80x128xbf16, #tpu.memory_space<vmem>>
          %parallel_loop3A_665 = arith.index_cast %parallel_loop3A_635 : i32 to index
          %parallel_loop3A_666 = arith.constant 32 : index
          %parallel_loop3A_667 = tpu.vector_load %parallel_loop3A_664[%parallel_loop3A_665, %parallel_loop3A_666] {strides = array<i32>} : memref<80x128xbf16, #tpu.memory_space<vmem>>, vector<32xbf16>,
          %parallel_loop3A_668 = arith.mulf %parallel_loop3A_660, %parallel_loop3A_667 : vector<32xbf16>
          %parallel_loop3A_669 = tpu.unpack_subelements %parallel_loop3A_668, 0 {pack_format = #tpu.pack_format<interleaved>} : vector<32xbf16> -> vector<16xf32>
          %parallel_loop3A_670 = tpu.unpack_subelements %parallel_loop3A_668, 1 {pack_format = #tpu.pack_format<interleaved>} : vector<32xbf16> -> vector<16xf32>
          %parallel_loop3A_671 = arith.addf %parallel_loop3A_669, %parallel_loop3A_670 : vector<16xf32>
          %parallel_loop3A_672 = arith.constant 0 : i32
          %parallel_loop3A_673 = arith.constant 0 : i32
          %parallel_loop3A_674 = tpu.memref_slice %arg9[%parallel_loop3A_268, %parallel_loop3A_672, %parallel_loop3A_673] : memref<4x80x128xbf16, #tpu.memory_space<vmem>> -> memref<1x80x128xbf16, #tpu.memory_space<vmem>>
          %parallel_loop3A_675 = tpu.memref_squeeze %parallel_loop3A_674 : memref<1x80x128xbf16, #tpu.memory_space<vmem>> -> memref<80x128xbf16, #tpu.memory_space<vmem>>
          %parallel_loop3A_676 = arith.index_cast %parallel_loop3A_635 : i32 to index
          %parallel_loop3A_677 = arith.constant 64 : index
          %parallel_loop3A_678 = tpu.vector_load %parallel_loop3A_675[%parallel_loop3A_676, %parallel_loop3A_677] {strides = array<i32>} : memref<80x128xbf16, #tpu.memory_space<vmem>>, vector<32xbf16>,
          %parallel_loop3A_679 = arith.constant 0 : i32
          %parallel_loop3A_680 = arith.constant 0 : i32
          %parallel_loop3A_681 = tpu.memref_slice %arg10[%parallel_loop3A_269, %parallel_loop3A_679, %parallel_loop3A_680] : memref<4x80x128xbf16, #tpu.memory_space<vmem>> -> memref<1x80x128xbf16, #tpu.memory_space<vmem>>
          %parallel_loop3A_682 = tpu.memref_squeeze %parallel_loop3A_681 : memref<1x80x128xbf16, #tpu.memory_space<vmem>> -> memref<80x128xbf16, #tpu.memory_space<vmem>>
          %parallel_loop3A_683 = arith.index_cast %parallel_loop3A_635 : i32 to index
          %parallel_loop3A_684 = arith.constant 64 : index
          %parallel_loop3A_685 = tpu.vector_load %parallel_loop3A_682[%parallel_loop3A_683, %parallel_loop3A_684] {strides = array<i32>} : memref<80x128xbf16, #tpu.memory_space<vmem>>, vector<32xbf16>,
          %parallel_loop3A_686 = arith.mulf %parallel_loop3A_678, %parallel_loop3A_685 : vector<32xbf16>
          %parallel_loop3A_687 = tpu.unpack_subelements %parallel_loop3A_686, 0 {pack_format = #tpu.pack_format<interleaved>} : vector<32xbf16> -> vector<16xf32>
          %parallel_loop3A_688 = tpu.unpack_subelements %parallel_loop3A_686, 1 {pack_format = #tpu.pack_format<interleaved>} : vector<32xbf16> -> vector<16xf32>
          %parallel_loop3A_689 = arith.addf %parallel_loop3A_687, %parallel_loop3A_688 : vector<16xf32>
          %parallel_loop3A_690 = arith.constant 0 : i32
          %parallel_loop3A_691 = arith.constant 0 : i32
          %parallel_loop3A_692 = tpu.memref_slice %arg9[%parallel_loop3A_268, %parallel_loop3A_690, %parallel_loop3A_691] : memref<4x80x128xbf16, #tpu.memory_space<vmem>> -> memref<1x80x128xbf16, #tpu.memory_space<vmem>>
          %parallel_loop3A_693 = tpu.memref_squeeze %parallel_loop3A_692 : memref<1x80x128xbf16, #tpu.memory_space<vmem>> -> memref<80x128xbf16, #tpu.memory_space<vmem>>
          %parallel_loop3A_694 = arith.index_cast %parallel_loop3A_635 : i32 to index
          %parallel_loop3A_695 = arith.constant 96 : index
          %parallel_loop3A_696 = tpu.vector_load %parallel_loop3A_693[%parallel_loop3A_694, %parallel_loop3A_695] {strides = array<i32>} : memref<80x128xbf16, #tpu.memory_space<vmem>>, vector<32xbf16>,
          %parallel_loop3A_697 = arith.constant 0 : i32
          %parallel_loop3A_698 = arith.constant 0 : i32
          %parallel_loop3A_699 = tpu.memref_slice %arg10[%parallel_loop3A_269, %parallel_loop3A_697, %parallel_loop3A_698] : memref<4x80x128xbf16, #tpu.memory_space<vmem>> -> memref<1x80x128xbf16, #tpu.memory_space<vmem>>
          %parallel_loop3A_700 = tpu.memref_squeeze %parallel_loop3A_699 : memref<1x80x128xbf16, #tpu.memory_space<vmem>> -> memref<80x128xbf16, #tpu.memory_space<vmem>>
          %parallel_loop3A_701 = arith.index_cast %parallel_loop3A_635 : i32 to index
          %parallel_loop3A_702 = arith.constant 96 : index
          %parallel_loop3A_703 = tpu.vector_load %parallel_loop3A_700[%parallel_loop3A_701, %parallel_loop3A_702] {strides = array<i32>} : memref<80x128xbf16, #tpu.memory_space<vmem>>, vector<32xbf16>,
          %parallel_loop3A_704 = arith.mulf %parallel_loop3A_696, %parallel_loop3A_703 : vector<32xbf16>
          %parallel_loop3A_705 = tpu.unpack_subelements %parallel_loop3A_704, 0 {pack_format = #tpu.pack_format<interleaved>} : vector<32xbf16> -> vector<16xf32>
          %parallel_loop3A_706 = tpu.unpack_subelements %parallel_loop3A_704, 1 {pack_format = #tpu.pack_format<interleaved>} : vector<32xbf16> -> vector<16xf32>
          %parallel_loop3A_707 = arith.addf %parallel_loop3A_705, %parallel_loop3A_706 : vector<16xf32>
          %parallel_loop3A_708 = arith.addf %parallel_loop3A_653, %parallel_loop3A_671 : vector<16xf32>
          %parallel_loop3A_709 = arith.addf %parallel_loop3A_689, %parallel_loop3A_707 : vector<16xf32>
          %parallel_loop3A_710 = arith.addf %parallel_loop3A_708, %parallel_loop3A_709 : vector<16xf32>
          %parallel_loop3A_711 = arith.constant true
          %parallel_loop3A_712 = vector.broadcast %parallel_loop3A_711 : i1 to vector<16xi1>
          %parallel_loop3A_713 = tpu.scan <sum>, %parallel_loop3A_710 masked %parallel_loop3A_712 : vector<16xf32>, vector<16xi1> -> vector<16xf32>
          %parallel_loop3A_714 = vector.extract %parallel_loop3A_713[15] : f32 from vector<16xf32>
          %parallel_loop3A_715 = vector.broadcast %parallel_loop3A_714 : f32 to vector<16xf32>
          %parallel_loop3A_716 = arith.select %parallel_loop3A_633, %parallel_loop3A_715, %parallel_loop3A_627 : vector<16xi1>, vector<16xf32>
          %parallel_loop3A_717 = arith.constant 4 : i32
          %parallel_loop3A_718 = arith.muli %scan3A_534, %parallel_loop3A_717 : i32
          %parallel_loop3A_719 = arith.constant 2 : i32
          %parallel_loop3A_720 = arith.addi %parallel_loop3A_718, %parallel_loop3A_719 : i32
          %parallel_loop3A_721 = vector.broadcast %parallel_loop3A_720 : i32 to vector<16xi32>
          %parallel_loop3A_722 = arith.cmpi eq, %iota3A, %parallel_loop3A_721 : vector<16xi32>
          %parallel_loop3A_723 = arith.constant 2 : i32
          %parallel_loop3A_724 = arith.addi %parallel_loop3A_538, %parallel_loop3A_723 : i32
          %parallel_loop3A_725 = arith.constant 0 : i32
          %parallel_loop3A_726 = arith.constant 0 : i32
          %parallel_loop3A_727 = tpu.memref_slice %arg9[%parallel_loop3A_268, %parallel_loop3A_725, %parallel_loop3A_726] : memref<4x80x128xbf16, #tpu.memory_space<vmem>> -> memref<1x80x128xbf16, #tpu.memory_space<vmem>>
          %parallel_loop3A_728 = tpu.memref_squeeze %parallel_loop3A_727 : memref<1x80x128xbf16, #tpu.memory_space<vmem>> -> memref<80x128xbf16, #tpu.memory_space<vmem>>
          %parallel_loop3A_729 = arith.index_cast %parallel_loop3A_724 : i32 to index
          %parallel_loop3A_730 = arith.constant 0 : index
          %parallel_loop3A_731 = tpu.vector_load %parallel_loop3A_728[%parallel_loop3A_729, %parallel_loop3A_730] {strides = array<i32>} : memref<80x128xbf16, #tpu.memory_space<vmem>>, vector<32xbf16>,
          %parallel_loop3A_732 = arith.constant 0 : i32
          %parallel_loop3A_733 = arith.constant 0 : i32
          %parallel_loop3A_734 = tpu.memref_slice %arg10[%parallel_loop3A_269, %parallel_loop3A_732, %parallel_loop3A_733] : memref<4x80x128xbf16, #tpu.memory_space<vmem>> -> memref<1x80x128xbf16, #tpu.memory_space<vmem>>
          %parallel_loop3A_735 = tpu.memref_squeeze %parallel_loop3A_734 : memref<1x80x128xbf16, #tpu.memory_space<vmem>> -> memref<80x128xbf16, #tpu.memory_space<vmem>>
          %parallel_loop3A_736 = arith.index_cast %parallel_loop3A_724 : i32 to index
          %parallel_loop3A_737 = arith.constant 0 : index
          %parallel_loop3A_738 = tpu.vector_load %parallel_loop3A_735[%parallel_loop3A_736, %parallel_loop3A_737] {strides = array<i32>} : memref<80x128xbf16, #tpu.memory_space<vmem>>, vector<32xbf16>,
          %parallel_loop3A_739 = arith.mulf %parallel_loop3A_731, %parallel_loop3A_738 : vector<32xbf16>
          %parallel_loop3A_740 = tpu.unpack_subelements %parallel_loop3A_739, 0 {pack_format = #tpu.pack_format<interleaved>} : vector<32xbf16> -> vector<16xf32>
          %parallel_loop3A_741 = tpu.unpack_subelements %parallel_loop3A_739, 1 {pack_format = #tpu.pack_format<interleaved>} : vector<32xbf16> -> vector<16xf32>
          %parallel_loop3A_742 = arith.addf %parallel_loop3A_740, %parallel_loop3A_741 : vector<16xf32>
          %parallel_loop3A_743 = arith.constant 0 : i32
          %parallel_loop3A_744 = arith.constant 0 : i32
          %parallel_loop3A_745 = tpu.memref_slice %arg9[%parallel_loop3A_268, %parallel_loop3A_743, %parallel_loop3A_744] : memref<4x80x128xbf16, #tpu.memory_space<vmem>> -> memref<1x80x128xbf16, #tpu.memory_space<vmem>>
          %parallel_loop3A_746 = tpu.memref_squeeze %parallel_loop3A_745 : memref<1x80x128xbf16, #tpu.memory_space<vmem>> -> memref<80x128xbf16, #tpu.memory_space<vmem>>
          %parallel_loop3A_747 = arith.index_cast %parallel_loop3A_724 : i32 to index
          %parallel_loop3A_748 = arith.constant 32 : index
          %parallel_loop3A_749 = tpu.vector_load %parallel_loop3A_746[%parallel_loop3A_747, %parallel_loop3A_748] {strides = array<i32>} : memref<80x128xbf16, #tpu.memory_space<vmem>>, vector<32xbf16>,
          %parallel_loop3A_750 = arith.constant 0 : i32
          %parallel_loop3A_751 = arith.constant 0 : i32
          %parallel_loop3A_752 = tpu.memref_slice %arg10[%parallel_loop3A_269, %parallel_loop3A_750, %parallel_loop3A_751] : memref<4x80x128xbf16, #tpu.memory_space<vmem>> -> memref<1x80x128xbf16, #tpu.memory_space<vmem>>
          %parallel_loop3A_753 = tpu.memref_squeeze %parallel_loop3A_752 : memref<1x80x128xbf16, #tpu.memory_space<vmem>> -> memref<80x128xbf16, #tpu.memory_space<vmem>>
          %parallel_loop3A_754 = arith.index_cast %parallel_loop3A_724 : i32 to index
          %parallel_loop3A_755 = arith.constant 32 : index
          %parallel_loop3A_756 = tpu.vector_load %parallel_loop3A_753[%parallel_loop3A_754, %parallel_loop3A_755] {strides = array<i32>} : memref<80x128xbf16, #tpu.memory_space<vmem>>, vector<32xbf16>,
          %parallel_loop3A_757 = arith.mulf %parallel_loop3A_749, %parallel_loop3A_756 : vector<32xbf16>
          %parallel_loop3A_758 = tpu.unpack_subelements %parallel_loop3A_757, 0 {pack_format = #tpu.pack_format<interleaved>} : vector<32xbf16> -> vector<16xf32>
          %parallel_loop3A_759 = tpu.unpack_subelements %parallel_loop3A_757, 1 {pack_format = #tpu.pack_format<interleaved>} : vector<32xbf16> -> vector<16xf32>
          %parallel_loop3A_760 = arith.addf %parallel_loop3A_758, %parallel_loop3A_759 : vector<16xf32>
          %parallel_loop3A_761 = arith.constant 0 : i32
          %parallel_loop3A_762 = arith.constant 0 : i32
          %parallel_loop3A_763 = tpu.memref_slice %arg9[%parallel_loop3A_268, %parallel_loop3A_761, %parallel_loop3A_762] : memref<4x80x128xbf16, #tpu.memory_space<vmem>> -> memref<1x80x128xbf16, #tpu.memory_space<vmem>>
          %parallel_loop3A_764 = tpu.memref_squeeze %parallel_loop3A_763 : memref<1x80x128xbf16, #tpu.memory_space<vmem>> -> memref<80x128xbf16, #tpu.memory_space<vmem>>
          %parallel_loop3A_765 = arith.index_cast %parallel_loop3A_724 : i32 to index
          %parallel_loop3A_766 = arith.constant 64 : index
          %parallel_loop3A_767 = tpu.vector_load %parallel_loop3A_764[%parallel_loop3A_765, %parallel_loop3A_766] {strides = array<i32>} : memref<80x128xbf16, #tpu.memory_space<vmem>>, vector<32xbf16>,
          %parallel_loop3A_768 = arith.constant 0 : i32
          %parallel_loop3A_769 = arith.constant 0 : i32
          %parallel_loop3A_770 = tpu.memref_slice %arg10[%parallel_loop3A_269, %parallel_loop3A_768, %parallel_loop3A_769] : memref<4x80x128xbf16, #tpu.memory_space<vmem>> -> memref<1x80x128xbf16, #tpu.memory_space<vmem>>
          %parallel_loop3A_771 = tpu.memref_squeeze %parallel_loop3A_770 : memref<1x80x128xbf16, #tpu.memory_space<vmem>> -> memref<80x128xbf16, #tpu.memory_space<vmem>>
          %parallel_loop3A_772 = arith.index_cast %parallel_loop3A_724 : i32 to index
          %parallel_loop3A_773 = arith.constant 64 : index
          %parallel_loop3A_774 = tpu.vector_load %parallel_loop3A_771[%parallel_loop3A_772, %parallel_loop3A_773] {strides = array<i32>} : memref<80x128xbf16, #tpu.memory_space<vmem>>, vector<32xbf16>,
          %parallel_loop3A_775 = arith.mulf %parallel_loop3A_767, %parallel_loop3A_774 : vector<32xbf16>
          %parallel_loop3A_776 = tpu.unpack_subelements %parallel_loop3A_775, 0 {pack_format = #tpu.pack_format<interleaved>} : vector<32xbf16> -> vector<16xf32>
          %parallel_loop3A_777 = tpu.unpack_subelements %parallel_loop3A_775, 1 {pack_format = #tpu.pack_format<interleaved>} : vector<32xbf16> -> vector<16xf32>
          %parallel_loop3A_778 = arith.addf %parallel_loop3A_776, %parallel_loop3A_777 : vector<16xf32>
          %parallel_loop3A_779 = arith.constant 0 : i32
          %parallel_loop3A_780 = arith.constant 0 : i32
          %parallel_loop3A_781 = tpu.memref_slice %arg9[%parallel_loop3A_268, %parallel_loop3A_779, %parallel_loop3A_780] : memref<4x80x128xbf16, #tpu.memory_space<vmem>> -> memref<1x80x128xbf16, #tpu.memory_space<vmem>>
          %parallel_loop3A_782 = tpu.memref_squeeze %parallel_loop3A_781 : memref<1x80x128xbf16, #tpu.memory_space<vmem>> -> memref<80x128xbf16, #tpu.memory_space<vmem>>
          %parallel_loop3A_783 = arith.index_cast %parallel_loop3A_724 : i32 to index
          %parallel_loop3A_784 = arith.constant 96 : index
          %parallel_loop3A_785 = tpu.vector_load %parallel_loop3A_782[%parallel_loop3A_783, %parallel_loop3A_784] {strides = array<i32>} : memref<80x128xbf16, #tpu.memory_space<vmem>>, vector<32xbf16>,
          %parallel_loop3A_786 = arith.constant 0 : i32
          %parallel_loop3A_787 = arith.constant 0 : i32
          %parallel_loop3A_788 = tpu.memref_slice %arg10[%parallel_loop3A_269, %parallel_loop3A_786, %parallel_loop3A_787] : memref<4x80x128xbf16, #tpu.memory_space<vmem>> -> memref<1x80x128xbf16, #tpu.memory_space<vmem>>
          %parallel_loop3A_789 = tpu.memref_squeeze %parallel_loop3A_788 : memref<1x80x128xbf16, #tpu.memory_space<vmem>> -> memref<80x128xbf16, #tpu.memory_space<vmem>>
          %parallel_loop3A_790 = arith.index_cast %parallel_loop3A_724 : i32 to index
          %parallel_loop3A_791 = arith.constant 96 : index
          %parallel_loop3A_792 = tpu.vector_load %parallel_loop3A_789[%parallel_loop3A_790, %parallel_loop3A_791] {strides = array<i32>} : memref<80x128xbf16, #tpu.memory_space<vmem>>, vector<32xbf16>,
          %parallel_loop3A_793 = arith.mulf %parallel_loop3A_785, %parallel_loop3A_792 : vector<32xbf16>
          %parallel_loop3A_794 = tpu.unpack_subelements %parallel_loop3A_793, 0 {pack_format = #tpu.pack_format<interleaved>} : vector<32xbf16> -> vector<16xf32>
          %parallel_loop3A_795 = tpu.unpack_subelements %parallel_loop3A_793, 1 {pack_format = #tpu.pack_format<interleaved>} : vector<32xbf16> -> vector<16xf32>
          %parallel_loop3A_796 = arith.addf %parallel_loop3A_794, %parallel_loop3A_795 : vector<16xf32>
          %parallel_loop3A_797 = arith.addf %parallel_loop3A_742, %parallel_loop3A_760 : vector<16xf32>
          %parallel_loop3A_798 = arith.addf %parallel_loop3A_778, %parallel_loop3A_796 : vector<16xf32>
          %parallel_loop3A_799 = arith.addf %parallel_loop3A_797, %parallel_loop3A_798 : vector<16xf32>
          %parallel_loop3A_800 = arith.constant true
          %parallel_loop3A_801 = vector.broadcast %parallel_loop3A_800 : i1 to vector<16xi1>
          %parallel_loop3A_802 = tpu.scan <sum>, %parallel_loop3A_799 masked %parallel_loop3A_801 : vector<16xf32>, vector<16xi1> -> vector<16xf32>
          %parallel_loop3A_803 = vector.extract %parallel_loop3A_802[15] : f32 from vector<16xf32>
          %parallel_loop3A_804 = vector.broadcast %parallel_loop3A_803 : f32 to vector<16xf32>
          %parallel_loop3A_805 = arith.select %parallel_loop3A_722, %parallel_loop3A_804, %parallel_loop3A_716 : vector<16xi1>, vector<16xf32>
          %parallel_loop3A_806 = arith.constant 4 : i32
          %parallel_loop3A_807 = arith.muli %scan3A_534, %parallel_loop3A_806 : i32
          %parallel_loop3A_808 = arith.constant 3 : i32
          %parallel_loop3A_809 = arith.addi %parallel_loop3A_807, %parallel_loop3A_808 : i32
          %parallel_loop3A_810 = vector.broadcast %parallel_loop3A_809 : i32 to vector<16xi32>
          %parallel_loop3A_811 = arith.cmpi eq, %iota3A, %parallel_loop3A_810 : vector<16xi32>
          %parallel_loop3A_812 = arith.constant 3 : i32
          %parallel_loop3A_813 = arith.addi %parallel_loop3A_538, %parallel_loop3A_812 : i32
          %parallel_loop3A_814 = arith.constant 0 : i32
          %parallel_loop3A_815 = arith.constant 0 : i32
          %parallel_loop3A_816 = tpu.memref_slice %arg9[%parallel_loop3A_268, %parallel_loop3A_814, %parallel_loop3A_815] : memref<4x80x128xbf16, #tpu.memory_space<vmem>> -> memref<1x80x128xbf16, #tpu.memory_space<vmem>>
          %parallel_loop3A_817 = tpu.memref_squeeze %parallel_loop3A_816 : memref<1x80x128xbf16, #tpu.memory_space<vmem>> -> memref<80x128xbf16, #tpu.memory_space<vmem>>
          %parallel_loop3A_818 = arith.index_cast %parallel_loop3A_813 : i32 to index
          %parallel_loop3A_819 = arith.constant 0 : index
          %parallel_loop3A_820 = tpu.vector_load %parallel_loop3A_817[%parallel_loop3A_818, %parallel_loop3A_819] {strides = array<i32>} : memref<80x128xbf16, #tpu.memory_space<vmem>>, vector<32xbf16>,
          %parallel_loop3A_821 = arith.constant 0 : i32
          %parallel_loop3A_822 = arith.constant 0 : i32
          %parallel_loop3A_823 = tpu.memref_slice %arg10[%parallel_loop3A_269, %parallel_loop3A_821, %parallel_loop3A_822] : memref<4x80x128xbf16, #tpu.memory_space<vmem>> -> memref<1x80x128xbf16, #tpu.memory_space<vmem>>
          %parallel_loop3A_824 = tpu.memref_squeeze %parallel_loop3A_823 : memref<1x80x128xbf16, #tpu.memory_space<vmem>> -> memref<80x128xbf16, #tpu.memory_space<vmem>>
          %parallel_loop3A_825 = arith.index_cast %parallel_loop3A_813 : i32 to index
          %parallel_loop3A_826 = arith.constant 0 : index
          %parallel_loop3A_827 = tpu.vector_load %parallel_loop3A_824[%parallel_loop3A_825, %parallel_loop3A_826] {strides = array<i32>} : memref<80x128xbf16, #tpu.memory_space<vmem>>, vector<32xbf16>,
          %parallel_loop3A_828 = arith.mulf %parallel_loop3A_820, %parallel_loop3A_827 : vector<32xbf16>
          %parallel_loop3A_829 = tpu.unpack_subelements %parallel_loop3A_828, 0 {pack_format = #tpu.pack_format<interleaved>} : vector<32xbf16> -> vector<16xf32>
          %parallel_loop3A_830 = tpu.unpack_subelements %parallel_loop3A_828, 1 {pack_format = #tpu.pack_format<interleaved>} : vector<32xbf16> -> vector<16xf32>
          %parallel_loop3A_831 = arith.addf %parallel_loop3A_829, %parallel_loop3A_830 : vector<16xf32>
          %parallel_loop3A_832 = arith.constant 0 : i32
          %parallel_loop3A_833 = arith.constant 0 : i32
          %parallel_loop3A_834 = tpu.memref_slice %arg9[%parallel_loop3A_268, %parallel_loop3A_832, %parallel_loop3A_833] : memref<4x80x128xbf16, #tpu.memory_space<vmem>> -> memref<1x80x128xbf16, #tpu.memory_space<vmem>>
          %parallel_loop3A_835 = tpu.memref_squeeze %parallel_loop3A_834 : memref<1x80x128xbf16, #tpu.memory_space<vmem>> -> memref<80x128xbf16, #tpu.memory_space<vmem>>
          %parallel_loop3A_836 = arith.index_cast %parallel_loop3A_813 : i32 to index
          %parallel_loop3A_837 = arith.constant 32 : index
          %parallel_loop3A_838 = tpu.vector_load %parallel_loop3A_835[%parallel_loop3A_836, %parallel_loop3A_837] {strides = array<i32>} : memref<80x128xbf16, #tpu.memory_space<vmem>>, vector<32xbf16>,
          %parallel_loop3A_839 = arith.constant 0 : i32
          %parallel_loop3A_840 = arith.constant 0 : i32
          %parallel_loop3A_841 = tpu.memref_slice %arg10[%parallel_loop3A_269, %parallel_loop3A_839, %parallel_loop3A_840] : memref<4x80x128xbf16, #tpu.memory_space<vmem>> -> memref<1x80x128xbf16, #tpu.memory_space<vmem>>
          %parallel_loop3A_842 = tpu.memref_squeeze %parallel_loop3A_841 : memref<1x80x128xbf16, #tpu.memory_space<vmem>> -> memref<80x128xbf16, #tpu.memory_space<vmem>>
          %parallel_loop3A_843 = arith.index_cast %parallel_loop3A_813 : i32 to index
          %parallel_loop3A_844 = arith.constant 32 : index
          %parallel_loop3A_845 = tpu.vector_load %parallel_loop3A_842[%parallel_loop3A_843, %parallel_loop3A_844] {strides = array<i32>} : memref<80x128xbf16, #tpu.memory_space<vmem>>, vector<32xbf16>,
          %parallel_loop3A_846 = arith.mulf %parallel_loop3A_838, %parallel_loop3A_845 : vector<32xbf16>
          %parallel_loop3A_847 = tpu.unpack_subelements %parallel_loop3A_846, 0 {pack_format = #tpu.pack_format<interleaved>} : vector<32xbf16> -> vector<16xf32>
          %parallel_loop3A_848 = tpu.unpack_subelements %parallel_loop3A_846, 1 {pack_format = #tpu.pack_format<interleaved>} : vector<32xbf16> -> vector<16xf32>
          %parallel_loop3A_849 = arith.addf %parallel_loop3A_847, %parallel_loop3A_848 : vector<16xf32>
          %parallel_loop3A_850 = arith.constant 0 : i32
          %parallel_loop3A_851 = arith.constant 0 : i32
          %parallel_loop3A_852 = tpu.memref_slice %arg9[%parallel_loop3A_268, %parallel_loop3A_850, %parallel_loop3A_851] : memref<4x80x128xbf16, #tpu.memory_space<vmem>> -> memref<1x80x128xbf16, #tpu.memory_space<vmem>>
          %parallel_loop3A_853 = tpu.memref_squeeze %parallel_loop3A_852 : memref<1x80x128xbf16, #tpu.memory_space<vmem>> -> memref<80x128xbf16, #tpu.memory_space<vmem>>
          %parallel_loop3A_854 = arith.index_cast %parallel_loop3A_813 : i32 to index
          %parallel_loop3A_855 = arith.constant 64 : index
          %parallel_loop3A_856 = tpu.vector_load %parallel_loop3A_853[%parallel_loop3A_854, %parallel_loop3A_855] {strides = array<i32>} : memref<80x128xbf16, #tpu.memory_space<vmem>>, vector<32xbf16>,
          %parallel_loop3A_857 = arith.constant 0 : i32
          %parallel_loop3A_858 = arith.constant 0 : i32
          %parallel_loop3A_859 = tpu.memref_slice %arg10[%parallel_loop3A_269, %parallel_loop3A_857, %parallel_loop3A_858] : memref<4x80x128xbf16, #tpu.memory_space<vmem>> -> memref<1x80x128xbf16, #tpu.memory_space<vmem>>
          %parallel_loop3A_860 = tpu.memref_squeeze %parallel_loop3A_859 : memref<1x80x128xbf16, #tpu.memory_space<vmem>> -> memref<80x128xbf16, #tpu.memory_space<vmem>>
          %parallel_loop3A_861 = arith.index_cast %parallel_loop3A_813 : i32 to index
          %parallel_loop3A_862 = arith.constant 64 : index
          %parallel_loop3A_863 = tpu.vector_load %parallel_loop3A_860[%parallel_loop3A_861, %parallel_loop3A_862] {strides = array<i32>} : memref<80x128xbf16, #tpu.memory_space<vmem>>, vector<32xbf16>,
          %parallel_loop3A_864 = arith.mulf %parallel_loop3A_856, %parallel_loop3A_863 : vector<32xbf16>
          %parallel_loop3A_865 = tpu.unpack_subelements %parallel_loop3A_864, 0 {pack_format = #tpu.pack_format<interleaved>} : vector<32xbf16> -> vector<16xf32>
          %parallel_loop3A_866 = tpu.unpack_subelements %parallel_loop3A_864, 1 {pack_format = #tpu.pack_format<interleaved>} : vector<32xbf16> -> vector<16xf32>
          %parallel_loop3A_867 = arith.addf %parallel_loop3A_865, %parallel_loop3A_866 : vector<16xf32>
          %parallel_loop3A_868 = arith.constant 0 : i32
          %parallel_loop3A_869 = arith.constant 0 : i32
          %parallel_loop3A_870 = tpu.memref_slice %arg9[%parallel_loop3A_268, %parallel_loop3A_868, %parallel_loop3A_869] : memref<4x80x128xbf16, #tpu.memory_space<vmem>> -> memref<1x80x128xbf16, #tpu.memory_space<vmem>>
          %parallel_loop3A_871 = tpu.memref_squeeze %parallel_loop3A_870 : memref<1x80x128xbf16, #tpu.memory_space<vmem>> -> memref<80x128xbf16, #tpu.memory_space<vmem>>
          %parallel_loop3A_872 = arith.index_cast %parallel_loop3A_813 : i32 to index
          %parallel_loop3A_873 = arith.constant 96 : index
          %parallel_loop3A_874 = tpu.vector_load %parallel_loop3A_871[%parallel_loop3A_872, %parallel_loop3A_873] {strides = array<i32>} : memref<80x128xbf16, #tpu.memory_space<vmem>>, vector<32xbf16>,
          %parallel_loop3A_875 = arith.constant 0 : i32
          %parallel_loop3A_876 = arith.constant 0 : i32
          %parallel_loop3A_877 = tpu.memref_slice %arg10[%parallel_loop3A_269, %parallel_loop3A_875, %parallel_loop3A_876] : memref<4x80x128xbf16, #tpu.memory_space<vmem>> -> memref<1x80x128xbf16, #tpu.memory_space<vmem>>
          %parallel_loop3A_878 = tpu.memref_squeeze %parallel_loop3A_877 : memref<1x80x128xbf16, #tpu.memory_space<vmem>> -> memref<80x128xbf16, #tpu.memory_space<vmem>>
          %parallel_loop3A_879 = arith.index_cast %parallel_loop3A_813 : i32 to index
          %parallel_loop3A_880 = arith.constant 96 : index
          %parallel_loop3A_881 = tpu.vector_load %parallel_loop3A_878[%parallel_loop3A_879, %parallel_loop3A_880] {strides = array<i32>} : memref<80x128xbf16, #tpu.memory_space<vmem>>, vector<32xbf16>,
          %parallel_loop3A_882 = arith.mulf %parallel_loop3A_874, %parallel_loop3A_881 : vector<32xbf16>
          %parallel_loop3A_883 = tpu.unpack_subelements %parallel_loop3A_882, 0 {pack_format = #tpu.pack_format<interleaved>} : vector<32xbf16> -> vector<16xf32>
          %parallel_loop3A_884 = tpu.unpack_subelements %parallel_loop3A_882, 1 {pack_format = #tpu.pack_format<interleaved>} : vector<32xbf16> -> vector<16xf32>
          %parallel_loop3A_885 = arith.addf %parallel_loop3A_883, %parallel_loop3A_884 : vector<16xf32>
          %parallel_loop3A_886 = arith.addf %parallel_loop3A_831, %parallel_loop3A_849 : vector<16xf32>
          %parallel_loop3A_887 = arith.addf %parallel_loop3A_867, %parallel_loop3A_885 : vector<16xf32>
          %parallel_loop3A_888 = arith.addf %parallel_loop3A_886, %parallel_loop3A_887 : vector<16xf32>
          %parallel_loop3A_889 = arith.constant true
          %parallel_loop3A_890 = vector.broadcast %parallel_loop3A_889 : i1 to vector<16xi1>
          %parallel_loop3A_891 = tpu.scan <sum>, %parallel_loop3A_888 masked %parallel_loop3A_890 : vector<16xf32>, vector<16xi1> -> vector<16xf32>
          %parallel_loop3A_892 = vector.extract %parallel_loop3A_891[15] : f32 from vector<16xf32>
          %parallel_loop3A_893 = vector.broadcast %parallel_loop3A_892 : f32 to vector<16xf32>
          %parallel_loop3A_894 = arith.select %parallel_loop3A_811, %parallel_loop3A_893, %parallel_loop3A_805 : vector<16xi1>, vector<16xf32>
          scf.yield %parallel_loop3A_894 : vector<16xf32>
        }
        %parallel_loop3A_518 = arith.constant 4 : i32
        %parallel_loop3A_519 = arith.constant 0.000000e+00 : f32
        %parallel_loop3A_520 = vector.broadcast %parallel_loop3A_519 : f32 to vector<16xf32>
        %parallel_loop3A_521 = arith.subf %parallel_loop3A_520, %parallel_loop3A_517 : vector<16xf32>
        %parallel_loop3A_522 = math.exp %parallel_loop3A_521 : vector<16xf32>
        %parallel_loop3A_523 = arith.constant 1.000000e+00 : f32
        %parallel_loop3A_524 = vector.broadcast %parallel_loop3A_523 : f32 to vector<16xf32>
        %parallel_loop3A_525 = arith.addf %parallel_loop3A_524, %parallel_loop3A_522 : vector<16xf32>
        %parallel_loop3A_526 = arith.constant 1.000000e+00 : f32
        %parallel_loop3A_527 = vector.broadcast %parallel_loop3A_526 : f32 to vector<16xf32>
        %parallel_loop3A_528 = arith.divf %parallel_loop3A_527, %parallel_loop3A_525 : vector<16xf32>
        %parallel_loop3A_529 = arith.constant 0 : i32
        %parallel_loop3A_530 = tpu.memref_slice %arg11[%parallel_loop3A_270, %parallel_loop3A_529] : memref<4x80xf32, #tpu.memory_space<vmem>> -> memref<1x80xf32, #tpu.memory_space<vmem>>
        %parallel_loop3A_531 = tpu.memref_squeeze %parallel_loop3A_530 : memref<1x80xf32, #tpu.memory_space<vmem>> -> memref<80xf32, #tpu.memory_space<vmem>>
        %parallel_loop3A_532 = arith.index_cast %parallel_loop3A_510 : i32 to index
        %parallel_loop3A_533 = tpu.vector_load %parallel_loop3A_531[%parallel_loop3A_532] {strides = array<i32>} : memref<80xf32, #tpu.memory_space<vmem>>, vector<16xf32>,
        tpu.vector_store %parallel_loop3A_531[%parallel_loop3A_532], %parallel_loop3A_528 {strides = array<i32>} : memref<80xf32, #tpu.memory_space<vmem>>, vector<16xf32>,
      } {sc.loop_unroll_factor = 1 : i64, sc.parallel_access}
      %mul3A_271 = arith.constant 80 : i32
      %mul3A_272 = arith.muli %add3A_215, %mul3A_271 : i32
      %add3A_273 = arith.addi %mul3A_2, %mul3A_272 : i32
      %dma_start3A_274 = arith.constant 0 : i32
      %dma_start3A_275 = arith.constant 0 : i32
      %dma_start3A_276 = arith.constant 0 : i32
      %dma_start3A_277 = tpu.memref_slice %arg11[%dma_start3A_274, %dma_start3A_276] : memref<4x80xf32, #tpu.memory_space<vmem>> -> memref<1x80xf32, #tpu.memory_space<vmem>>
      %dma_start3A_278 = tpu.memref_squeeze %dma_start3A_277 : memref<1x80xf32, #tpu.memory_space<vmem>> -> memref<80xf32, #tpu.memory_space<vmem>>
      %dma_start3A_279 = tpu.memref_slice %arg5[%add3A_273] : memref<320000xf32, #tpu.memory_space<hbm>> -> memref<80xf32, #tpu.memory_space<hbm>>
      %dma_start3A_280 = tpu.memref_slice %arg14[%dma_start3A_275] : memref<4x!tpu.dma_semaphore, #tpu.memory_space<semaphore_mem>> -> memref<1x!tpu.dma_semaphore, #tpu.memory_space<semaphore_mem>>
      %dma_start3A_281 = tpu.memref_squeeze %dma_start3A_280 : memref<1x!tpu.dma_semaphore, #tpu.memory_space<semaphore_mem>> -> memref<!tpu.dma_semaphore, #tpu.memory_space<semaphore_mem>>
      %dma_start3A_282 = tpu.memref_slice %arg5[%add3A_273] : memref<320000xf32, #tpu.memory_space<hbm>> -> memref<80xf32, #tpu.memory_space<hbm>>
      %dma_start3A_283 = arith.constant 0 : i32
      %dma_start3A_284 = tpu.memref_slice %arg11[%dma_start3A_274, %dma_start3A_283] : memref<4x80xf32, #tpu.memory_space<vmem>> -> memref<1x80xf32, #tpu.memory_space<vmem>>
      %dma_start3A_285 = tpu.memref_squeeze %dma_start3A_284 : memref<1x80xf32, #tpu.memory_space<vmem>> -> memref<80xf32, #tpu.memory_space<vmem>>
      tpu.enqueue_dma source(%dma_start3A_285 : memref<80xf32, #tpu.memory_space<vmem>>) target(%dma_start3A_282 : memref<80xf32, #tpu.memory_space<hbm>>) target_semaphore(%dma_start3A_281 : memref<!tpu.dma_semaphore, #tpu.memory_space<semaphore_mem>>)
      %add3A_286 = arith.constant 1 : i32
      %add3A_287 = arith.addi %mul3A_213, %add3A_286 : i32
      %add3A_288 = arith.constant 4 : i32
      %add3A_289 = arith.addi %add3A_287, %add3A_288 : i32
      %sub3A_290 = arith.constant 1 : i32
      %sub3A_291 = arith.subi %add3A_289, %sub3A_290 : i32
      %lt3A_292 = arith.constant 125 : i32
      %lt3A_293 = arith.cmpi slt, %sub3A_291, %lt3A_292 : i32
      %convert_element_type3A_294 = arith.extui %lt3A_293 : i1 to i32
      %cond3A_295 = arith.constant 0 : i32
      %cond3A_296 = arith.cmpi ne, %convert_element_type3A_294, %cond3A_295 : i32
      scf.if %cond3A_296 {
        %add3A_508 = arith.constant 4 : i32
        %add3A_509 = arith.addi %add3A_287, %add3A_508 : i32
        %sub3A_510 = arith.constant 1 : i32
        %sub3A_511 = arith.subi %add3A_509, %sub3A_510 : i32
        %add3A_512 = arith.constant 4 : i32
        %add3A_513 = arith.addi %add3A_287, %add3A_512 : i32
        %sub3A_514 = arith.constant 1 : i32
        %sub3A_515 = arith.subi %add3A_513, %sub3A_514 : i32
        %jit3A = arith.constant 4 : i32
        %eq3A = arith.constant 0 : i32
        %eq3A_516 = arith.cmpi eq, %jit3A, %eq3A : i32
        %jit3A_517 = arith.constant 1 : i32
        %select_n3A = arith.select %eq3A_516, %jit3A_517, %jit3A : i32
        %rem3A = arith.remsi %sub3A_515, %select_n3A : i32
        %ne3A = arith.constant 0 : i32
        %ne3A_518 = arith.cmpi ne, %rem3A, %ne3A : i32
        %lt3A_519 = arith.constant 0 : i32
        %lt3A_520 = arith.cmpi slt, %rem3A, %lt3A_519 : i32
        %lt3A_521 = arith.constant 0 : i32
        %lt3A_522 = arith.cmpi slt, %select_n3A, %lt3A_521 : i32
        %ne3A_523 = arith.xori %lt3A_520, %lt3A_522 : i1
        %and3A = arith.andi %ne3A_523, %ne3A_518 : i1
        %add3A_524 = arith.addi %rem3A, %select_n3A : i32
        %select_n3A_525 = arith.select %and3A, %add3A_524, %rem3A : i32
        %mul3A_526 = arith.constant 80 : i32
        %mul3A_527 = arith.muli %sub3A_511, %mul3A_526 : i32
        %dma_start3A_528 = arith.constant 0 : i32
        %dma_start3A_529 = arith.constant 0 : i32
        %dma_start3A_530 = tpu.memref_slice %arg9[%select_n3A_525, %dma_start3A_528, %dma_start3A_529] : memref<4x80x128xbf16, #tpu.memory_space<vmem>> -> memref<1x80x128xbf16, #tpu.memory_space<vmem>>
        %dma_start3A_531 = tpu.memref_squeeze %dma_start3A_530 : memref<1x80x128xbf16, #tpu.memory_space<vmem>> -> memref<80x128xbf16, #tpu.memory_space<vmem>>
        %dma_start3A_532 = tpu.memref_slice %arg7[%mul3A_527] : memref<10000xi32, #tpu.memory_space<vmem>> -> memref<80xi32, #tpu.memory_space<vmem>>
        %dma_start3A_533 = arith.constant 0 : i32
        %dma_start3A_534 = arith.constant 0 : i32
        %dma_start3A_535 = tpu.memref_slice %arg6[%dma_start3A_533, %dma_start3A_534] : memref<10000x128xbf16, #tpu.memory_space<vmem_shared>> -> memref<10000x128xbf16, #tpu.memory_space<vmem_shared>>
        %dma_start3A_536 = tpu.memref_slice %arg12[%select_n3A_525] : memref<4x!tpu.dma_semaphore, #tpu.memory_space<semaphore_mem>> -> memref<1x!tpu.dma_semaphore, #tpu.memory_space<semaphore_mem>>
        %dma_start3A_537 = tpu.memref_squeeze %dma_start3A_536 : memref<1x!tpu.dma_semaphore, #tpu.memory_space<semaphore_mem>> -> memref<!tpu.dma_semaphore, #tpu.memory_space<semaphore_mem>>
        tpu.enqueue_indirect_dma source(%dma_start3A_535 : memref<10000x128xbf16, #tpu.memory_space<vmem_shared>>) target(%dma_start3A_531 : memref<80x128xbf16, #tpu.memory_space<vmem>>) offsets(%dma_start3A_532 : memref<80xi32, #tpu.memory_space<vmem>>) semaphore(%dma_start3A_537 : memref<!tpu.dma_semaphore, #tpu.memory_space<semaphore_mem>>)
        %dma_start3A_538 = arith.constant 0 : i32
        %dma_start3A_539 = arith.constant 0 : i32
        %dma_start3A_540 = tpu.memref_slice %arg10[%select_n3A_525, %dma_start3A_538, %dma_start3A_539] : memref<4x80x128xbf16, #tpu.memory_space<vmem>> -> memref<1x80x128xbf16, #tpu.memory_space<vmem>>
        %dma_start3A_541 = tpu.memref_squeeze %dma_start3A_540 : memref<1x80x128xbf16, #tpu.memory_space<vmem>> -> memref<80x128xbf16, #tpu.memory_space<vmem>>
        %dma_start3A_542 = tpu.memref_slice %arg8[%mul3A_527] : memref<10000xi32, #tpu.memory_space<vmem>> -> memref<80xi32, #tpu.memory_space<vmem>>
        %dma_start3A_543 = arith.constant 0 : i32
        %dma_start3A_544 = arith.constant 0 : i32
        %dma_start3A_545 = tpu.memref_slice %arg6[%dma_start3A_543, %dma_start3A_544] : memref<10000x128xbf16, #tpu.memory_space<vmem_shared>> -> memref<10000x128xbf16, #tpu.memory_space<vmem_shared>>
        %dma_start3A_546 = tpu.memref_slice %arg13[%select_n3A_525] : memref<4x!tpu.dma_semaphore, #tpu.memory_space<semaphore_mem>> -> memref<1x!tpu.dma_semaphore, #tpu.memory_space<semaphore_mem>>
        %dma_start3A_547 = tpu.memref_squeeze %dma_start3A_546 : memref<1x!tpu.dma_semaphore, #tpu.memory_space<semaphore_mem>> -> memref<!tpu.dma_semaphore, #tpu.memory_space<semaphore_mem>>
        tpu.enqueue_indirect_dma source(%dma_start3A_545 : memref<10000x128xbf16, #tpu.memory_space<vmem_shared>>) target(%dma_start3A_541 : memref<80x128xbf16, #tpu.memory_space<vmem>>) offsets(%dma_start3A_542 : memref<80xi32, #tpu.memory_space<vmem>>) semaphore(%dma_start3A_547 : memref<!tpu.dma_semaphore, #tpu.memory_space<semaphore_mem>>)
      } else {
      }
      %dma_wait3A_297 = arith.constant 1 : i32
      %dma_wait3A_298 = arith.constant 1 : i32
      %dma_wait3A_299 = arith.constant 0 : i32
      %dma_wait3A_300 = arith.constant 0 : i32
      %dma_wait3A_301 = tpu.memref_slice %arg9[%dma_wait3A_297, %dma_wait3A_299, %dma_wait3A_300] : memref<4x80x128xbf16, #tpu.memory_space<vmem>> -> memref<1x80x128xbf16, #tpu.memory_space<vmem>>
      %dma_wait3A_302 = tpu.memref_squeeze %dma_wait3A_301 : memref<1x80x128xbf16, #tpu.memory_space<vmem>> -> memref<80x128xbf16, #tpu.memory_space<vmem>>
      %dma_wait3A_303 = arith.constant 0 : i32
      %dma_wait3A_304 = arith.constant 0 : i32
      %dma_wait3A_305 = tpu.memref_slice %arg2[%dma_wait3A_303, %dma_wait3A_304] : memref<10000x128xbf16, #tpu.memory_space<hbm>> -> memref<80x128xbf16, #tpu.memory_space<hbm>>
      %dma_wait3A_306 = tpu.memref_slice %arg12[%dma_wait3A_298] : memref<4x!tpu.dma_semaphore, #tpu.memory_space<semaphore_mem>> -> memref<1x!tpu.dma_semaphore, #tpu.memory_space<semaphore_mem>>
      %dma_wait3A_307 = tpu.memref_squeeze %dma_wait3A_306 : memref<1x!tpu.dma_semaphore, #tpu.memory_space<semaphore_mem>> -> memref<!tpu.dma_semaphore, #tpu.memory_space<semaphore_mem>>
      %dma_wait3A_308 = arith.constant 0 : i32
      %dma_wait3A_309 = arith.constant 0 : i32
      %dma_wait3A_310 = tpu.memref_slice %arg9[%dma_wait3A_297, %dma_wait3A_308, %dma_wait3A_309] : memref<4x80x128xbf16, #tpu.memory_space<vmem>> -> memref<1x80x128xbf16, #tpu.memory_space<vmem>>
      %dma_wait3A_311 = tpu.memref_squeeze %dma_wait3A_310 : memref<1x80x128xbf16, #tpu.memory_space<vmem>> -> memref<80x128xbf16, #tpu.memory_space<vmem>>
      %dma_wait3A_312 = arith.constant 0 : i32
      %dma_wait3A_313 = arith.constant 0 : i32
      %dma_wait3A_314 = tpu.memref_slice %arg2[%dma_wait3A_312, %dma_wait3A_313] : memref<10000x128xbf16, #tpu.memory_space<hbm>> -> memref<80x128xbf16, #tpu.memory_space<hbm>>
      tpu.wait_dma2 semaphore(%dma_wait3A_307 : memref<!tpu.dma_semaphore, #tpu.memory_space<semaphore_mem>>) src(%dma_wait3A_314 : memref<80x128xbf16, #tpu.memory_space<hbm>>) dst(%dma_wait3A_311 : memref<80x128xbf16, #tpu.memory_space<vmem>>)
      %dma_wait3A_315 = arith.constant 1 : i32
      %dma_wait3A_316 = arith.constant 1 : i32
      %dma_wait3A_317 = arith.constant 0 : i32
      %dma_wait3A_318 = arith.constant 0 : i32
      %dma_wait3A_319 = tpu.memref_slice %arg10[%dma_wait3A_315, %dma_wait3A_317, %dma_wait3A_318] : memref<4x80x128xbf16, #tpu.memory_space<vmem>> -> memref<1x80x128xbf16, #tpu.memory_space<vmem>>
      %dma_wait3A_320 = tpu.memref_squeeze %dma_wait3A_319 : memref<1x80x128xbf16, #tpu.memory_space<vmem>> -> memref<80x128xbf16, #tpu.memory_space<vmem>>
      %dma_wait3A_321 = arith.constant 0 : i32
      %dma_wait3A_322 = arith.constant 0 : i32
      %dma_wait3A_323 = tpu.memref_slice %arg2[%dma_wait3A_321, %dma_wait3A_322] : memref<10000x128xbf16, #tpu.memory_space<hbm>> -> memref<80x128xbf16, #tpu.memory_space<hbm>>
      %dma_wait3A_324 = tpu.memref_slice %arg13[%dma_wait3A_316] : memref<4x!tpu.dma_semaphore, #tpu.memory_space<semaphore_mem>> -> memref<1x!tpu.dma_semaphore, #tpu.memory_space<semaphore_mem>>
      %dma_wait3A_325 = tpu.memref_squeeze %dma_wait3A_324 : memref<1x!tpu.dma_semaphore, #tpu.memory_space<semaphore_mem>> -> memref<!tpu.dma_semaphore, #tpu.memory_space<semaphore_mem>>
      %dma_wait3A_326 = arith.constant 0 : i32
      %dma_wait3A_327 = arith.constant 0 : i32
      %dma_wait3A_328 = tpu.memref_slice %arg10[%dma_wait3A_315, %dma_wait3A_326, %dma_wait3A_327] : memref<4x80x128xbf16, #tpu.memory_space<vmem>> -> memref<1x80x128xbf16, #tpu.memory_space<vmem>>
      %dma_wait3A_329 = tpu.memref_squeeze %dma_wait3A_328 : memref<1x80x128xbf16, #tpu.memory_space<vmem>> -> memref<80x128xbf16, #tpu.memory_space<vmem>>
      %dma_wait3A_330 = arith.constant 0 : i32
      %dma_wait3A_331 = arith.constant 0 : i32
      %dma_wait3A_332 = tpu.memref_slice %arg2[%dma_wait3A_330, %dma_wait3A_331] : memref<10000x128xbf16, #tpu.memory_space<hbm>> -> memref<80x128xbf16, #tpu.memory_space<hbm>>
      tpu.wait_dma2 semaphore(%dma_wait3A_325 : memref<!tpu.dma_semaphore, #tpu.memory_space<semaphore_mem>>) src(%dma_wait3A_332 : memref<80x128xbf16, #tpu.memory_space<hbm>>) dst(%dma_wait3A_329 : memref<80x128xbf16, #tpu.memory_space<vmem>>)
      %ge3A_333 = arith.constant 4 : i32
      %ge3A_334 = arith.cmpi sge, %add3A_287, %ge3A_333 : i32
      %convert_element_type3A_335 = arith.extui %ge3A_334 : i1 to i32
      %cond3A_336 = arith.constant 1 : i32
      %cond3A_337 = arith.constant 0 : i32
      %cond3A_338 = arith.cmpi ne, %convert_element_type3A_335, %cond3A_337 : i32
      scf.if %cond3A_338 {
        %dma_wait3A_508 = arith.constant 1 : i32
        %dma_wait3A_509 = arith.constant 0 : i32
        %dma_wait3A_510 = tpu.memref_slice %arg11[%cond3A_336, %dma_wait3A_509] : memref<4x80xf32, #tpu.memory_space<vmem>> -> memref<1x80xf32, #tpu.memory_space<vmem>>
        %dma_wait3A_511 = tpu.memref_squeeze %dma_wait3A_510 : memref<1x80xf32, #tpu.memory_space<vmem>> -> memref<80xf32, #tpu.memory_space<vmem>>
        %dma_wait3A_512 = arith.constant 0 : i32
        %dma_wait3A_513 = tpu.memref_slice %arg5[%dma_wait3A_512] : memref<320000xf32, #tpu.memory_space<hbm>> -> memref<80xf32, #tpu.memory_space<hbm>>
        %dma_wait3A_514 = tpu.memref_slice %arg14[%dma_wait3A_508] : memref<4x!tpu.dma_semaphore, #tpu.memory_space<semaphore_mem>> -> memref<1x!tpu.dma_semaphore, #tpu.memory_space<semaphore_mem>>
        %dma_wait3A_515 = tpu.memref_squeeze %dma_wait3A_514 : memref<1x!tpu.dma_semaphore, #tpu.memory_space<semaphore_mem>> -> memref<!tpu.dma_semaphore, #tpu.memory_space<semaphore_mem>>
        %dma_wait3A_516 = arith.constant 0 : i32
        %dma_wait3A_517 = tpu.memref_slice %arg5[%dma_wait3A_516] : memref<320000xf32, #tpu.memory_space<hbm>> -> memref<80xf32, #tpu.memory_space<hbm>>
        %dma_wait3A_518 = arith.constant 0 : i32
        %dma_wait3A_519 = tpu.memref_slice %arg11[%cond3A_336, %dma_wait3A_518] : memref<4x80xf32, #tpu.memory_space<vmem>> -> memref<1x80xf32, #tpu.memory_space<vmem>>
        %dma_wait3A_520 = tpu.memref_squeeze %dma_wait3A_519 : memref<1x80xf32, #tpu.memory_space<vmem>> -> memref<80xf32, #tpu.memory_space<vmem>>
        tpu.wait_dma2 semaphore(%dma_wait3A_515 : memref<!tpu.dma_semaphore, #tpu.memory_space<semaphore_mem>>) src(%dma_wait3A_520 : memref<80xf32, #tpu.memory_space<vmem>>) dst(%dma_wait3A_517 : memref<80xf32, #tpu.memory_space<hbm>>)
      } else {
      }
      %parallel_loop3A_339 = arith.constant 0 : i32
      %parallel_loop3A_340 = arith.constant 5 : i32
      %parallel_loop3A_341 = arith.constant 1 : i32
      %parallel_loop3A_342 = arith.constant 1 : i32
      %parallel_loop3A_343 = arith.constant 1 : i32
      %parallel_loop3A_344 = arith.constant 1 : i32
      scf.for %parallel_loop3A_508 = %parallel_loop3A_339 to %parallel_loop3A_340 step %parallel_loop3A_341  : i32 {
        %parallel_loop3A_509 = arith.constant 16 : i32
        %parallel_loop3A_510 = arith.muli %parallel_loop3A_508, %parallel_loop3A_509 : i32
        %parallel_loop3A_511 = arith.constant 0.000000e+00 : f32
        %parallel_loop3A_512 = vector.broadcast %parallel_loop3A_511 : f32 to vector<16xf32>
        %parallel_loop3A_513 = arith.constant 0 : i32
        %parallel_loop3A_514 = arith.constant 4 : i32
        %parallel_loop3A_515 = arith.addi %parallel_loop3A_513, %parallel_loop3A_514 : i32
        %parallel_loop3A_516 = arith.constant 1 : i32
        %parallel_loop3A_517 = scf.for %scan3A_534 = %parallel_loop3A_513 to %parallel_loop3A_515 step %parallel_loop3A_516 iter_args(%scan3A_535 = %parallel_loop3A_512) -> (vector<16xf32>)  : i32 {
          %parallel_loop3A_536 = arith.constant 4 : i32
          %parallel_loop3A_537 = arith.muli %scan3A_534, %parallel_loop3A_536 : i32
          %parallel_loop3A_538 = arith.addi %parallel_loop3A_510, %parallel_loop3A_537 : i32
          %parallel_loop3A_539 = arith.constant 4 : i32
          %parallel_loop3A_540 = arith.muli %scan3A_534, %parallel_loop3A_539 : i32
          %parallel_loop3A_541 = arith.constant 0 : i32
          %parallel_loop3A_542 = arith.addi %parallel_loop3A_540, %parallel_loop3A_541 : i32
          %parallel_loop3A_543 = vector.broadcast %parallel_loop3A_542 : i32 to vector<16xi32>
          %parallel_loop3A_544 = arith.cmpi eq, %iota3A, %parallel_loop3A_543 : vector<16xi32>
          %parallel_loop3A_545 = arith.constant 0 : i32
          %parallel_loop3A_546 = arith.addi %parallel_loop3A_538, %parallel_loop3A_545 : i32
          %parallel_loop3A_547 = arith.constant 0 : i32
          %parallel_loop3A_548 = arith.constant 0 : i32
          %parallel_loop3A_549 = tpu.memref_slice %arg9[%parallel_loop3A_342, %parallel_loop3A_547, %parallel_loop3A_548] : memref<4x80x128xbf16, #tpu.memory_space<vmem>> -> memref<1x80x128xbf16, #tpu.memory_space<vmem>>
          %parallel_loop3A_550 = tpu.memref_squeeze %parallel_loop3A_549 : memref<1x80x128xbf16, #tpu.memory_space<vmem>> -> memref<80x128xbf16, #tpu.memory_space<vmem>>
          %parallel_loop3A_551 = arith.index_cast %parallel_loop3A_546 : i32 to index
          %parallel_loop3A_552 = arith.constant 0 : index
          %parallel_loop3A_553 = tpu.vector_load %parallel_loop3A_550[%parallel_loop3A_551, %parallel_loop3A_552] {strides = array<i32>} : memref<80x128xbf16, #tpu.memory_space<vmem>>, vector<32xbf16>,
          %parallel_loop3A_554 = arith.constant 0 : i32
          %parallel_loop3A_555 = arith.constant 0 : i32
          %parallel_loop3A_556 = tpu.memref_slice %arg10[%parallel_loop3A_343, %parallel_loop3A_554, %parallel_loop3A_555] : memref<4x80x128xbf16, #tpu.memory_space<vmem>> -> memref<1x80x128xbf16, #tpu.memory_space<vmem>>
          %parallel_loop3A_557 = tpu.memref_squeeze %parallel_loop3A_556 : memref<1x80x128xbf16, #tpu.memory_space<vmem>> -> memref<80x128xbf16, #tpu.memory_space<vmem>>
          %parallel_loop3A_558 = arith.index_cast %parallel_loop3A_546 : i32 to index
          %parallel_loop3A_559 = arith.constant 0 : index
          %parallel_loop3A_560 = tpu.vector_load %parallel_loop3A_557[%parallel_loop3A_558, %parallel_loop3A_559] {strides = array<i32>} : memref<80x128xbf16, #tpu.memory_space<vmem>>, vector<32xbf16>,
          %parallel_loop3A_561 = arith.mulf %parallel_loop3A_553, %parallel_loop3A_560 : vector<32xbf16>
          %parallel_loop3A_562 = tpu.unpack_subelements %parallel_loop3A_561, 0 {pack_format = #tpu.pack_format<interleaved>} : vector<32xbf16> -> vector<16xf32>
          %parallel_loop3A_563 = tpu.unpack_subelements %parallel_loop3A_561, 1 {pack_format = #tpu.pack_format<interleaved>} : vector<32xbf16> -> vector<16xf32>
          %parallel_loop3A_564 = arith.addf %parallel_loop3A_562, %parallel_loop3A_563 : vector<16xf32>
          %parallel_loop3A_565 = arith.constant 0 : i32
          %parallel_loop3A_566 = arith.constant 0 : i32
          %parallel_loop3A_567 = tpu.memref_slice %arg9[%parallel_loop3A_342, %parallel_loop3A_565, %parallel_loop3A_566] : memref<4x80x128xbf16, #tpu.memory_space<vmem>> -> memref<1x80x128xbf16, #tpu.memory_space<vmem>>
          %parallel_loop3A_568 = tpu.memref_squeeze %parallel_loop3A_567 : memref<1x80x128xbf16, #tpu.memory_space<vmem>> -> memref<80x128xbf16, #tpu.memory_space<vmem>>
          %parallel_loop3A_569 = arith.index_cast %parallel_loop3A_546 : i32 to index
          %parallel_loop3A_570 = arith.constant 32 : index
          %parallel_loop3A_571 = tpu.vector_load %parallel_loop3A_568[%parallel_loop3A_569, %parallel_loop3A_570] {strides = array<i32>} : memref<80x128xbf16, #tpu.memory_space<vmem>>, vector<32xbf16>,
          %parallel_loop3A_572 = arith.constant 0 : i32
          %parallel_loop3A_573 = arith.constant 0 : i32
          %parallel_loop3A_574 = tpu.memref_slice %arg10[%parallel_loop3A_343, %parallel_loop3A_572, %parallel_loop3A_573] : memref<4x80x128xbf16, #tpu.memory_space<vmem>> -> memref<1x80x128xbf16, #tpu.memory_space<vmem>>
          %parallel_loop3A_575 = tpu.memref_squeeze %parallel_loop3A_574 : memref<1x80x128xbf16, #tpu.memory_space<vmem>> -> memref<80x128xbf16, #tpu.memory_space<vmem>>
          %parallel_loop3A_576 = arith.index_cast %parallel_loop3A_546 : i32 to index
          %parallel_loop3A_577 = arith.constant 32 : index
          %parallel_loop3A_578 = tpu.vector_load %parallel_loop3A_575[%parallel_loop3A_576, %parallel_loop3A_577] {strides = array<i32>} : memref<80x128xbf16, #tpu.memory_space<vmem>>, vector<32xbf16>,
          %parallel_loop3A_579 = arith.mulf %parallel_loop3A_571, %parallel_loop3A_578 : vector<32xbf16>
          %parallel_loop3A_580 = tpu.unpack_subelements %parallel_loop3A_579, 0 {pack_format = #tpu.pack_format<interleaved>} : vector<32xbf16> -> vector<16xf32>
          %parallel_loop3A_581 = tpu.unpack_subelements %parallel_loop3A_579, 1 {pack_format = #tpu.pack_format<interleaved>} : vector<32xbf16> -> vector<16xf32>
          %parallel_loop3A_582 = arith.addf %parallel_loop3A_580, %parallel_loop3A_581 : vector<16xf32>
          %parallel_loop3A_583 = arith.constant 0 : i32
          %parallel_loop3A_584 = arith.constant 0 : i32
          %parallel_loop3A_585 = tpu.memref_slice %arg9[%parallel_loop3A_342, %parallel_loop3A_583, %parallel_loop3A_584] : memref<4x80x128xbf16, #tpu.memory_space<vmem>> -> memref<1x80x128xbf16, #tpu.memory_space<vmem>>
          %parallel_loop3A_586 = tpu.memref_squeeze %parallel_loop3A_585 : memref<1x80x128xbf16, #tpu.memory_space<vmem>> -> memref<80x128xbf16, #tpu.memory_space<vmem>>
          %parallel_loop3A_587 = arith.index_cast %parallel_loop3A_546 : i32 to index
          %parallel_loop3A_588 = arith.constant 64 : index
          %parallel_loop3A_589 = tpu.vector_load %parallel_loop3A_586[%parallel_loop3A_587, %parallel_loop3A_588] {strides = array<i32>} : memref<80x128xbf16, #tpu.memory_space<vmem>>, vector<32xbf16>,
          %parallel_loop3A_590 = arith.constant 0 : i32
          %parallel_loop3A_591 = arith.constant 0 : i32
          %parallel_loop3A_592 = tpu.memref_slice %arg10[%parallel_loop3A_343, %parallel_loop3A_590, %parallel_loop3A_591] : memref<4x80x128xbf16, #tpu.memory_space<vmem>> -> memref<1x80x128xbf16, #tpu.memory_space<vmem>>
          %parallel_loop3A_593 = tpu.memref_squeeze %parallel_loop3A_592 : memref<1x80x128xbf16, #tpu.memory_space<vmem>> -> memref<80x128xbf16, #tpu.memory_space<vmem>>
          %parallel_loop3A_594 = arith.index_cast %parallel_loop3A_546 : i32 to index
          %parallel_loop3A_595 = arith.constant 64 : index
          %parallel_loop3A_596 = tpu.vector_load %parallel_loop3A_593[%parallel_loop3A_594, %parallel_loop3A_595] {strides = array<i32>} : memref<80x128xbf16, #tpu.memory_space<vmem>>, vector<32xbf16>,
          %parallel_loop3A_597 = arith.mulf %parallel_loop3A_589, %parallel_loop3A_596 : vector<32xbf16>
          %parallel_loop3A_598 = tpu.unpack_subelements %parallel_loop3A_597, 0 {pack_format = #tpu.pack_format<interleaved>} : vector<32xbf16> -> vector<16xf32>
          %parallel_loop3A_599 = tpu.unpack_subelements %parallel_loop3A_597, 1 {pack_format = #tpu.pack_format<interleaved>} : vector<32xbf16> -> vector<16xf32>
          %parallel_loop3A_600 = arith.addf %parallel_loop3A_598, %parallel_loop3A_599 : vector<16xf32>
          %parallel_loop3A_601 = arith.constant 0 : i32
          %parallel_loop3A_602 = arith.constant 0 : i32
          %parallel_loop3A_603 = tpu.memref_slice %arg9[%parallel_loop3A_342, %parallel_loop3A_601, %parallel_loop3A_602] : memref<4x80x128xbf16, #tpu.memory_space<vmem>> -> memref<1x80x128xbf16, #tpu.memory_space<vmem>>
          %parallel_loop3A_604 = tpu.memref_squeeze %parallel_loop3A_603 : memref<1x80x128xbf16, #tpu.memory_space<vmem>> -> memref<80x128xbf16, #tpu.memory_space<vmem>>
          %parallel_loop3A_605 = arith.index_cast %parallel_loop3A_546 : i32 to index
          %parallel_loop3A_606 = arith.constant 96 : index
          %parallel_loop3A_607 = tpu.vector_load %parallel_loop3A_604[%parallel_loop3A_605, %parallel_loop3A_606] {strides = array<i32>} : memref<80x128xbf16, #tpu.memory_space<vmem>>, vector<32xbf16>,
          %parallel_loop3A_608 = arith.constant 0 : i32
          %parallel_loop3A_609 = arith.constant 0 : i32
          %parallel_loop3A_610 = tpu.memref_slice %arg10[%parallel_loop3A_343, %parallel_loop3A_608, %parallel_loop3A_609] : memref<4x80x128xbf16, #tpu.memory_space<vmem>> -> memref<1x80x128xbf16, #tpu.memory_space<vmem>>
          %parallel_loop3A_611 = tpu.memref_squeeze %parallel_loop3A_610 : memref<1x80x128xbf16, #tpu.memory_space<vmem>> -> memref<80x128xbf16, #tpu.memory_space<vmem>>
          %parallel_loop3A_612 = arith.index_cast %parallel_loop3A_546 : i32 to index
          %parallel_loop3A_613 = arith.constant 96 : index
          %parallel_loop3A_614 = tpu.vector_load %parallel_loop3A_611[%parallel_loop3A_612, %parallel_loop3A_613] {strides = array<i32>} : memref<80x128xbf16, #tpu.memory_space<vmem>>, vector<32xbf16>,
          %parallel_loop3A_615 = arith.mulf %parallel_loop3A_607, %parallel_loop3A_614 : vector<32xbf16>
          %parallel_loop3A_616 = tpu.unpack_subelements %parallel_loop3A_615, 0 {pack_format = #tpu.pack_format<interleaved>} : vector<32xbf16> -> vector<16xf32>
          %parallel_loop3A_617 = tpu.unpack_subelements %parallel_loop3A_615, 1 {pack_format = #tpu.pack_format<interleaved>} : vector<32xbf16> -> vector<16xf32>
          %parallel_loop3A_618 = arith.addf %parallel_loop3A_616, %parallel_loop3A_617 : vector<16xf32>
          %parallel_loop3A_619 = arith.addf %parallel_loop3A_564, %parallel_loop3A_582 : vector<16xf32>
          %parallel_loop3A_620 = arith.addf %parallel_loop3A_600, %parallel_loop3A_618 : vector<16xf32>
          %parallel_loop3A_621 = arith.addf %parallel_loop3A_619, %parallel_loop3A_620 : vector<16xf32>
          %parallel_loop3A_622 = arith.constant true
          %parallel_loop3A_623 = vector.broadcast %parallel_loop3A_622 : i1 to vector<16xi1>
          %parallel_loop3A_624 = tpu.scan <sum>, %parallel_loop3A_621 masked %parallel_loop3A_623 : vector<16xf32>, vector<16xi1> -> vector<16xf32>
          %parallel_loop3A_625 = vector.extract %parallel_loop3A_624[15] : f32 from vector<16xf32>
          %parallel_loop3A_626 = vector.broadcast %parallel_loop3A_625 : f32 to vector<16xf32>
          %parallel_loop3A_627 = arith.select %parallel_loop3A_544, %parallel_loop3A_626, %scan3A_535 : vector<16xi1>, vector<16xf32>
          %parallel_loop3A_628 = arith.constant 4 : i32
          %parallel_loop3A_629 = arith.muli %scan3A_534, %parallel_loop3A_628 : i32
          %parallel_loop3A_630 = arith.constant 1 : i32
          %parallel_loop3A_631 = arith.addi %parallel_loop3A_629, %parallel_loop3A_630 : i32
          %parallel_loop3A_632 = vector.broadcast %parallel_loop3A_631 : i32 to vector<16xi32>
          %parallel_loop3A_633 = arith.cmpi eq, %iota3A, %parallel_loop3A_632 : vector<16xi32>
          %parallel_loop3A_634 = arith.constant 1 : i32
          %parallel_loop3A_635 = arith.addi %parallel_loop3A_538, %parallel_loop3A_634 : i32
          %parallel_loop3A_636 = arith.constant 0 : i32
          %parallel_loop3A_637 = arith.constant 0 : i32
          %parallel_loop3A_638 = tpu.memref_slice %arg9[%parallel_loop3A_342, %parallel_loop3A_636, %parallel_loop3A_637] : memref<4x80x128xbf16, #tpu.memory_space<vmem>> -> memref<1x80x128xbf16, #tpu.memory_space<vmem>>
          %parallel_loop3A_639 = tpu.memref_squeeze %parallel_loop3A_638 : memref<1x80x128xbf16, #tpu.memory_space<vmem>> -> memref<80x128xbf16, #tpu.memory_space<vmem>>
          %parallel_loop3A_640 = arith.index_cast %parallel_loop3A_635 : i32 to index
          %parallel_loop3A_641 = arith.constant 0 : index
          %parallel_loop3A_642 = tpu.vector_load %parallel_loop3A_639[%parallel_loop3A_640, %parallel_loop3A_641] {strides = array<i32>} : memref<80x128xbf16, #tpu.memory_space<vmem>>, vector<32xbf16>,
          %parallel_loop3A_643 = arith.constant 0 : i32
          %parallel_loop3A_644 = arith.constant 0 : i32
          %parallel_loop3A_645 = tpu.memref_slice %arg10[%parallel_loop3A_343, %parallel_loop3A_643, %parallel_loop3A_644] : memref<4x80x128xbf16, #tpu.memory_space<vmem>> -> memref<1x80x128xbf16, #tpu.memory_space<vmem>>
          %parallel_loop3A_646 = tpu.memref_squeeze %parallel_loop3A_645 : memref<1x80x128xbf16, #tpu.memory_space<vmem>> -> memref<80x128xbf16, #tpu.memory_space<vmem>>
          %parallel_loop3A_647 = arith.index_cast %parallel_loop3A_635 : i32 to index
          %parallel_loop3A_648 = arith.constant 0 : index
          %parallel_loop3A_649 = tpu.vector_load %parallel_loop3A_646[%parallel_loop3A_647, %parallel_loop3A_648] {strides = array<i32>} : memref<80x128xbf16, #tpu.memory_space<vmem>>, vector<32xbf16>,
          %parallel_loop3A_650 = arith.mulf %parallel_loop3A_642, %parallel_loop3A_649 : vector<32xbf16>
          %parallel_loop3A_651 = tpu.unpack_subelements %parallel_loop3A_650, 0 {pack_format = #tpu.pack_format<interleaved>} : vector<32xbf16> -> vector<16xf32>
          %parallel_loop3A_652 = tpu.unpack_subelements %parallel_loop3A_650, 1 {pack_format = #tpu.pack_format<interleaved>} : vector<32xbf16> -> vector<16xf32>
          %parallel_loop3A_653 = arith.addf %parallel_loop3A_651, %parallel_loop3A_652 : vector<16xf32>
          %parallel_loop3A_654 = arith.constant 0 : i32
          %parallel_loop3A_655 = arith.constant 0 : i32
          %parallel_loop3A_656 = tpu.memref_slice %arg9[%parallel_loop3A_342, %parallel_loop3A_654, %parallel_loop3A_655] : memref<4x80x128xbf16, #tpu.memory_space<vmem>> -> memref<1x80x128xbf16, #tpu.memory_space<vmem>>
          %parallel_loop3A_657 = tpu.memref_squeeze %parallel_loop3A_656 : memref<1x80x128xbf16, #tpu.memory_space<vmem>> -> memref<80x128xbf16, #tpu.memory_space<vmem>>
          %parallel_loop3A_658 = arith.index_cast %parallel_loop3A_635 : i32 to index
          %parallel_loop3A_659 = arith.constant 32 : index
          %parallel_loop3A_660 = tpu.vector_load %parallel_loop3A_657[%parallel_loop3A_658, %parallel_loop3A_659] {strides = array<i32>} : memref<80x128xbf16, #tpu.memory_space<vmem>>, vector<32xbf16>,
          %parallel_loop3A_661 = arith.constant 0 : i32
          %parallel_loop3A_662 = arith.constant 0 : i32
          %parallel_loop3A_663 = tpu.memref_slice %arg10[%parallel_loop3A_343, %parallel_loop3A_661, %parallel_loop3A_662] : memref<4x80x128xbf16, #tpu.memory_space<vmem>> -> memref<1x80x128xbf16, #tpu.memory_space<vmem>>
          %parallel_loop3A_664 = tpu.memref_squeeze %parallel_loop3A_663 : memref<1x80x128xbf16, #tpu.memory_space<vmem>> -> memref<80x128xbf16, #tpu.memory_space<vmem>>
          %parallel_loop3A_665 = arith.index_cast %parallel_loop3A_635 : i32 to index
          %parallel_loop3A_666 = arith.constant 32 : index
          %parallel_loop3A_667 = tpu.vector_load %parallel_loop3A_664[%parallel_loop3A_665, %parallel_loop3A_666] {strides = array<i32>} : memref<80x128xbf16, #tpu.memory_space<vmem>>, vector<32xbf16>,
          %parallel_loop3A_668 = arith.mulf %parallel_loop3A_660, %parallel_loop3A_667 : vector<32xbf16>
          %parallel_loop3A_669 = tpu.unpack_subelements %parallel_loop3A_668, 0 {pack_format = #tpu.pack_format<interleaved>} : vector<32xbf16> -> vector<16xf32>
          %parallel_loop3A_670 = tpu.unpack_subelements %parallel_loop3A_668, 1 {pack_format = #tpu.pack_format<interleaved>} : vector<32xbf16> -> vector<16xf32>
          %parallel_loop3A_671 = arith.addf %parallel_loop3A_669, %parallel_loop3A_670 : vector<16xf32>
          %parallel_loop3A_672 = arith.constant 0 : i32
          %parallel_loop3A_673 = arith.constant 0 : i32
          %parallel_loop3A_674 = tpu.memref_slice %arg9[%parallel_loop3A_342, %parallel_loop3A_672, %parallel_loop3A_673] : memref<4x80x128xbf16, #tpu.memory_space<vmem>> -> memref<1x80x128xbf16, #tpu.memory_space<vmem>>
          %parallel_loop3A_675 = tpu.memref_squeeze %parallel_loop3A_674 : memref<1x80x128xbf16, #tpu.memory_space<vmem>> -> memref<80x128xbf16, #tpu.memory_space<vmem>>
          %parallel_loop3A_676 = arith.index_cast %parallel_loop3A_635 : i32 to index
          %parallel_loop3A_677 = arith.constant 64 : index
          %parallel_loop3A_678 = tpu.vector_load %parallel_loop3A_675[%parallel_loop3A_676, %parallel_loop3A_677] {strides = array<i32>} : memref<80x128xbf16, #tpu.memory_space<vmem>>, vector<32xbf16>,
          %parallel_loop3A_679 = arith.constant 0 : i32
          %parallel_loop3A_680 = arith.constant 0 : i32
          %parallel_loop3A_681 = tpu.memref_slice %arg10[%parallel_loop3A_343, %parallel_loop3A_679, %parallel_loop3A_680] : memref<4x80x128xbf16, #tpu.memory_space<vmem>> -> memref<1x80x128xbf16, #tpu.memory_space<vmem>>
          %parallel_loop3A_682 = tpu.memref_squeeze %parallel_loop3A_681 : memref<1x80x128xbf16, #tpu.memory_space<vmem>> -> memref<80x128xbf16, #tpu.memory_space<vmem>>
          %parallel_loop3A_683 = arith.index_cast %parallel_loop3A_635 : i32 to index
          %parallel_loop3A_684 = arith.constant 64 : index
          %parallel_loop3A_685 = tpu.vector_load %parallel_loop3A_682[%parallel_loop3A_683, %parallel_loop3A_684] {strides = array<i32>} : memref<80x128xbf16, #tpu.memory_space<vmem>>, vector<32xbf16>,
          %parallel_loop3A_686 = arith.mulf %parallel_loop3A_678, %parallel_loop3A_685 : vector<32xbf16>
          %parallel_loop3A_687 = tpu.unpack_subelements %parallel_loop3A_686, 0 {pack_format = #tpu.pack_format<interleaved>} : vector<32xbf16> -> vector<16xf32>
          %parallel_loop3A_688 = tpu.unpack_subelements %parallel_loop3A_686, 1 {pack_format = #tpu.pack_format<interleaved>} : vector<32xbf16> -> vector<16xf32>
          %parallel_loop3A_689 = arith.addf %parallel_loop3A_687, %parallel_loop3A_688 : vector<16xf32>
          %parallel_loop3A_690 = arith.constant 0 : i32
          %parallel_loop3A_691 = arith.constant 0 : i32
          %parallel_loop3A_692 = tpu.memref_slice %arg9[%parallel_loop3A_342, %parallel_loop3A_690, %parallel_loop3A_691] : memref<4x80x128xbf16, #tpu.memory_space<vmem>> -> memref<1x80x128xbf16, #tpu.memory_space<vmem>>
          %parallel_loop3A_693 = tpu.memref_squeeze %parallel_loop3A_692 : memref<1x80x128xbf16, #tpu.memory_space<vmem>> -> memref<80x128xbf16, #tpu.memory_space<vmem>>
          %parallel_loop3A_694 = arith.index_cast %parallel_loop3A_635 : i32 to index
          %parallel_loop3A_695 = arith.constant 96 : index
          %parallel_loop3A_696 = tpu.vector_load %parallel_loop3A_693[%parallel_loop3A_694, %parallel_loop3A_695] {strides = array<i32>} : memref<80x128xbf16, #tpu.memory_space<vmem>>, vector<32xbf16>,
          %parallel_loop3A_697 = arith.constant 0 : i32
          %parallel_loop3A_698 = arith.constant 0 : i32
          %parallel_loop3A_699 = tpu.memref_slice %arg10[%parallel_loop3A_343, %parallel_loop3A_697, %parallel_loop3A_698] : memref<4x80x128xbf16, #tpu.memory_space<vmem>> -> memref<1x80x128xbf16, #tpu.memory_space<vmem>>
          %parallel_loop3A_700 = tpu.memref_squeeze %parallel_loop3A_699 : memref<1x80x128xbf16, #tpu.memory_space<vmem>> -> memref<80x128xbf16, #tpu.memory_space<vmem>>
          %parallel_loop3A_701 = arith.index_cast %parallel_loop3A_635 : i32 to index
          %parallel_loop3A_702 = arith.constant 96 : index
          %parallel_loop3A_703 = tpu.vector_load %parallel_loop3A_700[%parallel_loop3A_701, %parallel_loop3A_702] {strides = array<i32>} : memref<80x128xbf16, #tpu.memory_space<vmem>>, vector<32xbf16>,
          %parallel_loop3A_704 = arith.mulf %parallel_loop3A_696, %parallel_loop3A_703 : vector<32xbf16>
          %parallel_loop3A_705 = tpu.unpack_subelements %parallel_loop3A_704, 0 {pack_format = #tpu.pack_format<interleaved>} : vector<32xbf16> -> vector<16xf32>
          %parallel_loop3A_706 = tpu.unpack_subelements %parallel_loop3A_704, 1 {pack_format = #tpu.pack_format<interleaved>} : vector<32xbf16> -> vector<16xf32>
          %parallel_loop3A_707 = arith.addf %parallel_loop3A_705, %parallel_loop3A_706 : vector<16xf32>
          %parallel_loop3A_708 = arith.addf %parallel_loop3A_653, %parallel_loop3A_671 : vector<16xf32>
          %parallel_loop3A_709 = arith.addf %parallel_loop3A_689, %parallel_loop3A_707 : vector<16xf32>
          %parallel_loop3A_710 = arith.addf %parallel_loop3A_708, %parallel_loop3A_709 : vector<16xf32>
          %parallel_loop3A_711 = arith.constant true
          %parallel_loop3A_712 = vector.broadcast %parallel_loop3A_711 : i1 to vector<16xi1>
          %parallel_loop3A_713 = tpu.scan <sum>, %parallel_loop3A_710 masked %parallel_loop3A_712 : vector<16xf32>, vector<16xi1> -> vector<16xf32>
          %parallel_loop3A_714 = vector.extract %parallel_loop3A_713[15] : f32 from vector<16xf32>
          %parallel_loop3A_715 = vector.broadcast %parallel_loop3A_714 : f32 to vector<16xf32>
          %parallel_loop3A_716 = arith.select %parallel_loop3A_633, %parallel_loop3A_715, %parallel_loop3A_627 : vector<16xi1>, vector<16xf32>
          %parallel_loop3A_717 = arith.constant 4 : i32
          %parallel_loop3A_718 = arith.muli %scan3A_534, %parallel_loop3A_717 : i32
          %parallel_loop3A_719 = arith.constant 2 : i32
          %parallel_loop3A_720 = arith.addi %parallel_loop3A_718, %parallel_loop3A_719 : i32
          %parallel_loop3A_721 = vector.broadcast %parallel_loop3A_720 : i32 to vector<16xi32>
          %parallel_loop3A_722 = arith.cmpi eq, %iota3A, %parallel_loop3A_721 : vector<16xi32>
          %parallel_loop3A_723 = arith.constant 2 : i32
          %parallel_loop3A_724 = arith.addi %parallel_loop3A_538, %parallel_loop3A_723 : i32
          %parallel_loop3A_725 = arith.constant 0 : i32
          %parallel_loop3A_726 = arith.constant 0 : i32
          %parallel_loop3A_727 = tpu.memref_slice %arg9[%parallel_loop3A_342, %parallel_loop3A_725, %parallel_loop3A_726] : memref<4x80x128xbf16, #tpu.memory_space<vmem>> -> memref<1x80x128xbf16, #tpu.memory_space<vmem>>
          %parallel_loop3A_728 = tpu.memref_squeeze %parallel_loop3A_727 : memref<1x80x128xbf16, #tpu.memory_space<vmem>> -> memref<80x128xbf16, #tpu.memory_space<vmem>>
          %parallel_loop3A_729 = arith.index_cast %parallel_loop3A_724 : i32 to index
          %parallel_loop3A_730 = arith.constant 0 : index
          %parallel_loop3A_731 = tpu.vector_load %parallel_loop3A_728[%parallel_loop3A_729, %parallel_loop3A_730] {strides = array<i32>} : memref<80x128xbf16, #tpu.memory_space<vmem>>, vector<32xbf16>,
          %parallel_loop3A_732 = arith.constant 0 : i32
          %parallel_loop3A_733 = arith.constant 0 : i32
          %parallel_loop3A_734 = tpu.memref_slice %arg10[%parallel_loop3A_343, %parallel_loop3A_732, %parallel_loop3A_733] : memref<4x80x128xbf16, #tpu.memory_space<vmem>> -> memref<1x80x128xbf16, #tpu.memory_space<vmem>>
          %parallel_loop3A_735 = tpu.memref_squeeze %parallel_loop3A_734 : memref<1x80x128xbf16, #tpu.memory_space<vmem>> -> memref<80x128xbf16, #tpu.memory_space<vmem>>
          %parallel_loop3A_736 = arith.index_cast %parallel_loop3A_724 : i32 to index
          %parallel_loop3A_737 = arith.constant 0 : index
          %parallel_loop3A_738 = tpu.vector_load %parallel_loop3A_735[%parallel_loop3A_736, %parallel_loop3A_737] {strides = array<i32>} : memref<80x128xbf16, #tpu.memory_space<vmem>>, vector<32xbf16>,
          %parallel_loop3A_739 = arith.mulf %parallel_loop3A_731, %parallel_loop3A_738 : vector<32xbf16>
          %parallel_loop3A_740 = tpu.unpack_subelements %parallel_loop3A_739, 0 {pack_format = #tpu.pack_format<interleaved>} : vector<32xbf16> -> vector<16xf32>
          %parallel_loop3A_741 = tpu.unpack_subelements %parallel_loop3A_739, 1 {pack_format = #tpu.pack_format<interleaved>} : vector<32xbf16> -> vector<16xf32>
          %parallel_loop3A_742 = arith.addf %parallel_loop3A_740, %parallel_loop3A_741 : vector<16xf32>
          %parallel_loop3A_743 = arith.constant 0 : i32
          %parallel_loop3A_744 = arith.constant 0 : i32
          %parallel_loop3A_745 = tpu.memref_slice %arg9[%parallel_loop3A_342, %parallel_loop3A_743, %parallel_loop3A_744] : memref<4x80x128xbf16, #tpu.memory_space<vmem>> -> memref<1x80x128xbf16, #tpu.memory_space<vmem>>
          %parallel_loop3A_746 = tpu.memref_squeeze %parallel_loop3A_745 : memref<1x80x128xbf16, #tpu.memory_space<vmem>> -> memref<80x128xbf16, #tpu.memory_space<vmem>>
          %parallel_loop3A_747 = arith.index_cast %parallel_loop3A_724 : i32 to index
          %parallel_loop3A_748 = arith.constant 32 : index
          %parallel_loop3A_749 = tpu.vector_load %parallel_loop3A_746[%parallel_loop3A_747, %parallel_loop3A_748] {strides = array<i32>} : memref<80x128xbf16, #tpu.memory_space<vmem>>, vector<32xbf16>,
          %parallel_loop3A_750 = arith.constant 0 : i32
          %parallel_loop3A_751 = arith.constant 0 : i32
          %parallel_loop3A_752 = tpu.memref_slice %arg10[%parallel_loop3A_343, %parallel_loop3A_750, %parallel_loop3A_751] : memref<4x80x128xbf16, #tpu.memory_space<vmem>> -> memref<1x80x128xbf16, #tpu.memory_space<vmem>>
          %parallel_loop3A_753 = tpu.memref_squeeze %parallel_loop3A_752 : memref<1x80x128xbf16, #tpu.memory_space<vmem>> -> memref<80x128xbf16, #tpu.memory_space<vmem>>
          %parallel_loop3A_754 = arith.index_cast %parallel_loop3A_724 : i32 to index
          %parallel_loop3A_755 = arith.constant 32 : index
          %parallel_loop3A_756 = tpu.vector_load %parallel_loop3A_753[%parallel_loop3A_754, %parallel_loop3A_755] {strides = array<i32>} : memref<80x128xbf16, #tpu.memory_space<vmem>>, vector<32xbf16>,
          %parallel_loop3A_757 = arith.mulf %parallel_loop3A_749, %parallel_loop3A_756 : vector<32xbf16>
          %parallel_loop3A_758 = tpu.unpack_subelements %parallel_loop3A_757, 0 {pack_format = #tpu.pack_format<interleaved>} : vector<32xbf16> -> vector<16xf32>
          %parallel_loop3A_759 = tpu.unpack_subelements %parallel_loop3A_757, 1 {pack_format = #tpu.pack_format<interleaved>} : vector<32xbf16> -> vector<16xf32>
          %parallel_loop3A_760 = arith.addf %parallel_loop3A_758, %parallel_loop3A_759 : vector<16xf32>
          %parallel_loop3A_761 = arith.constant 0 : i32
          %parallel_loop3A_762 = arith.constant 0 : i32
          %parallel_loop3A_763 = tpu.memref_slice %arg9[%parallel_loop3A_342, %parallel_loop3A_761, %parallel_loop3A_762] : memref<4x80x128xbf16, #tpu.memory_space<vmem>> -> memref<1x80x128xbf16, #tpu.memory_space<vmem>>
          %parallel_loop3A_764 = tpu.memref_squeeze %parallel_loop3A_763 : memref<1x80x128xbf16, #tpu.memory_space<vmem>> -> memref<80x128xbf16, #tpu.memory_space<vmem>>
          %parallel_loop3A_765 = arith.index_cast %parallel_loop3A_724 : i32 to index
          %parallel_loop3A_766 = arith.constant 64 : index
          %parallel_loop3A_767 = tpu.vector_load %parallel_loop3A_764[%parallel_loop3A_765, %parallel_loop3A_766] {strides = array<i32>} : memref<80x128xbf16, #tpu.memory_space<vmem>>, vector<32xbf16>,
          %parallel_loop3A_768 = arith.constant 0 : i32
          %parallel_loop3A_769 = arith.constant 0 : i32
          %parallel_loop3A_770 = tpu.memref_slice %arg10[%parallel_loop3A_343, %parallel_loop3A_768, %parallel_loop3A_769] : memref<4x80x128xbf16, #tpu.memory_space<vmem>> -> memref<1x80x128xbf16, #tpu.memory_space<vmem>>
          %parallel_loop3A_771 = tpu.memref_squeeze %parallel_loop3A_770 : memref<1x80x128xbf16, #tpu.memory_space<vmem>> -> memref<80x128xbf16, #tpu.memory_space<vmem>>
          %parallel_loop3A_772 = arith.index_cast %parallel_loop3A_724 : i32 to index
          %parallel_loop3A_773 = arith.constant 64 : index
          %parallel_loop3A_774 = tpu.vector_load %parallel_loop3A_771[%parallel_loop3A_772, %parallel_loop3A_773] {strides = array<i32>} : memref<80x128xbf16, #tpu.memory_space<vmem>>, vector<32xbf16>,
          %parallel_loop3A_775 = arith.mulf %parallel_loop3A_767, %parallel_loop3A_774 : vector<32xbf16>
          %parallel_loop3A_776 = tpu.unpack_subelements %parallel_loop3A_775, 0 {pack_format = #tpu.pack_format<interleaved>} : vector<32xbf16> -> vector<16xf32>
          %parallel_loop3A_777 = tpu.unpack_subelements %parallel_loop3A_775, 1 {pack_format = #tpu.pack_format<interleaved>} : vector<32xbf16> -> vector<16xf32>
          %parallel_loop3A_778 = arith.addf %parallel_loop3A_776, %parallel_loop3A_777 : vector<16xf32>
          %parallel_loop3A_779 = arith.constant 0 : i32
          %parallel_loop3A_780 = arith.constant 0 : i32
          %parallel_loop3A_781 = tpu.memref_slice %arg9[%parallel_loop3A_342, %parallel_loop3A_779, %parallel_loop3A_780] : memref<4x80x128xbf16, #tpu.memory_space<vmem>> -> memref<1x80x128xbf16, #tpu.memory_space<vmem>>
          %parallel_loop3A_782 = tpu.memref_squeeze %parallel_loop3A_781 : memref<1x80x128xbf16, #tpu.memory_space<vmem>> -> memref<80x128xbf16, #tpu.memory_space<vmem>>
          %parallel_loop3A_783 = arith.index_cast %parallel_loop3A_724 : i32 to index
          %parallel_loop3A_784 = arith.constant 96 : index
          %parallel_loop3A_785 = tpu.vector_load %parallel_loop3A_782[%parallel_loop3A_783, %parallel_loop3A_784] {strides = array<i32>} : memref<80x128xbf16, #tpu.memory_space<vmem>>, vector<32xbf16>,
          %parallel_loop3A_786 = arith.constant 0 : i32
          %parallel_loop3A_787 = arith.constant 0 : i32
          %parallel_loop3A_788 = tpu.memref_slice %arg10[%parallel_loop3A_343, %parallel_loop3A_786, %parallel_loop3A_787] : memref<4x80x128xbf16, #tpu.memory_space<vmem>> -> memref<1x80x128xbf16, #tpu.memory_space<vmem>>
          %parallel_loop3A_789 = tpu.memref_squeeze %parallel_loop3A_788 : memref<1x80x128xbf16, #tpu.memory_space<vmem>> -> memref<80x128xbf16, #tpu.memory_space<vmem>>
          %parallel_loop3A_790 = arith.index_cast %parallel_loop3A_724 : i32 to index
          %parallel_loop3A_791 = arith.constant 96 : index
          %parallel_loop3A_792 = tpu.vector_load %parallel_loop3A_789[%parallel_loop3A_790, %parallel_loop3A_791] {strides = array<i32>} : memref<80x128xbf16, #tpu.memory_space<vmem>>, vector<32xbf16>,
          %parallel_loop3A_793 = arith.mulf %parallel_loop3A_785, %parallel_loop3A_792 : vector<32xbf16>
          %parallel_loop3A_794 = tpu.unpack_subelements %parallel_loop3A_793, 0 {pack_format = #tpu.pack_format<interleaved>} : vector<32xbf16> -> vector<16xf32>
          %parallel_loop3A_795 = tpu.unpack_subelements %parallel_loop3A_793, 1 {pack_format = #tpu.pack_format<interleaved>} : vector<32xbf16> -> vector<16xf32>
          %parallel_loop3A_796 = arith.addf %parallel_loop3A_794, %parallel_loop3A_795 : vector<16xf32>
          %parallel_loop3A_797 = arith.addf %parallel_loop3A_742, %parallel_loop3A_760 : vector<16xf32>
          %parallel_loop3A_798 = arith.addf %parallel_loop3A_778, %parallel_loop3A_796 : vector<16xf32>
          %parallel_loop3A_799 = arith.addf %parallel_loop3A_797, %parallel_loop3A_798 : vector<16xf32>
          %parallel_loop3A_800 = arith.constant true
          %parallel_loop3A_801 = vector.broadcast %parallel_loop3A_800 : i1 to vector<16xi1>
          %parallel_loop3A_802 = tpu.scan <sum>, %parallel_loop3A_799 masked %parallel_loop3A_801 : vector<16xf32>, vector<16xi1> -> vector<16xf32>
          %parallel_loop3A_803 = vector.extract %parallel_loop3A_802[15] : f32 from vector<16xf32>
          %parallel_loop3A_804 = vector.broadcast %parallel_loop3A_803 : f32 to vector<16xf32>
          %parallel_loop3A_805 = arith.select %parallel_loop3A_722, %parallel_loop3A_804, %parallel_loop3A_716 : vector<16xi1>, vector<16xf32>
          %parallel_loop3A_806 = arith.constant 4 : i32
          %parallel_loop3A_807 = arith.muli %scan3A_534, %parallel_loop3A_806 : i32
          %parallel_loop3A_808 = arith.constant 3 : i32
          %parallel_loop3A_809 = arith.addi %parallel_loop3A_807, %parallel_loop3A_808 : i32
          %parallel_loop3A_810 = vector.broadcast %parallel_loop3A_809 : i32 to vector<16xi32>
          %parallel_loop3A_811 = arith.cmpi eq, %iota3A, %parallel_loop3A_810 : vector<16xi32>
          %parallel_loop3A_812 = arith.constant 3 : i32
          %parallel_loop3A_813 = arith.addi %parallel_loop3A_538, %parallel_loop3A_812 : i32
          %parallel_loop3A_814 = arith.constant 0 : i32
          %parallel_loop3A_815 = arith.constant 0 : i32
          %parallel_loop3A_816 = tpu.memref_slice %arg9[%parallel_loop3A_342, %parallel_loop3A_814, %parallel_loop3A_815] : memref<4x80x128xbf16, #tpu.memory_space<vmem>> -> memref<1x80x128xbf16, #tpu.memory_space<vmem>>
          %parallel_loop3A_817 = tpu.memref_squeeze %parallel_loop3A_816 : memref<1x80x128xbf16, #tpu.memory_space<vmem>> -> memref<80x128xbf16, #tpu.memory_space<vmem>>
          %parallel_loop3A_818 = arith.index_cast %parallel_loop3A_813 : i32 to index
          %parallel_loop3A_819 = arith.constant 0 : index
          %parallel_loop3A_820 = tpu.vector_load %parallel_loop3A_817[%parallel_loop3A_818, %parallel_loop3A_819] {strides = array<i32>} : memref<80x128xbf16, #tpu.memory_space<vmem>>, vector<32xbf16>,
          %parallel_loop3A_821 = arith.constant 0 : i32
          %parallel_loop3A_822 = arith.constant 0 : i32
          %parallel_loop3A_823 = tpu.memref_slice %arg10[%parallel_loop3A_343, %parallel_loop3A_821, %parallel_loop3A_822] : memref<4x80x128xbf16, #tpu.memory_space<vmem>> -> memref<1x80x128xbf16, #tpu.memory_space<vmem>>
          %parallel_loop3A_824 = tpu.memref_squeeze %parallel_loop3A_823 : memref<1x80x128xbf16, #tpu.memory_space<vmem>> -> memref<80x128xbf16, #tpu.memory_space<vmem>>
          %parallel_loop3A_825 = arith.index_cast %parallel_loop3A_813 : i32 to index
          %parallel_loop3A_826 = arith.constant 0 : index
          %parallel_loop3A_827 = tpu.vector_load %parallel_loop3A_824[%parallel_loop3A_825, %parallel_loop3A_826] {strides = array<i32>} : memref<80x128xbf16, #tpu.memory_space<vmem>>, vector<32xbf16>,
          %parallel_loop3A_828 = arith.mulf %parallel_loop3A_820, %parallel_loop3A_827 : vector<32xbf16>
          %parallel_loop3A_829 = tpu.unpack_subelements %parallel_loop3A_828, 0 {pack_format = #tpu.pack_format<interleaved>} : vector<32xbf16> -> vector<16xf32>
          %parallel_loop3A_830 = tpu.unpack_subelements %parallel_loop3A_828, 1 {pack_format = #tpu.pack_format<interleaved>} : vector<32xbf16> -> vector<16xf32>
          %parallel_loop3A_831 = arith.addf %parallel_loop3A_829, %parallel_loop3A_830 : vector<16xf32>
          %parallel_loop3A_832 = arith.constant 0 : i32
          %parallel_loop3A_833 = arith.constant 0 : i32
          %parallel_loop3A_834 = tpu.memref_slice %arg9[%parallel_loop3A_342, %parallel_loop3A_832, %parallel_loop3A_833] : memref<4x80x128xbf16, #tpu.memory_space<vmem>> -> memref<1x80x128xbf16, #tpu.memory_space<vmem>>
          %parallel_loop3A_835 = tpu.memref_squeeze %parallel_loop3A_834 : memref<1x80x128xbf16, #tpu.memory_space<vmem>> -> memref<80x128xbf16, #tpu.memory_space<vmem>>
          %parallel_loop3A_836 = arith.index_cast %parallel_loop3A_813 : i32 to index
          %parallel_loop3A_837 = arith.constant 32 : index
          %parallel_loop3A_838 = tpu.vector_load %parallel_loop3A_835[%parallel_loop3A_836, %parallel_loop3A_837] {strides = array<i32>} : memref<80x128xbf16, #tpu.memory_space<vmem>>, vector<32xbf16>,
          %parallel_loop3A_839 = arith.constant 0 : i32
          %parallel_loop3A_840 = arith.constant 0 : i32
          %parallel_loop3A_841 = tpu.memref_slice %arg10[%parallel_loop3A_343, %parallel_loop3A_839, %parallel_loop3A_840] : memref<4x80x128xbf16, #tpu.memory_space<vmem>> -> memref<1x80x128xbf16, #tpu.memory_space<vmem>>
          %parallel_loop3A_842 = tpu.memref_squeeze %parallel_loop3A_841 : memref<1x80x128xbf16, #tpu.memory_space<vmem>> -> memref<80x128xbf16, #tpu.memory_space<vmem>>
          %parallel_loop3A_843 = arith.index_cast %parallel_loop3A_813 : i32 to index
          %parallel_loop3A_844 = arith.constant 32 : index
          %parallel_loop3A_845 = tpu.vector_load %parallel_loop3A_842[%parallel_loop3A_843, %parallel_loop3A_844] {strides = array<i32>} : memref<80x128xbf16, #tpu.memory_space<vmem>>, vector<32xbf16>,
          %parallel_loop3A_846 = arith.mulf %parallel_loop3A_838, %parallel_loop3A_845 : vector<32xbf16>
          %parallel_loop3A_847 = tpu.unpack_subelements %parallel_loop3A_846, 0 {pack_format = #tpu.pack_format<interleaved>} : vector<32xbf16> -> vector<16xf32>
          %parallel_loop3A_848 = tpu.unpack_subelements %parallel_loop3A_846, 1 {pack_format = #tpu.pack_format<interleaved>} : vector<32xbf16> -> vector<16xf32>
          %parallel_loop3A_849 = arith.addf %parallel_loop3A_847, %parallel_loop3A_848 : vector<16xf32>
          %parallel_loop3A_850 = arith.constant 0 : i32
          %parallel_loop3A_851 = arith.constant 0 : i32
          %parallel_loop3A_852 = tpu.memref_slice %arg9[%parallel_loop3A_342, %parallel_loop3A_850, %parallel_loop3A_851] : memref<4x80x128xbf16, #tpu.memory_space<vmem>> -> memref<1x80x128xbf16, #tpu.memory_space<vmem>>
          %parallel_loop3A_853 = tpu.memref_squeeze %parallel_loop3A_852 : memref<1x80x128xbf16, #tpu.memory_space<vmem>> -> memref<80x128xbf16, #tpu.memory_space<vmem>>
          %parallel_loop3A_854 = arith.index_cast %parallel_loop3A_813 : i32 to index
          %parallel_loop3A_855 = arith.constant 64 : index
          %parallel_loop3A_856 = tpu.vector_load %parallel_loop3A_853[%parallel_loop3A_854, %parallel_loop3A_855] {strides = array<i32>} : memref<80x128xbf16, #tpu.memory_space<vmem>>, vector<32xbf16>,
          %parallel_loop3A_857 = arith.constant 0 : i32
          %parallel_loop3A_858 = arith.constant 0 : i32
          %parallel_loop3A_859 = tpu.memref_slice %arg10[%parallel_loop3A_343, %parallel_loop3A_857, %parallel_loop3A_858] : memref<4x80x128xbf16, #tpu.memory_space<vmem>> -> memref<1x80x128xbf16, #tpu.memory_space<vmem>>
          %parallel_loop3A_860 = tpu.memref_squeeze %parallel_loop3A_859 : memref<1x80x128xbf16, #tpu.memory_space<vmem>> -> memref<80x128xbf16, #tpu.memory_space<vmem>>
          %parallel_loop3A_861 = arith.index_cast %parallel_loop3A_813 : i32 to index
          %parallel_loop3A_862 = arith.constant 64 : index
          %parallel_loop3A_863 = tpu.vector_load %parallel_loop3A_860[%parallel_loop3A_861, %parallel_loop3A_862] {strides = array<i32>} : memref<80x128xbf16, #tpu.memory_space<vmem>>, vector<32xbf16>,
          %parallel_loop3A_864 = arith.mulf %parallel_loop3A_856, %parallel_loop3A_863 : vector<32xbf16>
          %parallel_loop3A_865 = tpu.unpack_subelements %parallel_loop3A_864, 0 {pack_format = #tpu.pack_format<interleaved>} : vector<32xbf16> -> vector<16xf32>
          %parallel_loop3A_866 = tpu.unpack_subelements %parallel_loop3A_864, 1 {pack_format = #tpu.pack_format<interleaved>} : vector<32xbf16> -> vector<16xf32>
          %parallel_loop3A_867 = arith.addf %parallel_loop3A_865, %parallel_loop3A_866 : vector<16xf32>
          %parallel_loop3A_868 = arith.constant 0 : i32
          %parallel_loop3A_869 = arith.constant 0 : i32
          %parallel_loop3A_870 = tpu.memref_slice %arg9[%parallel_loop3A_342, %parallel_loop3A_868, %parallel_loop3A_869] : memref<4x80x128xbf16, #tpu.memory_space<vmem>> -> memref<1x80x128xbf16, #tpu.memory_space<vmem>>
          %parallel_loop3A_871 = tpu.memref_squeeze %parallel_loop3A_870 : memref<1x80x128xbf16, #tpu.memory_space<vmem>> -> memref<80x128xbf16, #tpu.memory_space<vmem>>
          %parallel_loop3A_872 = arith.index_cast %parallel_loop3A_813 : i32 to index
          %parallel_loop3A_873 = arith.constant 96 : index
          %parallel_loop3A_874 = tpu.vector_load %parallel_loop3A_871[%parallel_loop3A_872, %parallel_loop3A_873] {strides = array<i32>} : memref<80x128xbf16, #tpu.memory_space<vmem>>, vector<32xbf16>,
          %parallel_loop3A_875 = arith.constant 0 : i32
          %parallel_loop3A_876 = arith.constant 0 : i32
          %parallel_loop3A_877 = tpu.memref_slice %arg10[%parallel_loop3A_343, %parallel_loop3A_875, %parallel_loop3A_876] : memref<4x80x128xbf16, #tpu.memory_space<vmem>> -> memref<1x80x128xbf16, #tpu.memory_space<vmem>>
          %parallel_loop3A_878 = tpu.memref_squeeze %parallel_loop3A_877 : memref<1x80x128xbf16, #tpu.memory_space<vmem>> -> memref<80x128xbf16, #tpu.memory_space<vmem>>
          %parallel_loop3A_879 = arith.index_cast %parallel_loop3A_813 : i32 to index
          %parallel_loop3A_880 = arith.constant 96 : index
          %parallel_loop3A_881 = tpu.vector_load %parallel_loop3A_878[%parallel_loop3A_879, %parallel_loop3A_880] {strides = array<i32>} : memref<80x128xbf16, #tpu.memory_space<vmem>>, vector<32xbf16>,
          %parallel_loop3A_882 = arith.mulf %parallel_loop3A_874, %parallel_loop3A_881 : vector<32xbf16>
          %parallel_loop3A_883 = tpu.unpack_subelements %parallel_loop3A_882, 0 {pack_format = #tpu.pack_format<interleaved>} : vector<32xbf16> -> vector<16xf32>
          %parallel_loop3A_884 = tpu.unpack_subelements %parallel_loop3A_882, 1 {pack_format = #tpu.pack_format<interleaved>} : vector<32xbf16> -> vector<16xf32>
          %parallel_loop3A_885 = arith.addf %parallel_loop3A_883, %parallel_loop3A_884 : vector<16xf32>
          %parallel_loop3A_886 = arith.addf %parallel_loop3A_831, %parallel_loop3A_849 : vector<16xf32>
          %parallel_loop3A_887 = arith.addf %parallel_loop3A_867, %parallel_loop3A_885 : vector<16xf32>
          %parallel_loop3A_888 = arith.addf %parallel_loop3A_886, %parallel_loop3A_887 : vector<16xf32>
          %parallel_loop3A_889 = arith.constant true
          %parallel_loop3A_890 = vector.broadcast %parallel_loop3A_889 : i1 to vector<16xi1>
          %parallel_loop3A_891 = tpu.scan <sum>, %parallel_loop3A_888 masked %parallel_loop3A_890 : vector<16xf32>, vector<16xi1> -> vector<16xf32>
          %parallel_loop3A_892 = vector.extract %parallel_loop3A_891[15] : f32 from vector<16xf32>
          %parallel_loop3A_893 = vector.broadcast %parallel_loop3A_892 : f32 to vector<16xf32>
          %parallel_loop3A_894 = arith.select %parallel_loop3A_811, %parallel_loop3A_893, %parallel_loop3A_805 : vector<16xi1>, vector<16xf32>
          scf.yield %parallel_loop3A_894 : vector<16xf32>
        }
        %parallel_loop3A_518 = arith.constant 4 : i32
        %parallel_loop3A_519 = arith.constant 0.000000e+00 : f32
        %parallel_loop3A_520 = vector.broadcast %parallel_loop3A_519 : f32 to vector<16xf32>
        %parallel_loop3A_521 = arith.subf %parallel_loop3A_520, %parallel_loop3A_517 : vector<16xf32>
        %parallel_loop3A_522 = math.exp %parallel_loop3A_521 : vector<16xf32>
        %parallel_loop3A_523 = arith.constant 1.000000e+00 : f32
        %parallel_loop3A_524 = vector.broadcast %parallel_loop3A_523 : f32 to vector<16xf32>
        %parallel_loop3A_525 = arith.addf %parallel_loop3A_524, %parallel_loop3A_522 : vector<16xf32>
        %parallel_loop3A_526 = arith.constant 1.000000e+00 : f32
        %parallel_loop3A_527 = vector.broadcast %parallel_loop3A_526 : f32 to vector<16xf32>
        %parallel_loop3A_528 = arith.divf %parallel_loop3A_527, %parallel_loop3A_525 : vector<16xf32>
        %parallel_loop3A_529 = arith.constant 0 : i32
        %parallel_loop3A_530 = tpu.memref_slice %arg11[%parallel_loop3A_344, %parallel_loop3A_529] : memref<4x80xf32, #tpu.memory_space<vmem>> -> memref<1x80xf32, #tpu.memory_space<vmem>>
        %parallel_loop3A_531 = tpu.memref_squeeze %parallel_loop3A_530 : memref<1x80xf32, #tpu.memory_space<vmem>> -> memref<80xf32, #tpu.memory_space<vmem>>
        %parallel_loop3A_532 = arith.index_cast %parallel_loop3A_510 : i32 to index
        %parallel_loop3A_533 = tpu.vector_load %parallel_loop3A_531[%parallel_loop3A_532] {strides = array<i32>} : memref<80xf32, #tpu.memory_space<vmem>>, vector<16xf32>,
        tpu.vector_store %parallel_loop3A_531[%parallel_loop3A_532], %parallel_loop3A_528 {strides = array<i32>} : memref<80xf32, #tpu.memory_space<vmem>>, vector<16xf32>,
      } {sc.loop_unroll_factor = 1 : i64, sc.parallel_access}
      %mul3A_345 = arith.constant 80 : i32
      %mul3A_346 = arith.muli %add3A_287, %mul3A_345 : i32
      %add3A_347 = arith.addi %mul3A_2, %mul3A_346 : i32
      %dma_start3A_348 = arith.constant 1 : i32
      %dma_start3A_349 = arith.constant 1 : i32
      %dma_start3A_350 = arith.constant 0 : i32
      %dma_start3A_351 = tpu.memref_slice %arg11[%dma_start3A_348, %dma_start3A_350] : memref<4x80xf32, #tpu.memory_space<vmem>> -> memref<1x80xf32, #tpu.memory_space<vmem>>
      %dma_start3A_352 = tpu.memref_squeeze %dma_start3A_351 : memref<1x80xf32, #tpu.memory_space<vmem>> -> memref<80xf32, #tpu.memory_space<vmem>>
      %dma_start3A_353 = tpu.memref_slice %arg5[%add3A_347] : memref<320000xf32, #tpu.memory_space<hbm>> -> memref<80xf32, #tpu.memory_space<hbm>>
      %dma_start3A_354 = tpu.memref_slice %arg14[%dma_start3A_349] : memref<4x!tpu.dma_semaphore, #tpu.memory_space<semaphore_mem>> -> memref<1x!tpu.dma_semaphore, #tpu.memory_space<semaphore_mem>>
      %dma_start3A_355 = tpu.memref_squeeze %dma_start3A_354 : memref<1x!tpu.dma_semaphore, #tpu.memory_space<semaphore_mem>> -> memref<!tpu.dma_semaphore, #tpu.memory_space<semaphore_mem>>
      %dma_start3A_356 = tpu.memref_slice %arg5[%add3A_347] : memref<320000xf32, #tpu.memory_space<hbm>> -> memref<80xf32, #tpu.memory_space<hbm>>
      %dma_start3A_357 = arith.constant 0 : i32
      %dma_start3A_358 = tpu.memref_slice %arg11[%dma_start3A_348, %dma_start3A_357] : memref<4x80xf32, #tpu.memory_space<vmem>> -> memref<1x80xf32, #tpu.memory_space<vmem>>
      %dma_start3A_359 = tpu.memref_squeeze %dma_start3A_358 : memref<1x80xf32, #tpu.memory_space<vmem>> -> memref<80xf32, #tpu.memory_space<vmem>>
      tpu.enqueue_dma source(%dma_start3A_359 : memref<80xf32, #tpu.memory_space<vmem>>) target(%dma_start3A_356 : memref<80xf32, #tpu.memory_space<hbm>>) target_semaphore(%dma_start3A_355 : memref<!tpu.dma_semaphore, #tpu.memory_space<semaphore_mem>>)
      %add3A_360 = arith.constant 2 : i32
      %add3A_361 = arith.addi %mul3A_213, %add3A_360 : i32
      %add3A_362 = arith.constant 4 : i32
      %add3A_363 = arith.addi %add3A_361, %add3A_362 : i32
      %sub3A_364 = arith.constant 1 : i32
      %sub3A_365 = arith.subi %add3A_363, %sub3A_364 : i32
      %lt3A_366 = arith.constant 125 : i32
      %lt3A_367 = arith.cmpi slt, %sub3A_365, %lt3A_366 : i32
      %convert_element_type3A_368 = arith.extui %lt3A_367 : i1 to i32
      %cond3A_369 = arith.constant 0 : i32
      %cond3A_370 = arith.cmpi ne, %convert_element_type3A_368, %cond3A_369 : i32
      scf.if %cond3A_370 {
        %add3A_508 = arith.constant 4 : i32
        %add3A_509 = arith.addi %add3A_361, %add3A_508 : i32
        %sub3A_510 = arith.constant 1 : i32
        %sub3A_511 = arith.subi %add3A_509, %sub3A_510 : i32
        %add3A_512 = arith.constant 4 : i32
        %add3A_513 = arith.addi %add3A_361, %add3A_512 : i32
        %sub3A_514 = arith.constant 1 : i32
        %sub3A_515 = arith.subi %add3A_513, %sub3A_514 : i32
        %jit3A = arith.constant 4 : i32
        %eq3A = arith.constant 0 : i32
        %eq3A_516 = arith.cmpi eq, %jit3A, %eq3A : i32
        %jit3A_517 = arith.constant 1 : i32
        %select_n3A = arith.select %eq3A_516, %jit3A_517, %jit3A : i32
        %rem3A = arith.remsi %sub3A_515, %select_n3A : i32
        %ne3A = arith.constant 0 : i32
        %ne3A_518 = arith.cmpi ne, %rem3A, %ne3A : i32
        %lt3A_519 = arith.constant 0 : i32
        %lt3A_520 = arith.cmpi slt, %rem3A, %lt3A_519 : i32
        %lt3A_521 = arith.constant 0 : i32
        %lt3A_522 = arith.cmpi slt, %select_n3A, %lt3A_521 : i32
        %ne3A_523 = arith.xori %lt3A_520, %lt3A_522 : i1
        %and3A = arith.andi %ne3A_523, %ne3A_518 : i1
        %add3A_524 = arith.addi %rem3A, %select_n3A : i32
        %select_n3A_525 = arith.select %and3A, %add3A_524, %rem3A : i32
        %mul3A_526 = arith.constant 80 : i32
        %mul3A_527 = arith.muli %sub3A_511, %mul3A_526 : i32
        %dma_start3A_528 = arith.constant 0 : i32
        %dma_start3A_529 = arith.constant 0 : i32
        %dma_start3A_530 = tpu.memref_slice %arg9[%select_n3A_525, %dma_start3A_528, %dma_start3A_529] : memref<4x80x128xbf16, #tpu.memory_space<vmem>> -> memref<1x80x128xbf16, #tpu.memory_space<vmem>>
        %dma_start3A_531 = tpu.memref_squeeze %dma_start3A_530 : memref<1x80x128xbf16, #tpu.memory_space<vmem>> -> memref<80x128xbf16, #tpu.memory_space<vmem>>
        %dma_start3A_532 = tpu.memref_slice %arg7[%mul3A_527] : memref<10000xi32, #tpu.memory_space<vmem>> -> memref<80xi32, #tpu.memory_space<vmem>>
        %dma_start3A_533 = arith.constant 0 : i32
        %dma_start3A_534 = arith.constant 0 : i32
        %dma_start3A_535 = tpu.memref_slice %arg6[%dma_start3A_533, %dma_start3A_534] : memref<10000x128xbf16, #tpu.memory_space<vmem_shared>> -> memref<10000x128xbf16, #tpu.memory_space<vmem_shared>>
        %dma_start3A_536 = tpu.memref_slice %arg12[%select_n3A_525] : memref<4x!tpu.dma_semaphore, #tpu.memory_space<semaphore_mem>> -> memref<1x!tpu.dma_semaphore, #tpu.memory_space<semaphore_mem>>
        %dma_start3A_537 = tpu.memref_squeeze %dma_start3A_536 : memref<1x!tpu.dma_semaphore, #tpu.memory_space<semaphore_mem>> -> memref<!tpu.dma_semaphore, #tpu.memory_space<semaphore_mem>>
        tpu.enqueue_indirect_dma source(%dma_start3A_535 : memref<10000x128xbf16, #tpu.memory_space<vmem_shared>>) target(%dma_start3A_531 : memref<80x128xbf16, #tpu.memory_space<vmem>>) offsets(%dma_start3A_532 : memref<80xi32, #tpu.memory_space<vmem>>) semaphore(%dma_start3A_537 : memref<!tpu.dma_semaphore, #tpu.memory_space<semaphore_mem>>)
        %dma_start3A_538 = arith.constant 0 : i32
        %dma_start3A_539 = arith.constant 0 : i32
        %dma_start3A_540 = tpu.memref_slice %arg10[%select_n3A_525, %dma_start3A_538, %dma_start3A_539] : memref<4x80x128xbf16, #tpu.memory_space<vmem>> -> memref<1x80x128xbf16, #tpu.memory_space<vmem>>
        %dma_start3A_541 = tpu.memref_squeeze %dma_start3A_540 : memref<1x80x128xbf16, #tpu.memory_space<vmem>> -> memref<80x128xbf16, #tpu.memory_space<vmem>>
        %dma_start3A_542 = tpu.memref_slice %arg8[%mul3A_527] : memref<10000xi32, #tpu.memory_space<vmem>> -> memref<80xi32, #tpu.memory_space<vmem>>
        %dma_start3A_543 = arith.constant 0 : i32
        %dma_start3A_544 = arith.constant 0 : i32
        %dma_start3A_545 = tpu.memref_slice %arg6[%dma_start3A_543, %dma_start3A_544] : memref<10000x128xbf16, #tpu.memory_space<vmem_shared>> -> memref<10000x128xbf16, #tpu.memory_space<vmem_shared>>
        %dma_start3A_546 = tpu.memref_slice %arg13[%select_n3A_525] : memref<4x!tpu.dma_semaphore, #tpu.memory_space<semaphore_mem>> -> memref<1x!tpu.dma_semaphore, #tpu.memory_space<semaphore_mem>>
        %dma_start3A_547 = tpu.memref_squeeze %dma_start3A_546 : memref<1x!tpu.dma_semaphore, #tpu.memory_space<semaphore_mem>> -> memref<!tpu.dma_semaphore, #tpu.memory_space<semaphore_mem>>
        tpu.enqueue_indirect_dma source(%dma_start3A_545 : memref<10000x128xbf16, #tpu.memory_space<vmem_shared>>) target(%dma_start3A_541 : memref<80x128xbf16, #tpu.memory_space<vmem>>) offsets(%dma_start3A_542 : memref<80xi32, #tpu.memory_space<vmem>>) semaphore(%dma_start3A_547 : memref<!tpu.dma_semaphore, #tpu.memory_space<semaphore_mem>>)
      } else {
      }
      %dma_wait3A_371 = arith.constant 2 : i32
      %dma_wait3A_372 = arith.constant 2 : i32
      %dma_wait3A_373 = arith.constant 0 : i32
      %dma_wait3A_374 = arith.constant 0 : i32
      %dma_wait3A_375 = tpu.memref_slice %arg9[%dma_wait3A_371, %dma_wait3A_373, %dma_wait3A_374] : memref<4x80x128xbf16, #tpu.memory_space<vmem>> -> memref<1x80x128xbf16, #tpu.memory_space<vmem>>
      %dma_wait3A_376 = tpu.memref_squeeze %dma_wait3A_375 : memref<1x80x128xbf16, #tpu.memory_space<vmem>> -> memref<80x128xbf16, #tpu.memory_space<vmem>>
      %dma_wait3A_377 = arith.constant 0 : i32
      %dma_wait3A_378 = arith.constant 0 : i32
      %dma_wait3A_379 = tpu.memref_slice %arg2[%dma_wait3A_377, %dma_wait3A_378] : memref<10000x128xbf16, #tpu.memory_space<hbm>> -> memref<80x128xbf16, #tpu.memory_space<hbm>>
      %dma_wait3A_380 = tpu.memref_slice %arg12[%dma_wait3A_372] : memref<4x!tpu.dma_semaphore, #tpu.memory_space<semaphore_mem>> -> memref<1x!tpu.dma_semaphore, #tpu.memory_space<semaphore_mem>>
      %dma_wait3A_381 = tpu.memref_squeeze %dma_wait3A_380 : memref<1x!tpu.dma_semaphore, #tpu.memory_space<semaphore_mem>> -> memref<!tpu.dma_semaphore, #tpu.memory_space<semaphore_mem>>
      %dma_wait3A_382 = arith.constant 0 : i32
      %dma_wait3A_383 = arith.constant 0 : i32
      %dma_wait3A_384 = tpu.memref_slice %arg9[%dma_wait3A_371, %dma_wait3A_382, %dma_wait3A_383] : memref<4x80x128xbf16, #tpu.memory_space<vmem>> -> memref<1x80x128xbf16, #tpu.memory_space<vmem>>
      %dma_wait3A_385 = tpu.memref_squeeze %dma_wait3A_384 : memref<1x80x128xbf16, #tpu.memory_space<vmem>> -> memref<80x128xbf16, #tpu.memory_space<vmem>>
      %dma_wait3A_386 = arith.constant 0 : i32
      %dma_wait3A_387 = arith.constant 0 : i32
      %dma_wait3A_388 = tpu.memref_slice %arg2[%dma_wait3A_386, %dma_wait3A_387] : memref<10000x128xbf16, #tpu.memory_space<hbm>> -> memref<80x128xbf16, #tpu.memory_space<hbm>>
      tpu.wait_dma2 semaphore(%dma_wait3A_381 : memref<!tpu.dma_semaphore, #tpu.memory_space<semaphore_mem>>) src(%dma_wait3A_388 : memref<80x128xbf16, #tpu.memory_space<hbm>>) dst(%dma_wait3A_385 : memref<80x128xbf16, #tpu.memory_space<vmem>>)
      %dma_wait3A_389 = arith.constant 2 : i32
      %dma_wait3A_390 = arith.constant 2 : i32
      %dma_wait3A_391 = arith.constant 0 : i32
      %dma_wait3A_392 = arith.constant 0 : i32
      %dma_wait3A_393 = tpu.memref_slice %arg10[%dma_wait3A_389, %dma_wait3A_391, %dma_wait3A_392] : memref<4x80x128xbf16, #tpu.memory_space<vmem>> -> memref<1x80x128xbf16, #tpu.memory_space<vmem>>
      %dma_wait3A_394 = tpu.memref_squeeze %dma_wait3A_393 : memref<1x80x128xbf16, #tpu.memory_space<vmem>> -> memref<80x128xbf16, #tpu.memory_space<vmem>>
      %dma_wait3A_395 = arith.constant 0 : i32
      %dma_wait3A_396 = arith.constant 0 : i32
      %dma_wait3A_397 = tpu.memref_slice %arg2[%dma_wait3A_395, %dma_wait3A_396] : memref<10000x128xbf16, #tpu.memory_space<hbm>> -> memref<80x128xbf16, #tpu.memory_space<hbm>>
      %dma_wait3A_398 = tpu.memref_slice %arg13[%dma_wait3A_390] : memref<4x!tpu.dma_semaphore, #tpu.memory_space<semaphore_mem>> -> memref<1x!tpu.dma_semaphore, #tpu.memory_space<semaphore_mem>>
      %dma_wait3A_399 = tpu.memref_squeeze %dma_wait3A_398 : memref<1x!tpu.dma_semaphore, #tpu.memory_space<semaphore_mem>> -> memref<!tpu.dma_semaphore, #tpu.memory_space<semaphore_mem>>
      %dma_wait3A_400 = arith.constant 0 : i32
      %dma_wait3A_401 = arith.constant 0 : i32
      %dma_wait3A_402 = tpu.memref_slice %arg10[%dma_wait3A_389, %dma_wait3A_400, %dma_wait3A_401] : memref<4x80x128xbf16, #tpu.memory_space<vmem>> -> memref<1x80x128xbf16, #tpu.memory_space<vmem>>
      %dma_wait3A_403 = tpu.memref_squeeze %dma_wait3A_402 : memref<1x80x128xbf16, #tpu.memory_space<vmem>> -> memref<80x128xbf16, #tpu.memory_space<vmem>>
      %dma_wait3A_404 = arith.constant 0 : i32
      %dma_wait3A_405 = arith.constant 0 : i32
      %dma_wait3A_406 = tpu.memref_slice %arg2[%dma_wait3A_404, %dma_wait3A_405] : memref<10000x128xbf16, #tpu.memory_space<hbm>> -> memref<80x128xbf16, #tpu.memory_space<hbm>>
      tpu.wait_dma2 semaphore(%dma_wait3A_399 : memref<!tpu.dma_semaphore, #tpu.memory_space<semaphore_mem>>) src(%dma_wait3A_406 : memref<80x128xbf16, #tpu.memory_space<hbm>>) dst(%dma_wait3A_403 : memref<80x128xbf16, #tpu.memory_space<vmem>>)
      %ge3A_407 = arith.constant 4 : i32
      %ge3A_408 = arith.cmpi sge, %add3A_361, %ge3A_407 : i32
      %convert_element_type3A_409 = arith.extui %ge3A_408 : i1 to i32
      %cond3A_410 = arith.constant 2 : i32
      %cond3A_411 = arith.constant 0 : i32
      %cond3A_412 = arith.cmpi ne, %convert_element_type3A_409, %cond3A_411 : i32
      scf.if %cond3A_412 {
        %dma_wait3A_508 = arith.constant 2 : i32
        %dma_wait3A_509 = arith.constant 0 : i32
        %dma_wait3A_510 = tpu.memref_slice %arg11[%cond3A_410, %dma_wait3A_509] : memref<4x80xf32, #tpu.memory_space<vmem>> -> memref<1x80xf32, #tpu.memory_space<vmem>>
        %dma_wait3A_511 = tpu.memref_squeeze %dma_wait3A_510 : memref<1x80xf32, #tpu.memory_space<vmem>> -> memref<80xf32, #tpu.memory_space<vmem>>
        %dma_wait3A_512 = arith.constant 0 : i32
        %dma_wait3A_513 = tpu.memref_slice %arg5[%dma_wait3A_512] : memref<320000xf32, #tpu.memory_space<hbm>> -> memref<80xf32, #tpu.memory_space<hbm>>
        %dma_wait3A_514 = tpu.memref_slice %arg14[%dma_wait3A_508] : memref<4x!tpu.dma_semaphore, #tpu.memory_space<semaphore_mem>> -> memref<1x!tpu.dma_semaphore, #tpu.memory_space<semaphore_mem>>
        %dma_wait3A_515 = tpu.memref_squeeze %dma_wait3A_514 : memref<1x!tpu.dma_semaphore, #tpu.memory_space<semaphore_mem>> -> memref<!tpu.dma_semaphore, #tpu.memory_space<semaphore_mem>>
        %dma_wait3A_516 = arith.constant 0 : i32
        %dma_wait3A_517 = tpu.memref_slice %arg5[%dma_wait3A_516] : memref<320000xf32, #tpu.memory_space<hbm>> -> memref<80xf32, #tpu.memory_space<hbm>>
        %dma_wait3A_518 = arith.constant 0 : i32
        %dma_wait3A_519 = tpu.memref_slice %arg11[%cond3A_410, %dma_wait3A_518] : memref<4x80xf32, #tpu.memory_space<vmem>> -> memref<1x80xf32, #tpu.memory_space<vmem>>
        %dma_wait3A_520 = tpu.memref_squeeze %dma_wait3A_519 : memref<1x80xf32, #tpu.memory_space<vmem>> -> memref<80xf32, #tpu.memory_space<vmem>>
        tpu.wait_dma2 semaphore(%dma_wait3A_515 : memref<!tpu.dma_semaphore, #tpu.memory_space<semaphore_mem>>) src(%dma_wait3A_520 : memref<80xf32, #tpu.memory_space<vmem>>) dst(%dma_wait3A_517 : memref<80xf32, #tpu.memory_space<hbm>>)
      } else {
      }
      %parallel_loop3A_413 = arith.constant 0 : i32
      %parallel_loop3A_414 = arith.constant 5 : i32
      %parallel_loop3A_415 = arith.constant 1 : i32
      %parallel_loop3A_416 = arith.constant 2 : i32
      %parallel_loop3A_417 = arith.constant 2 : i32
      %parallel_loop3A_418 = arith.constant 2 : i32
      scf.for %parallel_loop3A_508 = %parallel_loop3A_413 to %parallel_loop3A_414 step %parallel_loop3A_415  : i32 {
        %parallel_loop3A_509 = arith.constant 16 : i32
        %parallel_loop3A_510 = arith.muli %parallel_loop3A_508, %parallel_loop3A_509 : i32
        %parallel_loop3A_511 = arith.constant 0.000000e+00 : f32
        %parallel_loop3A_512 = vector.broadcast %parallel_loop3A_511 : f32 to vector<16xf32>
        %parallel_loop3A_513 = arith.constant 0 : i32
        %parallel_loop3A_514 = arith.constant 4 : i32
        %parallel_loop3A_515 = arith.addi %parallel_loop3A_513, %parallel_loop3A_514 : i32
        %parallel_loop3A_516 = arith.constant 1 : i32
        %parallel_loop3A_517 = scf.for %scan3A_534 = %parallel_loop3A_513 to %parallel_loop3A_515 step %parallel_loop3A_516 iter_args(%scan3A_535 = %parallel_loop3A_512) -> (vector<16xf32>)  : i32 {
          %parallel_loop3A_536 = arith.constant 4 : i32
          %parallel_loop3A_537 = arith.muli %scan3A_534, %parallel_loop3A_536 : i32
          %parallel_loop3A_538 = arith.addi %parallel_loop3A_510, %parallel_loop3A_537 : i32
          %parallel_loop3A_539 = arith.constant 4 : i32
          %parallel_loop3A_540 = arith.muli %scan3A_534, %parallel_loop3A_539 : i32
          %parallel_loop3A_541 = arith.constant 0 : i32
          %parallel_loop3A_542 = arith.addi %parallel_loop3A_540, %parallel_loop3A_541 : i32
          %parallel_loop3A_543 = vector.broadcast %parallel_loop3A_542 : i32 to vector<16xi32>
          %parallel_loop3A_544 = arith.cmpi eq, %iota3A, %parallel_loop3A_543 : vector<16xi32>
          %parallel_loop3A_545 = arith.constant 0 : i32
          %parallel_loop3A_546 = arith.addi %parallel_loop3A_538, %parallel_loop3A_545 : i32
          %parallel_loop3A_547 = arith.constant 0 : i32
          %parallel_loop3A_548 = arith.constant 0 : i32
          %parallel_loop3A_549 = tpu.memref_slice %arg9[%parallel_loop3A_416, %parallel_loop3A_547, %parallel_loop3A_548] : memref<4x80x128xbf16, #tpu.memory_space<vmem>> -> memref<1x80x128xbf16, #tpu.memory_space<vmem>>
          %parallel_loop3A_550 = tpu.memref_squeeze %parallel_loop3A_549 : memref<1x80x128xbf16, #tpu.memory_space<vmem>> -> memref<80x128xbf16, #tpu.memory_space<vmem>>
          %parallel_loop3A_551 = arith.index_cast %parallel_loop3A_546 : i32 to index
          %parallel_loop3A_552 = arith.constant 0 : index
          %parallel_loop3A_553 = tpu.vector_load %parallel_loop3A_550[%parallel_loop3A_551, %parallel_loop3A_552] {strides = array<i32>} : memref<80x128xbf16, #tpu.memory_space<vmem>>, vector<32xbf16>,
          %parallel_loop3A_554 = arith.constant 0 : i32
          %parallel_loop3A_555 = arith.constant 0 : i32
          %parallel_loop3A_556 = tpu.memref_slice %arg10[%parallel_loop3A_417, %parallel_loop3A_554, %parallel_loop3A_555] : memref<4x80x128xbf16, #tpu.memory_space<vmem>> -> memref<1x80x128xbf16, #tpu.memory_space<vmem>>
          %parallel_loop3A_557 = tpu.memref_squeeze %parallel_loop3A_556 : memref<1x80x128xbf16, #tpu.memory_space<vmem>> -> memref<80x128xbf16, #tpu.memory_space<vmem>>
          %parallel_loop3A_558 = arith.index_cast %parallel_loop3A_546 : i32 to index
          %parallel_loop3A_559 = arith.constant 0 : index
          %parallel_loop3A_560 = tpu.vector_load %parallel_loop3A_557[%parallel_loop3A_558, %parallel_loop3A_559] {strides = array<i32>} : memref<80x128xbf16, #tpu.memory_space<vmem>>, vector<32xbf16>,
          %parallel_loop3A_561 = arith.mulf %parallel_loop3A_553, %parallel_loop3A_560 : vector<32xbf16>
          %parallel_loop3A_562 = tpu.unpack_subelements %parallel_loop3A_561, 0 {pack_format = #tpu.pack_format<interleaved>} : vector<32xbf16> -> vector<16xf32>
          %parallel_loop3A_563 = tpu.unpack_subelements %parallel_loop3A_561, 1 {pack_format = #tpu.pack_format<interleaved>} : vector<32xbf16> -> vector<16xf32>
          %parallel_loop3A_564 = arith.addf %parallel_loop3A_562, %parallel_loop3A_563 : vector<16xf32>
          %parallel_loop3A_565 = arith.constant 0 : i32
          %parallel_loop3A_566 = arith.constant 0 : i32
          %parallel_loop3A_567 = tpu.memref_slice %arg9[%parallel_loop3A_416, %parallel_loop3A_565, %parallel_loop3A_566] : memref<4x80x128xbf16, #tpu.memory_space<vmem>> -> memref<1x80x128xbf16, #tpu.memory_space<vmem>>
          %parallel_loop3A_568 = tpu.memref_squeeze %parallel_loop3A_567 : memref<1x80x128xbf16, #tpu.memory_space<vmem>> -> memref<80x128xbf16, #tpu.memory_space<vmem>>
          %parallel_loop3A_569 = arith.index_cast %parallel_loop3A_546 : i32 to index
          %parallel_loop3A_570 = arith.constant 32 : index
          %parallel_loop3A_571 = tpu.vector_load %parallel_loop3A_568[%parallel_loop3A_569, %parallel_loop3A_570] {strides = array<i32>} : memref<80x128xbf16, #tpu.memory_space<vmem>>, vector<32xbf16>,
          %parallel_loop3A_572 = arith.constant 0 : i32
          %parallel_loop3A_573 = arith.constant 0 : i32
          %parallel_loop3A_574 = tpu.memref_slice %arg10[%parallel_loop3A_417, %parallel_loop3A_572, %parallel_loop3A_573] : memref<4x80x128xbf16, #tpu.memory_space<vmem>> -> memref<1x80x128xbf16, #tpu.memory_space<vmem>>
          %parallel_loop3A_575 = tpu.memref_squeeze %parallel_loop3A_574 : memref<1x80x128xbf16, #tpu.memory_space<vmem>> -> memref<80x128xbf16, #tpu.memory_space<vmem>>
          %parallel_loop3A_576 = arith.index_cast %parallel_loop3A_546 : i32 to index
          %parallel_loop3A_577 = arith.constant 32 : index
          %parallel_loop3A_578 = tpu.vector_load %parallel_loop3A_575[%parallel_loop3A_576, %parallel_loop3A_577] {strides = array<i32>} : memref<80x128xbf16, #tpu.memory_space<vmem>>, vector<32xbf16>,
          %parallel_loop3A_579 = arith.mulf %parallel_loop3A_571, %parallel_loop3A_578 : vector<32xbf16>
          %parallel_loop3A_580 = tpu.unpack_subelements %parallel_loop3A_579, 0 {pack_format = #tpu.pack_format<interleaved>} : vector<32xbf16> -> vector<16xf32>
          %parallel_loop3A_581 = tpu.unpack_subelements %parallel_loop3A_579, 1 {pack_format = #tpu.pack_format<interleaved>} : vector<32xbf16> -> vector<16xf32>
          %parallel_loop3A_582 = arith.addf %parallel_loop3A_580, %parallel_loop3A_581 : vector<16xf32>
          %parallel_loop3A_583 = arith.constant 0 : i32
          %parallel_loop3A_584 = arith.constant 0 : i32
          %parallel_loop3A_585 = tpu.memref_slice %arg9[%parallel_loop3A_416, %parallel_loop3A_583, %parallel_loop3A_584] : memref<4x80x128xbf16, #tpu.memory_space<vmem>> -> memref<1x80x128xbf16, #tpu.memory_space<vmem>>
          %parallel_loop3A_586 = tpu.memref_squeeze %parallel_loop3A_585 : memref<1x80x128xbf16, #tpu.memory_space<vmem>> -> memref<80x128xbf16, #tpu.memory_space<vmem>>
          %parallel_loop3A_587 = arith.index_cast %parallel_loop3A_546 : i32 to index
          %parallel_loop3A_588 = arith.constant 64 : index
          %parallel_loop3A_589 = tpu.vector_load %parallel_loop3A_586[%parallel_loop3A_587, %parallel_loop3A_588] {strides = array<i32>} : memref<80x128xbf16, #tpu.memory_space<vmem>>, vector<32xbf16>,
          %parallel_loop3A_590 = arith.constant 0 : i32
          %parallel_loop3A_591 = arith.constant 0 : i32
          %parallel_loop3A_592 = tpu.memref_slice %arg10[%parallel_loop3A_417, %parallel_loop3A_590, %parallel_loop3A_591] : memref<4x80x128xbf16, #tpu.memory_space<vmem>> -> memref<1x80x128xbf16, #tpu.memory_space<vmem>>
          %parallel_loop3A_593 = tpu.memref_squeeze %parallel_loop3A_592 : memref<1x80x128xbf16, #tpu.memory_space<vmem>> -> memref<80x128xbf16, #tpu.memory_space<vmem>>
          %parallel_loop3A_594 = arith.index_cast %parallel_loop3A_546 : i32 to index
          %parallel_loop3A_595 = arith.constant 64 : index
          %parallel_loop3A_596 = tpu.vector_load %parallel_loop3A_593[%parallel_loop3A_594, %parallel_loop3A_595] {strides = array<i32>} : memref<80x128xbf16, #tpu.memory_space<vmem>>, vector<32xbf16>,
          %parallel_loop3A_597 = arith.mulf %parallel_loop3A_589, %parallel_loop3A_596 : vector<32xbf16>
          %parallel_loop3A_598 = tpu.unpack_subelements %parallel_loop3A_597, 0 {pack_format = #tpu.pack_format<interleaved>} : vector<32xbf16> -> vector<16xf32>
          %parallel_loop3A_599 = tpu.unpack_subelements %parallel_loop3A_597, 1 {pack_format = #tpu.pack_format<interleaved>} : vector<32xbf16> -> vector<16xf32>
          %parallel_loop3A_600 = arith.addf %parallel_loop3A_598, %parallel_loop3A_599 : vector<16xf32>
          %parallel_loop3A_601 = arith.constant 0 : i32
          %parallel_loop3A_602 = arith.constant 0 : i32
          %parallel_loop3A_603 = tpu.memref_slice %arg9[%parallel_loop3A_416, %parallel_loop3A_601, %parallel_loop3A_602] : memref<4x80x128xbf16, #tpu.memory_space<vmem>> -> memref<1x80x128xbf16, #tpu.memory_space<vmem>>
          %parallel_loop3A_604 = tpu.memref_squeeze %parallel_loop3A_603 : memref<1x80x128xbf16, #tpu.memory_space<vmem>> -> memref<80x128xbf16, #tpu.memory_space<vmem>>
          %parallel_loop3A_605 = arith.index_cast %parallel_loop3A_546 : i32 to index
          %parallel_loop3A_606 = arith.constant 96 : index
          %parallel_loop3A_607 = tpu.vector_load %parallel_loop3A_604[%parallel_loop3A_605, %parallel_loop3A_606] {strides = array<i32>} : memref<80x128xbf16, #tpu.memory_space<vmem>>, vector<32xbf16>,
          %parallel_loop3A_608 = arith.constant 0 : i32
          %parallel_loop3A_609 = arith.constant 0 : i32
          %parallel_loop3A_610 = tpu.memref_slice %arg10[%parallel_loop3A_417, %parallel_loop3A_608, %parallel_loop3A_609] : memref<4x80x128xbf16, #tpu.memory_space<vmem>> -> memref<1x80x128xbf16, #tpu.memory_space<vmem>>
          %parallel_loop3A_611 = tpu.memref_squeeze %parallel_loop3A_610 : memref<1x80x128xbf16, #tpu.memory_space<vmem>> -> memref<80x128xbf16, #tpu.memory_space<vmem>>
          %parallel_loop3A_612 = arith.index_cast %parallel_loop3A_546 : i32 to index
          %parallel_loop3A_613 = arith.constant 96 : index
          %parallel_loop3A_614 = tpu.vector_load %parallel_loop3A_611[%parallel_loop3A_612, %parallel_loop3A_613] {strides = array<i32>} : memref<80x128xbf16, #tpu.memory_space<vmem>>, vector<32xbf16>,
          %parallel_loop3A_615 = arith.mulf %parallel_loop3A_607, %parallel_loop3A_614 : vector<32xbf16>
          %parallel_loop3A_616 = tpu.unpack_subelements %parallel_loop3A_615, 0 {pack_format = #tpu.pack_format<interleaved>} : vector<32xbf16> -> vector<16xf32>
          %parallel_loop3A_617 = tpu.unpack_subelements %parallel_loop3A_615, 1 {pack_format = #tpu.pack_format<interleaved>} : vector<32xbf16> -> vector<16xf32>
          %parallel_loop3A_618 = arith.addf %parallel_loop3A_616, %parallel_loop3A_617 : vector<16xf32>
          %parallel_loop3A_619 = arith.addf %parallel_loop3A_564, %parallel_loop3A_582 : vector<16xf32>
          %parallel_loop3A_620 = arith.addf %parallel_loop3A_600, %parallel_loop3A_618 : vector<16xf32>
          %parallel_loop3A_621 = arith.addf %parallel_loop3A_619, %parallel_loop3A_620 : vector<16xf32>
          %parallel_loop3A_622 = arith.constant true
          %parallel_loop3A_623 = vector.broadcast %parallel_loop3A_622 : i1 to vector<16xi1>
          %parallel_loop3A_624 = tpu.scan <sum>, %parallel_loop3A_621 masked %parallel_loop3A_623 : vector<16xf32>, vector<16xi1> -> vector<16xf32>
          %parallel_loop3A_625 = vector.extract %parallel_loop3A_624[15] : f32 from vector<16xf32>
          %parallel_loop3A_626 = vector.broadcast %parallel_loop3A_625 : f32 to vector<16xf32>
          %parallel_loop3A_627 = arith.select %parallel_loop3A_544, %parallel_loop3A_626, %scan3A_535 : vector<16xi1>, vector<16xf32>
          %parallel_loop3A_628 = arith.constant 4 : i32
          %parallel_loop3A_629 = arith.muli %scan3A_534, %parallel_loop3A_628 : i32
          %parallel_loop3A_630 = arith.constant 1 : i32
          %parallel_loop3A_631 = arith.addi %parallel_loop3A_629, %parallel_loop3A_630 : i32
          %parallel_loop3A_632 = vector.broadcast %parallel_loop3A_631 : i32 to vector<16xi32>
          %parallel_loop3A_633 = arith.cmpi eq, %iota3A, %parallel_loop3A_632 : vector<16xi32>
          %parallel_loop3A_634 = arith.constant 1 : i32
          %parallel_loop3A_635 = arith.addi %parallel_loop3A_538, %parallel_loop3A_634 : i32
          %parallel_loop3A_636 = arith.constant 0 : i32
          %parallel_loop3A_637 = arith.constant 0 : i32
          %parallel_loop3A_638 = tpu.memref_slice %arg9[%parallel_loop3A_416, %parallel_loop3A_636, %parallel_loop3A_637] : memref<4x80x128xbf16, #tpu.memory_space<vmem>> -> memref<1x80x128xbf16, #tpu.memory_space<vmem>>
          %parallel_loop3A_639 = tpu.memref_squeeze %parallel_loop3A_638 : memref<1x80x128xbf16, #tpu.memory_space<vmem>> -> memref<80x128xbf16, #tpu.memory_space<vmem>>
          %parallel_loop3A_640 = arith.index_cast %parallel_loop3A_635 : i32 to index
          %parallel_loop3A_641 = arith.constant 0 : index
          %parallel_loop3A_642 = tpu.vector_load %parallel_loop3A_639[%parallel_loop3A_640, %parallel_loop3A_641] {strides = array<i32>} : memref<80x128xbf16, #tpu.memory_space<vmem>>, vector<32xbf16>,
          %parallel_loop3A_643 = arith.constant 0 : i32
          %parallel_loop3A_644 = arith.constant 0 : i32
          %parallel_loop3A_645 = tpu.memref_slice %arg10[%parallel_loop3A_417, %parallel_loop3A_643, %parallel_loop3A_644] : memref<4x80x128xbf16, #tpu.memory_space<vmem>> -> memref<1x80x128xbf16, #tpu.memory_space<vmem>>
          %parallel_loop3A_646 = tpu.memref_squeeze %parallel_loop3A_645 : memref<1x80x128xbf16, #tpu.memory_space<vmem>> -> memref<80x128xbf16, #tpu.memory_space<vmem>>
          %parallel_loop3A_647 = arith.index_cast %parallel_loop3A_635 : i32 to index
          %parallel_loop3A_648 = arith.constant 0 : index
          %parallel_loop3A_649 = tpu.vector_load %parallel_loop3A_646[%parallel_loop3A_647, %parallel_loop3A_648] {strides = array<i32>} : memref<80x128xbf16, #tpu.memory_space<vmem>>, vector<32xbf16>,
          %parallel_loop3A_650 = arith.mulf %parallel_loop3A_642, %parallel_loop3A_649 : vector<32xbf16>
          %parallel_loop3A_651 = tpu.unpack_subelements %parallel_loop3A_650, 0 {pack_format = #tpu.pack_format<interleaved>} : vector<32xbf16> -> vector<16xf32>
          %parallel_loop3A_652 = tpu.unpack_subelements %parallel_loop3A_650, 1 {pack_format = #tpu.pack_format<interleaved>} : vector<32xbf16> -> vector<16xf32>
          %parallel_loop3A_653 = arith.addf %parallel_loop3A_651, %parallel_loop3A_652 : vector<16xf32>
          %parallel_loop3A_654 = arith.constant 0 : i32
          %parallel_loop3A_655 = arith.constant 0 : i32
          %parallel_loop3A_656 = tpu.memref_slice %arg9[%parallel_loop3A_416, %parallel_loop3A_654, %parallel_loop3A_655] : memref<4x80x128xbf16, #tpu.memory_space<vmem>> -> memref<1x80x128xbf16, #tpu.memory_space<vmem>>
          %parallel_loop3A_657 = tpu.memref_squeeze %parallel_loop3A_656 : memref<1x80x128xbf16, #tpu.memory_space<vmem>> -> memref<80x128xbf16, #tpu.memory_space<vmem>>
          %parallel_loop3A_658 = arith.index_cast %parallel_loop3A_635 : i32 to index
          %parallel_loop3A_659 = arith.constant 32 : index
          %parallel_loop3A_660 = tpu.vector_load %parallel_loop3A_657[%parallel_loop3A_658, %parallel_loop3A_659] {strides = array<i32>} : memref<80x128xbf16, #tpu.memory_space<vmem>>, vector<32xbf16>,
          %parallel_loop3A_661 = arith.constant 0 : i32
          %parallel_loop3A_662 = arith.constant 0 : i32
          %parallel_loop3A_663 = tpu.memref_slice %arg10[%parallel_loop3A_417, %parallel_loop3A_661, %parallel_loop3A_662] : memref<4x80x128xbf16, #tpu.memory_space<vmem>> -> memref<1x80x128xbf16, #tpu.memory_space<vmem>>
          %parallel_loop3A_664 = tpu.memref_squeeze %parallel_loop3A_663 : memref<1x80x128xbf16, #tpu.memory_space<vmem>> -> memref<80x128xbf16, #tpu.memory_space<vmem>>
          %parallel_loop3A_665 = arith.index_cast %parallel_loop3A_635 : i32 to index
          %parallel_loop3A_666 = arith.constant 32 : index
          %parallel_loop3A_667 = tpu.vector_load %parallel_loop3A_664[%parallel_loop3A_665, %parallel_loop3A_666] {strides = array<i32>} : memref<80x128xbf16, #tpu.memory_space<vmem>>, vector<32xbf16>,
          %parallel_loop3A_668 = arith.mulf %parallel_loop3A_660, %parallel_loop3A_667 : vector<32xbf16>
          %parallel_loop3A_669 = tpu.unpack_subelements %parallel_loop3A_668, 0 {pack_format = #tpu.pack_format<interleaved>} : vector<32xbf16> -> vector<16xf32>
          %parallel_loop3A_670 = tpu.unpack_subelements %parallel_loop3A_668, 1 {pack_format = #tpu.pack_format<interleaved>} : vector<32xbf16> -> vector<16xf32>
          %parallel_loop3A_671 = arith.addf %parallel_loop3A_669, %parallel_loop3A_670 : vector<16xf32>
          %parallel_loop3A_672 = arith.constant 0 : i32
          %parallel_loop3A_673 = arith.constant 0 : i32
          %parallel_loop3A_674 = tpu.memref_slice %arg9[%parallel_loop3A_416, %parallel_loop3A_672, %parallel_loop3A_673] : memref<4x80x128xbf16, #tpu.memory_space<vmem>> -> memref<1x80x128xbf16, #tpu.memory_space<vmem>>
          %parallel_loop3A_675 = tpu.memref_squeeze %parallel_loop3A_674 : memref<1x80x128xbf16, #tpu.memory_space<vmem>> -> memref<80x128xbf16, #tpu.memory_space<vmem>>
          %parallel_loop3A_676 = arith.index_cast %parallel_loop3A_635 : i32 to index
          %parallel_loop3A_677 = arith.constant 64 : index
          %parallel_loop3A_678 = tpu.vector_load %parallel_loop3A_675[%parallel_loop3A_676, %parallel_loop3A_677] {strides = array<i32>} : memref<80x128xbf16, #tpu.memory_space<vmem>>, vector<32xbf16>,
          %parallel_loop3A_679 = arith.constant 0 : i32
          %parallel_loop3A_680 = arith.constant 0 : i32
          %parallel_loop3A_681 = tpu.memref_slice %arg10[%parallel_loop3A_417, %parallel_loop3A_679, %parallel_loop3A_680] : memref<4x80x128xbf16, #tpu.memory_space<vmem>> -> memref<1x80x128xbf16, #tpu.memory_space<vmem>>
          %parallel_loop3A_682 = tpu.memref_squeeze %parallel_loop3A_681 : memref<1x80x128xbf16, #tpu.memory_space<vmem>> -> memref<80x128xbf16, #tpu.memory_space<vmem>>
          %parallel_loop3A_683 = arith.index_cast %parallel_loop3A_635 : i32 to index
          %parallel_loop3A_684 = arith.constant 64 : index
          %parallel_loop3A_685 = tpu.vector_load %parallel_loop3A_682[%parallel_loop3A_683, %parallel_loop3A_684] {strides = array<i32>} : memref<80x128xbf16, #tpu.memory_space<vmem>>, vector<32xbf16>,
          %parallel_loop3A_686 = arith.mulf %parallel_loop3A_678, %parallel_loop3A_685 : vector<32xbf16>
          %parallel_loop3A_687 = tpu.unpack_subelements %parallel_loop3A_686, 0 {pack_format = #tpu.pack_format<interleaved>} : vector<32xbf16> -> vector<16xf32>
          %parallel_loop3A_688 = tpu.unpack_subelements %parallel_loop3A_686, 1 {pack_format = #tpu.pack_format<interleaved>} : vector<32xbf16> -> vector<16xf32>
          %parallel_loop3A_689 = arith.addf %parallel_loop3A_687, %parallel_loop3A_688 : vector<16xf32>
          %parallel_loop3A_690 = arith.constant 0 : i32
          %parallel_loop3A_691 = arith.constant 0 : i32
          %parallel_loop3A_692 = tpu.memref_slice %arg9[%parallel_loop3A_416, %parallel_loop3A_690, %parallel_loop3A_691] : memref<4x80x128xbf16, #tpu.memory_space<vmem>> -> memref<1x80x128xbf16, #tpu.memory_space<vmem>>
          %parallel_loop3A_693 = tpu.memref_squeeze %parallel_loop3A_692 : memref<1x80x128xbf16, #tpu.memory_space<vmem>> -> memref<80x128xbf16, #tpu.memory_space<vmem>>
          %parallel_loop3A_694 = arith.index_cast %parallel_loop3A_635 : i32 to index
          %parallel_loop3A_695 = arith.constant 96 : index
          %parallel_loop3A_696 = tpu.vector_load %parallel_loop3A_693[%parallel_loop3A_694, %parallel_loop3A_695] {strides = array<i32>} : memref<80x128xbf16, #tpu.memory_space<vmem>>, vector<32xbf16>,
          %parallel_loop3A_697 = arith.constant 0 : i32
          %parallel_loop3A_698 = arith.constant 0 : i32
          %parallel_loop3A_699 = tpu.memref_slice %arg10[%parallel_loop3A_417, %parallel_loop3A_697, %parallel_loop3A_698] : memref<4x80x128xbf16, #tpu.memory_space<vmem>> -> memref<1x80x128xbf16, #tpu.memory_space<vmem>>
          %parallel_loop3A_700 = tpu.memref_squeeze %parallel_loop3A_699 : memref<1x80x128xbf16, #tpu.memory_space<vmem>> -> memref<80x128xbf16, #tpu.memory_space<vmem>>
          %parallel_loop3A_701 = arith.index_cast %parallel_loop3A_635 : i32 to index
          %parallel_loop3A_702 = arith.constant 96 : index
          %parallel_loop3A_703 = tpu.vector_load %parallel_loop3A_700[%parallel_loop3A_701, %parallel_loop3A_702] {strides = array<i32>} : memref<80x128xbf16, #tpu.memory_space<vmem>>, vector<32xbf16>,
          %parallel_loop3A_704 = arith.mulf %parallel_loop3A_696, %parallel_loop3A_703 : vector<32xbf16>
          %parallel_loop3A_705 = tpu.unpack_subelements %parallel_loop3A_704, 0 {pack_format = #tpu.pack_format<interleaved>} : vector<32xbf16> -> vector<16xf32>
          %parallel_loop3A_706 = tpu.unpack_subelements %parallel_loop3A_704, 1 {pack_format = #tpu.pack_format<interleaved>} : vector<32xbf16> -> vector<16xf32>
          %parallel_loop3A_707 = arith.addf %parallel_loop3A_705, %parallel_loop3A_706 : vector<16xf32>
          %parallel_loop3A_708 = arith.addf %parallel_loop3A_653, %parallel_loop3A_671 : vector<16xf32>
          %parallel_loop3A_709 = arith.addf %parallel_loop3A_689, %parallel_loop3A_707 : vector<16xf32>
          %parallel_loop3A_710 = arith.addf %parallel_loop3A_708, %parallel_loop3A_709 : vector<16xf32>
          %parallel_loop3A_711 = arith.constant true
          %parallel_loop3A_712 = vector.broadcast %parallel_loop3A_711 : i1 to vector<16xi1>
          %parallel_loop3A_713 = tpu.scan <sum>, %parallel_loop3A_710 masked %parallel_loop3A_712 : vector<16xf32>, vector<16xi1> -> vector<16xf32>
          %parallel_loop3A_714 = vector.extract %parallel_loop3A_713[15] : f32 from vector<16xf32>
          %parallel_loop3A_715 = vector.broadcast %parallel_loop3A_714 : f32 to vector<16xf32>
          %parallel_loop3A_716 = arith.select %parallel_loop3A_633, %parallel_loop3A_715, %parallel_loop3A_627 : vector<16xi1>, vector<16xf32>
          %parallel_loop3A_717 = arith.constant 4 : i32
          %parallel_loop3A_718 = arith.muli %scan3A_534, %parallel_loop3A_717 : i32
          %parallel_loop3A_719 = arith.constant 2 : i32
          %parallel_loop3A_720 = arith.addi %parallel_loop3A_718, %parallel_loop3A_719 : i32
          %parallel_loop3A_721 = vector.broadcast %parallel_loop3A_720 : i32 to vector<16xi32>
          %parallel_loop3A_722 = arith.cmpi eq, %iota3A, %parallel_loop3A_721 : vector<16xi32>
          %parallel_loop3A_723 = arith.constant 2 : i32
          %parallel_loop3A_724 = arith.addi %parallel_loop3A_538, %parallel_loop3A_723 : i32
          %parallel_loop3A_725 = arith.constant 0 : i32
          %parallel_loop3A_726 = arith.constant 0 : i32
          %parallel_loop3A_727 = tpu.memref_slice %arg9[%parallel_loop3A_416, %parallel_loop3A_725, %parallel_loop3A_726] : memref<4x80x128xbf16, #tpu.memory_space<vmem>> -> memref<1x80x128xbf16, #tpu.memory_space<vmem>>
          %parallel_loop3A_728 = tpu.memref_squeeze %parallel_loop3A_727 : memref<1x80x128xbf16, #tpu.memory_space<vmem>> -> memref<80x128xbf16, #tpu.memory_space<vmem>>
          %parallel_loop3A_729 = arith.index_cast %parallel_loop3A_724 : i32 to index
          %parallel_loop3A_730 = arith.constant 0 : index
          %parallel_loop3A_731 = tpu.vector_load %parallel_loop3A_728[%parallel_loop3A_729, %parallel_loop3A_730] {strides = array<i32>} : memref<80x128xbf16, #tpu.memory_space<vmem>>, vector<32xbf16>,
          %parallel_loop3A_732 = arith.constant 0 : i32
          %parallel_loop3A_733 = arith.constant 0 : i32
          %parallel_loop3A_734 = tpu.memref_slice %arg10[%parallel_loop3A_417, %parallel_loop3A_732, %parallel_loop3A_733] : memref<4x80x128xbf16, #tpu.memory_space<vmem>> -> memref<1x80x128xbf16, #tpu.memory_space<vmem>>
          %parallel_loop3A_735 = tpu.memref_squeeze %parallel_loop3A_734 : memref<1x80x128xbf16, #tpu.memory_space<vmem>> -> memref<80x128xbf16, #tpu.memory_space<vmem>>
          %parallel_loop3A_736 = arith.index_cast %parallel_loop3A_724 : i32 to index
          %parallel_loop3A_737 = arith.constant 0 : index
          %parallel_loop3A_738 = tpu.vector_load %parallel_loop3A_735[%parallel_loop3A_736, %parallel_loop3A_737] {strides = array<i32>} : memref<80x128xbf16, #tpu.memory_space<vmem>>, vector<32xbf16>,
          %parallel_loop3A_739 = arith.mulf %parallel_loop3A_731, %parallel_loop3A_738 : vector<32xbf16>
          %parallel_loop3A_740 = tpu.unpack_subelements %parallel_loop3A_739, 0 {pack_format = #tpu.pack_format<interleaved>} : vector<32xbf16> -> vector<16xf32>
          %parallel_loop3A_741 = tpu.unpack_subelements %parallel_loop3A_739, 1 {pack_format = #tpu.pack_format<interleaved>} : vector<32xbf16> -> vector<16xf32>
          %parallel_loop3A_742 = arith.addf %parallel_loop3A_740, %parallel_loop3A_741 : vector<16xf32>
          %parallel_loop3A_743 = arith.constant 0 : i32
          %parallel_loop3A_744 = arith.constant 0 : i32
          %parallel_loop3A_745 = tpu.memref_slice %arg9[%parallel_loop3A_416, %parallel_loop3A_743, %parallel_loop3A_744] : memref<4x80x128xbf16, #tpu.memory_space<vmem>> -> memref<1x80x128xbf16, #tpu.memory_space<vmem>>
          %parallel_loop3A_746 = tpu.memref_squeeze %parallel_loop3A_745 : memref<1x80x128xbf16, #tpu.memory_space<vmem>> -> memref<80x128xbf16, #tpu.memory_space<vmem>>
          %parallel_loop3A_747 = arith.index_cast %parallel_loop3A_724 : i32 to index
          %parallel_loop3A_748 = arith.constant 32 : index
          %parallel_loop3A_749 = tpu.vector_load %parallel_loop3A_746[%parallel_loop3A_747, %parallel_loop3A_748] {strides = array<i32>} : memref<80x128xbf16, #tpu.memory_space<vmem>>, vector<32xbf16>,
          %parallel_loop3A_750 = arith.constant 0 : i32
          %parallel_loop3A_751 = arith.constant 0 : i32
          %parallel_loop3A_752 = tpu.memref_slice %arg10[%parallel_loop3A_417, %parallel_loop3A_750, %parallel_loop3A_751] : memref<4x80x128xbf16, #tpu.memory_space<vmem>> -> memref<1x80x128xbf16, #tpu.memory_space<vmem>>
          %parallel_loop3A_753 = tpu.memref_squeeze %parallel_loop3A_752 : memref<1x80x128xbf16, #tpu.memory_space<vmem>> -> memref<80x128xbf16, #tpu.memory_space<vmem>>
          %parallel_loop3A_754 = arith.index_cast %parallel_loop3A_724 : i32 to index
          %parallel_loop3A_755 = arith.constant 32 : index
          %parallel_loop3A_756 = tpu.vector_load %parallel_loop3A_753[%parallel_loop3A_754, %parallel_loop3A_755] {strides = array<i32>} : memref<80x128xbf16, #tpu.memory_space<vmem>>, vector<32xbf16>,
          %parallel_loop3A_757 = arith.mulf %parallel_loop3A_749, %parallel_loop3A_756 : vector<32xbf16>
          %parallel_loop3A_758 = tpu.unpack_subelements %parallel_loop3A_757, 0 {pack_format = #tpu.pack_format<interleaved>} : vector<32xbf16> -> vector<16xf32>
          %parallel_loop3A_759 = tpu.unpack_subelements %parallel_loop3A_757, 1 {pack_format = #tpu.pack_format<interleaved>} : vector<32xbf16> -> vector<16xf32>
          %parallel_loop3A_760 = arith.addf %parallel_loop3A_758, %parallel_loop3A_759 : vector<16xf32>
          %parallel_loop3A_761 = arith.constant 0 : i32
          %parallel_loop3A_762 = arith.constant 0 : i32
          %parallel_loop3A_763 = tpu.memref_slice %arg9[%parallel_loop3A_416, %parallel_loop3A_761, %parallel_loop3A_762] : memref<4x80x128xbf16, #tpu.memory_space<vmem>> -> memref<1x80x128xbf16, #tpu.memory_space<vmem>>
          %parallel_loop3A_764 = tpu.memref_squeeze %parallel_loop3A_763 : memref<1x80x128xbf16, #tpu.memory_space<vmem>> -> memref<80x128xbf16, #tpu.memory_space<vmem>>
          %parallel_loop3A_765 = arith.index_cast %parallel_loop3A_724 : i32 to index
          %parallel_loop3A_766 = arith.constant 64 : index
          %parallel_loop3A_767 = tpu.vector_load %parallel_loop3A_764[%parallel_loop3A_765, %parallel_loop3A_766] {strides = array<i32>} : memref<80x128xbf16, #tpu.memory_space<vmem>>, vector<32xbf16>,
          %parallel_loop3A_768 = arith.constant 0 : i32
          %parallel_loop3A_769 = arith.constant 0 : i32
          %parallel_loop3A_770 = tpu.memref_slice %arg10[%parallel_loop3A_417, %parallel_loop3A_768, %parallel_loop3A_769] : memref<4x80x128xbf16, #tpu.memory_space<vmem>> -> memref<1x80x128xbf16, #tpu.memory_space<vmem>>
          %parallel_loop3A_771 = tpu.memref_squeeze %parallel_loop3A_770 : memref<1x80x128xbf16, #tpu.memory_space<vmem>> -> memref<80x128xbf16, #tpu.memory_space<vmem>>
          %parallel_loop3A_772 = arith.index_cast %parallel_loop3A_724 : i32 to index
          %parallel_loop3A_773 = arith.constant 64 : index
          %parallel_loop3A_774 = tpu.vector_load %parallel_loop3A_771[%parallel_loop3A_772, %parallel_loop3A_773] {strides = array<i32>} : memref<80x128xbf16, #tpu.memory_space<vmem>>, vector<32xbf16>,
          %parallel_loop3A_775 = arith.mulf %parallel_loop3A_767, %parallel_loop3A_774 : vector<32xbf16>
          %parallel_loop3A_776 = tpu.unpack_subelements %parallel_loop3A_775, 0 {pack_format = #tpu.pack_format<interleaved>} : vector<32xbf16> -> vector<16xf32>
          %parallel_loop3A_777 = tpu.unpack_subelements %parallel_loop3A_775, 1 {pack_format = #tpu.pack_format<interleaved>} : vector<32xbf16> -> vector<16xf32>
          %parallel_loop3A_778 = arith.addf %parallel_loop3A_776, %parallel_loop3A_777 : vector<16xf32>
          %parallel_loop3A_779 = arith.constant 0 : i32
          %parallel_loop3A_780 = arith.constant 0 : i32
          %parallel_loop3A_781 = tpu.memref_slice %arg9[%parallel_loop3A_416, %parallel_loop3A_779, %parallel_loop3A_780] : memref<4x80x128xbf16, #tpu.memory_space<vmem>> -> memref<1x80x128xbf16, #tpu.memory_space<vmem>>
          %parallel_loop3A_782 = tpu.memref_squeeze %parallel_loop3A_781 : memref<1x80x128xbf16, #tpu.memory_space<vmem>> -> memref<80x128xbf16, #tpu.memory_space<vmem>>
          %parallel_loop3A_783 = arith.index_cast %parallel_loop3A_724 : i32 to index
          %parallel_loop3A_784 = arith.constant 96 : index
          %parallel_loop3A_785 = tpu.vector_load %parallel_loop3A_782[%parallel_loop3A_783, %parallel_loop3A_784] {strides = array<i32>} : memref<80x128xbf16, #tpu.memory_space<vmem>>, vector<32xbf16>,
          %parallel_loop3A_786 = arith.constant 0 : i32
          %parallel_loop3A_787 = arith.constant 0 : i32
          %parallel_loop3A_788 = tpu.memref_slice %arg10[%parallel_loop3A_417, %parallel_loop3A_786, %parallel_loop3A_787] : memref<4x80x128xbf16, #tpu.memory_space<vmem>> -> memref<1x80x128xbf16, #tpu.memory_space<vmem>>
          %parallel_loop3A_789 = tpu.memref_squeeze %parallel_loop3A_788 : memref<1x80x128xbf16, #tpu.memory_space<vmem>> -> memref<80x128xbf16, #tpu.memory_space<vmem>>
          %parallel_loop3A_790 = arith.index_cast %parallel_loop3A_724 : i32 to index
          %parallel_loop3A_791 = arith.constant 96 : index
          %parallel_loop3A_792 = tpu.vector_load %parallel_loop3A_789[%parallel_loop3A_790, %parallel_loop3A_791] {strides = array<i32>} : memref<80x128xbf16, #tpu.memory_space<vmem>>, vector<32xbf16>,
          %parallel_loop3A_793 = arith.mulf %parallel_loop3A_785, %parallel_loop3A_792 : vector<32xbf16>
          %parallel_loop3A_794 = tpu.unpack_subelements %parallel_loop3A_793, 0 {pack_format = #tpu.pack_format<interleaved>} : vector<32xbf16> -> vector<16xf32>
          %parallel_loop3A_795 = tpu.unpack_subelements %parallel_loop3A_793, 1 {pack_format = #tpu.pack_format<interleaved>} : vector<32xbf16> -> vector<16xf32>
          %parallel_loop3A_796 = arith.addf %parallel_loop3A_794, %parallel_loop3A_795 : vector<16xf32>
          %parallel_loop3A_797 = arith.addf %parallel_loop3A_742, %parallel_loop3A_760 : vector<16xf32>
          %parallel_loop3A_798 = arith.addf %parallel_loop3A_778, %parallel_loop3A_796 : vector<16xf32>
          %parallel_loop3A_799 = arith.addf %parallel_loop3A_797, %parallel_loop3A_798 : vector<16xf32>
          %parallel_loop3A_800 = arith.constant true
          %parallel_loop3A_801 = vector.broadcast %parallel_loop3A_800 : i1 to vector<16xi1>
          %parallel_loop3A_802 = tpu.scan <sum>, %parallel_loop3A_799 masked %parallel_loop3A_801 : vector<16xf32>, vector<16xi1> -> vector<16xf32>
          %parallel_loop3A_803 = vector.extract %parallel_loop3A_802[15] : f32 from vector<16xf32>
          %parallel_loop3A_804 = vector.broadcast %parallel_loop3A_803 : f32 to vector<16xf32>
          %parallel_loop3A_805 = arith.select %parallel_loop3A_722, %parallel_loop3A_804, %parallel_loop3A_716 : vector<16xi1>, vector<16xf32>
          %parallel_loop3A_806 = arith.constant 4 : i32
          %parallel_loop3A_807 = arith.muli %scan3A_534, %parallel_loop3A_806 : i32
          %parallel_loop3A_808 = arith.constant 3 : i32
          %parallel_loop3A_809 = arith.addi %parallel_loop3A_807, %parallel_loop3A_808 : i32
          %parallel_loop3A_810 = vector.broadcast %parallel_loop3A_809 : i32 to vector<16xi32>
          %parallel_loop3A_811 = arith.cmpi eq, %iota3A, %parallel_loop3A_810 : vector<16xi32>
          %parallel_loop3A_812 = arith.constant 3 : i32
          %parallel_loop3A_813 = arith.addi %parallel_loop3A_538, %parallel_loop3A_812 : i32
          %parallel_loop3A_814 = arith.constant 0 : i32
          %parallel_loop3A_815 = arith.constant 0 : i32
          %parallel_loop3A_816 = tpu.memref_slice %arg9[%parallel_loop3A_416, %parallel_loop3A_814, %parallel_loop3A_815] : memref<4x80x128xbf16, #tpu.memory_space<vmem>> -> memref<1x80x128xbf16, #tpu.memory_space<vmem>>
          %parallel_loop3A_817 = tpu.memref_squeeze %parallel_loop3A_816 : memref<1x80x128xbf16, #tpu.memory_space<vmem>> -> memref<80x128xbf16, #tpu.memory_space<vmem>>
          %parallel_loop3A_818 = arith.index_cast %parallel_loop3A_813 : i32 to index
          %parallel_loop3A_819 = arith.constant 0 : index
          %parallel_loop3A_820 = tpu.vector_load %parallel_loop3A_817[%parallel_loop3A_818, %parallel_loop3A_819] {strides = array<i32>} : memref<80x128xbf16, #tpu.memory_space<vmem>>, vector<32xbf16>,
          %parallel_loop3A_821 = arith.constant 0 : i32
          %parallel_loop3A_822 = arith.constant 0 : i32
          %parallel_loop3A_823 = tpu.memref_slice %arg10[%parallel_loop3A_417, %parallel_loop3A_821, %parallel_loop3A_822] : memref<4x80x128xbf16, #tpu.memory_space<vmem>> -> memref<1x80x128xbf16, #tpu.memory_space<vmem>>
          %parallel_loop3A_824 = tpu.memref_squeeze %parallel_loop3A_823 : memref<1x80x128xbf16, #tpu.memory_space<vmem>> -> memref<80x128xbf16, #tpu.memory_space<vmem>>
          %parallel_loop3A_825 = arith.index_cast %parallel_loop3A_813 : i32 to index
          %parallel_loop3A_826 = arith.constant 0 : index
          %parallel_loop3A_827 = tpu.vector_load %parallel_loop3A_824[%parallel_loop3A_825, %parallel_loop3A_826] {strides = array<i32>} : memref<80x128xbf16, #tpu.memory_space<vmem>>, vector<32xbf16>,
          %parallel_loop3A_828 = arith.mulf %parallel_loop3A_820, %parallel_loop3A_827 : vector<32xbf16>
          %parallel_loop3A_829 = tpu.unpack_subelements %parallel_loop3A_828, 0 {pack_format = #tpu.pack_format<interleaved>} : vector<32xbf16> -> vector<16xf32>
          %parallel_loop3A_830 = tpu.unpack_subelements %parallel_loop3A_828, 1 {pack_format = #tpu.pack_format<interleaved>} : vector<32xbf16> -> vector<16xf32>
          %parallel_loop3A_831 = arith.addf %parallel_loop3A_829, %parallel_loop3A_830 : vector<16xf32>
          %parallel_loop3A_832 = arith.constant 0 : i32
          %parallel_loop3A_833 = arith.constant 0 : i32
          %parallel_loop3A_834 = tpu.memref_slice %arg9[%parallel_loop3A_416, %parallel_loop3A_832, %parallel_loop3A_833] : memref<4x80x128xbf16, #tpu.memory_space<vmem>> -> memref<1x80x128xbf16, #tpu.memory_space<vmem>>
          %parallel_loop3A_835 = tpu.memref_squeeze %parallel_loop3A_834 : memref<1x80x128xbf16, #tpu.memory_space<vmem>> -> memref<80x128xbf16, #tpu.memory_space<vmem>>
          %parallel_loop3A_836 = arith.index_cast %parallel_loop3A_813 : i32 to index
          %parallel_loop3A_837 = arith.constant 32 : index
          %parallel_loop3A_838 = tpu.vector_load %parallel_loop3A_835[%parallel_loop3A_836, %parallel_loop3A_837] {strides = array<i32>} : memref<80x128xbf16, #tpu.memory_space<vmem>>, vector<32xbf16>,
          %parallel_loop3A_839 = arith.constant 0 : i32
          %parallel_loop3A_840 = arith.constant 0 : i32
          %parallel_loop3A_841 = tpu.memref_slice %arg10[%parallel_loop3A_417, %parallel_loop3A_839, %parallel_loop3A_840] : memref<4x80x128xbf16, #tpu.memory_space<vmem>> -> memref<1x80x128xbf16, #tpu.memory_space<vmem>>
          %parallel_loop3A_842 = tpu.memref_squeeze %parallel_loop3A_841 : memref<1x80x128xbf16, #tpu.memory_space<vmem>> -> memref<80x128xbf16, #tpu.memory_space<vmem>>
          %parallel_loop3A_843 = arith.index_cast %parallel_loop3A_813 : i32 to index
          %parallel_loop3A_844 = arith.constant 32 : index
          %parallel_loop3A_845 = tpu.vector_load %parallel_loop3A_842[%parallel_loop3A_843, %parallel_loop3A_844] {strides = array<i32>} : memref<80x128xbf16, #tpu.memory_space<vmem>>, vector<32xbf16>,
          %parallel_loop3A_846 = arith.mulf %parallel_loop3A_838, %parallel_loop3A_845 : vector<32xbf16>
          %parallel_loop3A_847 = tpu.unpack_subelements %parallel_loop3A_846, 0 {pack_format = #tpu.pack_format<interleaved>} : vector<32xbf16> -> vector<16xf32>
          %parallel_loop3A_848 = tpu.unpack_subelements %parallel_loop3A_846, 1 {pack_format = #tpu.pack_format<interleaved>} : vector<32xbf16> -> vector<16xf32>
          %parallel_loop3A_849 = arith.addf %parallel_loop3A_847, %parallel_loop3A_848 : vector<16xf32>
          %parallel_loop3A_850 = arith.constant 0 : i32
          %parallel_loop3A_851 = arith.constant 0 : i32
          %parallel_loop3A_852 = tpu.memref_slice %arg9[%parallel_loop3A_416, %parallel_loop3A_850, %parallel_loop3A_851] : memref<4x80x128xbf16, #tpu.memory_space<vmem>> -> memref<1x80x128xbf16, #tpu.memory_space<vmem>>
          %parallel_loop3A_853 = tpu.memref_squeeze %parallel_loop3A_852 : memref<1x80x128xbf16, #tpu.memory_space<vmem>> -> memref<80x128xbf16, #tpu.memory_space<vmem>>
          %parallel_loop3A_854 = arith.index_cast %parallel_loop3A_813 : i32 to index
          %parallel_loop3A_855 = arith.constant 64 : index
          %parallel_loop3A_856 = tpu.vector_load %parallel_loop3A_853[%parallel_loop3A_854, %parallel_loop3A_855] {strides = array<i32>} : memref<80x128xbf16, #tpu.memory_space<vmem>>, vector<32xbf16>,
          %parallel_loop3A_857 = arith.constant 0 : i32
          %parallel_loop3A_858 = arith.constant 0 : i32
          %parallel_loop3A_859 = tpu.memref_slice %arg10[%parallel_loop3A_417, %parallel_loop3A_857, %parallel_loop3A_858] : memref<4x80x128xbf16, #tpu.memory_space<vmem>> -> memref<1x80x128xbf16, #tpu.memory_space<vmem>>
          %parallel_loop3A_860 = tpu.memref_squeeze %parallel_loop3A_859 : memref<1x80x128xbf16, #tpu.memory_space<vmem>> -> memref<80x128xbf16, #tpu.memory_space<vmem>>
          %parallel_loop3A_861 = arith.index_cast %parallel_loop3A_813 : i32 to index
          %parallel_loop3A_862 = arith.constant 64 : index
          %parallel_loop3A_863 = tpu.vector_load %parallel_loop3A_860[%parallel_loop3A_861, %parallel_loop3A_862] {strides = array<i32>} : memref<80x128xbf16, #tpu.memory_space<vmem>>, vector<32xbf16>,
          %parallel_loop3A_864 = arith.mulf %parallel_loop3A_856, %parallel_loop3A_863 : vector<32xbf16>
          %parallel_loop3A_865 = tpu.unpack_subelements %parallel_loop3A_864, 0 {pack_format = #tpu.pack_format<interleaved>} : vector<32xbf16> -> vector<16xf32>
          %parallel_loop3A_866 = tpu.unpack_subelements %parallel_loop3A_864, 1 {pack_format = #tpu.pack_format<interleaved>} : vector<32xbf16> -> vector<16xf32>
          %parallel_loop3A_867 = arith.addf %parallel_loop3A_865, %parallel_loop3A_866 : vector<16xf32>
          %parallel_loop3A_868 = arith.constant 0 : i32
          %parallel_loop3A_869 = arith.constant 0 : i32
          %parallel_loop3A_870 = tpu.memref_slice %arg9[%parallel_loop3A_416, %parallel_loop3A_868, %parallel_loop3A_869] : memref<4x80x128xbf16, #tpu.memory_space<vmem>> -> memref<1x80x128xbf16, #tpu.memory_space<vmem>>
          %parallel_loop3A_871 = tpu.memref_squeeze %parallel_loop3A_870 : memref<1x80x128xbf16, #tpu.memory_space<vmem>> -> memref<80x128xbf16, #tpu.memory_space<vmem>>
          %parallel_loop3A_872 = arith.index_cast %parallel_loop3A_813 : i32 to index
          %parallel_loop3A_873 = arith.constant 96 : index
          %parallel_loop3A_874 = tpu.vector_load %parallel_loop3A_871[%parallel_loop3A_872, %parallel_loop3A_873] {strides = array<i32>} : memref<80x128xbf16, #tpu.memory_space<vmem>>, vector<32xbf16>,
          %parallel_loop3A_875 = arith.constant 0 : i32
          %parallel_loop3A_876 = arith.constant 0 : i32
          %parallel_loop3A_877 = tpu.memref_slice %arg10[%parallel_loop3A_417, %parallel_loop3A_875, %parallel_loop3A_876] : memref<4x80x128xbf16, #tpu.memory_space<vmem>> -> memref<1x80x128xbf16, #tpu.memory_space<vmem>>
          %parallel_loop3A_878 = tpu.memref_squeeze %parallel_loop3A_877 : memref<1x80x128xbf16, #tpu.memory_space<vmem>> -> memref<80x128xbf16, #tpu.memory_space<vmem>>
          %parallel_loop3A_879 = arith.index_cast %parallel_loop3A_813 : i32 to index
          %parallel_loop3A_880 = arith.constant 96 : index
          %parallel_loop3A_881 = tpu.vector_load %parallel_loop3A_878[%parallel_loop3A_879, %parallel_loop3A_880] {strides = array<i32>} : memref<80x128xbf16, #tpu.memory_space<vmem>>, vector<32xbf16>,
          %parallel_loop3A_882 = arith.mulf %parallel_loop3A_874, %parallel_loop3A_881 : vector<32xbf16>
          %parallel_loop3A_883 = tpu.unpack_subelements %parallel_loop3A_882, 0 {pack_format = #tpu.pack_format<interleaved>} : vector<32xbf16> -> vector<16xf32>
          %parallel_loop3A_884 = tpu.unpack_subelements %parallel_loop3A_882, 1 {pack_format = #tpu.pack_format<interleaved>} : vector<32xbf16> -> vector<16xf32>
          %parallel_loop3A_885 = arith.addf %parallel_loop3A_883, %parallel_loop3A_884 : vector<16xf32>
          %parallel_loop3A_886 = arith.addf %parallel_loop3A_831, %parallel_loop3A_849 : vector<16xf32>
          %parallel_loop3A_887 = arith.addf %parallel_loop3A_867, %parallel_loop3A_885 : vector<16xf32>
          %parallel_loop3A_888 = arith.addf %parallel_loop3A_886, %parallel_loop3A_887 : vector<16xf32>
          %parallel_loop3A_889 = arith.constant true
          %parallel_loop3A_890 = vector.broadcast %parallel_loop3A_889 : i1 to vector<16xi1>
          %parallel_loop3A_891 = tpu.scan <sum>, %parallel_loop3A_888 masked %parallel_loop3A_890 : vector<16xf32>, vector<16xi1> -> vector<16xf32>
          %parallel_loop3A_892 = vector.extract %parallel_loop3A_891[15] : f32 from vector<16xf32>
          %parallel_loop3A_893 = vector.broadcast %parallel_loop3A_892 : f32 to vector<16xf32>
          %parallel_loop3A_894 = arith.select %parallel_loop3A_811, %parallel_loop3A_893, %parallel_loop3A_805 : vector<16xi1>, vector<16xf32>
          scf.yield %parallel_loop3A_894 : vector<16xf32>
        }
        %parallel_loop3A_518 = arith.constant 4 : i32
        %parallel_loop3A_519 = arith.constant 0.000000e+00 : f32
        %parallel_loop3A_520 = vector.broadcast %parallel_loop3A_519 : f32 to vector<16xf32>
        %parallel_loop3A_521 = arith.subf %parallel_loop3A_520, %parallel_loop3A_517 : vector<16xf32>
        %parallel_loop3A_522 = math.exp %parallel_loop3A_521 : vector<16xf32>
        %parallel_loop3A_523 = arith.constant 1.000000e+00 : f32
        %parallel_loop3A_524 = vector.broadcast %parallel_loop3A_523 : f32 to vector<16xf32>
        %parallel_loop3A_525 = arith.addf %parallel_loop3A_524, %parallel_loop3A_522 : vector<16xf32>
        %parallel_loop3A_526 = arith.constant 1.000000e+00 : f32
        %parallel_loop3A_527 = vector.broadcast %parallel_loop3A_526 : f32 to vector<16xf32>
        %parallel_loop3A_528 = arith.divf %parallel_loop3A_527, %parallel_loop3A_525 : vector<16xf32>
        %parallel_loop3A_529 = arith.constant 0 : i32
        %parallel_loop3A_530 = tpu.memref_slice %arg11[%parallel_loop3A_418, %parallel_loop3A_529] : memref<4x80xf32, #tpu.memory_space<vmem>> -> memref<1x80xf32, #tpu.memory_space<vmem>>
        %parallel_loop3A_531 = tpu.memref_squeeze %parallel_loop3A_530 : memref<1x80xf32, #tpu.memory_space<vmem>> -> memref<80xf32, #tpu.memory_space<vmem>>
        %parallel_loop3A_532 = arith.index_cast %parallel_loop3A_510 : i32 to index
        %parallel_loop3A_533 = tpu.vector_load %parallel_loop3A_531[%parallel_loop3A_532] {strides = array<i32>} : memref<80xf32, #tpu.memory_space<vmem>>, vector<16xf32>,
        tpu.vector_store %parallel_loop3A_531[%parallel_loop3A_532], %parallel_loop3A_528 {strides = array<i32>} : memref<80xf32, #tpu.memory_space<vmem>>, vector<16xf32>,
      } {sc.loop_unroll_factor = 1 : i64, sc.parallel_access}
      %mul3A_419 = arith.constant 80 : i32
      %mul3A_420 = arith.muli %add3A_361, %mul3A_419 : i32
      %add3A_421 = arith.addi %mul3A_2, %mul3A_420 : i32
      %dma_start3A_422 = arith.constant 2 : i32
      %dma_start3A_423 = arith.constant 2 : i32
      %dma_start3A_424 = arith.constant 0 : i32
      %dma_start3A_425 = tpu.memref_slice %arg11[%dma_start3A_422, %dma_start3A_424] : memref<4x80xf32, #tpu.memory_space<vmem>> -> memref<1x80xf32, #tpu.memory_space<vmem>>
      %dma_start3A_426 = tpu.memref_squeeze %dma_start3A_425 : memref<1x80xf32, #tpu.memory_space<vmem>> -> memref<80xf32, #tpu.memory_space<vmem>>
      %dma_start3A_427 = tpu.memref_slice %arg5[%add3A_421] : memref<320000xf32, #tpu.memory_space<hbm>> -> memref<80xf32, #tpu.memory_space<hbm>>
      %dma_start3A_428 = tpu.memref_slice %arg14[%dma_start3A_423] : memref<4x!tpu.dma_semaphore, #tpu.memory_space<semaphore_mem>> -> memref<1x!tpu.dma_semaphore, #tpu.memory_space<semaphore_mem>>
      %dma_start3A_429 = tpu.memref_squeeze %dma_start3A_428 : memref<1x!tpu.dma_semaphore, #tpu.memory_space<semaphore_mem>> -> memref<!tpu.dma_semaphore, #tpu.memory_space<semaphore_mem>>
      %dma_start3A_430 = tpu.memref_slice %arg5[%add3A_421] : memref<320000xf32, #tpu.memory_space<hbm>> -> memref<80xf32, #tpu.memory_space<hbm>>
      %dma_start3A_431 = arith.constant 0 : i32
      %dma_start3A_432 = tpu.memref_slice %arg11[%dma_start3A_422, %dma_start3A_431] : memref<4x80xf32, #tpu.memory_space<vmem>> -> memref<1x80xf32, #tpu.memory_space<vmem>>
      %dma_start3A_433 = tpu.memref_squeeze %dma_start3A_432 : memref<1x80xf32, #tpu.memory_space<vmem>> -> memref<80xf32, #tpu.memory_space<vmem>>
      tpu.enqueue_dma source(%dma_start3A_433 : memref<80xf32, #tpu.memory_space<vmem>>) target(%dma_start3A_430 : memref<80xf32, #tpu.memory_space<hbm>>) target_semaphore(%dma_start3A_429 : memref<!tpu.dma_semaphore, #tpu.memory_space<semaphore_mem>>)
      %add3A_434 = arith.constant 3 : i32
      %add3A_435 = arith.addi %mul3A_213, %add3A_434 : i32
      %add3A_436 = arith.constant 4 : i32
      %add3A_437 = arith.addi %add3A_435, %add3A_436 : i32
      %sub3A_438 = arith.constant 1 : i32
      %sub3A_439 = arith.subi %add3A_437, %sub3A_438 : i32
      %lt3A_440 = arith.constant 125 : i32
      %lt3A_441 = arith.cmpi slt, %sub3A_439, %lt3A_440 : i32
      %convert_element_type3A_442 = arith.extui %lt3A_441 : i1 to i32
      %cond3A_443 = arith.constant 0 : i32
      %cond3A_444 = arith.cmpi ne, %convert_element_type3A_442, %cond3A_443 : i32
      scf.if %cond3A_444 {
        %add3A_508 = arith.constant 4 : i32
        %add3A_509 = arith.addi %add3A_435, %add3A_508 : i32
        %sub3A_510 = arith.constant 1 : i32
        %sub3A_511 = arith.subi %add3A_509, %sub3A_510 : i32
        %add3A_512 = arith.constant 4 : i32
        %add3A_513 = arith.addi %add3A_435, %add3A_512 : i32
        %sub3A_514 = arith.constant 1 : i32
        %sub3A_515 = arith.subi %add3A_513, %sub3A_514 : i32
        %jit3A = arith.constant 4 : i32
        %eq3A = arith.constant 0 : i32
        %eq3A_516 = arith.cmpi eq, %jit3A, %eq3A : i32
        %jit3A_517 = arith.constant 1 : i32
        %select_n3A = arith.select %eq3A_516, %jit3A_517, %jit3A : i32
        %rem3A = arith.remsi %sub3A_515, %select_n3A : i32
        %ne3A = arith.constant 0 : i32
        %ne3A_518 = arith.cmpi ne, %rem3A, %ne3A : i32
        %lt3A_519 = arith.constant 0 : i32
        %lt3A_520 = arith.cmpi slt, %rem3A, %lt3A_519 : i32
        %lt3A_521 = arith.constant 0 : i32
        %lt3A_522 = arith.cmpi slt, %select_n3A, %lt3A_521 : i32
        %ne3A_523 = arith.xori %lt3A_520, %lt3A_522 : i1
        %and3A = arith.andi %ne3A_523, %ne3A_518 : i1
        %add3A_524 = arith.addi %rem3A, %select_n3A : i32
        %select_n3A_525 = arith.select %and3A, %add3A_524, %rem3A : i32
        %mul3A_526 = arith.constant 80 : i32
        %mul3A_527 = arith.muli %sub3A_511, %mul3A_526 : i32
        %dma_start3A_528 = arith.constant 0 : i32
        %dma_start3A_529 = arith.constant 0 : i32
        %dma_start3A_530 = tpu.memref_slice %arg9[%select_n3A_525, %dma_start3A_528, %dma_start3A_529] : memref<4x80x128xbf16, #tpu.memory_space<vmem>> -> memref<1x80x128xbf16, #tpu.memory_space<vmem>>
        %dma_start3A_531 = tpu.memref_squeeze %dma_start3A_530 : memref<1x80x128xbf16, #tpu.memory_space<vmem>> -> memref<80x128xbf16, #tpu.memory_space<vmem>>
        %dma_start3A_532 = tpu.memref_slice %arg7[%mul3A_527] : memref<10000xi32, #tpu.memory_space<vmem>> -> memref<80xi32, #tpu.memory_space<vmem>>
        %dma_start3A_533 = arith.constant 0 : i32
        %dma_start3A_534 = arith.constant 0 : i32
        %dma_start3A_535 = tpu.memref_slice %arg6[%dma_start3A_533, %dma_start3A_534] : memref<10000x128xbf16, #tpu.memory_space<vmem_shared>> -> memref<10000x128xbf16, #tpu.memory_space<vmem_shared>>
        %dma_start3A_536 = tpu.memref_slice %arg12[%select_n3A_525] : memref<4x!tpu.dma_semaphore, #tpu.memory_space<semaphore_mem>> -> memref<1x!tpu.dma_semaphore, #tpu.memory_space<semaphore_mem>>
        %dma_start3A_537 = tpu.memref_squeeze %dma_start3A_536 : memref<1x!tpu.dma_semaphore, #tpu.memory_space<semaphore_mem>> -> memref<!tpu.dma_semaphore, #tpu.memory_space<semaphore_mem>>
        tpu.enqueue_indirect_dma source(%dma_start3A_535 : memref<10000x128xbf16, #tpu.memory_space<vmem_shared>>) target(%dma_start3A_531 : memref<80x128xbf16, #tpu.memory_space<vmem>>) offsets(%dma_start3A_532 : memref<80xi32, #tpu.memory_space<vmem>>) semaphore(%dma_start3A_537 : memref<!tpu.dma_semaphore, #tpu.memory_space<semaphore_mem>>)
        %dma_start3A_538 = arith.constant 0 : i32
        %dma_start3A_539 = arith.constant 0 : i32
        %dma_start3A_540 = tpu.memref_slice %arg10[%select_n3A_525, %dma_start3A_538, %dma_start3A_539] : memref<4x80x128xbf16, #tpu.memory_space<vmem>> -> memref<1x80x128xbf16, #tpu.memory_space<vmem>>
        %dma_start3A_541 = tpu.memref_squeeze %dma_start3A_540 : memref<1x80x128xbf16, #tpu.memory_space<vmem>> -> memref<80x128xbf16, #tpu.memory_space<vmem>>
        %dma_start3A_542 = tpu.memref_slice %arg8[%mul3A_527] : memref<10000xi32, #tpu.memory_space<vmem>> -> memref<80xi32, #tpu.memory_space<vmem>>
        %dma_start3A_543 = arith.constant 0 : i32
        %dma_start3A_544 = arith.constant 0 : i32
        %dma_start3A_545 = tpu.memref_slice %arg6[%dma_start3A_543, %dma_start3A_544] : memref<10000x128xbf16, #tpu.memory_space<vmem_shared>> -> memref<10000x128xbf16, #tpu.memory_space<vmem_shared>>
        %dma_start3A_546 = tpu.memref_slice %arg13[%select_n3A_525] : memref<4x!tpu.dma_semaphore, #tpu.memory_space<semaphore_mem>> -> memref<1x!tpu.dma_semaphore, #tpu.memory_space<semaphore_mem>>
        %dma_start3A_547 = tpu.memref_squeeze %dma_start3A_546 : memref<1x!tpu.dma_semaphore, #tpu.memory_space<semaphore_mem>> -> memref<!tpu.dma_semaphore, #tpu.memory_space<semaphore_mem>>
        tpu.enqueue_indirect_dma source(%dma_start3A_545 : memref<10000x128xbf16, #tpu.memory_space<vmem_shared>>) target(%dma_start3A_541 : memref<80x128xbf16, #tpu.memory_space<vmem>>) offsets(%dma_start3A_542 : memref<80xi32, #tpu.memory_space<vmem>>) semaphore(%dma_start3A_547 : memref<!tpu.dma_semaphore, #tpu.memory_space<semaphore_mem>>)
      } else {
      }
      %dma_wait3A_445 = arith.constant 3 : i32
      %dma_wait3A_446 = arith.constant 3 : i32
      %dma_wait3A_447 = arith.constant 0 : i32
      %dma_wait3A_448 = arith.constant 0 : i32
      %dma_wait3A_449 = tpu.memref_slice %arg9[%dma_wait3A_445, %dma_wait3A_447, %dma_wait3A_448] : memref<4x80x128xbf16, #tpu.memory_space<vmem>> -> memref<1x80x128xbf16, #tpu.memory_space<vmem>>
      %dma_wait3A_450 = tpu.memref_squeeze %dma_wait3A_449 : memref<1x80x128xbf16, #tpu.memory_space<vmem>> -> memref<80x128xbf16, #tpu.memory_space<vmem>>
      %dma_wait3A_451 = arith.constant 0 : i32
      %dma_wait3A_452 = arith.constant 0 : i32
      %dma_wait3A_453 = tpu.memref_slice %arg2[%dma_wait3A_451, %dma_wait3A_452] : memref<10000x128xbf16, #tpu.memory_space<hbm>> -> memref<80x128xbf16, #tpu.memory_space<hbm>>
      %dma_wait3A_454 = tpu.memref_slice %arg12[%dma_wait3A_446] : memref<4x!tpu.dma_semaphore, #tpu.memory_space<semaphore_mem>> -> memref<1x!tpu.dma_semaphore, #tpu.memory_space<semaphore_mem>>
      %dma_wait3A_455 = tpu.memref_squeeze %dma_wait3A_454 : memref<1x!tpu.dma_semaphore, #tpu.memory_space<semaphore_mem>> -> memref<!tpu.dma_semaphore, #tpu.memory_space<semaphore_mem>>
      %dma_wait3A_456 = arith.constant 0 : i32
      %dma_wait3A_457 = arith.constant 0 : i32
      %dma_wait3A_458 = tpu.memref_slice %arg9[%dma_wait3A_445, %dma_wait3A_456, %dma_wait3A_457] : memref<4x80x128xbf16, #tpu.memory_space<vmem>> -> memref<1x80x128xbf16, #tpu.memory_space<vmem>>
      %dma_wait3A_459 = tpu.memref_squeeze %dma_wait3A_458 : memref<1x80x128xbf16, #tpu.memory_space<vmem>> -> memref<80x128xbf16, #tpu.memory_space<vmem>>
      %dma_wait3A_460 = arith.constant 0 : i32
      %dma_wait3A_461 = arith.constant 0 : i32
      %dma_wait3A_462 = tpu.memref_slice %arg2[%dma_wait3A_460, %dma_wait3A_461] : memref<10000x128xbf16, #tpu.memory_space<hbm>> -> memref<80x128xbf16, #tpu.memory_space<hbm>>
      tpu.wait_dma2 semaphore(%dma_wait3A_455 : memref<!tpu.dma_semaphore, #tpu.memory_space<semaphore_mem>>) src(%dma_wait3A_462 : memref<80x128xbf16, #tpu.memory_space<hbm>>) dst(%dma_wait3A_459 : memref<80x128xbf16, #tpu.memory_space<vmem>>)
      %dma_wait3A_463 = arith.constant 3 : i32
      %dma_wait3A_464 = arith.constant 3 : i32
      %dma_wait3A_465 = arith.constant 0 : i32
      %dma_wait3A_466 = arith.constant 0 : i32
      %dma_wait3A_467 = tpu.memref_slice %arg10[%dma_wait3A_463, %dma_wait3A_465, %dma_wait3A_466] : memref<4x80x128xbf16, #tpu.memory_space<vmem>> -> memref<1x80x128xbf16, #tpu.memory_space<vmem>>
      %dma_wait3A_468 = tpu.memref_squeeze %dma_wait3A_467 : memref<1x80x128xbf16, #tpu.memory_space<vmem>> -> memref<80x128xbf16, #tpu.memory_space<vmem>>
      %dma_wait3A_469 = arith.constant 0 : i32
      %dma_wait3A_470 = arith.constant 0 : i32
      %dma_wait3A_471 = tpu.memref_slice %arg2[%dma_wait3A_469, %dma_wait3A_470] : memref<10000x128xbf16, #tpu.memory_space<hbm>> -> memref<80x128xbf16, #tpu.memory_space<hbm>>
      %dma_wait3A_472 = tpu.memref_slice %arg13[%dma_wait3A_464] : memref<4x!tpu.dma_semaphore, #tpu.memory_space<semaphore_mem>> -> memref<1x!tpu.dma_semaphore, #tpu.memory_space<semaphore_mem>>
      %dma_wait3A_473 = tpu.memref_squeeze %dma_wait3A_472 : memref<1x!tpu.dma_semaphore, #tpu.memory_space<semaphore_mem>> -> memref<!tpu.dma_semaphore, #tpu.memory_space<semaphore_mem>>
      %dma_wait3A_474 = arith.constant 0 : i32
      %dma_wait3A_475 = arith.constant 0 : i32
      %dma_wait3A_476 = tpu.memref_slice %arg10[%dma_wait3A_463, %dma_wait3A_474, %dma_wait3A_475] : memref<4x80x128xbf16, #tpu.memory_space<vmem>> -> memref<1x80x128xbf16, #tpu.memory_space<vmem>>
      %dma_wait3A_477 = tpu.memref_squeeze %dma_wait3A_476 : memref<1x80x128xbf16, #tpu.memory_space<vmem>> -> memref<80x128xbf16, #tpu.memory_space<vmem>>
      %dma_wait3A_478 = arith.constant 0 : i32
      %dma_wait3A_479 = arith.constant 0 : i32
      %dma_wait3A_480 = tpu.memref_slice %arg2[%dma_wait3A_478, %dma_wait3A_479] : memref<10000x128xbf16, #tpu.memory_space<hbm>> -> memref<80x128xbf16, #tpu.memory_space<hbm>>
      tpu.wait_dma2 semaphore(%dma_wait3A_473 : memref<!tpu.dma_semaphore, #tpu.memory_space<semaphore_mem>>) src(%dma_wait3A_480 : memref<80x128xbf16, #tpu.memory_space<hbm>>) dst(%dma_wait3A_477 : memref<80x128xbf16, #tpu.memory_space<vmem>>)
      %ge3A_481 = arith.constant 4 : i32
      %ge3A_482 = arith.cmpi sge, %add3A_435, %ge3A_481 : i32
      %convert_element_type3A_483 = arith.extui %ge3A_482 : i1 to i32
      %cond3A_484 = arith.constant 3 : i32
      %cond3A_485 = arith.constant 0 : i32
      %cond3A_486 = arith.cmpi ne, %convert_element_type3A_483, %cond3A_485 : i32
      scf.if %cond3A_486 {
        %dma_wait3A_508 = arith.constant 3 : i32
        %dma_wait3A_509 = arith.constant 0 : i32
        %dma_wait3A_510 = tpu.memref_slice %arg11[%cond3A_484, %dma_wait3A_509] : memref<4x80xf32, #tpu.memory_space<vmem>> -> memref<1x80xf32, #tpu.memory_space<vmem>>
        %dma_wait3A_511 = tpu.memref_squeeze %dma_wait3A_510 : memref<1x80xf32, #tpu.memory_space<vmem>> -> memref<80xf32, #tpu.memory_space<vmem>>
        %dma_wait3A_512 = arith.constant 0 : i32
        %dma_wait3A_513 = tpu.memref_slice %arg5[%dma_wait3A_512] : memref<320000xf32, #tpu.memory_space<hbm>> -> memref<80xf32, #tpu.memory_space<hbm>>
        %dma_wait3A_514 = tpu.memref_slice %arg14[%dma_wait3A_508] : memref<4x!tpu.dma_semaphore, #tpu.memory_space<semaphore_mem>> -> memref<1x!tpu.dma_semaphore, #tpu.memory_space<semaphore_mem>>
        %dma_wait3A_515 = tpu.memref_squeeze %dma_wait3A_514 : memref<1x!tpu.dma_semaphore, #tpu.memory_space<semaphore_mem>> -> memref<!tpu.dma_semaphore, #tpu.memory_space<semaphore_mem>>
        %dma_wait3A_516 = arith.constant 0 : i32
        %dma_wait3A_517 = tpu.memref_slice %arg5[%dma_wait3A_516] : memref<320000xf32, #tpu.memory_space<hbm>> -> memref<80xf32, #tpu.memory_space<hbm>>
        %dma_wait3A_518 = arith.constant 0 : i32
        %dma_wait3A_519 = tpu.memref_slice %arg11[%cond3A_484, %dma_wait3A_518] : memref<4x80xf32, #tpu.memory_space<vmem>> -> memref<1x80xf32, #tpu.memory_space<vmem>>
        %dma_wait3A_520 = tpu.memref_squeeze %dma_wait3A_519 : memref<1x80xf32, #tpu.memory_space<vmem>> -> memref<80xf32, #tpu.memory_space<vmem>>
        tpu.wait_dma2 semaphore(%dma_wait3A_515 : memref<!tpu.dma_semaphore, #tpu.memory_space<semaphore_mem>>) src(%dma_wait3A_520 : memref<80xf32, #tpu.memory_space<vmem>>) dst(%dma_wait3A_517 : memref<80xf32, #tpu.memory_space<hbm>>)
      } else {
      }
      %parallel_loop3A_487 = arith.constant 0 : i32
      %parallel_loop3A_488 = arith.constant 5 : i32
      %parallel_loop3A_489 = arith.constant 1 : i32
      %parallel_loop3A_490 = arith.constant 3 : i32
      %parallel_loop3A_491 = arith.constant 3 : i32
      %parallel_loop3A_492 = arith.constant 3 : i32
      scf.for %parallel_loop3A_508 = %parallel_loop3A_487 to %parallel_loop3A_488 step %parallel_loop3A_489  : i32 {
        %parallel_loop3A_509 = arith.constant 16 : i32
        %parallel_loop3A_510 = arith.muli %parallel_loop3A_508, %parallel_loop3A_509 : i32
        %parallel_loop3A_511 = arith.constant 0.000000e+00 : f32
        %parallel_loop3A_512 = vector.broadcast %parallel_loop3A_511 : f32 to vector<16xf32>
        %parallel_loop3A_513 = arith.constant 0 : i32
        %parallel_loop3A_514 = arith.constant 4 : i32
        %parallel_loop3A_515 = arith.addi %parallel_loop3A_513, %parallel_loop3A_514 : i32
        %parallel_loop3A_516 = arith.constant 1 : i32
        %parallel_loop3A_517 = scf.for %scan3A_534 = %parallel_loop3A_513 to %parallel_loop3A_515 step %parallel_loop3A_516 iter_args(%scan3A_535 = %parallel_loop3A_512) -> (vector<16xf32>)  : i32 {
          %parallel_loop3A_536 = arith.constant 4 : i32
          %parallel_loop3A_537 = arith.muli %scan3A_534, %parallel_loop3A_536 : i32
          %parallel_loop3A_538 = arith.addi %parallel_loop3A_510, %parallel_loop3A_537 : i32
          %parallel_loop3A_539 = arith.constant 4 : i32
          %parallel_loop3A_540 = arith.muli %scan3A_534, %parallel_loop3A_539 : i32
          %parallel_loop3A_541 = arith.constant 0 : i32
          %parallel_loop3A_542 = arith.addi %parallel_loop3A_540, %parallel_loop3A_541 : i32
          %parallel_loop3A_543 = vector.broadcast %parallel_loop3A_542 : i32 to vector<16xi32>
          %parallel_loop3A_544 = arith.cmpi eq, %iota3A, %parallel_loop3A_543 : vector<16xi32>
          %parallel_loop3A_545 = arith.constant 0 : i32
          %parallel_loop3A_546 = arith.addi %parallel_loop3A_538, %parallel_loop3A_545 : i32
          %parallel_loop3A_547 = arith.constant 0 : i32
          %parallel_loop3A_548 = arith.constant 0 : i32
          %parallel_loop3A_549 = tpu.memref_slice %arg9[%parallel_loop3A_490, %parallel_loop3A_547, %parallel_loop3A_548] : memref<4x80x128xbf16, #tpu.memory_space<vmem>> -> memref<1x80x128xbf16, #tpu.memory_space<vmem>>
          %parallel_loop3A_550 = tpu.memref_squeeze %parallel_loop3A_549 : memref<1x80x128xbf16, #tpu.memory_space<vmem>> -> memref<80x128xbf16, #tpu.memory_space<vmem>>
          %parallel_loop3A_551 = arith.index_cast %parallel_loop3A_546 : i32 to index
          %parallel_loop3A_552 = arith.constant 0 : index
          %parallel_loop3A_553 = tpu.vector_load %parallel_loop3A_550[%parallel_loop3A_551, %parallel_loop3A_552] {strides = array<i32>} : memref<80x128xbf16, #tpu.memory_space<vmem>>, vector<32xbf16>,
          %parallel_loop3A_554 = arith.constant 0 : i32
          %parallel_loop3A_555 = arith.constant 0 : i32
          %parallel_loop3A_556 = tpu.memref_slice %arg10[%parallel_loop3A_491, %parallel_loop3A_554, %parallel_loop3A_555] : memref<4x80x128xbf16, #tpu.memory_space<vmem>> -> memref<1x80x128xbf16, #tpu.memory_space<vmem>>
          %parallel_loop3A_557 = tpu.memref_squeeze %parallel_loop3A_556 : memref<1x80x128xbf16, #tpu.memory_space<vmem>> -> memref<80x128xbf16, #tpu.memory_space<vmem>>
          %parallel_loop3A_558 = arith.index_cast %parallel_loop3A_546 : i32 to index
          %parallel_loop3A_559 = arith.constant 0 : index
          %parallel_loop3A_560 = tpu.vector_load %parallel_loop3A_557[%parallel_loop3A_558, %parallel_loop3A_559] {strides = array<i32>} : memref<80x128xbf16, #tpu.memory_space<vmem>>, vector<32xbf16>,
          %parallel_loop3A_561 = arith.mulf %parallel_loop3A_553, %parallel_loop3A_560 : vector<32xbf16>
          %parallel_loop3A_562 = tpu.unpack_subelements %parallel_loop3A_561, 0 {pack_format = #tpu.pack_format<interleaved>} : vector<32xbf16> -> vector<16xf32>
          %parallel_loop3A_563 = tpu.unpack_subelements %parallel_loop3A_561, 1 {pack_format = #tpu.pack_format<interleaved>} : vector<32xbf16> -> vector<16xf32>
          %parallel_loop3A_564 = arith.addf %parallel_loop3A_562, %parallel_loop3A_563 : vector<16xf32>
          %parallel_loop3A_565 = arith.constant 0 : i32
          %parallel_loop3A_566 = arith.constant 0 : i32
          %parallel_loop3A_567 = tpu.memref_slice %arg9[%parallel_loop3A_490, %parallel_loop3A_565, %parallel_loop3A_566] : memref<4x80x128xbf16, #tpu.memory_space<vmem>> -> memref<1x80x128xbf16, #tpu.memory_space<vmem>>
          %parallel_loop3A_568 = tpu.memref_squeeze %parallel_loop3A_567 : memref<1x80x128xbf16, #tpu.memory_space<vmem>> -> memref<80x128xbf16, #tpu.memory_space<vmem>>
          %parallel_loop3A_569 = arith.index_cast %parallel_loop3A_546 : i32 to index
          %parallel_loop3A_570 = arith.constant 32 : index
          %parallel_loop3A_571 = tpu.vector_load %parallel_loop3A_568[%parallel_loop3A_569, %parallel_loop3A_570] {strides = array<i32>} : memref<80x128xbf16, #tpu.memory_space<vmem>>, vector<32xbf16>,
          %parallel_loop3A_572 = arith.constant 0 : i32
          %parallel_loop3A_573 = arith.constant 0 : i32
          %parallel_loop3A_574 = tpu.memref_slice %arg10[%parallel_loop3A_491, %parallel_loop3A_572, %parallel_loop3A_573] : memref<4x80x128xbf16, #tpu.memory_space<vmem>> -> memref<1x80x128xbf16, #tpu.memory_space<vmem>>
          %parallel_loop3A_575 = tpu.memref_squeeze %parallel_loop3A_574 : memref<1x80x128xbf16, #tpu.memory_space<vmem>> -> memref<80x128xbf16, #tpu.memory_space<vmem>>
          %parallel_loop3A_576 = arith.index_cast %parallel_loop3A_546 : i32 to index
          %parallel_loop3A_577 = arith.constant 32 : index
          %parallel_loop3A_578 = tpu.vector_load %parallel_loop3A_575[%parallel_loop3A_576, %parallel_loop3A_577] {strides = array<i32>} : memref<80x128xbf16, #tpu.memory_space<vmem>>, vector<32xbf16>,
          %parallel_loop3A_579 = arith.mulf %parallel_loop3A_571, %parallel_loop3A_578 : vector<32xbf16>
          %parallel_loop3A_580 = tpu.unpack_subelements %parallel_loop3A_579, 0 {pack_format = #tpu.pack_format<interleaved>} : vector<32xbf16> -> vector<16xf32>
          %parallel_loop3A_581 = tpu.unpack_subelements %parallel_loop3A_579, 1 {pack_format = #tpu.pack_format<interleaved>} : vector<32xbf16> -> vector<16xf32>
          %parallel_loop3A_582 = arith.addf %parallel_loop3A_580, %parallel_loop3A_581 : vector<16xf32>
          %parallel_loop3A_583 = arith.constant 0 : i32
          %parallel_loop3A_584 = arith.constant 0 : i32
          %parallel_loop3A_585 = tpu.memref_slice %arg9[%parallel_loop3A_490, %parallel_loop3A_583, %parallel_loop3A_584] : memref<4x80x128xbf16, #tpu.memory_space<vmem>> -> memref<1x80x128xbf16, #tpu.memory_space<vmem>>
          %parallel_loop3A_586 = tpu.memref_squeeze %parallel_loop3A_585 : memref<1x80x128xbf16, #tpu.memory_space<vmem>> -> memref<80x128xbf16, #tpu.memory_space<vmem>>
          %parallel_loop3A_587 = arith.index_cast %parallel_loop3A_546 : i32 to index
          %parallel_loop3A_588 = arith.constant 64 : index
          %parallel_loop3A_589 = tpu.vector_load %parallel_loop3A_586[%parallel_loop3A_587, %parallel_loop3A_588] {strides = array<i32>} : memref<80x128xbf16, #tpu.memory_space<vmem>>, vector<32xbf16>,
          %parallel_loop3A_590 = arith.constant 0 : i32
          %parallel_loop3A_591 = arith.constant 0 : i32
          %parallel_loop3A_592 = tpu.memref_slice %arg10[%parallel_loop3A_491, %parallel_loop3A_590, %parallel_loop3A_591] : memref<4x80x128xbf16, #tpu.memory_space<vmem>> -> memref<1x80x128xbf16, #tpu.memory_space<vmem>>
          %parallel_loop3A_593 = tpu.memref_squeeze %parallel_loop3A_592 : memref<1x80x128xbf16, #tpu.memory_space<vmem>> -> memref<80x128xbf16, #tpu.memory_space<vmem>>
          %parallel_loop3A_594 = arith.index_cast %parallel_loop3A_546 : i32 to index
          %parallel_loop3A_595 = arith.constant 64 : index
          %parallel_loop3A_596 = tpu.vector_load %parallel_loop3A_593[%parallel_loop3A_594, %parallel_loop3A_595] {strides = array<i32>} : memref<80x128xbf16, #tpu.memory_space<vmem>>, vector<32xbf16>,
          %parallel_loop3A_597 = arith.mulf %parallel_loop3A_589, %parallel_loop3A_596 : vector<32xbf16>
          %parallel_loop3A_598 = tpu.unpack_subelements %parallel_loop3A_597, 0 {pack_format = #tpu.pack_format<interleaved>} : vector<32xbf16> -> vector<16xf32>
          %parallel_loop3A_599 = tpu.unpack_subelements %parallel_loop3A_597, 1 {pack_format = #tpu.pack_format<interleaved>} : vector<32xbf16> -> vector<16xf32>
          %parallel_loop3A_600 = arith.addf %parallel_loop3A_598, %parallel_loop3A_599 : vector<16xf32>
          %parallel_loop3A_601 = arith.constant 0 : i32
          %parallel_loop3A_602 = arith.constant 0 : i32
          %parallel_loop3A_603 = tpu.memref_slice %arg9[%parallel_loop3A_490, %parallel_loop3A_601, %parallel_loop3A_602] : memref<4x80x128xbf16, #tpu.memory_space<vmem>> -> memref<1x80x128xbf16, #tpu.memory_space<vmem>>
          %parallel_loop3A_604 = tpu.memref_squeeze %parallel_loop3A_603 : memref<1x80x128xbf16, #tpu.memory_space<vmem>> -> memref<80x128xbf16, #tpu.memory_space<vmem>>
          %parallel_loop3A_605 = arith.index_cast %parallel_loop3A_546 : i32 to index
          %parallel_loop3A_606 = arith.constant 96 : index
          %parallel_loop3A_607 = tpu.vector_load %parallel_loop3A_604[%parallel_loop3A_605, %parallel_loop3A_606] {strides = array<i32>} : memref<80x128xbf16, #tpu.memory_space<vmem>>, vector<32xbf16>,
          %parallel_loop3A_608 = arith.constant 0 : i32
          %parallel_loop3A_609 = arith.constant 0 : i32
          %parallel_loop3A_610 = tpu.memref_slice %arg10[%parallel_loop3A_491, %parallel_loop3A_608, %parallel_loop3A_609] : memref<4x80x128xbf16, #tpu.memory_space<vmem>> -> memref<1x80x128xbf16, #tpu.memory_space<vmem>>
          %parallel_loop3A_611 = tpu.memref_squeeze %parallel_loop3A_610 : memref<1x80x128xbf16, #tpu.memory_space<vmem>> -> memref<80x128xbf16, #tpu.memory_space<vmem>>
          %parallel_loop3A_612 = arith.index_cast %parallel_loop3A_546 : i32 to index
          %parallel_loop3A_613 = arith.constant 96 : index
          %parallel_loop3A_614 = tpu.vector_load %parallel_loop3A_611[%parallel_loop3A_612, %parallel_loop3A_613] {strides = array<i32>} : memref<80x128xbf16, #tpu.memory_space<vmem>>, vector<32xbf16>,
          %parallel_loop3A_615 = arith.mulf %parallel_loop3A_607, %parallel_loop3A_614 : vector<32xbf16>
          %parallel_loop3A_616 = tpu.unpack_subelements %parallel_loop3A_615, 0 {pack_format = #tpu.pack_format<interleaved>} : vector<32xbf16> -> vector<16xf32>
          %parallel_loop3A_617 = tpu.unpack_subelements %parallel_loop3A_615, 1 {pack_format = #tpu.pack_format<interleaved>} : vector<32xbf16> -> vector<16xf32>
          %parallel_loop3A_618 = arith.addf %parallel_loop3A_616, %parallel_loop3A_617 : vector<16xf32>
          %parallel_loop3A_619 = arith.addf %parallel_loop3A_564, %parallel_loop3A_582 : vector<16xf32>
          %parallel_loop3A_620 = arith.addf %parallel_loop3A_600, %parallel_loop3A_618 : vector<16xf32>
          %parallel_loop3A_621 = arith.addf %parallel_loop3A_619, %parallel_loop3A_620 : vector<16xf32>
          %parallel_loop3A_622 = arith.constant true
          %parallel_loop3A_623 = vector.broadcast %parallel_loop3A_622 : i1 to vector<16xi1>
          %parallel_loop3A_624 = tpu.scan <sum>, %parallel_loop3A_621 masked %parallel_loop3A_623 : vector<16xf32>, vector<16xi1> -> vector<16xf32>
          %parallel_loop3A_625 = vector.extract %parallel_loop3A_624[15] : f32 from vector<16xf32>
          %parallel_loop3A_626 = vector.broadcast %parallel_loop3A_625 : f32 to vector<16xf32>
          %parallel_loop3A_627 = arith.select %parallel_loop3A_544, %parallel_loop3A_626, %scan3A_535 : vector<16xi1>, vector<16xf32>
          %parallel_loop3A_628 = arith.constant 4 : i32
          %parallel_loop3A_629 = arith.muli %scan3A_534, %parallel_loop3A_628 : i32
          %parallel_loop3A_630 = arith.constant 1 : i32
          %parallel_loop3A_631 = arith.addi %parallel_loop3A_629, %parallel_loop3A_630 : i32
          %parallel_loop3A_632 = vector.broadcast %parallel_loop3A_631 : i32 to vector<16xi32>
          %parallel_loop3A_633 = arith.cmpi eq, %iota3A, %parallel_loop3A_632 : vector<16xi32>
          %parallel_loop3A_634 = arith.constant 1 : i32
          %parallel_loop3A_635 = arith.addi %parallel_loop3A_538, %parallel_loop3A_634 : i32
          %parallel_loop3A_636 = arith.constant 0 : i32
          %parallel_loop3A_637 = arith.constant 0 : i32
          %parallel_loop3A_638 = tpu.memref_slice %arg9[%parallel_loop3A_490, %parallel_loop3A_636, %parallel_loop3A_637] : memref<4x80x128xbf16, #tpu.memory_space<vmem>> -> memref<1x80x128xbf16, #tpu.memory_space<vmem>>
          %parallel_loop3A_639 = tpu.memref_squeeze %parallel_loop3A_638 : memref<1x80x128xbf16, #tpu.memory_space<vmem>> -> memref<80x128xbf16, #tpu.memory_space<vmem>>
          %parallel_loop3A_640 = arith.index_cast %parallel_loop3A_635 : i32 to index
          %parallel_loop3A_641 = arith.constant 0 : index
          %parallel_loop3A_642 = tpu.vector_load %parallel_loop3A_639[%parallel_loop3A_640, %parallel_loop3A_641] {strides = array<i32>} : memref<80x128xbf16, #tpu.memory_space<vmem>>, vector<32xbf16>,
          %parallel_loop3A_643 = arith.constant 0 : i32
          %parallel_loop3A_644 = arith.constant 0 : i32
          %parallel_loop3A_645 = tpu.memref_slice %arg10[%parallel_loop3A_491, %parallel_loop3A_643, %parallel_loop3A_644] : memref<4x80x128xbf16, #tpu.memory_space<vmem>> -> memref<1x80x128xbf16, #tpu.memory_space<vmem>>
          %parallel_loop3A_646 = tpu.memref_squeeze %parallel_loop3A_645 : memref<1x80x128xbf16, #tpu.memory_space<vmem>> -> memref<80x128xbf16, #tpu.memory_space<vmem>>
          %parallel_loop3A_647 = arith.index_cast %parallel_loop3A_635 : i32 to index
          %parallel_loop3A_648 = arith.constant 0 : index
          %parallel_loop3A_649 = tpu.vector_load %parallel_loop3A_646[%parallel_loop3A_647, %parallel_loop3A_648] {strides = array<i32>} : memref<80x128xbf16, #tpu.memory_space<vmem>>, vector<32xbf16>,
          %parallel_loop3A_650 = arith.mulf %parallel_loop3A_642, %parallel_loop3A_649 : vector<32xbf16>
          %parallel_loop3A_651 = tpu.unpack_subelements %parallel_loop3A_650, 0 {pack_format = #tpu.pack_format<interleaved>} : vector<32xbf16> -> vector<16xf32>
          %parallel_loop3A_652 = tpu.unpack_subelements %parallel_loop3A_650, 1 {pack_format = #tpu.pack_format<interleaved>} : vector<32xbf16> -> vector<16xf32>
          %parallel_loop3A_653 = arith.addf %parallel_loop3A_651, %parallel_loop3A_652 : vector<16xf32>
          %parallel_loop3A_654 = arith.constant 0 : i32
          %parallel_loop3A_655 = arith.constant 0 : i32
          %parallel_loop3A_656 = tpu.memref_slice %arg9[%parallel_loop3A_490, %parallel_loop3A_654, %parallel_loop3A_655] : memref<4x80x128xbf16, #tpu.memory_space<vmem>> -> memref<1x80x128xbf16, #tpu.memory_space<vmem>>
          %parallel_loop3A_657 = tpu.memref_squeeze %parallel_loop3A_656 : memref<1x80x128xbf16, #tpu.memory_space<vmem>> -> memref<80x128xbf16, #tpu.memory_space<vmem>>
          %parallel_loop3A_658 = arith.index_cast %parallel_loop3A_635 : i32 to index
          %parallel_loop3A_659 = arith.constant 32 : index
          %parallel_loop3A_660 = tpu.vector_load %parallel_loop3A_657[%parallel_loop3A_658, %parallel_loop3A_659] {strides = array<i32>} : memref<80x128xbf16, #tpu.memory_space<vmem>>, vector<32xbf16>,
          %parallel_loop3A_661 = arith.constant 0 : i32
          %parallel_loop3A_662 = arith.constant 0 : i32
          %parallel_loop3A_663 = tpu.memref_slice %arg10[%parallel_loop3A_491, %parallel_loop3A_661, %parallel_loop3A_662] : memref<4x80x128xbf16, #tpu.memory_space<vmem>> -> memref<1x80x128xbf16, #tpu.memory_space<vmem>>
          %parallel_loop3A_664 = tpu.memref_squeeze %parallel_loop3A_663 : memref<1x80x128xbf16, #tpu.memory_space<vmem>> -> memref<80x128xbf16, #tpu.memory_space<vmem>>
          %parallel_loop3A_665 = arith.index_cast %parallel_loop3A_635 : i32 to index
          %parallel_loop3A_666 = arith.constant 32 : index
          %parallel_loop3A_667 = tpu.vector_load %parallel_loop3A_664[%parallel_loop3A_665, %parallel_loop3A_666] {strides = array<i32>} : memref<80x128xbf16, #tpu.memory_space<vmem>>, vector<32xbf16>,
          %parallel_loop3A_668 = arith.mulf %parallel_loop3A_660, %parallel_loop3A_667 : vector<32xbf16>
          %parallel_loop3A_669 = tpu.unpack_subelements %parallel_loop3A_668, 0 {pack_format = #tpu.pack_format<interleaved>} : vector<32xbf16> -> vector<16xf32>
          %parallel_loop3A_670 = tpu.unpack_subelements %parallel_loop3A_668, 1 {pack_format = #tpu.pack_format<interleaved>} : vector<32xbf16> -> vector<16xf32>
          %parallel_loop3A_671 = arith.addf %parallel_loop3A_669, %parallel_loop3A_670 : vector<16xf32>
          %parallel_loop3A_672 = arith.constant 0 : i32
          %parallel_loop3A_673 = arith.constant 0 : i32
          %parallel_loop3A_674 = tpu.memref_slice %arg9[%parallel_loop3A_490, %parallel_loop3A_672, %parallel_loop3A_673] : memref<4x80x128xbf16, #tpu.memory_space<vmem>> -> memref<1x80x128xbf16, #tpu.memory_space<vmem>>
          %parallel_loop3A_675 = tpu.memref_squeeze %parallel_loop3A_674 : memref<1x80x128xbf16, #tpu.memory_space<vmem>> -> memref<80x128xbf16, #tpu.memory_space<vmem>>
          %parallel_loop3A_676 = arith.index_cast %parallel_loop3A_635 : i32 to index
          %parallel_loop3A_677 = arith.constant 64 : index
          %parallel_loop3A_678 = tpu.vector_load %parallel_loop3A_675[%parallel_loop3A_676, %parallel_loop3A_677] {strides = array<i32>} : memref<80x128xbf16, #tpu.memory_space<vmem>>, vector<32xbf16>,
          %parallel_loop3A_679 = arith.constant 0 : i32
          %parallel_loop3A_680 = arith.constant 0 : i32
          %parallel_loop3A_681 = tpu.memref_slice %arg10[%parallel_loop3A_491, %parallel_loop3A_679, %parallel_loop3A_680] : memref<4x80x128xbf16, #tpu.memory_space<vmem>> -> memref<1x80x128xbf16, #tpu.memory_space<vmem>>
          %parallel_loop3A_682 = tpu.memref_squeeze %parallel_loop3A_681 : memref<1x80x128xbf16, #tpu.memory_space<vmem>> -> memref<80x128xbf16, #tpu.memory_space<vmem>>
          %parallel_loop3A_683 = arith.index_cast %parallel_loop3A_635 : i32 to index
          %parallel_loop3A_684 = arith.constant 64 : index
          %parallel_loop3A_685 = tpu.vector_load %parallel_loop3A_682[%parallel_loop3A_683, %parallel_loop3A_684] {strides = array<i32>} : memref<80x128xbf16, #tpu.memory_space<vmem>>, vector<32xbf16>,
          %parallel_loop3A_686 = arith.mulf %parallel_loop3A_678, %parallel_loop3A_685 : vector<32xbf16>
          %parallel_loop3A_687 = tpu.unpack_subelements %parallel_loop3A_686, 0 {pack_format = #tpu.pack_format<interleaved>} : vector<32xbf16> -> vector<16xf32>
          %parallel_loop3A_688 = tpu.unpack_subelements %parallel_loop3A_686, 1 {pack_format = #tpu.pack_format<interleaved>} : vector<32xbf16> -> vector<16xf32>
          %parallel_loop3A_689 = arith.addf %parallel_loop3A_687, %parallel_loop3A_688 : vector<16xf32>
          %parallel_loop3A_690 = arith.constant 0 : i32
          %parallel_loop3A_691 = arith.constant 0 : i32
          %parallel_loop3A_692 = tpu.memref_slice %arg9[%parallel_loop3A_490, %parallel_loop3A_690, %parallel_loop3A_691] : memref<4x80x128xbf16, #tpu.memory_space<vmem>> -> memref<1x80x128xbf16, #tpu.memory_space<vmem>>
          %parallel_loop3A_693 = tpu.memref_squeeze %parallel_loop3A_692 : memref<1x80x128xbf16, #tpu.memory_space<vmem>> -> memref<80x128xbf16, #tpu.memory_space<vmem>>
          %parallel_loop3A_694 = arith.index_cast %parallel_loop3A_635 : i32 to index
          %parallel_loop3A_695 = arith.constant 96 : index
          %parallel_loop3A_696 = tpu.vector_load %parallel_loop3A_693[%parallel_loop3A_694, %parallel_loop3A_695] {strides = array<i32>} : memref<80x128xbf16, #tpu.memory_space<vmem>>, vector<32xbf16>,
          %parallel_loop3A_697 = arith.constant 0 : i32
          %parallel_loop3A_698 = arith.constant 0 : i32
          %parallel_loop3A_699 = tpu.memref_slice %arg10[%parallel_loop3A_491, %parallel_loop3A_697, %parallel_loop3A_698] : memref<4x80x128xbf16, #tpu.memory_space<vmem>> -> memref<1x80x128xbf16, #tpu.memory_space<vmem>>
          %parallel_loop3A_700 = tpu.memref_squeeze %parallel_loop3A_699 : memref<1x80x128xbf16, #tpu.memory_space<vmem>> -> memref<80x128xbf16, #tpu.memory_space<vmem>>
          %parallel_loop3A_701 = arith.index_cast %parallel_loop3A_635 : i32 to index
          %parallel_loop3A_702 = arith.constant 96 : index
          %parallel_loop3A_703 = tpu.vector_load %parallel_loop3A_700[%parallel_loop3A_701, %parallel_loop3A_702] {strides = array<i32>} : memref<80x128xbf16, #tpu.memory_space<vmem>>, vector<32xbf16>,
          %parallel_loop3A_704 = arith.mulf %parallel_loop3A_696, %parallel_loop3A_703 : vector<32xbf16>
          %parallel_loop3A_705 = tpu.unpack_subelements %parallel_loop3A_704, 0 {pack_format = #tpu.pack_format<interleaved>} : vector<32xbf16> -> vector<16xf32>
          %parallel_loop3A_706 = tpu.unpack_subelements %parallel_loop3A_704, 1 {pack_format = #tpu.pack_format<interleaved>} : vector<32xbf16> -> vector<16xf32>
          %parallel_loop3A_707 = arith.addf %parallel_loop3A_705, %parallel_loop3A_706 : vector<16xf32>
          %parallel_loop3A_708 = arith.addf %parallel_loop3A_653, %parallel_loop3A_671 : vector<16xf32>
          %parallel_loop3A_709 = arith.addf %parallel_loop3A_689, %parallel_loop3A_707 : vector<16xf32>
          %parallel_loop3A_710 = arith.addf %parallel_loop3A_708, %parallel_loop3A_709 : vector<16xf32>
          %parallel_loop3A_711 = arith.constant true
          %parallel_loop3A_712 = vector.broadcast %parallel_loop3A_711 : i1 to vector<16xi1>
          %parallel_loop3A_713 = tpu.scan <sum>, %parallel_loop3A_710 masked %parallel_loop3A_712 : vector<16xf32>, vector<16xi1> -> vector<16xf32>
          %parallel_loop3A_714 = vector.extract %parallel_loop3A_713[15] : f32 from vector<16xf32>
          %parallel_loop3A_715 = vector.broadcast %parallel_loop3A_714 : f32 to vector<16xf32>
          %parallel_loop3A_716 = arith.select %parallel_loop3A_633, %parallel_loop3A_715, %parallel_loop3A_627 : vector<16xi1>, vector<16xf32>
          %parallel_loop3A_717 = arith.constant 4 : i32
          %parallel_loop3A_718 = arith.muli %scan3A_534, %parallel_loop3A_717 : i32
          %parallel_loop3A_719 = arith.constant 2 : i32
          %parallel_loop3A_720 = arith.addi %parallel_loop3A_718, %parallel_loop3A_719 : i32
          %parallel_loop3A_721 = vector.broadcast %parallel_loop3A_720 : i32 to vector<16xi32>
          %parallel_loop3A_722 = arith.cmpi eq, %iota3A, %parallel_loop3A_721 : vector<16xi32>
          %parallel_loop3A_723 = arith.constant 2 : i32
          %parallel_loop3A_724 = arith.addi %parallel_loop3A_538, %parallel_loop3A_723 : i32
          %parallel_loop3A_725 = arith.constant 0 : i32
          %parallel_loop3A_726 = arith.constant 0 : i32
          %parallel_loop3A_727 = tpu.memref_slice %arg9[%parallel_loop3A_490, %parallel_loop3A_725, %parallel_loop3A_726] : memref<4x80x128xbf16, #tpu.memory_space<vmem>> -> memref<1x80x128xbf16, #tpu.memory_space<vmem>>
          %parallel_loop3A_728 = tpu.memref_squeeze %parallel_loop3A_727 : memref<1x80x128xbf16, #tpu.memory_space<vmem>> -> memref<80x128xbf16, #tpu.memory_space<vmem>>
          %parallel_loop3A_729 = arith.index_cast %parallel_loop3A_724 : i32 to index
          %parallel_loop3A_730 = arith.constant 0 : index
          %parallel_loop3A_731 = tpu.vector_load %parallel_loop3A_728[%parallel_loop3A_729, %parallel_loop3A_730] {strides = array<i32>} : memref<80x128xbf16, #tpu.memory_space<vmem>>, vector<32xbf16>,
          %parallel_loop3A_732 = arith.constant 0 : i32
          %parallel_loop3A_733 = arith.constant 0 : i32
          %parallel_loop3A_734 = tpu.memref_slice %arg10[%parallel_loop3A_491, %parallel_loop3A_732, %parallel_loop3A_733] : memref<4x80x128xbf16, #tpu.memory_space<vmem>> -> memref<1x80x128xbf16, #tpu.memory_space<vmem>>
          %parallel_loop3A_735 = tpu.memref_squeeze %parallel_loop3A_734 : memref<1x80x128xbf16, #tpu.memory_space<vmem>> -> memref<80x128xbf16, #tpu.memory_space<vmem>>
          %parallel_loop3A_736 = arith.index_cast %parallel_loop3A_724 : i32 to index
          %parallel_loop3A_737 = arith.constant 0 : index
          %parallel_loop3A_738 = tpu.vector_load %parallel_loop3A_735[%parallel_loop3A_736, %parallel_loop3A_737] {strides = array<i32>} : memref<80x128xbf16, #tpu.memory_space<vmem>>, vector<32xbf16>,
          %parallel_loop3A_739 = arith.mulf %parallel_loop3A_731, %parallel_loop3A_738 : vector<32xbf16>
          %parallel_loop3A_740 = tpu.unpack_subelements %parallel_loop3A_739, 0 {pack_format = #tpu.pack_format<interleaved>} : vector<32xbf16> -> vector<16xf32>
          %parallel_loop3A_741 = tpu.unpack_subelements %parallel_loop3A_739, 1 {pack_format = #tpu.pack_format<interleaved>} : vector<32xbf16> -> vector<16xf32>
          %parallel_loop3A_742 = arith.addf %parallel_loop3A_740, %parallel_loop3A_741 : vector<16xf32>
          %parallel_loop3A_743 = arith.constant 0 : i32
          %parallel_loop3A_744 = arith.constant 0 : i32
          %parallel_loop3A_745 = tpu.memref_slice %arg9[%parallel_loop3A_490, %parallel_loop3A_743, %parallel_loop3A_744] : memref<4x80x128xbf16, #tpu.memory_space<vmem>> -> memref<1x80x128xbf16, #tpu.memory_space<vmem>>
          %parallel_loop3A_746 = tpu.memref_squeeze %parallel_loop3A_745 : memref<1x80x128xbf16, #tpu.memory_space<vmem>> -> memref<80x128xbf16, #tpu.memory_space<vmem>>
          %parallel_loop3A_747 = arith.index_cast %parallel_loop3A_724 : i32 to index
          %parallel_loop3A_748 = arith.constant 32 : index
          %parallel_loop3A_749 = tpu.vector_load %parallel_loop3A_746[%parallel_loop3A_747, %parallel_loop3A_748] {strides = array<i32>} : memref<80x128xbf16, #tpu.memory_space<vmem>>, vector<32xbf16>,
          %parallel_loop3A_750 = arith.constant 0 : i32
          %parallel_loop3A_751 = arith.constant 0 : i32
          %parallel_loop3A_752 = tpu.memref_slice %arg10[%parallel_loop3A_491, %parallel_loop3A_750, %parallel_loop3A_751] : memref<4x80x128xbf16, #tpu.memory_space<vmem>> -> memref<1x80x128xbf16, #tpu.memory_space<vmem>>
          %parallel_loop3A_753 = tpu.memref_squeeze %parallel_loop3A_752 : memref<1x80x128xbf16, #tpu.memory_space<vmem>> -> memref<80x128xbf16, #tpu.memory_space<vmem>>
          %parallel_loop3A_754 = arith.index_cast %parallel_loop3A_724 : i32 to index
          %parallel_loop3A_755 = arith.constant 32 : index
          %parallel_loop3A_756 = tpu.vector_load %parallel_loop3A_753[%parallel_loop3A_754, %parallel_loop3A_755] {strides = array<i32>} : memref<80x128xbf16, #tpu.memory_space<vmem>>, vector<32xbf16>,
          %parallel_loop3A_757 = arith.mulf %parallel_loop3A_749, %parallel_loop3A_756 : vector<32xbf16>
          %parallel_loop3A_758 = tpu.unpack_subelements %parallel_loop3A_757, 0 {pack_format = #tpu.pack_format<interleaved>} : vector<32xbf16> -> vector<16xf32>
          %parallel_loop3A_759 = tpu.unpack_subelements %parallel_loop3A_757, 1 {pack_format = #tpu.pack_format<interleaved>} : vector<32xbf16> -> vector<16xf32>
          %parallel_loop3A_760 = arith.addf %parallel_loop3A_758, %parallel_loop3A_759 : vector<16xf32>
          %parallel_loop3A_761 = arith.constant 0 : i32
          %parallel_loop3A_762 = arith.constant 0 : i32
          %parallel_loop3A_763 = tpu.memref_slice %arg9[%parallel_loop3A_490, %parallel_loop3A_761, %parallel_loop3A_762] : memref<4x80x128xbf16, #tpu.memory_space<vmem>> -> memref<1x80x128xbf16, #tpu.memory_space<vmem>>
          %parallel_loop3A_764 = tpu.memref_squeeze %parallel_loop3A_763 : memref<1x80x128xbf16, #tpu.memory_space<vmem>> -> memref<80x128xbf16, #tpu.memory_space<vmem>>
          %parallel_loop3A_765 = arith.index_cast %parallel_loop3A_724 : i32 to index
          %parallel_loop3A_766 = arith.constant 64 : index
          %parallel_loop3A_767 = tpu.vector_load %parallel_loop3A_764[%parallel_loop3A_765, %parallel_loop3A_766] {strides = array<i32>} : memref<80x128xbf16, #tpu.memory_space<vmem>>, vector<32xbf16>,
          %parallel_loop3A_768 = arith.constant 0 : i32
          %parallel_loop3A_769 = arith.constant 0 : i32
          %parallel_loop3A_770 = tpu.memref_slice %arg10[%parallel_loop3A_491, %parallel_loop3A_768, %parallel_loop3A_769] : memref<4x80x128xbf16, #tpu.memory_space<vmem>> -> memref<1x80x128xbf16, #tpu.memory_space<vmem>>
          %parallel_loop3A_771 = tpu.memref_squeeze %parallel_loop3A_770 : memref<1x80x128xbf16, #tpu.memory_space<vmem>> -> memref<80x128xbf16, #tpu.memory_space<vmem>>
          %parallel_loop3A_772 = arith.index_cast %parallel_loop3A_724 : i32 to index
          %parallel_loop3A_773 = arith.constant 64 : index
          %parallel_loop3A_774 = tpu.vector_load %parallel_loop3A_771[%parallel_loop3A_772, %parallel_loop3A_773] {strides = array<i32>} : memref<80x128xbf16, #tpu.memory_space<vmem>>, vector<32xbf16>,
          %parallel_loop3A_775 = arith.mulf %parallel_loop3A_767, %parallel_loop3A_774 : vector<32xbf16>
          %parallel_loop3A_776 = tpu.unpack_subelements %parallel_loop3A_775, 0 {pack_format = #tpu.pack_format<interleaved>} : vector<32xbf16> -> vector<16xf32>
          %parallel_loop3A_777 = tpu.unpack_subelements %parallel_loop3A_775, 1 {pack_format = #tpu.pack_format<interleaved>} : vector<32xbf16> -> vector<16xf32>
          %parallel_loop3A_778 = arith.addf %parallel_loop3A_776, %parallel_loop3A_777 : vector<16xf32>
          %parallel_loop3A_779 = arith.constant 0 : i32
          %parallel_loop3A_780 = arith.constant 0 : i32
          %parallel_loop3A_781 = tpu.memref_slice %arg9[%parallel_loop3A_490, %parallel_loop3A_779, %parallel_loop3A_780] : memref<4x80x128xbf16, #tpu.memory_space<vmem>> -> memref<1x80x128xbf16, #tpu.memory_space<vmem>>
          %parallel_loop3A_782 = tpu.memref_squeeze %parallel_loop3A_781 : memref<1x80x128xbf16, #tpu.memory_space<vmem>> -> memref<80x128xbf16, #tpu.memory_space<vmem>>
          %parallel_loop3A_783 = arith.index_cast %parallel_loop3A_724 : i32 to index
          %parallel_loop3A_784 = arith.constant 96 : index
          %parallel_loop3A_785 = tpu.vector_load %parallel_loop3A_782[%parallel_loop3A_783, %parallel_loop3A_784] {strides = array<i32>} : memref<80x128xbf16, #tpu.memory_space<vmem>>, vector<32xbf16>,
          %parallel_loop3A_786 = arith.constant 0 : i32
          %parallel_loop3A_787 = arith.constant 0 : i32
          %parallel_loop3A_788 = tpu.memref_slice %arg10[%parallel_loop3A_491, %parallel_loop3A_786, %parallel_loop3A_787] : memref<4x80x128xbf16, #tpu.memory_space<vmem>> -> memref<1x80x128xbf16, #tpu.memory_space<vmem>>
          %parallel_loop3A_789 = tpu.memref_squeeze %parallel_loop3A_788 : memref<1x80x128xbf16, #tpu.memory_space<vmem>> -> memref<80x128xbf16, #tpu.memory_space<vmem>>
          %parallel_loop3A_790 = arith.index_cast %parallel_loop3A_724 : i32 to index
          %parallel_loop3A_791 = arith.constant 96 : index
          %parallel_loop3A_792 = tpu.vector_load %parallel_loop3A_789[%parallel_loop3A_790, %parallel_loop3A_791] {strides = array<i32>} : memref<80x128xbf16, #tpu.memory_space<vmem>>, vector<32xbf16>,
          %parallel_loop3A_793 = arith.mulf %parallel_loop3A_785, %parallel_loop3A_792 : vector<32xbf16>
          %parallel_loop3A_794 = tpu.unpack_subelements %parallel_loop3A_793, 0 {pack_format = #tpu.pack_format<interleaved>} : vector<32xbf16> -> vector<16xf32>
          %parallel_loop3A_795 = tpu.unpack_subelements %parallel_loop3A_793, 1 {pack_format = #tpu.pack_format<interleaved>} : vector<32xbf16> -> vector<16xf32>
          %parallel_loop3A_796 = arith.addf %parallel_loop3A_794, %parallel_loop3A_795 : vector<16xf32>
          %parallel_loop3A_797 = arith.addf %parallel_loop3A_742, %parallel_loop3A_760 : vector<16xf32>
          %parallel_loop3A_798 = arith.addf %parallel_loop3A_778, %parallel_loop3A_796 : vector<16xf32>
          %parallel_loop3A_799 = arith.addf %parallel_loop3A_797, %parallel_loop3A_798 : vector<16xf32>
          %parallel_loop3A_800 = arith.constant true
          %parallel_loop3A_801 = vector.broadcast %parallel_loop3A_800 : i1 to vector<16xi1>
          %parallel_loop3A_802 = tpu.scan <sum>, %parallel_loop3A_799 masked %parallel_loop3A_801 : vector<16xf32>, vector<16xi1> -> vector<16xf32>
          %parallel_loop3A_803 = vector.extract %parallel_loop3A_802[15] : f32 from vector<16xf32>
          %parallel_loop3A_804 = vector.broadcast %parallel_loop3A_803 : f32 to vector<16xf32>
          %parallel_loop3A_805 = arith.select %parallel_loop3A_722, %parallel_loop3A_804, %parallel_loop3A_716 : vector<16xi1>, vector<16xf32>
          %parallel_loop3A_806 = arith.constant 4 : i32
          %parallel_loop3A_807 = arith.muli %scan3A_534, %parallel_loop3A_806 : i32
          %parallel_loop3A_808 = arith.constant 3 : i32
          %parallel_loop3A_809 = arith.addi %parallel_loop3A_807, %parallel_loop3A_808 : i32
          %parallel_loop3A_810 = vector.broadcast %parallel_loop3A_809 : i32 to vector<16xi32>
          %parallel_loop3A_811 = arith.cmpi eq, %iota3A, %parallel_loop3A_810 : vector<16xi32>
          %parallel_loop3A_812 = arith.constant 3 : i32
          %parallel_loop3A_813 = arith.addi %parallel_loop3A_538, %parallel_loop3A_812 : i32
          %parallel_loop3A_814 = arith.constant 0 : i32
          %parallel_loop3A_815 = arith.constant 0 : i32
          %parallel_loop3A_816 = tpu.memref_slice %arg9[%parallel_loop3A_490, %parallel_loop3A_814, %parallel_loop3A_815] : memref<4x80x128xbf16, #tpu.memory_space<vmem>> -> memref<1x80x128xbf16, #tpu.memory_space<vmem>>
          %parallel_loop3A_817 = tpu.memref_squeeze %parallel_loop3A_816 : memref<1x80x128xbf16, #tpu.memory_space<vmem>> -> memref<80x128xbf16, #tpu.memory_space<vmem>>
          %parallel_loop3A_818 = arith.index_cast %parallel_loop3A_813 : i32 to index
          %parallel_loop3A_819 = arith.constant 0 : index
          %parallel_loop3A_820 = tpu.vector_load %parallel_loop3A_817[%parallel_loop3A_818, %parallel_loop3A_819] {strides = array<i32>} : memref<80x128xbf16, #tpu.memory_space<vmem>>, vector<32xbf16>,
          %parallel_loop3A_821 = arith.constant 0 : i32
          %parallel_loop3A_822 = arith.constant 0 : i32
          %parallel_loop3A_823 = tpu.memref_slice %arg10[%parallel_loop3A_491, %parallel_loop3A_821, %parallel_loop3A_822] : memref<4x80x128xbf16, #tpu.memory_space<vmem>> -> memref<1x80x128xbf16, #tpu.memory_space<vmem>>
          %parallel_loop3A_824 = tpu.memref_squeeze %parallel_loop3A_823 : memref<1x80x128xbf16, #tpu.memory_space<vmem>> -> memref<80x128xbf16, #tpu.memory_space<vmem>>
          %parallel_loop3A_825 = arith.index_cast %parallel_loop3A_813 : i32 to index
          %parallel_loop3A_826 = arith.constant 0 : index
          %parallel_loop3A_827 = tpu.vector_load %parallel_loop3A_824[%parallel_loop3A_825, %parallel_loop3A_826] {strides = array<i32>} : memref<80x128xbf16, #tpu.memory_space<vmem>>, vector<32xbf16>,
          %parallel_loop3A_828 = arith.mulf %parallel_loop3A_820, %parallel_loop3A_827 : vector<32xbf16>
          %parallel_loop3A_829 = tpu.unpack_subelements %parallel_loop3A_828, 0 {pack_format = #tpu.pack_format<interleaved>} : vector<32xbf16> -> vector<16xf32>
          %parallel_loop3A_830 = tpu.unpack_subelements %parallel_loop3A_828, 1 {pack_format = #tpu.pack_format<interleaved>} : vector<32xbf16> -> vector<16xf32>
          %parallel_loop3A_831 = arith.addf %parallel_loop3A_829, %parallel_loop3A_830 : vector<16xf32>
          %parallel_loop3A_832 = arith.constant 0 : i32
          %parallel_loop3A_833 = arith.constant 0 : i32
          %parallel_loop3A_834 = tpu.memref_slice %arg9[%parallel_loop3A_490, %parallel_loop3A_832, %parallel_loop3A_833] : memref<4x80x128xbf16, #tpu.memory_space<vmem>> -> memref<1x80x128xbf16, #tpu.memory_space<vmem>>
          %parallel_loop3A_835 = tpu.memref_squeeze %parallel_loop3A_834 : memref<1x80x128xbf16, #tpu.memory_space<vmem>> -> memref<80x128xbf16, #tpu.memory_space<vmem>>
          %parallel_loop3A_836 = arith.index_cast %parallel_loop3A_813 : i32 to index
          %parallel_loop3A_837 = arith.constant 32 : index
          %parallel_loop3A_838 = tpu.vector_load %parallel_loop3A_835[%parallel_loop3A_836, %parallel_loop3A_837] {strides = array<i32>} : memref<80x128xbf16, #tpu.memory_space<vmem>>, vector<32xbf16>,
          %parallel_loop3A_839 = arith.constant 0 : i32
          %parallel_loop3A_840 = arith.constant 0 : i32
          %parallel_loop3A_841 = tpu.memref_slice %arg10[%parallel_loop3A_491, %parallel_loop3A_839, %parallel_loop3A_840] : memref<4x80x128xbf16, #tpu.memory_space<vmem>> -> memref<1x80x128xbf16, #tpu.memory_space<vmem>>
          %parallel_loop3A_842 = tpu.memref_squeeze %parallel_loop3A_841 : memref<1x80x128xbf16, #tpu.memory_space<vmem>> -> memref<80x128xbf16, #tpu.memory_space<vmem>>
          %parallel_loop3A_843 = arith.index_cast %parallel_loop3A_813 : i32 to index
          %parallel_loop3A_844 = arith.constant 32 : index
          %parallel_loop3A_845 = tpu.vector_load %parallel_loop3A_842[%parallel_loop3A_843, %parallel_loop3A_844] {strides = array<i32>} : memref<80x128xbf16, #tpu.memory_space<vmem>>, vector<32xbf16>,
          %parallel_loop3A_846 = arith.mulf %parallel_loop3A_838, %parallel_loop3A_845 : vector<32xbf16>
          %parallel_loop3A_847 = tpu.unpack_subelements %parallel_loop3A_846, 0 {pack_format = #tpu.pack_format<interleaved>} : vector<32xbf16> -> vector<16xf32>
          %parallel_loop3A_848 = tpu.unpack_subelements %parallel_loop3A_846, 1 {pack_format = #tpu.pack_format<interleaved>} : vector<32xbf16> -> vector<16xf32>
          %parallel_loop3A_849 = arith.addf %parallel_loop3A_847, %parallel_loop3A_848 : vector<16xf32>
          %parallel_loop3A_850 = arith.constant 0 : i32
          %parallel_loop3A_851 = arith.constant 0 : i32
          %parallel_loop3A_852 = tpu.memref_slice %arg9[%parallel_loop3A_490, %parallel_loop3A_850, %parallel_loop3A_851] : memref<4x80x128xbf16, #tpu.memory_space<vmem>> -> memref<1x80x128xbf16, #tpu.memory_space<vmem>>
          %parallel_loop3A_853 = tpu.memref_squeeze %parallel_loop3A_852 : memref<1x80x128xbf16, #tpu.memory_space<vmem>> -> memref<80x128xbf16, #tpu.memory_space<vmem>>
          %parallel_loop3A_854 = arith.index_cast %parallel_loop3A_813 : i32 to index
          %parallel_loop3A_855 = arith.constant 64 : index
          %parallel_loop3A_856 = tpu.vector_load %parallel_loop3A_853[%parallel_loop3A_854, %parallel_loop3A_855] {strides = array<i32>} : memref<80x128xbf16, #tpu.memory_space<vmem>>, vector<32xbf16>,
          %parallel_loop3A_857 = arith.constant 0 : i32
          %parallel_loop3A_858 = arith.constant 0 : i32
          %parallel_loop3A_859 = tpu.memref_slice %arg10[%parallel_loop3A_491, %parallel_loop3A_857, %parallel_loop3A_858] : memref<4x80x128xbf16, #tpu.memory_space<vmem>> -> memref<1x80x128xbf16, #tpu.memory_space<vmem>>
          %parallel_loop3A_860 = tpu.memref_squeeze %parallel_loop3A_859 : memref<1x80x128xbf16, #tpu.memory_space<vmem>> -> memref<80x128xbf16, #tpu.memory_space<vmem>>
          %parallel_loop3A_861 = arith.index_cast %parallel_loop3A_813 : i32 to index
          %parallel_loop3A_862 = arith.constant 64 : index
          %parallel_loop3A_863 = tpu.vector_load %parallel_loop3A_860[%parallel_loop3A_861, %parallel_loop3A_862] {strides = array<i32>} : memref<80x128xbf16, #tpu.memory_space<vmem>>, vector<32xbf16>,
          %parallel_loop3A_864 = arith.mulf %parallel_loop3A_856, %parallel_loop3A_863 : vector<32xbf16>
          %parallel_loop3A_865 = tpu.unpack_subelements %parallel_loop3A_864, 0 {pack_format = #tpu.pack_format<interleaved>} : vector<32xbf16> -> vector<16xf32>
          %parallel_loop3A_866 = tpu.unpack_subelements %parallel_loop3A_864, 1 {pack_format = #tpu.pack_format<interleaved>} : vector<32xbf16> -> vector<16xf32>
          %parallel_loop3A_867 = arith.addf %parallel_loop3A_865, %parallel_loop3A_866 : vector<16xf32>
          %parallel_loop3A_868 = arith.constant 0 : i32
          %parallel_loop3A_869 = arith.constant 0 : i32
          %parallel_loop3A_870 = tpu.memref_slice %arg9[%parallel_loop3A_490, %parallel_loop3A_868, %parallel_loop3A_869] : memref<4x80x128xbf16, #tpu.memory_space<vmem>> -> memref<1x80x128xbf16, #tpu.memory_space<vmem>>
          %parallel_loop3A_871 = tpu.memref_squeeze %parallel_loop3A_870 : memref<1x80x128xbf16, #tpu.memory_space<vmem>> -> memref<80x128xbf16, #tpu.memory_space<vmem>>
          %parallel_loop3A_872 = arith.index_cast %parallel_loop3A_813 : i32 to index
          %parallel_loop3A_873 = arith.constant 96 : index
          %parallel_loop3A_874 = tpu.vector_load %parallel_loop3A_871[%parallel_loop3A_872, %parallel_loop3A_873] {strides = array<i32>} : memref<80x128xbf16, #tpu.memory_space<vmem>>, vector<32xbf16>,
          %parallel_loop3A_875 = arith.constant 0 : i32
          %parallel_loop3A_876 = arith.constant 0 : i32
          %parallel_loop3A_877 = tpu.memref_slice %arg10[%parallel_loop3A_491, %parallel_loop3A_875, %parallel_loop3A_876] : memref<4x80x128xbf16, #tpu.memory_space<vmem>> -> memref<1x80x128xbf16, #tpu.memory_space<vmem>>
          %parallel_loop3A_878 = tpu.memref_squeeze %parallel_loop3A_877 : memref<1x80x128xbf16, #tpu.memory_space<vmem>> -> memref<80x128xbf16, #tpu.memory_space<vmem>>
          %parallel_loop3A_879 = arith.index_cast %parallel_loop3A_813 : i32 to index
          %parallel_loop3A_880 = arith.constant 96 : index
          %parallel_loop3A_881 = tpu.vector_load %parallel_loop3A_878[%parallel_loop3A_879, %parallel_loop3A_880] {strides = array<i32>} : memref<80x128xbf16, #tpu.memory_space<vmem>>, vector<32xbf16>,
          %parallel_loop3A_882 = arith.mulf %parallel_loop3A_874, %parallel_loop3A_881 : vector<32xbf16>
          %parallel_loop3A_883 = tpu.unpack_subelements %parallel_loop3A_882, 0 {pack_format = #tpu.pack_format<interleaved>} : vector<32xbf16> -> vector<16xf32>
          %parallel_loop3A_884 = tpu.unpack_subelements %parallel_loop3A_882, 1 {pack_format = #tpu.pack_format<interleaved>} : vector<32xbf16> -> vector<16xf32>
          %parallel_loop3A_885 = arith.addf %parallel_loop3A_883, %parallel_loop3A_884 : vector<16xf32>
          %parallel_loop3A_886 = arith.addf %parallel_loop3A_831, %parallel_loop3A_849 : vector<16xf32>
          %parallel_loop3A_887 = arith.addf %parallel_loop3A_867, %parallel_loop3A_885 : vector<16xf32>
          %parallel_loop3A_888 = arith.addf %parallel_loop3A_886, %parallel_loop3A_887 : vector<16xf32>
          %parallel_loop3A_889 = arith.constant true
          %parallel_loop3A_890 = vector.broadcast %parallel_loop3A_889 : i1 to vector<16xi1>
          %parallel_loop3A_891 = tpu.scan <sum>, %parallel_loop3A_888 masked %parallel_loop3A_890 : vector<16xf32>, vector<16xi1> -> vector<16xf32>
          %parallel_loop3A_892 = vector.extract %parallel_loop3A_891[15] : f32 from vector<16xf32>
          %parallel_loop3A_893 = vector.broadcast %parallel_loop3A_892 : f32 to vector<16xf32>
          %parallel_loop3A_894 = arith.select %parallel_loop3A_811, %parallel_loop3A_893, %parallel_loop3A_805 : vector<16xi1>, vector<16xf32>
          scf.yield %parallel_loop3A_894 : vector<16xf32>
        }
        %parallel_loop3A_518 = arith.constant 4 : i32
        %parallel_loop3A_519 = arith.constant 0.000000e+00 : f32
        %parallel_loop3A_520 = vector.broadcast %parallel_loop3A_519 : f32 to vector<16xf32>
        %parallel_loop3A_521 = arith.subf %parallel_loop3A_520, %parallel_loop3A_517 : vector<16xf32>
        %parallel_loop3A_522 = math.exp %parallel_loop3A_521 : vector<16xf32>
        %parallel_loop3A_523 = arith.constant 1.000000e+00 : f32
        %parallel_loop3A_524 = vector.broadcast %parallel_loop3A_523 : f32 to vector<16xf32>
        %parallel_loop3A_525 = arith.addf %parallel_loop3A_524, %parallel_loop3A_522 : vector<16xf32>
        %parallel_loop3A_526 = arith.constant 1.000000e+00 : f32
        %parallel_loop3A_527 = vector.broadcast %parallel_loop3A_526 : f32 to vector<16xf32>
        %parallel_loop3A_528 = arith.divf %parallel_loop3A_527, %parallel_loop3A_525 : vector<16xf32>
        %parallel_loop3A_529 = arith.constant 0 : i32
        %parallel_loop3A_530 = tpu.memref_slice %arg11[%parallel_loop3A_492, %parallel_loop3A_529] : memref<4x80xf32, #tpu.memory_space<vmem>> -> memref<1x80xf32, #tpu.memory_space<vmem>>
        %parallel_loop3A_531 = tpu.memref_squeeze %parallel_loop3A_530 : memref<1x80xf32, #tpu.memory_space<vmem>> -> memref<80xf32, #tpu.memory_space<vmem>>
        %parallel_loop3A_532 = arith.index_cast %parallel_loop3A_510 : i32 to index
        %parallel_loop3A_533 = tpu.vector_load %parallel_loop3A_531[%parallel_loop3A_532] {strides = array<i32>} : memref<80xf32, #tpu.memory_space<vmem>>, vector<16xf32>,
        tpu.vector_store %parallel_loop3A_531[%parallel_loop3A_532], %parallel_loop3A_528 {strides = array<i32>} : memref<80xf32, #tpu.memory_space<vmem>>, vector<16xf32>,
      } {sc.loop_unroll_factor = 1 : i64, sc.parallel_access}
      %mul3A_493 = arith.constant 80 : i32
      %mul3A_494 = arith.muli %add3A_435, %mul3A_493 : i32
      %add3A_495 = arith.addi %mul3A_2, %mul3A_494 : i32
      %dma_start3A_496 = arith.constant 3 : i32
      %dma_start3A_497 = arith.constant 3 : i32
      %dma_start3A_498 = arith.constant 0 : i32
      %dma_start3A_499 = tpu.memref_slice %arg11[%dma_start3A_496, %dma_start3A_498] : memref<4x80xf32, #tpu.memory_space<vmem>> -> memref<1x80xf32, #tpu.memory_space<vmem>>
      %dma_start3A_500 = tpu.memref_squeeze %dma_start3A_499 : memref<1x80xf32, #tpu.memory_space<vmem>> -> memref<80xf32, #tpu.memory_space<vmem>>
      %dma_start3A_501 = tpu.memref_slice %arg5[%add3A_495] : memref<320000xf32, #tpu.memory_space<hbm>> -> memref<80xf32, #tpu.memory_space<hbm>>
      %dma_start3A_502 = tpu.memref_slice %arg14[%dma_start3A_497] : memref<4x!tpu.dma_semaphore, #tpu.memory_space<semaphore_mem>> -> memref<1x!tpu.dma_semaphore, #tpu.memory_space<semaphore_mem>>
      %dma_start3A_503 = tpu.memref_squeeze %dma_start3A_502 : memref<1x!tpu.dma_semaphore, #tpu.memory_space<semaphore_mem>> -> memref<!tpu.dma_semaphore, #tpu.memory_space<semaphore_mem>>
      %dma_start3A_504 = tpu.memref_slice %arg5[%add3A_495] : memref<320000xf32, #tpu.memory_space<hbm>> -> memref<80xf32, #tpu.memory_space<hbm>>
      %dma_start3A_505 = arith.constant 0 : i32
      %dma_start3A_506 = tpu.memref_slice %arg11[%dma_start3A_496, %dma_start3A_505] : memref<4x80xf32, #tpu.memory_space<vmem>> -> memref<1x80xf32, #tpu.memory_space<vmem>>
      %dma_start3A_507 = tpu.memref_squeeze %dma_start3A_506 : memref<1x80xf32, #tpu.memory_space<vmem>> -> memref<80xf32, #tpu.memory_space<vmem>>
      tpu.enqueue_dma source(%dma_start3A_507 : memref<80xf32, #tpu.memory_space<vmem>>) target(%dma_start3A_504 : memref<80xf32, #tpu.memory_space<hbm>>) target_semaphore(%dma_start3A_503 : memref<!tpu.dma_semaphore, #tpu.memory_space<semaphore_mem>>)
    }
    %scan3A_86 = arith.constant 31 : i32
    %dma_wait3A = arith.constant 0 : i32
    %dma_wait3A_87 = arith.constant 0 : i32
    %dma_wait3A_88 = arith.constant 0 : i32
    %dma_wait3A_89 = arith.constant 0 : i32
    %dma_wait3A_90 = tpu.memref_slice %arg9[%dma_wait3A, %dma_wait3A_88, %dma_wait3A_89] : memref<4x80x128xbf16, #tpu.memory_space<vmem>> -> memref<1x80x128xbf16, #tpu.memory_space<vmem>>
    %dma_wait3A_91 = tpu.memref_squeeze %dma_wait3A_90 : memref<1x80x128xbf16, #tpu.memory_space<vmem>> -> memref<80x128xbf16, #tpu.memory_space<vmem>>
    %dma_wait3A_92 = arith.constant 0 : i32
    %dma_wait3A_93 = arith.constant 0 : i32
    %dma_wait3A_94 = tpu.memref_slice %arg2[%dma_wait3A_92, %dma_wait3A_93] : memref<10000x128xbf16, #tpu.memory_space<hbm>> -> memref<80x128xbf16, #tpu.memory_space<hbm>>
    %dma_wait3A_95 = tpu.memref_slice %arg12[%dma_wait3A_87] : memref<4x!tpu.dma_semaphore, #tpu.memory_space<semaphore_mem>> -> memref<1x!tpu.dma_semaphore, #tpu.memory_space<semaphore_mem>>
    %dma_wait3A_96 = tpu.memref_squeeze %dma_wait3A_95 : memref<1x!tpu.dma_semaphore, #tpu.memory_space<semaphore_mem>> -> memref<!tpu.dma_semaphore, #tpu.memory_space<semaphore_mem>>
    %dma_wait3A_97 = arith.constant 0 : i32
    %dma_wait3A_98 = arith.constant 0 : i32
    %dma_wait3A_99 = tpu.memref_slice %arg9[%dma_wait3A, %dma_wait3A_97, %dma_wait3A_98] : memref<4x80x128xbf16, #tpu.memory_space<vmem>> -> memref<1x80x128xbf16, #tpu.memory_space<vmem>>
    %dma_wait3A_100 = tpu.memref_squeeze %dma_wait3A_99 : memref<1x80x128xbf16, #tpu.memory_space<vmem>> -> memref<80x128xbf16, #tpu.memory_space<vmem>>
    %dma_wait3A_101 = arith.constant 0 : i32
    %dma_wait3A_102 = arith.constant 0 : i32
    %dma_wait3A_103 = tpu.memref_slice %arg2[%dma_wait3A_101, %dma_wait3A_102] : memref<10000x128xbf16, #tpu.memory_space<hbm>> -> memref<80x128xbf16, #tpu.memory_space<hbm>>
    tpu.wait_dma2 semaphore(%dma_wait3A_96 : memref<!tpu.dma_semaphore, #tpu.memory_space<semaphore_mem>>) src(%dma_wait3A_103 : memref<80x128xbf16, #tpu.memory_space<hbm>>) dst(%dma_wait3A_100 : memref<80x128xbf16, #tpu.memory_space<vmem>>)
    %dma_wait3A_104 = arith.constant 0 : i32
    %dma_wait3A_105 = arith.constant 0 : i32
    %dma_wait3A_106 = arith.constant 0 : i32
    %dma_wait3A_107 = arith.constant 0 : i32
    %dma_wait3A_108 = tpu.memref_slice %arg10[%dma_wait3A_104, %dma_wait3A_106, %dma_wait3A_107] : memref<4x80x128xbf16, #tpu.memory_space<vmem>> -> memref<1x80x128xbf16, #tpu.memory_space<vmem>>
    %dma_wait3A_109 = tpu.memref_squeeze %dma_wait3A_108 : memref<1x80x128xbf16, #tpu.memory_space<vmem>> -> memref<80x128xbf16, #tpu.memory_space<vmem>>
    %dma_wait3A_110 = arith.constant 0 : i32
    %dma_wait3A_111 = arith.constant 0 : i32
    %dma_wait3A_112 = tpu.memref_slice %arg2[%dma_wait3A_110, %dma_wait3A_111] : memref<10000x128xbf16, #tpu.memory_space<hbm>> -> memref<80x128xbf16, #tpu.memory_space<hbm>>
    %dma_wait3A_113 = tpu.memref_slice %arg13[%dma_wait3A_105] : memref<4x!tpu.dma_semaphore, #tpu.memory_space<semaphore_mem>> -> memref<1x!tpu.dma_semaphore, #tpu.memory_space<semaphore_mem>>
    %dma_wait3A_114 = tpu.memref_squeeze %dma_wait3A_113 : memref<1x!tpu.dma_semaphore, #tpu.memory_space<semaphore_mem>> -> memref<!tpu.dma_semaphore, #tpu.memory_space<semaphore_mem>>
    %dma_wait3A_115 = arith.constant 0 : i32
    %dma_wait3A_116 = arith.constant 0 : i32
    %dma_wait3A_117 = tpu.memref_slice %arg10[%dma_wait3A_104, %dma_wait3A_115, %dma_wait3A_116] : memref<4x80x128xbf16, #tpu.memory_space<vmem>> -> memref<1x80x128xbf16, #tpu.memory_space<vmem>>
    %dma_wait3A_118 = tpu.memref_squeeze %dma_wait3A_117 : memref<1x80x128xbf16, #tpu.memory_space<vmem>> -> memref<80x128xbf16, #tpu.memory_space<vmem>>
    %dma_wait3A_119 = arith.constant 0 : i32
    %dma_wait3A_120 = arith.constant 0 : i32
    %dma_wait3A_121 = tpu.memref_slice %arg2[%dma_wait3A_119, %dma_wait3A_120] : memref<10000x128xbf16, #tpu.memory_space<hbm>> -> memref<80x128xbf16, #tpu.memory_space<hbm>>
    tpu.wait_dma2 semaphore(%dma_wait3A_114 : memref<!tpu.dma_semaphore, #tpu.memory_space<semaphore_mem>>) src(%dma_wait3A_121 : memref<80x128xbf16, #tpu.memory_space<hbm>>) dst(%dma_wait3A_118 : memref<80x128xbf16, #tpu.memory_space<vmem>>)
    %dma_wait3A_122 = arith.constant 0 : i32
    %dma_wait3A_123 = arith.constant 0 : i32
    %dma_wait3A_124 = arith.constant 0 : i32
    %dma_wait3A_125 = tpu.memref_slice %arg11[%dma_wait3A_122, %dma_wait3A_124] : memref<4x80xf32, #tpu.memory_space<vmem>> -> memref<1x80xf32, #tpu.memory_space<vmem>>
    %dma_wait3A_126 = tpu.memref_squeeze %dma_wait3A_125 : memref<1x80xf32, #tpu.memory_space<vmem>> -> memref<80xf32, #tpu.memory_space<vmem>>
    %dma_wait3A_127 = arith.constant 0 : i32
    %dma_wait3A_128 = tpu.memref_slice %arg5[%dma_wait3A_127] : memref<320000xf32, #tpu.memory_space<hbm>> -> memref<80xf32, #tpu.memory_space<hbm>>
    %dma_wait3A_129 = tpu.memref_slice %arg14[%dma_wait3A_123] : memref<4x!tpu.dma_semaphore, #tpu.memory_space<semaphore_mem>> -> memref<1x!tpu.dma_semaphore, #tpu.memory_space<semaphore_mem>>
    %dma_wait3A_130 = tpu.memref_squeeze %dma_wait3A_129 : memref<1x!tpu.dma_semaphore, #tpu.memory_space<semaphore_mem>> -> memref<!tpu.dma_semaphore, #tpu.memory_space<semaphore_mem>>
    %dma_wait3A_131 = arith.constant 0 : i32
    %dma_wait3A_132 = tpu.memref_slice %arg5[%dma_wait3A_131] : memref<320000xf32, #tpu.memory_space<hbm>> -> memref<80xf32, #tpu.memory_space<hbm>>
    %dma_wait3A_133 = arith.constant 0 : i32
    %dma_wait3A_134 = tpu.memref_slice %arg11[%dma_wait3A_122, %dma_wait3A_133] : memref<4x80xf32, #tpu.memory_space<vmem>> -> memref<1x80xf32, #tpu.memory_space<vmem>>
    %dma_wait3A_135 = tpu.memref_squeeze %dma_wait3A_134 : memref<1x80xf32, #tpu.memory_space<vmem>> -> memref<80xf32, #tpu.memory_space<vmem>>
    tpu.wait_dma2 semaphore(%dma_wait3A_130 : memref<!tpu.dma_semaphore, #tpu.memory_space<semaphore_mem>>) src(%dma_wait3A_135 : memref<80xf32, #tpu.memory_space<vmem>>) dst(%dma_wait3A_132 : memref<80xf32, #tpu.memory_space<hbm>>)
    %parallel_loop3A = arith.constant 0 : i32
    %parallel_loop3A_136 = arith.constant 5 : i32
    %parallel_loop3A_137 = arith.constant 1 : i32
    %parallel_loop3A_138 = arith.constant 0 : i32
    %parallel_loop3A_139 = arith.constant 0 : i32
    %parallel_loop3A_140 = arith.constant 0 : i32
    scf.for %parallel_loop3A_211 = %parallel_loop3A to %parallel_loop3A_136 step %parallel_loop3A_137  : i32 {
      %parallel_loop3A_212 = arith.constant 16 : i32
      %parallel_loop3A_213 = arith.muli %parallel_loop3A_211, %parallel_loop3A_212 : i32
      %parallel_loop3A_214 = arith.constant 0.000000e+00 : f32
      %parallel_loop3A_215 = vector.broadcast %parallel_loop3A_214 : f32 to vector<16xf32>
      %parallel_loop3A_216 = arith.constant 0 : i32
      %parallel_loop3A_217 = arith.constant 4 : i32
      %parallel_loop3A_218 = arith.addi %parallel_loop3A_216, %parallel_loop3A_217 : i32
      %parallel_loop3A_219 = arith.constant 1 : i32
      %parallel_loop3A_220 = scf.for %scan3A_237 = %parallel_loop3A_216 to %parallel_loop3A_218 step %parallel_loop3A_219 iter_args(%scan3A_238 = %parallel_loop3A_215) -> (vector<16xf32>)  : i32 {
        %parallel_loop3A_239 = arith.constant 4 : i32
        %parallel_loop3A_240 = arith.muli %scan3A_237, %parallel_loop3A_239 : i32
        %parallel_loop3A_241 = arith.addi %parallel_loop3A_213, %parallel_loop3A_240 : i32
        %parallel_loop3A_242 = arith.constant 4 : i32
        %parallel_loop3A_243 = arith.muli %scan3A_237, %parallel_loop3A_242 : i32
        %parallel_loop3A_244 = arith.constant 0 : i32
        %parallel_loop3A_245 = arith.addi %parallel_loop3A_243, %parallel_loop3A_244 : i32
        %parallel_loop3A_246 = vector.broadcast %parallel_loop3A_245 : i32 to vector<16xi32>
        %parallel_loop3A_247 = arith.cmpi eq, %iota3A, %parallel_loop3A_246 : vector<16xi32>
        %parallel_loop3A_248 = arith.constant 0 : i32
        %parallel_loop3A_249 = arith.addi %parallel_loop3A_241, %parallel_loop3A_248 : i32
        %parallel_loop3A_250 = arith.constant 0 : i32
        %parallel_loop3A_251 = arith.constant 0 : i32
        %parallel_loop3A_252 = tpu.memref_slice %arg9[%parallel_loop3A_138, %parallel_loop3A_250, %parallel_loop3A_251] : memref<4x80x128xbf16, #tpu.memory_space<vmem>> -> memref<1x80x128xbf16, #tpu.memory_space<vmem>>
        %parallel_loop3A_253 = tpu.memref_squeeze %parallel_loop3A_252 : memref<1x80x128xbf16, #tpu.memory_space<vmem>> -> memref<80x128xbf16, #tpu.memory_space<vmem>>
        %parallel_loop3A_254 = arith.index_cast %parallel_loop3A_249 : i32 to index
        %parallel_loop3A_255 = arith.constant 0 : index
        %parallel_loop3A_256 = tpu.vector_load %parallel_loop3A_253[%parallel_loop3A_254, %parallel_loop3A_255] {strides = array<i32>} : memref<80x128xbf16, #tpu.memory_space<vmem>>, vector<32xbf16>,
        %parallel_loop3A_257 = arith.constant 0 : i32
        %parallel_loop3A_258 = arith.constant 0 : i32
        %parallel_loop3A_259 = tpu.memref_slice %arg10[%parallel_loop3A_139, %parallel_loop3A_257, %parallel_loop3A_258] : memref<4x80x128xbf16, #tpu.memory_space<vmem>> -> memref<1x80x128xbf16, #tpu.memory_space<vmem>>
        %parallel_loop3A_260 = tpu.memref_squeeze %parallel_loop3A_259 : memref<1x80x128xbf16, #tpu.memory_space<vmem>> -> memref<80x128xbf16, #tpu.memory_space<vmem>>
        %parallel_loop3A_261 = arith.index_cast %parallel_loop3A_249 : i32 to index
        %parallel_loop3A_262 = arith.constant 0 : index
        %parallel_loop3A_263 = tpu.vector_load %parallel_loop3A_260[%parallel_loop3A_261, %parallel_loop3A_262] {strides = array<i32>} : memref<80x128xbf16, #tpu.memory_space<vmem>>, vector<32xbf16>,
        %parallel_loop3A_264 = arith.mulf %parallel_loop3A_256, %parallel_loop3A_263 : vector<32xbf16>
        %parallel_loop3A_265 = tpu.unpack_subelements %parallel_loop3A_264, 0 {pack_format = #tpu.pack_format<interleaved>} : vector<32xbf16> -> vector<16xf32>
        %parallel_loop3A_266 = tpu.unpack_subelements %parallel_loop3A_264, 1 {pack_format = #tpu.pack_format<interleaved>} : vector<32xbf16> -> vector<16xf32>
        %parallel_loop3A_267 = arith.addf %parallel_loop3A_265, %parallel_loop3A_266 : vector<16xf32>
        %parallel_loop3A_268 = arith.constant 0 : i32
        %parallel_loop3A_269 = arith.constant 0 : i32
        %parallel_loop3A_270 = tpu.memref_slice %arg9[%parallel_loop3A_138, %parallel_loop3A_268, %parallel_loop3A_269] : memref<4x80x128xbf16, #tpu.memory_space<vmem>> -> memref<1x80x128xbf16, #tpu.memory_space<vmem>>
        %parallel_loop3A_271 = tpu.memref_squeeze %parallel_loop3A_270 : memref<1x80x128xbf16, #tpu.memory_space<vmem>> -> memref<80x128xbf16, #tpu.memory_space<vmem>>
        %parallel_loop3A_272 = arith.index_cast %parallel_loop3A_249 : i32 to index
        %parallel_loop3A_273 = arith.constant 32 : index
        %parallel_loop3A_274 = tpu.vector_load %parallel_loop3A_271[%parallel_loop3A_272, %parallel_loop3A_273] {strides = array<i32>} : memref<80x128xbf16, #tpu.memory_space<vmem>>, vector<32xbf16>,
        %parallel_loop3A_275 = arith.constant 0 : i32
        %parallel_loop3A_276 = arith.constant 0 : i32
        %parallel_loop3A_277 = tpu.memref_slice %arg10[%parallel_loop3A_139, %parallel_loop3A_275, %parallel_loop3A_276] : memref<4x80x128xbf16, #tpu.memory_space<vmem>> -> memref<1x80x128xbf16, #tpu.memory_space<vmem>>
        %parallel_loop3A_278 = tpu.memref_squeeze %parallel_loop3A_277 : memref<1x80x128xbf16, #tpu.memory_space<vmem>> -> memref<80x128xbf16, #tpu.memory_space<vmem>>
        %parallel_loop3A_279 = arith.index_cast %parallel_loop3A_249 : i32 to index
        %parallel_loop3A_280 = arith.constant 32 : index
        %parallel_loop3A_281 = tpu.vector_load %parallel_loop3A_278[%parallel_loop3A_279, %parallel_loop3A_280] {strides = array<i32>} : memref<80x128xbf16, #tpu.memory_space<vmem>>, vector<32xbf16>,
        %parallel_loop3A_282 = arith.mulf %parallel_loop3A_274, %parallel_loop3A_281 : vector<32xbf16>
        %parallel_loop3A_283 = tpu.unpack_subelements %parallel_loop3A_282, 0 {pack_format = #tpu.pack_format<interleaved>} : vector<32xbf16> -> vector<16xf32>
        %parallel_loop3A_284 = tpu.unpack_subelements %parallel_loop3A_282, 1 {pack_format = #tpu.pack_format<interleaved>} : vector<32xbf16> -> vector<16xf32>
        %parallel_loop3A_285 = arith.addf %parallel_loop3A_283, %parallel_loop3A_284 : vector<16xf32>
        %parallel_loop3A_286 = arith.constant 0 : i32
        %parallel_loop3A_287 = arith.constant 0 : i32
        %parallel_loop3A_288 = tpu.memref_slice %arg9[%parallel_loop3A_138, %parallel_loop3A_286, %parallel_loop3A_287] : memref<4x80x128xbf16, #tpu.memory_space<vmem>> -> memref<1x80x128xbf16, #tpu.memory_space<vmem>>
        %parallel_loop3A_289 = tpu.memref_squeeze %parallel_loop3A_288 : memref<1x80x128xbf16, #tpu.memory_space<vmem>> -> memref<80x128xbf16, #tpu.memory_space<vmem>>
        %parallel_loop3A_290 = arith.index_cast %parallel_loop3A_249 : i32 to index
        %parallel_loop3A_291 = arith.constant 64 : index
        %parallel_loop3A_292 = tpu.vector_load %parallel_loop3A_289[%parallel_loop3A_290, %parallel_loop3A_291] {strides = array<i32>} : memref<80x128xbf16, #tpu.memory_space<vmem>>, vector<32xbf16>,
        %parallel_loop3A_293 = arith.constant 0 : i32
        %parallel_loop3A_294 = arith.constant 0 : i32
        %parallel_loop3A_295 = tpu.memref_slice %arg10[%parallel_loop3A_139, %parallel_loop3A_293, %parallel_loop3A_294] : memref<4x80x128xbf16, #tpu.memory_space<vmem>> -> memref<1x80x128xbf16, #tpu.memory_space<vmem>>
        %parallel_loop3A_296 = tpu.memref_squeeze %parallel_loop3A_295 : memref<1x80x128xbf16, #tpu.memory_space<vmem>> -> memref<80x128xbf16, #tpu.memory_space<vmem>>
        %parallel_loop3A_297 = arith.index_cast %parallel_loop3A_249 : i32 to index
        %parallel_loop3A_298 = arith.constant 64 : index
        %parallel_loop3A_299 = tpu.vector_load %parallel_loop3A_296[%parallel_loop3A_297, %parallel_loop3A_298] {strides = array<i32>} : memref<80x128xbf16, #tpu.memory_space<vmem>>, vector<32xbf16>,
        %parallel_loop3A_300 = arith.mulf %parallel_loop3A_292, %parallel_loop3A_299 : vector<32xbf16>
        %parallel_loop3A_301 = tpu.unpack_subelements %parallel_loop3A_300, 0 {pack_format = #tpu.pack_format<interleaved>} : vector<32xbf16> -> vector<16xf32>
        %parallel_loop3A_302 = tpu.unpack_subelements %parallel_loop3A_300, 1 {pack_format = #tpu.pack_format<interleaved>} : vector<32xbf16> -> vector<16xf32>
        %parallel_loop3A_303 = arith.addf %parallel_loop3A_301, %parallel_loop3A_302 : vector<16xf32>
        %parallel_loop3A_304 = arith.constant 0 : i32
        %parallel_loop3A_305 = arith.constant 0 : i32
        %parallel_loop3A_306 = tpu.memref_slice %arg9[%parallel_loop3A_138, %parallel_loop3A_304, %parallel_loop3A_305] : memref<4x80x128xbf16, #tpu.memory_space<vmem>> -> memref<1x80x128xbf16, #tpu.memory_space<vmem>>
        %parallel_loop3A_307 = tpu.memref_squeeze %parallel_loop3A_306 : memref<1x80x128xbf16, #tpu.memory_space<vmem>> -> memref<80x128xbf16, #tpu.memory_space<vmem>>
        %parallel_loop3A_308 = arith.index_cast %parallel_loop3A_249 : i32 to index
        %parallel_loop3A_309 = arith.constant 96 : index
        %parallel_loop3A_310 = tpu.vector_load %parallel_loop3A_307[%parallel_loop3A_308, %parallel_loop3A_309] {strides = array<i32>} : memref<80x128xbf16, #tpu.memory_space<vmem>>, vector<32xbf16>,
        %parallel_loop3A_311 = arith.constant 0 : i32
        %parallel_loop3A_312 = arith.constant 0 : i32
        %parallel_loop3A_313 = tpu.memref_slice %arg10[%parallel_loop3A_139, %parallel_loop3A_311, %parallel_loop3A_312] : memref<4x80x128xbf16, #tpu.memory_space<vmem>> -> memref<1x80x128xbf16, #tpu.memory_space<vmem>>
        %parallel_loop3A_314 = tpu.memref_squeeze %parallel_loop3A_313 : memref<1x80x128xbf16, #tpu.memory_space<vmem>> -> memref<80x128xbf16, #tpu.memory_space<vmem>>
        %parallel_loop3A_315 = arith.index_cast %parallel_loop3A_249 : i32 to index
        %parallel_loop3A_316 = arith.constant 96 : index
        %parallel_loop3A_317 = tpu.vector_load %parallel_loop3A_314[%parallel_loop3A_315, %parallel_loop3A_316] {strides = array<i32>} : memref<80x128xbf16, #tpu.memory_space<vmem>>, vector<32xbf16>,
        %parallel_loop3A_318 = arith.mulf %parallel_loop3A_310, %parallel_loop3A_317 : vector<32xbf16>
        %parallel_loop3A_319 = tpu.unpack_subelements %parallel_loop3A_318, 0 {pack_format = #tpu.pack_format<interleaved>} : vector<32xbf16> -> vector<16xf32>
        %parallel_loop3A_320 = tpu.unpack_subelements %parallel_loop3A_318, 1 {pack_format = #tpu.pack_format<interleaved>} : vector<32xbf16> -> vector<16xf32>
        %parallel_loop3A_321 = arith.addf %parallel_loop3A_319, %parallel_loop3A_320 : vector<16xf32>
        %parallel_loop3A_322 = arith.addf %parallel_loop3A_267, %parallel_loop3A_285 : vector<16xf32>
        %parallel_loop3A_323 = arith.addf %parallel_loop3A_303, %parallel_loop3A_321 : vector<16xf32>
        %parallel_loop3A_324 = arith.addf %parallel_loop3A_322, %parallel_loop3A_323 : vector<16xf32>
        %parallel_loop3A_325 = arith.constant true
        %parallel_loop3A_326 = vector.broadcast %parallel_loop3A_325 : i1 to vector<16xi1>
        %parallel_loop3A_327 = tpu.scan <sum>, %parallel_loop3A_324 masked %parallel_loop3A_326 : vector<16xf32>, vector<16xi1> -> vector<16xf32>
        %parallel_loop3A_328 = vector.extract %parallel_loop3A_327[15] : f32 from vector<16xf32>
        %parallel_loop3A_329 = vector.broadcast %parallel_loop3A_328 : f32 to vector<16xf32>
        %parallel_loop3A_330 = arith.select %parallel_loop3A_247, %parallel_loop3A_329, %scan3A_238 : vector<16xi1>, vector<16xf32>
        %parallel_loop3A_331 = arith.constant 4 : i32
        %parallel_loop3A_332 = arith.muli %scan3A_237, %parallel_loop3A_331 : i32
        %parallel_loop3A_333 = arith.constant 1 : i32
        %parallel_loop3A_334 = arith.addi %parallel_loop3A_332, %parallel_loop3A_333 : i32
        %parallel_loop3A_335 = vector.broadcast %parallel_loop3A_334 : i32 to vector<16xi32>
        %parallel_loop3A_336 = arith.cmpi eq, %iota3A, %parallel_loop3A_335 : vector<16xi32>
        %parallel_loop3A_337 = arith.constant 1 : i32
        %parallel_loop3A_338 = arith.addi %parallel_loop3A_241, %parallel_loop3A_337 : i32
        %parallel_loop3A_339 = arith.constant 0 : i32
        %parallel_loop3A_340 = arith.constant 0 : i32
        %parallel_loop3A_341 = tpu.memref_slice %arg9[%parallel_loop3A_138, %parallel_loop3A_339, %parallel_loop3A_340] : memref<4x80x128xbf16, #tpu.memory_space<vmem>> -> memref<1x80x128xbf16, #tpu.memory_space<vmem>>
        %parallel_loop3A_342 = tpu.memref_squeeze %parallel_loop3A_341 : memref<1x80x128xbf16, #tpu.memory_space<vmem>> -> memref<80x128xbf16, #tpu.memory_space<vmem>>
        %parallel_loop3A_343 = arith.index_cast %parallel_loop3A_338 : i32 to index
        %parallel_loop3A_344 = arith.constant 0 : index
        %parallel_loop3A_345 = tpu.vector_load %parallel_loop3A_342[%parallel_loop3A_343, %parallel_loop3A_344] {strides = array<i32>} : memref<80x128xbf16, #tpu.memory_space<vmem>>, vector<32xbf16>,
        %parallel_loop3A_346 = arith.constant 0 : i32
        %parallel_loop3A_347 = arith.constant 0 : i32
        %parallel_loop3A_348 = tpu.memref_slice %arg10[%parallel_loop3A_139, %parallel_loop3A_346, %parallel_loop3A_347] : memref<4x80x128xbf16, #tpu.memory_space<vmem>> -> memref<1x80x128xbf16, #tpu.memory_space<vmem>>
        %parallel_loop3A_349 = tpu.memref_squeeze %parallel_loop3A_348 : memref<1x80x128xbf16, #tpu.memory_space<vmem>> -> memref<80x128xbf16, #tpu.memory_space<vmem>>
        %parallel_loop3A_350 = arith.index_cast %parallel_loop3A_338 : i32 to index
        %parallel_loop3A_351 = arith.constant 0 : index
        %parallel_loop3A_352 = tpu.vector_load %parallel_loop3A_349[%parallel_loop3A_350, %parallel_loop3A_351] {strides = array<i32>} : memref<80x128xbf16, #tpu.memory_space<vmem>>, vector<32xbf16>,
        %parallel_loop3A_353 = arith.mulf %parallel_loop3A_345, %parallel_loop3A_352 : vector<32xbf16>
        %parallel_loop3A_354 = tpu.unpack_subelements %parallel_loop3A_353, 0 {pack_format = #tpu.pack_format<interleaved>} : vector<32xbf16> -> vector<16xf32>
        %parallel_loop3A_355 = tpu.unpack_subelements %parallel_loop3A_353, 1 {pack_format = #tpu.pack_format<interleaved>} : vector<32xbf16> -> vector<16xf32>
        %parallel_loop3A_356 = arith.addf %parallel_loop3A_354, %parallel_loop3A_355 : vector<16xf32>
        %parallel_loop3A_357 = arith.constant 0 : i32
        %parallel_loop3A_358 = arith.constant 0 : i32
        %parallel_loop3A_359 = tpu.memref_slice %arg9[%parallel_loop3A_138, %parallel_loop3A_357, %parallel_loop3A_358] : memref<4x80x128xbf16, #tpu.memory_space<vmem>> -> memref<1x80x128xbf16, #tpu.memory_space<vmem>>
        %parallel_loop3A_360 = tpu.memref_squeeze %parallel_loop3A_359 : memref<1x80x128xbf16, #tpu.memory_space<vmem>> -> memref<80x128xbf16, #tpu.memory_space<vmem>>
        %parallel_loop3A_361 = arith.index_cast %parallel_loop3A_338 : i32 to index
        %parallel_loop3A_362 = arith.constant 32 : index
        %parallel_loop3A_363 = tpu.vector_load %parallel_loop3A_360[%parallel_loop3A_361, %parallel_loop3A_362] {strides = array<i32>} : memref<80x128xbf16, #tpu.memory_space<vmem>>, vector<32xbf16>,
        %parallel_loop3A_364 = arith.constant 0 : i32
        %parallel_loop3A_365 = arith.constant 0 : i32
        %parallel_loop3A_366 = tpu.memref_slice %arg10[%parallel_loop3A_139, %parallel_loop3A_364, %parallel_loop3A_365] : memref<4x80x128xbf16, #tpu.memory_space<vmem>> -> memref<1x80x128xbf16, #tpu.memory_space<vmem>>
        %parallel_loop3A_367 = tpu.memref_squeeze %parallel_loop3A_366 : memref<1x80x128xbf16, #tpu.memory_space<vmem>> -> memref<80x128xbf16, #tpu.memory_space<vmem>>
        %parallel_loop3A_368 = arith.index_cast %parallel_loop3A_338 : i32 to index
        %parallel_loop3A_369 = arith.constant 32 : index
        %parallel_loop3A_370 = tpu.vector_load %parallel_loop3A_367[%parallel_loop3A_368, %parallel_loop3A_369] {strides = array<i32>} : memref<80x128xbf16, #tpu.memory_space<vmem>>, vector<32xbf16>,
        %parallel_loop3A_371 = arith.mulf %parallel_loop3A_363, %parallel_loop3A_370 : vector<32xbf16>
        %parallel_loop3A_372 = tpu.unpack_subelements %parallel_loop3A_371, 0 {pack_format = #tpu.pack_format<interleaved>} : vector<32xbf16> -> vector<16xf32>
        %parallel_loop3A_373 = tpu.unpack_subelements %parallel_loop3A_371, 1 {pack_format = #tpu.pack_format<interleaved>} : vector<32xbf16> -> vector<16xf32>
        %parallel_loop3A_374 = arith.addf %parallel_loop3A_372, %parallel_loop3A_373 : vector<16xf32>
        %parallel_loop3A_375 = arith.constant 0 : i32
        %parallel_loop3A_376 = arith.constant 0 : i32
        %parallel_loop3A_377 = tpu.memref_slice %arg9[%parallel_loop3A_138, %parallel_loop3A_375, %parallel_loop3A_376] : memref<4x80x128xbf16, #tpu.memory_space<vmem>> -> memref<1x80x128xbf16, #tpu.memory_space<vmem>>
        %parallel_loop3A_378 = tpu.memref_squeeze %parallel_loop3A_377 : memref<1x80x128xbf16, #tpu.memory_space<vmem>> -> memref<80x128xbf16, #tpu.memory_space<vmem>>
        %parallel_loop3A_379 = arith.index_cast %parallel_loop3A_338 : i32 to index
        %parallel_loop3A_380 = arith.constant 64 : index
        %parallel_loop3A_381 = tpu.vector_load %parallel_loop3A_378[%parallel_loop3A_379, %parallel_loop3A_380] {strides = array<i32>} : memref<80x128xbf16, #tpu.memory_space<vmem>>, vector<32xbf16>,
        %parallel_loop3A_382 = arith.constant 0 : i32
        %parallel_loop3A_383 = arith.constant 0 : i32
        %parallel_loop3A_384 = tpu.memref_slice %arg10[%parallel_loop3A_139, %parallel_loop3A_382, %parallel_loop3A_383] : memref<4x80x128xbf16, #tpu.memory_space<vmem>> -> memref<1x80x128xbf16, #tpu.memory_space<vmem>>
        %parallel_loop3A_385 = tpu.memref_squeeze %parallel_loop3A_384 : memref<1x80x128xbf16, #tpu.memory_space<vmem>> -> memref<80x128xbf16, #tpu.memory_space<vmem>>
        %parallel_loop3A_386 = arith.index_cast %parallel_loop3A_338 : i32 to index
        %parallel_loop3A_387 = arith.constant 64 : index
        %parallel_loop3A_388 = tpu.vector_load %parallel_loop3A_385[%parallel_loop3A_386, %parallel_loop3A_387] {strides = array<i32>} : memref<80x128xbf16, #tpu.memory_space<vmem>>, vector<32xbf16>,
        %parallel_loop3A_389 = arith.mulf %parallel_loop3A_381, %parallel_loop3A_388 : vector<32xbf16>
        %parallel_loop3A_390 = tpu.unpack_subelements %parallel_loop3A_389, 0 {pack_format = #tpu.pack_format<interleaved>} : vector<32xbf16> -> vector<16xf32>
        %parallel_loop3A_391 = tpu.unpack_subelements %parallel_loop3A_389, 1 {pack_format = #tpu.pack_format<interleaved>} : vector<32xbf16> -> vector<16xf32>
        %parallel_loop3A_392 = arith.addf %parallel_loop3A_390, %parallel_loop3A_391 : vector<16xf32>
        %parallel_loop3A_393 = arith.constant 0 : i32
        %parallel_loop3A_394 = arith.constant 0 : i32
        %parallel_loop3A_395 = tpu.memref_slice %arg9[%parallel_loop3A_138, %parallel_loop3A_393, %parallel_loop3A_394] : memref<4x80x128xbf16, #tpu.memory_space<vmem>> -> memref<1x80x128xbf16, #tpu.memory_space<vmem>>
        %parallel_loop3A_396 = tpu.memref_squeeze %parallel_loop3A_395 : memref<1x80x128xbf16, #tpu.memory_space<vmem>> -> memref<80x128xbf16, #tpu.memory_space<vmem>>
        %parallel_loop3A_397 = arith.index_cast %parallel_loop3A_338 : i32 to index
        %parallel_loop3A_398 = arith.constant 96 : index
        %parallel_loop3A_399 = tpu.vector_load %parallel_loop3A_396[%parallel_loop3A_397, %parallel_loop3A_398] {strides = array<i32>} : memref<80x128xbf16, #tpu.memory_space<vmem>>, vector<32xbf16>,
        %parallel_loop3A_400 = arith.constant 0 : i32
        %parallel_loop3A_401 = arith.constant 0 : i32
        %parallel_loop3A_402 = tpu.memref_slice %arg10[%parallel_loop3A_139, %parallel_loop3A_400, %parallel_loop3A_401] : memref<4x80x128xbf16, #tpu.memory_space<vmem>> -> memref<1x80x128xbf16, #tpu.memory_space<vmem>>
        %parallel_loop3A_403 = tpu.memref_squeeze %parallel_loop3A_402 : memref<1x80x128xbf16, #tpu.memory_space<vmem>> -> memref<80x128xbf16, #tpu.memory_space<vmem>>
        %parallel_loop3A_404 = arith.index_cast %parallel_loop3A_338 : i32 to index
        %parallel_loop3A_405 = arith.constant 96 : index
        %parallel_loop3A_406 = tpu.vector_load %parallel_loop3A_403[%parallel_loop3A_404, %parallel_loop3A_405] {strides = array<i32>} : memref<80x128xbf16, #tpu.memory_space<vmem>>, vector<32xbf16>,
        %parallel_loop3A_407 = arith.mulf %parallel_loop3A_399, %parallel_loop3A_406 : vector<32xbf16>
        %parallel_loop3A_408 = tpu.unpack_subelements %parallel_loop3A_407, 0 {pack_format = #tpu.pack_format<interleaved>} : vector<32xbf16> -> vector<16xf32>
        %parallel_loop3A_409 = tpu.unpack_subelements %parallel_loop3A_407, 1 {pack_format = #tpu.pack_format<interleaved>} : vector<32xbf16> -> vector<16xf32>
        %parallel_loop3A_410 = arith.addf %parallel_loop3A_408, %parallel_loop3A_409 : vector<16xf32>
        %parallel_loop3A_411 = arith.addf %parallel_loop3A_356, %parallel_loop3A_374 : vector<16xf32>
        %parallel_loop3A_412 = arith.addf %parallel_loop3A_392, %parallel_loop3A_410 : vector<16xf32>
        %parallel_loop3A_413 = arith.addf %parallel_loop3A_411, %parallel_loop3A_412 : vector<16xf32>
        %parallel_loop3A_414 = arith.constant true
        %parallel_loop3A_415 = vector.broadcast %parallel_loop3A_414 : i1 to vector<16xi1>
        %parallel_loop3A_416 = tpu.scan <sum>, %parallel_loop3A_413 masked %parallel_loop3A_415 : vector<16xf32>, vector<16xi1> -> vector<16xf32>
        %parallel_loop3A_417 = vector.extract %parallel_loop3A_416[15] : f32 from vector<16xf32>
        %parallel_loop3A_418 = vector.broadcast %parallel_loop3A_417 : f32 to vector<16xf32>
        %parallel_loop3A_419 = arith.select %parallel_loop3A_336, %parallel_loop3A_418, %parallel_loop3A_330 : vector<16xi1>, vector<16xf32>
        %parallel_loop3A_420 = arith.constant 4 : i32
        %parallel_loop3A_421 = arith.muli %scan3A_237, %parallel_loop3A_420 : i32
        %parallel_loop3A_422 = arith.constant 2 : i32
        %parallel_loop3A_423 = arith.addi %parallel_loop3A_421, %parallel_loop3A_422 : i32
        %parallel_loop3A_424 = vector.broadcast %parallel_loop3A_423 : i32 to vector<16xi32>
        %parallel_loop3A_425 = arith.cmpi eq, %iota3A, %parallel_loop3A_424 : vector<16xi32>
        %parallel_loop3A_426 = arith.constant 2 : i32
        %parallel_loop3A_427 = arith.addi %parallel_loop3A_241, %parallel_loop3A_426 : i32
        %parallel_loop3A_428 = arith.constant 0 : i32
        %parallel_loop3A_429 = arith.constant 0 : i32
        %parallel_loop3A_430 = tpu.memref_slice %arg9[%parallel_loop3A_138, %parallel_loop3A_428, %parallel_loop3A_429] : memref<4x80x128xbf16, #tpu.memory_space<vmem>> -> memref<1x80x128xbf16, #tpu.memory_space<vmem>>
        %parallel_loop3A_431 = tpu.memref_squeeze %parallel_loop3A_430 : memref<1x80x128xbf16, #tpu.memory_space<vmem>> -> memref<80x128xbf16, #tpu.memory_space<vmem>>
        %parallel_loop3A_432 = arith.index_cast %parallel_loop3A_427 : i32 to index
        %parallel_loop3A_433 = arith.constant 0 : index
        %parallel_loop3A_434 = tpu.vector_load %parallel_loop3A_431[%parallel_loop3A_432, %parallel_loop3A_433] {strides = array<i32>} : memref<80x128xbf16, #tpu.memory_space<vmem>>, vector<32xbf16>,
        %parallel_loop3A_435 = arith.constant 0 : i32
        %parallel_loop3A_436 = arith.constant 0 : i32
        %parallel_loop3A_437 = tpu.memref_slice %arg10[%parallel_loop3A_139, %parallel_loop3A_435, %parallel_loop3A_436] : memref<4x80x128xbf16, #tpu.memory_space<vmem>> -> memref<1x80x128xbf16, #tpu.memory_space<vmem>>
        %parallel_loop3A_438 = tpu.memref_squeeze %parallel_loop3A_437 : memref<1x80x128xbf16, #tpu.memory_space<vmem>> -> memref<80x128xbf16, #tpu.memory_space<vmem>>
        %parallel_loop3A_439 = arith.index_cast %parallel_loop3A_427 : i32 to index
        %parallel_loop3A_440 = arith.constant 0 : index
        %parallel_loop3A_441 = tpu.vector_load %parallel_loop3A_438[%parallel_loop3A_439, %parallel_loop3A_440] {strides = array<i32>} : memref<80x128xbf16, #tpu.memory_space<vmem>>, vector<32xbf16>,
        %parallel_loop3A_442 = arith.mulf %parallel_loop3A_434, %parallel_loop3A_441 : vector<32xbf16>
        %parallel_loop3A_443 = tpu.unpack_subelements %parallel_loop3A_442, 0 {pack_format = #tpu.pack_format<interleaved>} : vector<32xbf16> -> vector<16xf32>
        %parallel_loop3A_444 = tpu.unpack_subelements %parallel_loop3A_442, 1 {pack_format = #tpu.pack_format<interleaved>} : vector<32xbf16> -> vector<16xf32>
        %parallel_loop3A_445 = arith.addf %parallel_loop3A_443, %parallel_loop3A_444 : vector<16xf32>
        %parallel_loop3A_446 = arith.constant 0 : i32
        %parallel_loop3A_447 = arith.constant 0 : i32
        %parallel_loop3A_448 = tpu.memref_slice %arg9[%parallel_loop3A_138, %parallel_loop3A_446, %parallel_loop3A_447] : memref<4x80x128xbf16, #tpu.memory_space<vmem>> -> memref<1x80x128xbf16, #tpu.memory_space<vmem>>
        %parallel_loop3A_449 = tpu.memref_squeeze %parallel_loop3A_448 : memref<1x80x128xbf16, #tpu.memory_space<vmem>> -> memref<80x128xbf16, #tpu.memory_space<vmem>>
        %parallel_loop3A_450 = arith.index_cast %parallel_loop3A_427 : i32 to index
        %parallel_loop3A_451 = arith.constant 32 : index
        %parallel_loop3A_452 = tpu.vector_load %parallel_loop3A_449[%parallel_loop3A_450, %parallel_loop3A_451] {strides = array<i32>} : memref<80x128xbf16, #tpu.memory_space<vmem>>, vector<32xbf16>,
        %parallel_loop3A_453 = arith.constant 0 : i32
        %parallel_loop3A_454 = arith.constant 0 : i32
        %parallel_loop3A_455 = tpu.memref_slice %arg10[%parallel_loop3A_139, %parallel_loop3A_453, %parallel_loop3A_454] : memref<4x80x128xbf16, #tpu.memory_space<vmem>> -> memref<1x80x128xbf16, #tpu.memory_space<vmem>>
        %parallel_loop3A_456 = tpu.memref_squeeze %parallel_loop3A_455 : memref<1x80x128xbf16, #tpu.memory_space<vmem>> -> memref<80x128xbf16, #tpu.memory_space<vmem>>
        %parallel_loop3A_457 = arith.index_cast %parallel_loop3A_427 : i32 to index
        %parallel_loop3A_458 = arith.constant 32 : index
        %parallel_loop3A_459 = tpu.vector_load %parallel_loop3A_456[%parallel_loop3A_457, %parallel_loop3A_458] {strides = array<i32>} : memref<80x128xbf16, #tpu.memory_space<vmem>>, vector<32xbf16>,
        %parallel_loop3A_460 = arith.mulf %parallel_loop3A_452, %parallel_loop3A_459 : vector<32xbf16>
        %parallel_loop3A_461 = tpu.unpack_subelements %parallel_loop3A_460, 0 {pack_format = #tpu.pack_format<interleaved>} : vector<32xbf16> -> vector<16xf32>
        %parallel_loop3A_462 = tpu.unpack_subelements %parallel_loop3A_460, 1 {pack_format = #tpu.pack_format<interleaved>} : vector<32xbf16> -> vector<16xf32>
        %parallel_loop3A_463 = arith.addf %parallel_loop3A_461, %parallel_loop3A_462 : vector<16xf32>
        %parallel_loop3A_464 = arith.constant 0 : i32
        %parallel_loop3A_465 = arith.constant 0 : i32
        %parallel_loop3A_466 = tpu.memref_slice %arg9[%parallel_loop3A_138, %parallel_loop3A_464, %parallel_loop3A_465] : memref<4x80x128xbf16, #tpu.memory_space<vmem>> -> memref<1x80x128xbf16, #tpu.memory_space<vmem>>
        %parallel_loop3A_467 = tpu.memref_squeeze %parallel_loop3A_466 : memref<1x80x128xbf16, #tpu.memory_space<vmem>> -> memref<80x128xbf16, #tpu.memory_space<vmem>>
        %parallel_loop3A_468 = arith.index_cast %parallel_loop3A_427 : i32 to index
        %parallel_loop3A_469 = arith.constant 64 : index
        %parallel_loop3A_470 = tpu.vector_load %parallel_loop3A_467[%parallel_loop3A_468, %parallel_loop3A_469] {strides = array<i32>} : memref<80x128xbf16, #tpu.memory_space<vmem>>, vector<32xbf16>,
        %parallel_loop3A_471 = arith.constant 0 : i32
        %parallel_loop3A_472 = arith.constant 0 : i32
        %parallel_loop3A_473 = tpu.memref_slice %arg10[%parallel_loop3A_139, %parallel_loop3A_471, %parallel_loop3A_472] : memref<4x80x128xbf16, #tpu.memory_space<vmem>> -> memref<1x80x128xbf16, #tpu.memory_space<vmem>>
        %parallel_loop3A_474 = tpu.memref_squeeze %parallel_loop3A_473 : memref<1x80x128xbf16, #tpu.memory_space<vmem>> -> memref<80x128xbf16, #tpu.memory_space<vmem>>
        %parallel_loop3A_475 = arith.index_cast %parallel_loop3A_427 : i32 to index
        %parallel_loop3A_476 = arith.constant 64 : index
        %parallel_loop3A_477 = tpu.vector_load %parallel_loop3A_474[%parallel_loop3A_475, %parallel_loop3A_476] {strides = array<i32>} : memref<80x128xbf16, #tpu.memory_space<vmem>>, vector<32xbf16>,
        %parallel_loop3A_478 = arith.mulf %parallel_loop3A_470, %parallel_loop3A_477 : vector<32xbf16>
        %parallel_loop3A_479 = tpu.unpack_subelements %parallel_loop3A_478, 0 {pack_format = #tpu.pack_format<interleaved>} : vector<32xbf16> -> vector<16xf32>
        %parallel_loop3A_480 = tpu.unpack_subelements %parallel_loop3A_478, 1 {pack_format = #tpu.pack_format<interleaved>} : vector<32xbf16> -> vector<16xf32>
        %parallel_loop3A_481 = arith.addf %parallel_loop3A_479, %parallel_loop3A_480 : vector<16xf32>
        %parallel_loop3A_482 = arith.constant 0 : i32
        %parallel_loop3A_483 = arith.constant 0 : i32
        %parallel_loop3A_484 = tpu.memref_slice %arg9[%parallel_loop3A_138, %parallel_loop3A_482, %parallel_loop3A_483] : memref<4x80x128xbf16, #tpu.memory_space<vmem>> -> memref<1x80x128xbf16, #tpu.memory_space<vmem>>
        %parallel_loop3A_485 = tpu.memref_squeeze %parallel_loop3A_484 : memref<1x80x128xbf16, #tpu.memory_space<vmem>> -> memref<80x128xbf16, #tpu.memory_space<vmem>>
        %parallel_loop3A_486 = arith.index_cast %parallel_loop3A_427 : i32 to index
        %parallel_loop3A_487 = arith.constant 96 : index
        %parallel_loop3A_488 = tpu.vector_load %parallel_loop3A_485[%parallel_loop3A_486, %parallel_loop3A_487] {strides = array<i32>} : memref<80x128xbf16, #tpu.memory_space<vmem>>, vector<32xbf16>,
        %parallel_loop3A_489 = arith.constant 0 : i32
        %parallel_loop3A_490 = arith.constant 0 : i32
        %parallel_loop3A_491 = tpu.memref_slice %arg10[%parallel_loop3A_139, %parallel_loop3A_489, %parallel_loop3A_490] : memref<4x80x128xbf16, #tpu.memory_space<vmem>> -> memref<1x80x128xbf16, #tpu.memory_space<vmem>>
        %parallel_loop3A_492 = tpu.memref_squeeze %parallel_loop3A_491 : memref<1x80x128xbf16, #tpu.memory_space<vmem>> -> memref<80x128xbf16, #tpu.memory_space<vmem>>
        %parallel_loop3A_493 = arith.index_cast %parallel_loop3A_427 : i32 to index
        %parallel_loop3A_494 = arith.constant 96 : index
        %parallel_loop3A_495 = tpu.vector_load %parallel_loop3A_492[%parallel_loop3A_493, %parallel_loop3A_494] {strides = array<i32>} : memref<80x128xbf16, #tpu.memory_space<vmem>>, vector<32xbf16>,
        %parallel_loop3A_496 = arith.mulf %parallel_loop3A_488, %parallel_loop3A_495 : vector<32xbf16>
        %parallel_loop3A_497 = tpu.unpack_subelements %parallel_loop3A_496, 0 {pack_format = #tpu.pack_format<interleaved>} : vector<32xbf16> -> vector<16xf32>
        %parallel_loop3A_498 = tpu.unpack_subelements %parallel_loop3A_496, 1 {pack_format = #tpu.pack_format<interleaved>} : vector<32xbf16> -> vector<16xf32>
        %parallel_loop3A_499 = arith.addf %parallel_loop3A_497, %parallel_loop3A_498 : vector<16xf32>
        %parallel_loop3A_500 = arith.addf %parallel_loop3A_445, %parallel_loop3A_463 : vector<16xf32>
        %parallel_loop3A_501 = arith.addf %parallel_loop3A_481, %parallel_loop3A_499 : vector<16xf32>
        %parallel_loop3A_502 = arith.addf %parallel_loop3A_500, %parallel_loop3A_501 : vector<16xf32>
        %parallel_loop3A_503 = arith.constant true
        %parallel_loop3A_504 = vector.broadcast %parallel_loop3A_503 : i1 to vector<16xi1>
        %parallel_loop3A_505 = tpu.scan <sum>, %parallel_loop3A_502 masked %parallel_loop3A_504 : vector<16xf32>, vector<16xi1> -> vector<16xf32>
        %parallel_loop3A_506 = vector.extract %parallel_loop3A_505[15] : f32 from vector<16xf32>
        %parallel_loop3A_507 = vector.broadcast %parallel_loop3A_506 : f32 to vector<16xf32>
        %parallel_loop3A_508 = arith.select %parallel_loop3A_425, %parallel_loop3A_507, %parallel_loop3A_419 : vector<16xi1>, vector<16xf32>
        %parallel_loop3A_509 = arith.constant 4 : i32
        %parallel_loop3A_510 = arith.muli %scan3A_237, %parallel_loop3A_509 : i32
        %parallel_loop3A_511 = arith.constant 3 : i32
        %parallel_loop3A_512 = arith.addi %parallel_loop3A_510, %parallel_loop3A_511 : i32
        %parallel_loop3A_513 = vector.broadcast %parallel_loop3A_512 : i32 to vector<16xi32>
        %parallel_loop3A_514 = arith.cmpi eq, %iota3A, %parallel_loop3A_513 : vector<16xi32>
        %parallel_loop3A_515 = arith.constant 3 : i32
        %parallel_loop3A_516 = arith.addi %parallel_loop3A_241, %parallel_loop3A_515 : i32
        %parallel_loop3A_517 = arith.constant 0 : i32
        %parallel_loop3A_518 = arith.constant 0 : i32
        %parallel_loop3A_519 = tpu.memref_slice %arg9[%parallel_loop3A_138, %parallel_loop3A_517, %parallel_loop3A_518] : memref<4x80x128xbf16, #tpu.memory_space<vmem>> -> memref<1x80x128xbf16, #tpu.memory_space<vmem>>
        %parallel_loop3A_520 = tpu.memref_squeeze %parallel_loop3A_519 : memref<1x80x128xbf16, #tpu.memory_space<vmem>> -> memref<80x128xbf16, #tpu.memory_space<vmem>>
        %parallel_loop3A_521 = arith.index_cast %parallel_loop3A_516 : i32 to index
        %parallel_loop3A_522 = arith.constant 0 : index
        %parallel_loop3A_523 = tpu.vector_load %parallel_loop3A_520[%parallel_loop3A_521, %parallel_loop3A_522] {strides = array<i32>} : memref<80x128xbf16, #tpu.memory_space<vmem>>, vector<32xbf16>,
        %parallel_loop3A_524 = arith.constant 0 : i32
        %parallel_loop3A_525 = arith.constant 0 : i32
        %parallel_loop3A_526 = tpu.memref_slice %arg10[%parallel_loop3A_139, %parallel_loop3A_524, %parallel_loop3A_525] : memref<4x80x128xbf16, #tpu.memory_space<vmem>> -> memref<1x80x128xbf16, #tpu.memory_space<vmem>>
        %parallel_loop3A_527 = tpu.memref_squeeze %parallel_loop3A_526 : memref<1x80x128xbf16, #tpu.memory_space<vmem>> -> memref<80x128xbf16, #tpu.memory_space<vmem>>
        %parallel_loop3A_528 = arith.index_cast %parallel_loop3A_516 : i32 to index
        %parallel_loop3A_529 = arith.constant 0 : index
        %parallel_loop3A_530 = tpu.vector_load %parallel_loop3A_527[%parallel_loop3A_528, %parallel_loop3A_529] {strides = array<i32>} : memref<80x128xbf16, #tpu.memory_space<vmem>>, vector<32xbf16>,
        %parallel_loop3A_531 = arith.mulf %parallel_loop3A_523, %parallel_loop3A_530 : vector<32xbf16>
        %parallel_loop3A_532 = tpu.unpack_subelements %parallel_loop3A_531, 0 {pack_format = #tpu.pack_format<interleaved>} : vector<32xbf16> -> vector<16xf32>
        %parallel_loop3A_533 = tpu.unpack_subelements %parallel_loop3A_531, 1 {pack_format = #tpu.pack_format<interleaved>} : vector<32xbf16> -> vector<16xf32>
        %parallel_loop3A_534 = arith.addf %parallel_loop3A_532, %parallel_loop3A_533 : vector<16xf32>
        %parallel_loop3A_535 = arith.constant 0 : i32
        %parallel_loop3A_536 = arith.constant 0 : i32
        %parallel_loop3A_537 = tpu.memref_slice %arg9[%parallel_loop3A_138, %parallel_loop3A_535, %parallel_loop3A_536] : memref<4x80x128xbf16, #tpu.memory_space<vmem>> -> memref<1x80x128xbf16, #tpu.memory_space<vmem>>
        %parallel_loop3A_538 = tpu.memref_squeeze %parallel_loop3A_537 : memref<1x80x128xbf16, #tpu.memory_space<vmem>> -> memref<80x128xbf16, #tpu.memory_space<vmem>>
        %parallel_loop3A_539 = arith.index_cast %parallel_loop3A_516 : i32 to index
        %parallel_loop3A_540 = arith.constant 32 : index
        %parallel_loop3A_541 = tpu.vector_load %parallel_loop3A_538[%parallel_loop3A_539, %parallel_loop3A_540] {strides = array<i32>} : memref<80x128xbf16, #tpu.memory_space<vmem>>, vector<32xbf16>,
        %parallel_loop3A_542 = arith.constant 0 : i32
        %parallel_loop3A_543 = arith.constant 0 : i32
        %parallel_loop3A_544 = tpu.memref_slice %arg10[%parallel_loop3A_139, %parallel_loop3A_542, %parallel_loop3A_543] : memref<4x80x128xbf16, #tpu.memory_space<vmem>> -> memref<1x80x128xbf16, #tpu.memory_space<vmem>>
        %parallel_loop3A_545 = tpu.memref_squeeze %parallel_loop3A_544 : memref<1x80x128xbf16, #tpu.memory_space<vmem>> -> memref<80x128xbf16, #tpu.memory_space<vmem>>
        %parallel_loop3A_546 = arith.index_cast %parallel_loop3A_516 : i32 to index
        %parallel_loop3A_547 = arith.constant 32 : index
        %parallel_loop3A_548 = tpu.vector_load %parallel_loop3A_545[%parallel_loop3A_546, %parallel_loop3A_547] {strides = array<i32>} : memref<80x128xbf16, #tpu.memory_space<vmem>>, vector<32xbf16>,
        %parallel_loop3A_549 = arith.mulf %parallel_loop3A_541, %parallel_loop3A_548 : vector<32xbf16>
        %parallel_loop3A_550 = tpu.unpack_subelements %parallel_loop3A_549, 0 {pack_format = #tpu.pack_format<interleaved>} : vector<32xbf16> -> vector<16xf32>
        %parallel_loop3A_551 = tpu.unpack_subelements %parallel_loop3A_549, 1 {pack_format = #tpu.pack_format<interleaved>} : vector<32xbf16> -> vector<16xf32>
        %parallel_loop3A_552 = arith.addf %parallel_loop3A_550, %parallel_loop3A_551 : vector<16xf32>
        %parallel_loop3A_553 = arith.constant 0 : i32
        %parallel_loop3A_554 = arith.constant 0 : i32
        %parallel_loop3A_555 = tpu.memref_slice %arg9[%parallel_loop3A_138, %parallel_loop3A_553, %parallel_loop3A_554] : memref<4x80x128xbf16, #tpu.memory_space<vmem>> -> memref<1x80x128xbf16, #tpu.memory_space<vmem>>
        %parallel_loop3A_556 = tpu.memref_squeeze %parallel_loop3A_555 : memref<1x80x128xbf16, #tpu.memory_space<vmem>> -> memref<80x128xbf16, #tpu.memory_space<vmem>>
        %parallel_loop3A_557 = arith.index_cast %parallel_loop3A_516 : i32 to index
        %parallel_loop3A_558 = arith.constant 64 : index
        %parallel_loop3A_559 = tpu.vector_load %parallel_loop3A_556[%parallel_loop3A_557, %parallel_loop3A_558] {strides = array<i32>} : memref<80x128xbf16, #tpu.memory_space<vmem>>, vector<32xbf16>,
        %parallel_loop3A_560 = arith.constant 0 : i32
        %parallel_loop3A_561 = arith.constant 0 : i32
        %parallel_loop3A_562 = tpu.memref_slice %arg10[%parallel_loop3A_139, %parallel_loop3A_560, %parallel_loop3A_561] : memref<4x80x128xbf16, #tpu.memory_space<vmem>> -> memref<1x80x128xbf16, #tpu.memory_space<vmem>>
        %parallel_loop3A_563 = tpu.memref_squeeze %parallel_loop3A_562 : memref<1x80x128xbf16, #tpu.memory_space<vmem>> -> memref<80x128xbf16, #tpu.memory_space<vmem>>
        %parallel_loop3A_564 = arith.index_cast %parallel_loop3A_516 : i32 to index
        %parallel_loop3A_565 = arith.constant 64 : index
        %parallel_loop3A_566 = tpu.vector_load %parallel_loop3A_563[%parallel_loop3A_564, %parallel_loop3A_565] {strides = array<i32>} : memref<80x128xbf16, #tpu.memory_space<vmem>>, vector<32xbf16>,
        %parallel_loop3A_567 = arith.mulf %parallel_loop3A_559, %parallel_loop3A_566 : vector<32xbf16>
        %parallel_loop3A_568 = tpu.unpack_subelements %parallel_loop3A_567, 0 {pack_format = #tpu.pack_format<interleaved>} : vector<32xbf16> -> vector<16xf32>
        %parallel_loop3A_569 = tpu.unpack_subelements %parallel_loop3A_567, 1 {pack_format = #tpu.pack_format<interleaved>} : vector<32xbf16> -> vector<16xf32>
        %parallel_loop3A_570 = arith.addf %parallel_loop3A_568, %parallel_loop3A_569 : vector<16xf32>
        %parallel_loop3A_571 = arith.constant 0 : i32
        %parallel_loop3A_572 = arith.constant 0 : i32
        %parallel_loop3A_573 = tpu.memref_slice %arg9[%parallel_loop3A_138, %parallel_loop3A_571, %parallel_loop3A_572] : memref<4x80x128xbf16, #tpu.memory_space<vmem>> -> memref<1x80x128xbf16, #tpu.memory_space<vmem>>
        %parallel_loop3A_574 = tpu.memref_squeeze %parallel_loop3A_573 : memref<1x80x128xbf16, #tpu.memory_space<vmem>> -> memref<80x128xbf16, #tpu.memory_space<vmem>>
        %parallel_loop3A_575 = arith.index_cast %parallel_loop3A_516 : i32 to index
        %parallel_loop3A_576 = arith.constant 96 : index
        %parallel_loop3A_577 = tpu.vector_load %parallel_loop3A_574[%parallel_loop3A_575, %parallel_loop3A_576] {strides = array<i32>} : memref<80x128xbf16, #tpu.memory_space<vmem>>, vector<32xbf16>,
        %parallel_loop3A_578 = arith.constant 0 : i32
        %parallel_loop3A_579 = arith.constant 0 : i32
        %parallel_loop3A_580 = tpu.memref_slice %arg10[%parallel_loop3A_139, %parallel_loop3A_578, %parallel_loop3A_579] : memref<4x80x128xbf16, #tpu.memory_space<vmem>> -> memref<1x80x128xbf16, #tpu.memory_space<vmem>>
        %parallel_loop3A_581 = tpu.memref_squeeze %parallel_loop3A_580 : memref<1x80x128xbf16, #tpu.memory_space<vmem>> -> memref<80x128xbf16, #tpu.memory_space<vmem>>
        %parallel_loop3A_582 = arith.index_cast %parallel_loop3A_516 : i32 to index
        %parallel_loop3A_583 = arith.constant 96 : index
        %parallel_loop3A_584 = tpu.vector_load %parallel_loop3A_581[%parallel_loop3A_582, %parallel_loop3A_583] {strides = array<i32>} : memref<80x128xbf16, #tpu.memory_space<vmem>>, vector<32xbf16>,
        %parallel_loop3A_585 = arith.mulf %parallel_loop3A_577, %parallel_loop3A_584 : vector<32xbf16>
        %parallel_loop3A_586 = tpu.unpack_subelements %parallel_loop3A_585, 0 {pack_format = #tpu.pack_format<interleaved>} : vector<32xbf16> -> vector<16xf32>
        %parallel_loop3A_587 = tpu.unpack_subelements %parallel_loop3A_585, 1 {pack_format = #tpu.pack_format<interleaved>} : vector<32xbf16> -> vector<16xf32>
        %parallel_loop3A_588 = arith.addf %parallel_loop3A_586, %parallel_loop3A_587 : vector<16xf32>
        %parallel_loop3A_589 = arith.addf %parallel_loop3A_534, %parallel_loop3A_552 : vector<16xf32>
        %parallel_loop3A_590 = arith.addf %parallel_loop3A_570, %parallel_loop3A_588 : vector<16xf32>
        %parallel_loop3A_591 = arith.addf %parallel_loop3A_589, %parallel_loop3A_590 : vector<16xf32>
        %parallel_loop3A_592 = arith.constant true
        %parallel_loop3A_593 = vector.broadcast %parallel_loop3A_592 : i1 to vector<16xi1>
        %parallel_loop3A_594 = tpu.scan <sum>, %parallel_loop3A_591 masked %parallel_loop3A_593 : vector<16xf32>, vector<16xi1> -> vector<16xf32>
        %parallel_loop3A_595 = vector.extract %parallel_loop3A_594[15] : f32 from vector<16xf32>
        %parallel_loop3A_596 = vector.broadcast %parallel_loop3A_595 : f32 to vector<16xf32>
        %parallel_loop3A_597 = arith.select %parallel_loop3A_514, %parallel_loop3A_596, %parallel_loop3A_508 : vector<16xi1>, vector<16xf32>
        scf.yield %parallel_loop3A_597 : vector<16xf32>
      }
      %parallel_loop3A_221 = arith.constant 4 : i32
      %parallel_loop3A_222 = arith.constant 0.000000e+00 : f32
      %parallel_loop3A_223 = vector.broadcast %parallel_loop3A_222 : f32 to vector<16xf32>
      %parallel_loop3A_224 = arith.subf %parallel_loop3A_223, %parallel_loop3A_220 : vector<16xf32>
      %parallel_loop3A_225 = math.exp %parallel_loop3A_224 : vector<16xf32>
      %parallel_loop3A_226 = arith.constant 1.000000e+00 : f32
      %parallel_loop3A_227 = vector.broadcast %parallel_loop3A_226 : f32 to vector<16xf32>
      %parallel_loop3A_228 = arith.addf %parallel_loop3A_227, %parallel_loop3A_225 : vector<16xf32>
      %parallel_loop3A_229 = arith.constant 1.000000e+00 : f32
      %parallel_loop3A_230 = vector.broadcast %parallel_loop3A_229 : f32 to vector<16xf32>
      %parallel_loop3A_231 = arith.divf %parallel_loop3A_230, %parallel_loop3A_228 : vector<16xf32>
      %parallel_loop3A_232 = arith.constant 0 : i32
      %parallel_loop3A_233 = tpu.memref_slice %arg11[%parallel_loop3A_140, %parallel_loop3A_232] : memref<4x80xf32, #tpu.memory_space<vmem>> -> memref<1x80xf32, #tpu.memory_space<vmem>>
      %parallel_loop3A_234 = tpu.memref_squeeze %parallel_loop3A_233 : memref<1x80xf32, #tpu.memory_space<vmem>> -> memref<80xf32, #tpu.memory_space<vmem>>
      %parallel_loop3A_235 = arith.index_cast %parallel_loop3A_213 : i32 to index
      %parallel_loop3A_236 = tpu.vector_load %parallel_loop3A_234[%parallel_loop3A_235] {strides = array<i32>} : memref<80xf32, #tpu.memory_space<vmem>>, vector<16xf32>,
      tpu.vector_store %parallel_loop3A_234[%parallel_loop3A_235], %parallel_loop3A_231 {strides = array<i32>} : memref<80xf32, #tpu.memory_space<vmem>>, vector<16xf32>,
    } {sc.loop_unroll_factor = 1 : i64, sc.parallel_access}
    %add3A_141 = arith.constant 9920 : i32
    %add3A_142 = arith.addi %mul3A_2, %add3A_141 : i32
    %dma_start3A_143 = arith.constant 0 : i32
    %dma_start3A_144 = arith.constant 0 : i32
    %dma_start3A_145 = arith.constant 0 : i32
    %dma_start3A_146 = tpu.memref_slice %arg11[%dma_start3A_143, %dma_start3A_145] : memref<4x80xf32, #tpu.memory_space<vmem>> -> memref<1x80xf32, #tpu.memory_space<vmem>>
    %dma_start3A_147 = tpu.memref_squeeze %dma_start3A_146 : memref<1x80xf32, #tpu.memory_space<vmem>> -> memref<80xf32, #tpu.memory_space<vmem>>
    %dma_start3A_148 = tpu.memref_slice %arg5[%add3A_142] : memref<320000xf32, #tpu.memory_space<hbm>> -> memref<80xf32, #tpu.memory_space<hbm>>
    %dma_start3A_149 = tpu.memref_slice %arg14[%dma_start3A_144] : memref<4x!tpu.dma_semaphore, #tpu.memory_space<semaphore_mem>> -> memref<1x!tpu.dma_semaphore, #tpu.memory_space<semaphore_mem>>
    %dma_start3A_150 = tpu.memref_squeeze %dma_start3A_149 : memref<1x!tpu.dma_semaphore, #tpu.memory_space<semaphore_mem>> -> memref<!tpu.dma_semaphore, #tpu.memory_space<semaphore_mem>>
    %dma_start3A_151 = tpu.memref_slice %arg5[%add3A_142] : memref<320000xf32, #tpu.memory_space<hbm>> -> memref<80xf32, #tpu.memory_space<hbm>>
    %dma_start3A_152 = arith.constant 0 : i32
    %dma_start3A_153 = tpu.memref_slice %arg11[%dma_start3A_143, %dma_start3A_152] : memref<4x80xf32, #tpu.memory_space<vmem>> -> memref<1x80xf32, #tpu.memory_space<vmem>>
    %dma_start3A_154 = tpu.memref_squeeze %dma_start3A_153 : memref<1x80xf32, #tpu.memory_space<vmem>> -> memref<80xf32, #tpu.memory_space<vmem>>
    tpu.enqueue_dma source(%dma_start3A_154 : memref<80xf32, #tpu.memory_space<vmem>>) target(%dma_start3A_151 : memref<80xf32, #tpu.memory_space<hbm>>) target_semaphore(%dma_start3A_150 : memref<!tpu.dma_semaphore, #tpu.memory_space<semaphore_mem>>)
    %dma_wait3A_155 = arith.constant 0 : i32
    %dma_wait3A_156 = arith.constant 0 : i32
    %dma_wait3A_157 = arith.constant 0 : i32
    %dma_wait3A_158 = tpu.memref_slice %arg11[%dma_wait3A_155, %dma_wait3A_157] : memref<4x80xf32, #tpu.memory_space<vmem>> -> memref<1x80xf32, #tpu.memory_space<vmem>>
    %dma_wait3A_159 = tpu.memref_squeeze %dma_wait3A_158 : memref<1x80xf32, #tpu.memory_space<vmem>> -> memref<80xf32, #tpu.memory_space<vmem>>
    %dma_wait3A_160 = arith.constant 0 : i32
    %dma_wait3A_161 = tpu.memref_slice %arg5[%dma_wait3A_160] : memref<320000xf32, #tpu.memory_space<hbm>> -> memref<80xf32, #tpu.memory_space<hbm>>
    %dma_wait3A_162 = tpu.memref_slice %arg14[%dma_wait3A_156] : memref<4x!tpu.dma_semaphore, #tpu.memory_space<semaphore_mem>> -> memref<1x!tpu.dma_semaphore, #tpu.memory_space<semaphore_mem>>
    %dma_wait3A_163 = tpu.memref_squeeze %dma_wait3A_162 : memref<1x!tpu.dma_semaphore, #tpu.memory_space<semaphore_mem>> -> memref<!tpu.dma_semaphore, #tpu.memory_space<semaphore_mem>>
    %dma_wait3A_164 = arith.constant 0 : i32
    %dma_wait3A_165 = tpu.memref_slice %arg5[%dma_wait3A_164] : memref<320000xf32, #tpu.memory_space<hbm>> -> memref<80xf32, #tpu.memory_space<hbm>>
    %dma_wait3A_166 = arith.constant 0 : i32
    %dma_wait3A_167 = tpu.memref_slice %arg11[%dma_wait3A_155, %dma_wait3A_166] : memref<4x80xf32, #tpu.memory_space<vmem>> -> memref<1x80xf32, #tpu.memory_space<vmem>>
    %dma_wait3A_168 = tpu.memref_squeeze %dma_wait3A_167 : memref<1x80xf32, #tpu.memory_space<vmem>> -> memref<80xf32, #tpu.memory_space<vmem>>
    tpu.wait_dma2 semaphore(%dma_wait3A_163 : memref<!tpu.dma_semaphore, #tpu.memory_space<semaphore_mem>>) src(%dma_wait3A_168 : memref<80xf32, #tpu.memory_space<vmem>>) dst(%dma_wait3A_165 : memref<80xf32, #tpu.memory_space<hbm>>)
    %dma_wait3A_169 = arith.constant 1 : i32
    %dma_wait3A_170 = arith.constant 1 : i32
    %dma_wait3A_171 = arith.constant 0 : i32
    %dma_wait3A_172 = tpu.memref_slice %arg11[%dma_wait3A_169, %dma_wait3A_171] : memref<4x80xf32, #tpu.memory_space<vmem>> -> memref<1x80xf32, #tpu.memory_space<vmem>>
    %dma_wait3A_173 = tpu.memref_squeeze %dma_wait3A_172 : memref<1x80xf32, #tpu.memory_space<vmem>> -> memref<80xf32, #tpu.memory_space<vmem>>
    %dma_wait3A_174 = arith.constant 0 : i32
    %dma_wait3A_175 = tpu.memref_slice %arg5[%dma_wait3A_174] : memref<320000xf32, #tpu.memory_space<hbm>> -> memref<80xf32, #tpu.memory_space<hbm>>
    %dma_wait3A_176 = tpu.memref_slice %arg14[%dma_wait3A_170] : memref<4x!tpu.dma_semaphore, #tpu.memory_space<semaphore_mem>> -> memref<1x!tpu.dma_semaphore, #tpu.memory_space<semaphore_mem>>
    %dma_wait3A_177 = tpu.memref_squeeze %dma_wait3A_176 : memref<1x!tpu.dma_semaphore, #tpu.memory_space<semaphore_mem>> -> memref<!tpu.dma_semaphore, #tpu.memory_space<semaphore_mem>>
    %dma_wait3A_178 = arith.constant 0 : i32
    %dma_wait3A_179 = tpu.memref_slice %arg5[%dma_wait3A_178] : memref<320000xf32, #tpu.memory_space<hbm>> -> memref<80xf32, #tpu.memory_space<hbm>>
    %dma_wait3A_180 = arith.constant 0 : i32
    %dma_wait3A_181 = tpu.memref_slice %arg11[%dma_wait3A_169, %dma_wait3A_180] : memref<4x80xf32, #tpu.memory_space<vmem>> -> memref<1x80xf32, #tpu.memory_space<vmem>>
    %dma_wait3A_182 = tpu.memref_squeeze %dma_wait3A_181 : memref<1x80xf32, #tpu.memory_space<vmem>> -> memref<80xf32, #tpu.memory_space<vmem>>
    tpu.wait_dma2 semaphore(%dma_wait3A_177 : memref<!tpu.dma_semaphore, #tpu.memory_space<semaphore_mem>>) src(%dma_wait3A_182 : memref<80xf32, #tpu.memory_space<vmem>>) dst(%dma_wait3A_179 : memref<80xf32, #tpu.memory_space<hbm>>)
    %dma_wait3A_183 = arith.constant 2 : i32
    %dma_wait3A_184 = arith.constant 2 : i32
    %dma_wait3A_185 = arith.constant 0 : i32
    %dma_wait3A_186 = tpu.memref_slice %arg11[%dma_wait3A_183, %dma_wait3A_185] : memref<4x80xf32, #tpu.memory_space<vmem>> -> memref<1x80xf32, #tpu.memory_space<vmem>>
    %dma_wait3A_187 = tpu.memref_squeeze %dma_wait3A_186 : memref<1x80xf32, #tpu.memory_space<vmem>> -> memref<80xf32, #tpu.memory_space<vmem>>
    %dma_wait3A_188 = arith.constant 0 : i32
    %dma_wait3A_189 = tpu.memref_slice %arg5[%dma_wait3A_188] : memref<320000xf32, #tpu.memory_space<hbm>> -> memref<80xf32, #tpu.memory_space<hbm>>
    %dma_wait3A_190 = tpu.memref_slice %arg14[%dma_wait3A_184] : memref<4x!tpu.dma_semaphore, #tpu.memory_space<semaphore_mem>> -> memref<1x!tpu.dma_semaphore, #tpu.memory_space<semaphore_mem>>
    %dma_wait3A_191 = tpu.memref_squeeze %dma_wait3A_190 : memref<1x!tpu.dma_semaphore, #tpu.memory_space<semaphore_mem>> -> memref<!tpu.dma_semaphore, #tpu.memory_space<semaphore_mem>>
    %dma_wait3A_192 = arith.constant 0 : i32
    %dma_wait3A_193 = tpu.memref_slice %arg5[%dma_wait3A_192] : memref<320000xf32, #tpu.memory_space<hbm>> -> memref<80xf32, #tpu.memory_space<hbm>>
    %dma_wait3A_194 = arith.constant 0 : i32
    %dma_wait3A_195 = tpu.memref_slice %arg11[%dma_wait3A_183, %dma_wait3A_194] : memref<4x80xf32, #tpu.memory_space<vmem>> -> memref<1x80xf32, #tpu.memory_space<vmem>>
    %dma_wait3A_196 = tpu.memref_squeeze %dma_wait3A_195 : memref<1x80xf32, #tpu.memory_space<vmem>> -> memref<80xf32, #tpu.memory_space<vmem>>
    tpu.wait_dma2 semaphore(%dma_wait3A_191 : memref<!tpu.dma_semaphore, #tpu.memory_space<semaphore_mem>>) src(%dma_wait3A_196 : memref<80xf32, #tpu.memory_space<vmem>>) dst(%dma_wait3A_193 : memref<80xf32, #tpu.memory_space<hbm>>)
    %dma_wait3A_197 = arith.constant 3 : i32
    %dma_wait3A_198 = arith.constant 3 : i32
    %dma_wait3A_199 = arith.constant 0 : i32
    %dma_wait3A_200 = tpu.memref_slice %arg11[%dma_wait3A_197, %dma_wait3A_199] : memref<4x80xf32, #tpu.memory_space<vmem>> -> memref<1x80xf32, #tpu.memory_space<vmem>>
    %dma_wait3A_201 = tpu.memref_squeeze %dma_wait3A_200 : memref<1x80xf32, #tpu.memory_space<vmem>> -> memref<80xf32, #tpu.memory_space<vmem>>
    %dma_wait3A_202 = arith.constant 0 : i32
    %dma_wait3A_203 = tpu.memref_slice %arg5[%dma_wait3A_202] : memref<320000xf32, #tpu.memory_space<hbm>> -> memref<80xf32, #tpu.memory_space<hbm>>
    %dma_wait3A_204 = tpu.memref_slice %arg14[%dma_wait3A_198] : memref<4x!tpu.dma_semaphore, #tpu.memory_space<semaphore_mem>> -> memref<1x!tpu.dma_semaphore, #tpu.memory_space<semaphore_mem>>
    %dma_wait3A_205 = tpu.memref_squeeze %dma_wait3A_204 : memref<1x!tpu.dma_semaphore, #tpu.memory_space<semaphore_mem>> -> memref<!tpu.dma_semaphore, #tpu.memory_space<semaphore_mem>>
    %dma_wait3A_206 = arith.constant 0 : i32
    %dma_wait3A_207 = tpu.memref_slice %arg5[%dma_wait3A_206] : memref<320000xf32, #tpu.memory_space<hbm>> -> memref<80xf32, #tpu.memory_space<hbm>>
    %dma_wait3A_208 = arith.constant 0 : i32
    %dma_wait3A_209 = tpu.memref_slice %arg11[%dma_wait3A_197, %dma_wait3A_208] : memref<4x80xf32, #tpu.memory_space<vmem>> -> memref<1x80xf32, #tpu.memory_space<vmem>>
    %dma_wait3A_210 = tpu.memref_squeeze %dma_wait3A_209 : memref<1x80xf32, #tpu.memory_space<vmem>> -> memref<80xf32, #tpu.memory_space<vmem>>
    tpu.wait_dma2 semaphore(%dma_wait3A_205 : memref<!tpu.dma_semaphore, #tpu.memory_space<semaphore_mem>>) src(%dma_wait3A_210 : memref<80xf32, #tpu.memory_space<vmem>>) dst(%dma_wait3A_207 : memref<80xf32, #tpu.memory_space<hbm>>)
    return
  }
}

</mosaic_0001>

<sc_bundles>
// kernel: kernel.3.cloned.1.call-start
scs
__scs_entry_jumppad:
0x0: {  	(pc) =	sbr.rel $0x88, $3  }
0x1: {  	(tag) =	ssettag $0x0;
	lr =	simm.s32 $0x1  }
0x2: {  	[smem:$0x3F9F] =	sst lr;
	_ =	strace $0xD0000000  }
0x3: {  	_ = 	snop  }
0x4: {  	_ = 	snop  }
0x5: {  	_ = 	snop  }
0x6: {  	_ = 	snop  }
0x7: {  	_ = 	snop  }
__scs_overlays_trampoline_lowered:
0x8: {  	[smem:$0x3FAE] =	sst s0  }
0x9: {  	[smem:$0x3FAF] =	sst s1  }
0xa: {  	[smem:$0x3FB0] =	sst s2  }
0xb: {  	[smem:$0x3FB1] =	sst s3  }
0xc: {  	[smem:$0x3FB2] =	sst s4  }
0xd: {  	[smem:$0x3FB3] =	sst s5  }
0xe: {  	[smem:$0x3FB4] =	sst s6  }
0xf: {  	[smem:$0x3FB5] =	sst s7  }
0x10: {  	[smem:$0x3FB6] =	sst s8  }
0x11: {  	[smem:$0x3FB7] =	sst s9;
	s0 =	simm.s32 @!p0 $0x0  }
0x12: {  	s1 =	sld [smem:$0x3F9D];
	s0 =	simm.s32 @p0 $0x1  }
0x13: {  	[smem:$0x3FB8] =	sst s0;
	s0 =	simm.s32 @!p1 $0x0  }
0x14: {  	s2 =	sld [smem:$0x3F9C];
	s0 =	simm.s32 @p1 $0x1  }
0x15: {  	[smem:$0x3FB9] =	sst s0;
	s0 =	simm.s32 @!p2 $0x0  }
0x16: {  	s3 =	sld [smem:$0x3FDB];
	s0 =	simm.s32 @p2 $0x1  }
0x17: {  	s4 =	simm.s32 $0x1BF5;
	[smem:$0x3FBB] =	sst s0  }
0x18: {  	s0 =	sld [smem:$0x3F9E];
	_ =	swait.ge [sflag:s4], $0x0  }
0x19: {  	s7 =	sld [smem:$0x3F9F]  }
0x1a: {  	s8 =	sadd.s32 $0xFFFFE003, lr  }
0x1b: {  	s9 =	sadd.s32 $0xFFFFFEF7, lr;
	s5 =	simm.s32 $0xFFFFFFFF;
	p2 =	slt.u32 s8, $0xFFFFF086  }
0x1c: {  	p1 =	slt.u32 s9, $0xF7A;
	s5 =	simm.s32 @!p2 $0x0  }
0x1d: {  	s5 =	simm.s32 @p1 $0x1;
	p0 =	seq.s32 s7, s2  }
0x1e: {  	s7 =	smul.u32 @!p0 $0xF7A, s2;
	p2 =	seq.s32 @!p0 s5, $0x0  }
0x1f: {  	s9 =	smul.u32 $0xF7A, s1;
	s8 =	simm.s32 @!p0 $0x1BF5;
	p2 =	por !p2, p0  }
0x20: {  	[sflag:s8] =	ssyncset.s32 @!p0 $0xFFFFF086;
	s6 =	sadd.s32 @!p0 s3, s7;
	s7 =	simm.s32 @!p0 $0x108  }
0x21: {  	s3 =	sadd.s32 s3, s9;
	s6 =	sadd.s32 @!p0 $0x88, s6;
	s7 =	simm.s32 @p2 $0x1082  }
0x22: {  	[simem:s7], [sflag:s8] =	dma.local @!p0 [hbm:s6], $0xF7A  }
0x23: {  	s9 =	sor.u32 $0xD0000000, s2;
	s6 =	simm.s32 $0x108;
	_ =	swait.ge @!p0 [sflag:s8], $0x0  }
0x24: {  	s3 =	sadd.s32 $0x88, s3;
	s6 =	simm.s32 @!p1 $0x1082;
	[sflag:s4] =	ssyncset.s32 $0xFFFFF086  }
0x25: {  	[simem:s6], [sflag:s4] =	dma.local [hbm:s3], $0xF7A  }
0x26: {  	[smem:$0x3F9F] =	sst s1;
	(tag) =	ssettag s2;
	_ =	strace s9  }
0x27: {  	s1 =	sld [smem:$0x3FAF]  }
0x28: {  	s2 =	sld [smem:$0x3FB0]  }
0x29: {  	s4 =	sld [smem:$0x3FB2]  }
0x2a: {  	p0 =	seq.s32 s5, $0x0;
	s5 =	sld [smem:$0x3FB3]  }
0x2b: {  	s6 =	sld [smem:$0x3FB4]  }
0x2c: {  	s7 =	sld [smem:$0x3FB5]  }
0x2d: {  	s3 =	simm.s32 $0x108;
	s8 =	sld [smem:$0x3FB6]  }
0x2e: {  	s3 =	simm.s32 @!p0 $0x1082;
	s9 =	sld [smem:$0x3FB7]  }
0x2f: {  	lr =	sadd.s32 s0, s3;
	s0 =	sld [smem:$0x3FAE]  }
0x30: {  	s3 =	sld [smem:$0x3FB1]  }
0x31: {  	[smem:$0x3FBA] =	sst s10  }
0x32: {  	s10 =	sld [smem:$0x3FB8];
	_ =	sdelay $0x3  }
0x33: {  	p0 =	seq.s32 s10, $0x1;
	s10 =	sld [smem:$0x3FBA];
	_ =	sdelay $0x3  }
0x34: {  	[smem:$0x3FBA] =	sst s10  }
0x35: {  	s10 =	sld [smem:$0x3FB9];
	_ =	sdelay $0x3  }
0x36: {  	p1 =	seq.s32 s10, $0x1;
	s10 =	sld [smem:$0x3FBA];
	_ =	sdelay $0x3  }
0x37: {  	[smem:$0x3FBA] =	sst s10  }
0x38: {  	s10 =	sld [smem:$0x3FBB]  }
0x39: {  	_ = 	snop;
	(pc) =	sbr.ind lr, $3  }
0x3a: {  	_ = 	snop  }
0x3b: {  	_ = 	snop  }
0x3c: {  	p2 =	seq.s32 s10, $0x1;
	s10 =	sld [smem:$0x3FBA]  }
0x3d: {  	_ =	shalt  }
0x3e: {  	_ =	shalt  }
0x3f: {  	_ =	shalt  }
0x40: {  	_ =	shalt  }
0x41: {  	_ =	shalt  }
0x42: {  	_ =	shalt  }
0x43: {  	_ =	shalt  }
0x44: {  	_ =	shalt  }
0x45: {  	_ =	shalt  }
0x46: {  	_ =	shalt  }
0x47: {  	_ =	shalt  }
0x48: {  	_ =	shalt  }
0x49: {  	_ =	shalt  }
0x4a: {  	_ =	shalt  }
0x4b: {  	_ =	shalt  }
0x4c: {  	_ =	shalt  }
0x4d: {  	_ =	shalt  }
0x4e: {  	_ =	shalt  }
0x4f: {  	_ =	shalt  }
0x50: {  	_ =	shalt  }
0x51: {  	_ =	shalt  }
0x52: {  	_ =	shalt  }
0x53: {  	_ =	shalt  }
0x54: {  	_ =	shalt  }
0x55: {  	_ =	shalt  }
0x56: {  	_ =	shalt  }
0x57: {  	_ =	shalt  }
0x58: {  	_ =	shalt  }
0x59: {  	_ =	shalt  }
0x5a: {  	_ =	shalt  }
0x5b: {  	_ =	shalt  }
0x5c: {  	_ =	shalt  }
0x5d: {  	_ =	shalt  }
0x5e: {  	_ =	shalt  }
0x5f: {  	_ =	shalt  }
0x60: {  	_ =	shalt  }
0x61: {  	_ =	shalt  }
0x62: {  	_ =	shalt  }
0x63: {  	_ =	shalt  }
0x64: {  	_ =	shalt  }
0x65: {  	_ =	shalt  }
0x66: {  	_ =	shalt  }
0x67: {  	_ =	shalt  }
0x68: {  	_ =	shalt  }
0x69: {  	_ =	shalt  }
0x6a: {  	_ =	shalt  }
0x6b: {  	_ =	shalt  }
0x6c: {  	_ =	shalt  }
0x6d: {  	_ =	shalt  }
0x6e: {  	_ =	shalt  }
0x6f: {  	_ =	shalt  }
0x70: {  	_ =	shalt  }
0x71: {  	_ =	shalt  }
0x72: {  	_ =	shalt  }
0x73: {  	_ =	shalt  }
0x74: {  	_ =	shalt  }
0x75: {  	_ =	shalt  }
0x76: {  	_ =	shalt  }
0x77: {  	_ =	shalt  }
0x78: {  	_ =	shalt  }
0x79: {  	_ =	shalt  }
0x7a: {  	_ =	shalt  }
0x7b: {  	_ =	shalt  }
0x7c: {  	_ =	shalt  }
0x7d: {  	_ =	shalt  }
0x7e: {  	_ =	shalt  }
0x7f: {  	_ =	shalt  }
0x80: {  	_ =	shalt  }
0x81: {  	_ =	shalt  }
0x82: {  	_ =	shalt  }
0x83: {  	_ =	shalt  }
0x84: {  	_ =	shalt  }
0x85: {  	_ =	shalt  }
0x86: {  	_ =	shalt  }
0x87: {  	_ =	shalt  }
.Lfunc_end0:
.L_simem_size_0:
called_computation_lowered:
.L_overlay_start_0:
0x88: {  	s2 =	sld [smem:$0x3FD9]  }
0x89: {  	s3 =	sld [smem:$0x3FFE];
	_ =	sdelay $0x1  }
0x8a: {  	s1 =	srdreg.scid  }
0x8b: {  	s0 =	sand.u32 $0x1, s1  }
0x8c: {  	s17 =	sshll.u32 s0, $0xA;
	s2 =	sadd.s32 s3, s2  }
0x8d: {  	s2 =	sadd.s32 s2, s17  }
0x8e: {  	[smem:$0x3FC6] =	sst s2  }
0x8f: {  	_ = 	snop  }
0x90: {  	s2 =	sld [smem:$0x3FD0];
	(tm) =	ssettm $0x1  }
0x91: {  	s18 =	sld [smem:$0x3FFB];
	_ =	sdelay $0x3  }
0x92: {  	_ =	strace s18  }
0x93: {  	s3 =	sld [smem:$0x3FFC];
	_ =	sdelay $0x3  }
0x94: {  	_ =	strace s3  }
0x95: {  	s3 =	sld [smem:$0x3FFD];
	_ =	sdelay $0x3  }
0x96: {  	_ =	strace s3  }
0x97: {  	_ =	strace $0x8FFFFFFF  }
0x98: {  	s19 =	sld [smem:$0x3FDB];
	_ =	sdelay $0x1  }
0x99: {  	s4 =	simm.s32 $_scs_section_size  }
0x9a: {  	s5 =	simm.s32 $_size__tile_overlayer_lowered;
	s6 =	simm.s32 $_tile_overlayer_lowered  }
0x9b: {  	s22 =	simm.s32 $0x1BFF;
	s21 =	sshll.u32 s6, $0x1;
	s3 =	sadd.s32 s4, s19  }
0x9c: {  	s7 =	simm.s32 $0x0;
	s20 =	sshll.u32 s5, $0x1;
	s5 =	sadd.s32 s21, s3  }
0x9d: {  	[timem:s7], [sflag:s22] =	dma.local [hbm:s5], s20  }
0x9e: {  	_ =	swait.ge [sflag:s22], s20  }
0x9f: {  	s4 =	ssub.s32 $0x0, s20;
	[sflag:s22] =	ssyncset.done $0x0  }
0xa0: {  	[sflag:s22] =	ssyncadd.s32 s4;
	_ =	sdelay $0x1  }
0xa1: {  	s23 =	simm.s32 $0x1B8B  }
0xa2: {  	_ =	swait.ge [sflag:s23], $0x1  }
0xa3: {  	[sflag:s23] =	ssyncset.done $0x0  }
0xa4: {  	s25 =	simm.s32 $0x1B8E;
	s24 =	sld [smem:$0x3FFE];
	[sflag:s23] =	ssyncadd.s32 $0xFFFFFFFF  }
0xa5: {  	s26 =	simm.s32 $execute0_lowered;
	[smem:$0x3FD2] =	sst s25  }
0xa6: {  	s5 =	sshll.u32 s26, $0x1;
	_ =	strace $0x80000046;
	[dreg:$0x1] =	wrdreg $0xFFFFFFFF  }
0xa7: {  	s28 =	simm.s32 $_size_execute0_lowered;
	s3 =	sadd.s32 s3, s5;
	[dreg:$0x0] =	wrdreg $0x0  }
0xa8: {  	s5 =	sshll.u32 s28, $0x1;
	[dreg:$0x2] =	wrdreg s3  }
0xa9: {  	[dreg:$0x3] =	wrdreg s5  }
0xaa: {  	[dreg:$0x4] =	wrdreg $0xC0  }
0xab: {  	_ =	task [dreg:s7], $0x5FFFF  }
0xac: {  	[dreg:$0x1] =	wrdreg $0xFFFFFFFF  }
0xad: {  	[dreg:$0x0] =	wrdreg $0x60  }
0xae: {  	[dreg:$0x2] =	wrdreg s24  }
0xaf: {  	[dreg:$0x3] =	wrdreg s2  }
0xb0: {  	[dreg:$0x4] =	wrdreg $0x0  }
0xb1: {  	[dreg:$0x5] =	wrdreg $0x9  }
0xb2: {  	_ =	task.clear_ibuf [dreg:s7], $0x6FFFF;
	_ =	strace $0x90000046  }
0xb3: {  	s29 =	simm.s32 $0x9;
	_ =	strace $0x80000048  }
0xb4: {  	_ =	swait.ge [sflag:s29], $0x1  }
0xb5: {  	[sflag:s29] =	ssyncadd.s32 $0xFFFFFFFF  }
0xb6: {  	_ =	strace $0x90000048  }
0xb7: {  	_ =	sfence  }
0xb8: {  	s30 =	sld [smem:$0x0];
	_ =	sdelay $0x2  }
0xb9: {  	s31 =	sshll.u32 s1, $0xD;
	s1 =	sshrl.u32 s1, $0x2  }
0xba: {  	s3 =	sand.u32 $0x4000, s31;
	s1 =	sadd.s32 s1, s30  }
0xbb: {  	s0 =	sor.u32 s3, s0;
	s1 =	sshll.u32 s1, $0x11  }
0xbc: {  	s0 =	sor.u32 s1, s0  }
0xbd: {  	s0 =	sadd.s32 $0x8F2B, s0  }
0xbe: {  	[sflag:s0] =	ssyncadd.remote.s32 $0x1  }
0xbf: {  	_ =	sfence.sel $0xFFFF  }
0xc0: {  	[dreg:$0x0] =	wrdreg $0xFFFFFFFF;
	(pc) =	sbr.abs _section_cstart, $3  }
0xc1: {  	[dreg:$0x1] =	wrdreg $0xFFFFFFFF  }
0xc2: {  	_ =	task.clear_ibuf [dreg:s7], $0x2FFFF;
	_ =	strace $0x9FFFFFFF  }
0xc3: {  	(tm) =	ssettm $0x7FFFFFFF  }
tec
execute0_lowered:
.L_overlay_start_1:
0x0: {  	(tag) =	ssettag $0x1  }
0x1: {  	s0 =	rddreg [dreg:$0x0]  }
0x2: {  	s1 =	srdreg.scid;
	s2 =	rddreg [dreg:$0x1]  }
0x3: {  	s12 =	stileid.u32;
	s3 =	rddreg [dreg:$0x2];
	s18 =	simm.s32 $0x50  }
0x4: {  	s21 =	simm.s32 $0x18A60;
	s22 =	simm.s32 $0x2;
	s23 =	simm.s32 $0x6  }
0x5: {  	s25 =	simm.s32 $0x3;
	s26 =	simm.s32 $0x7;
	s29 =	simm.s32 $0x4  }
0x6: {  	s15 =	simm.s32 $0x8;
	s1 =	sand.u32 $0x1, s1;
	s4 =	sshll.u32 s12, $0x1  }
0x7: {  	s6 =	smul.u32 $0x3E800, s12;
	p0 =	sgt.u32 s12, $0x4;
	s5 =	sor.u32 s1, s4  }
0x8: {  	s4 =	simm.s32 $0x0;
	s1 =	ssub.s32 $0x2, s1;
	s5 =	smul.u32 $0x2710, s5  }
0x9: {  	[smem:$0x7FF] =	sst s4;
	s9 =	sshrl.u32 s1, $0x1;
	s10 =	sshrl.u32 s6, $0x1  }
0xa: {  	s6 =	sshrl.u32 s6, $0x4;
	_ =	strace $0x80000047;
	s1 =	ssub.s32 s1, s9  }
0xb: {  	s11 =	sadd.s32 s10, s3;
	s7 =	sshrl.u32 s5, $0x3;
	s1 =	smax.u32 s1, $0x1  }
0xc: {  	s8 =	sadd.s32 s7, s0;
	s0 =	sadd.s32 s0, s6;
	[dreg:$0x8] =	wrdreg s1  }
0xd: {  	s31 =	sadd.s32 s2, s7;
	[dreg:$0x4] =	wrdreg s0;
	s28 =	sadd.s32 $0x1D800, s8  }
0xe: {  	s9 =	sadd.s32 $0x50, s5;
	s0 =	sadd.s32 $0x4D8, s31;
	[dreg:$0x5] =	wrdreg s28  }
0xf: {  	s30 =	sadd.s32 $0x13A00, s8;
	[dreg:$0x7] =	wrdreg s0;
	s0 =	sshll.u32 @!p0 s12, $0x6  }
0x10: {  	s10 =	sadd.s32 $0xA0, s5;
	[dreg:$0x6] =	wrdreg s30;
	s0 =	sor.u32 @!p0 $0x1C0D, s0  }
0x11: {  	s1 =	simm.s32 $0x1;
	[dreg:$0x9] =	wrdreg s0;
	s0 =	sshrl.u32 @!p0 s11, $0x3  }
0x12: {  	v0 =	vlaneseq.u32;
	s8 =	simm.s32 $0x0;
	[dreg:$0xa] =	wrdreg s0;
	s0 =	simm.s32 $0x5  }
.LBB2_1:
0x13: {  	[dreg:$0xb] =	wrdreg s8  }
0x14: {  	s6 =	rddreg [dreg:$0x4]  }
0x15: {  	s7 =	rddreg [dreg:$0x9]  }
0x16: {  	s8 =	rddreg [dreg:$0xa]  }
0x17: {  	[spmem:s8], [sflag:s7] =	dma.local @!p0 [hbm:s6], $0x3E80  }
0x18: {  	s6 =	simm.s32 @!p0 $0xD  }
0x19: {  	_ =	swait.ge @!p0 [sflag:s6], $0x3E80  }
0x1a: {  	s30 =	simm.s32 $0x9C40;
	[sflag:s6] =	ssyncset.done @!p0 $0x0  }
0x1b: {  	s31 =	simm.s32 $0xD;
	s28 =	rddreg [dreg:$0x5];
	[sflag:s6] =	ssyncadd.s32 @!p0 $0xFFFFC180  }
0x1c: {  	[tilespmem:s30], [sflag:$0xD] =	stream.linear.gather [hbm4b:s28+s4], $0x2710, $0x38;
	[tilespmem:$0x18BA0] =	vst v63  }
0x1d: {  	_ =	swait.ge [sflag:s31], $0x2710  }
0x1e: {  	[sflag:s31] =	ssyncset.done $0x0  }
0x1f: {  	s11 =	simm.s32 $0xC350;
	s12 =	rddreg [dreg:$0x6];
	[sflag:s31] =	ssyncadd.s32 $0xFFFFD8F0  }
0x20: {  	[tilespmem:s11], [sflag:$0xD] =	stream.linear.gather [hbm4b:s12+s4], $0x2710, $0x38;
	[tilespmem:$0x18BA0] =	vst v63  }
0x21: {  	_ =	swait.ge [sflag:s31], $0x2710  }
0x22: {  	[sflag:s31] =	ssyncset.done $0x0  }
0x23: {  	[sflag:s31] =	ssyncadd.s32 $0xFFFFD8F0  }
0x24: {  	s13 =	simm.s32 $0xEA60;
	[bflag:$0x0] =	sbarrier.arrive $0xFFFF  }
0x25: {  	[tilespmem:s13], [sflag:$0x1] =	stream.indirect.gather [spmem:s3], $0x40, s30, s18, $0xb8;
	[tilespmem:$0x18BA0] =	vst v63  }
0x26: {  	s14 =	simm.s32 $0x13A60  }
0x27: {  	[tilespmem:s14], [sflag:$0x5] =	stream.indirect.gather [spmem:s3], $0x40, s11, s18, $0xb8;
	[tilespmem:$0x18BA0] =	vst v63  }
0x28: {  	s16 =	simm.s32 $0x9C90;
	s17 =	simm.s32 $0xFE60  }
0x29: {  	[tilespmem:s17], [sflag:$0x2] =	stream.indirect.gather [spmem:s3], $0x40, s16, s18, $0xb8;
	[tilespmem:$0x18BA0] =	vst v63  }
0x2a: {  	s19 =	simm.s32 $0xC3A0;
	s20 =	simm.s32 $0x14E60  }
0x2b: {  	[tilespmem:s20], [sflag:$0x6] =	stream.indirect.gather [spmem:s3], $0x40, s19, s18, $0xb8;
	[tilespmem:$0x18BA0] =	vst v63  }
0x2c: {  	s24 =	simm.s32 $0x9CE0;
	s28 =	simm.s32 $0x11260  }
0x2d: {  	[tilespmem:s28], [sflag:$0x3] =	stream.indirect.gather [spmem:s3], $0x40, s24, s18, $0xb8;
	[tilespmem:$0x18BA0] =	vst v63  }
0x2e: {  	s31 =	simm.s32 $0x16260;
	s30 =	simm.s32 $0xC3F0;
	s13 =	simm.s32 $0x0  }
0x2f: {  	[tilespmem:s31], [sflag:$0x7] =	stream.indirect.gather [spmem:s3], $0x40, s30, s18, $0xb8;
	[tilespmem:$0x18BA0] =	vst v63  }
.LBB2_2:
0x30: {  	s7 =	smul.u32 $0x140, s13;
	_ =	sdelay $0x1  }
0x31: {  	s8 =	simm.s32 $0x12660;
	s6 =	sadd.s32 $0x9D30, s7  }
0x32: {  	[tilespmem:s8], [sflag:$0x4] =	stream.indirect.gather [spmem:s3], $0x40, s6, s18, $0xb8;
	[tilespmem:$0x18BA0] =	vst v63  }
0x33: {  	s31 =	simm.s32 $0x17660;
	s30 =	sadd.s32 $0xC440, s7  }
0x34: {  	[tilespmem:s31], [sflag:$0x8] =	stream.indirect.gather [spmem:s3], $0x40, s30, s18, $0xb8;
	[tilespmem:$0x18BA0] =	vst v63  }
0x35: {  	_ =	swait.ge [sflag:s1], $0x1400  }
0x36: {  	[sflag:s1] =	ssyncset.done $0x0  }
0x37: {  	[sflag:s1] =	ssyncadd.s32 $0xFFFFEC00  }
0x38: {  	_ =	swait.ge [sflag:s0], $0x1400  }
0x39: {  	p1 =	seq.s32 s13, $0x0;
	[sflag:s0] =	ssyncset.done $0x0  }
0x3a: {  	s6 =	simm.s32 @!p1 $0x9;
	[sflag:s0] =	ssyncadd.s32 $0xFFFFEC00  }
0x3b: {  	s11 =	simm.s32 $0xEAE0;
	_ =	swait.ge @!p1 [sflag:s6], $0x50  }
0x3c: {  	s16 =	simm.s32 $0x13AE0;
	s14 =	sadd.s32 $0xF0, s7;
	[sflag:s6] =	ssyncset.done @!p1 $0x0  }
0x3d: {  	s8 =	simm.s32 $0x0;
	[sflag:s6] =	ssyncadd.s32 @!p1 $0xFFFFFFB0;
	s6 =	simm.s32 $0x0  }
.LBB2_3:
0x3e: {  	v1 =	vld [tilespmem:s11+$0xFFFFFF90]  }
0x3f: {  	v2 =	vld [tilespmem:s11+$0xFFFFFFD0]  }
0x40: {  	v3 =	vld [tilespmem:s16+$0xFFFFFFD0]  }
0x41: {  	v5 =	vld [tilespmem:s11+$0xFFFFFFC0]  }
0x42: {  	v7 =	vld [tilespmem:s16+$0xFFFFFFC0]  }
0x43: {  	v4 =	vld [tilespmem:s16+$0xFFFFFFB0]  }
0x44: {  	v8 =	vld [tilespmem:s11+$0xFFFFFFB0]  }
0x45: {  	v9 =	vld [tilespmem:s16+$0xFFFFFFA0]  }
0x46: {  	v10 =	vld [tilespmem:s11+$0xFFFFFFA0]  }
0x47: {  	v11 =	vld [tilespmem:s11+$0xFFFFFF80]  }
0x48: {  	v12 =	vld [tilespmem:s16+$0xFFFFFF90]  }
0x49: {  	v13 =	vld [tilespmem:s16+$0xFFFFFF80]  }
0x4a: {  	v14 =	vld [tilespmem:s16+$0xFFFFFFE0]  }
0x4b: {  	v15 =	vld [tilespmem:s11+$0xFFFFFFE0]  }
0x4c: {  	v16 =	vld [tilespmem:s16+$0x10]  }
0x4d: {  	v17 =	vld [tilespmem:s16+$0xFFFFFFF0]  }
0x4e: {  	s17 =	simm.s32 $0x2;
	v18 =	vld [tilespmem:s11+$0xFFFFFFF0]  }
0x4f: {  	v22 =	vld [tilespmem:s11+$0x20];
	v19 =	vmov s17;
	v8 =	vmul.bf16 v4, v8  }
0x50: {  	s12 =	simm.s32 $0x1;
	v23 =	vld [tilespmem:s11+$0x70];
	s24 =	sadd.s32 $0x100, s11;
	vm1 =	veq.s32 v19, v0;
	v5 =	vmul.bf16 v7, v5;
	v9 =	vmul.bf16 v9, v10  }
0x51: {  	v19 =	vld [tilespmem:s24+$0xFFFFFFE0];
	v4 =	vmov s12;
	v1 =	vmul.bf16 v12, v1;
	v2 =	vmul.bf16 v3, v2  }
0x52: {  	v7 =	vld [tilespmem:s11+$0x10];
	v11 =	vmul.bf16 v13, v11;
	v20 =	vunpack.i.u.bf16.f32 v8;
	v8 =	vunpack.i.l.bf16.f32 v8  }
0x53: {  	v10 =	vld [tilespmem:s16+$0x0];
	v12 =	vunpack.i.u.bf16.f32 v5;
	v21 =	vunpack.i.u.bf16.f32 v9;
	v5 =	vunpack.i.l.bf16.f32 v5  }
0x54: {  	v3 =	vld [tilespmem:s16+$0x20];
	v9 =	vunpack.i.l.bf16.f32 v9;
	v13 =	vunpack.i.l.bf16.f32 v1;
	v1 =	vunpack.i.u.bf16.f32 v1  }
0x55: {  	v8 =	vadd.f32 v8, v20;
	v20 =	vld [tilespmem:s11+$0x0];
	v5 =	vadd.f32 v5, v12;
	v12 =	vmul.bf16 v14, v15  }
0x56: {  	v14 =	vld [tilespmem:s16+$0x30];
	v15 =	vunpack.i.u.bf16.f32 v11;
	v11 =	vunpack.i.l.bf16.f32 v11;
	v9 =	vadd.f32 v9, v21  }
0x57: {  	v1 =	vadd.f32 v13, v1;
	v13 =	vmul.bf16 v17, v18;
	v17 =	vld [tilespmem:s16+$0x50];
	v11 =	vadd.f32 v11, v15  }
0x58: {  	v18 =	vld [tilespmem:s11+$0x50];
	v8 =	vadd.f32 v8, v9;
	v9 =	vunpack.i.u.bf16.f32 v12;
	v12 =	vunpack.i.l.bf16.f32 v12  }
0x59: {  	v21 =	vld [tilespmem:s11+$0x30];
	v7 =	vmul.bf16 v16, v7;
	v3 =	vmul.bf16 v3, v22;
	v1 =	vadd.f32 v1, v11  }
0x5a: {  	v15 =	vld [tilespmem:s16+$0x60];
	v11 =	vunpack.i.u.bf16.f32 v13;
	v13 =	vunpack.i.l.bf16.f32 v13;
	v9 =	vadd.f32 v12, v9  }
0x5b: {  	v16 =	vld [tilespmem:s11+$0x40];
	v11 =	vadd.f32 v13, v11;
	v13 =	vunpack.i.u.bf16.f32 v2;
	v2 =	vunpack.i.l.bf16.f32 v2  }
0x5c: {  	v12 =	vld [tilespmem:s16+$0x40];
	v24 =	vunpack.i.u.bf16.f32 v3;
	v3 =	vunpack.i.l.bf16.f32 v3;
	v10 =	vmul.bf16 v10, v20  }
0x5d: {  	v20 =	vld [tilespmem:s11+$0x60];
	v2 =	vadd.f32 v2, v13;
	v17 =	vmul.bf16 v17, v18;
	v1 =	vadd.f32 v8, v1  }
0x5e: {  	v13 =	vld [tilespmem:s16+$0x70];
	v9 =	vadd.f32 v11, v9;
	v11 =	vunpack.i.l.bf16.f32 v7;
	v7 =	vunpack.i.u.bf16.f32 v7  }
0x5f: {  	v18 =	vld [tilespmem:s24+$0xFFFFFF90];
	v22 =	vunpack.i.u.bf16.f32 v10;
	v10 =	vunpack.i.l.bf16.f32 v10;
	v7 =	vadd.f32 v11, v7  }
0x60: {  	v11 =	vunpack.i.u.bf16.f32 v17;
	v2 =	vadd.f32 v2, v5;
	v5 =	vunpack.i.l.bf16.f32 v17;
	v17 =	vld [tilespmem:s24+$0xFFFFFFC0]  }
0x61: {  	s12 =	sadd.s32 $0x100, s16;
	v8 =	vadd.f32 v10, v22;
	v10 =	vmul.bf16 v14, v21;
	v14 =	vld [tilespmem:s24+$0xFFFFFFD0];
	v12 =	vmul.bf16 v12, v16  }
0x62: {  	v6 =	vimm.f32 $0.0e+00;
	v3 =	vadd.f32 v3, v24;
	v5 =	vadd.f32 v5, v11;
	v22 =	vld [tilespmem:s12+$0xFFFFFFA0]  }
0x63: {  	v21 =	vunpack.i.u.bf16.f32 v12;
	v12 =	vunpack.i.l.bf16.f32 v12;
	v15 =	vmul.bf16 v15, v20;
	v20 =	vld [tilespmem:s12+$0xFFFFFFC0]  }
0x64: {  	v2 =	vadd.f32 v9, v2;
	v9 =	vadd.f32 v12, v21;
	v12 =	vmul.bf16 v13, v23;
	v13 =	vld [tilespmem:s12+$0xFFFFFFB0]  }
0x65: {  	(xrf2) =	vadd.scan.msk.f32 $0xffff, v1;
	v1 =	vunpack.i.u.bf16.f32 v10;
	v10 =	vunpack.i.l.bf16.f32 v10;
	v7 =	vadd.f32 v7, v8;
	v21 =	vld [tilespmem:s24+$0xFFFFFFB0]  }
0x66: {  	v10 =	vadd.f32 v10, v1;
	(xrf2) =	vadd.scan.msk.f32 $0xffff, v2;
	v23 =	vld [tilespmem:s24+$0xFFFFFFA0];
	v11 =	vunpack.i.l.bf16.f32 v15;
	v2 =	vunpack.i.u.bf16.f32 v15  }
0x67: {  	s19 =	simm.s32 $0x3;
	v16 =	vld [tilespmem:s12+$0xFFFFFFD0];
	v1 =	vunpack.i.u.bf16.f32 v12;
	v12 =	vunpack.i.l.bf16.f32 v12;
	v11 =	vadd.f32 v11, v2  }
0x68: {  	v8 =	vld [tilespmem:s24+$0xFFFFFF80];
	v15 =	vmov s19;
	s19 =	simm.s32 $0x6;
	v10 =	vadd.f32 v10, v3;
	v12 =	vadd.f32 v12, v1  }
0x69: {  	v5 =	vadd.f32 v5, v9;
	v2 =	vmov s19;
	v9 =	vld [tilespmem:s12+$0xFFFFFF90];
	vm0 =	veq.s32 v15, v0  }
0x6a: {  	v7 =	vadd.f32 v10, v7;
	v10 =	vld [tilespmem:s12+$0xFFFFFFE0];
	v17 =	vmul.bf16 v20, v17;
	v11 =	vadd.f32 v12, v11  }
0x6b: {  	s20 =	simm.s32 $0x5;
	v12 =	vld [tilespmem:s12+$0xFFFFFF80];
	v13 =	vmul.bf16 v13, v21;
	v20 =	vmul.bf16 v22, v23;
	v22 =	vmov s8  }
0x6c: {  	v14 =	vmul.bf16 v16, v14;
	v1 =	vmov s20;
	vm2 =	veq.s32 v22, v0  }
0x6d: {  	v16 =	vld [tilespmem:s24+$0xFFFFFFF0];
	v5 =	vadd.f32 v11, v5;
	v15 =	vunpack.i.u.bf16.f32 v13;
	v13 =	vunpack.i.l.bf16.f32 v13  }
0x6e: {  	v21 =	vld [tilespmem:s12+$0x10];
	v9 =	vmul.bf16 v9, v18;
	v18 =	vunpack.i.u.bf16.f32 v20;
	v13 =	vadd.f32 v13, v15  }
0x6f: {  	v15 =	vld [tilespmem:s12+$0xFFFFFFF0];
	v11, _, _ =	vpop (xrf2);
	(xrf2) =	vadd.scan.msk.f32 $0xffff, v5;
	v5 =	vunpack.i.u.bf16.f32 v17;
	v17 =	vunpack.i.l.bf16.f32 v17;
	v10 =	vmul.bf16 v10, v19  }
0x70: {  	v19 =	vld [tilespmem:s24+$0x0];
	v11 =	vbroadcast v11, $0xF;
	v8 =	vmul.bf16 v12, v8;
	v12 =	vunpack.i.l.bf16.f32 v20  }
0x71: {  	v23, _, _ =	vpop (xrf2);
	v20 =	vld [tilespmem:s24+$0x10];
	(xrf2) =	vadd.scan.msk.f32 $0xffff, v7;
	v7 =	vunpack.i.l.bf16.f32 v9;
	v5 =	vadd.f32 v17, v5;
	v9 =	vunpack.i.u.bf16.f32 v9  }
0x72: {  	v17 =	vld [tilespmem:s12+$0x0];
	v22 =	vbroadcast v23, $0xF;
	v12 =	vadd.f32 v12, v18;
	v7 =	vadd.f32 v7, v9  }
0x73: {  	v63 =	vld [tilespmem:s24+$0x30];
	v11 =	vsel vm2, v11, v6;
	v6 =	vunpack.i.u.bf16.f32 v8;
	v8 =	vunpack.i.l.bf16.f32 v8  }
0x74: {  	v18 =	vld [tilespmem:s12+$0x20];
	vm2 =	veq.s32 v4, v0;
	v8 =	vadd.f32 v8, v6;
	v9 =	vmul.bf16 v15, v16  }
0x75: {  	v15 =	vld [tilespmem:s24+$0x20];
	v6 =	vadd.f32 v13, v12;
	v12 =	vunpack.i.u.bf16.f32 v10;
	v13 =	vunpack.i.l.bf16.f32 v10  }
0x76: {  	v26 =	vld [tilespmem:s24+$0x50];
	v10 =	vadd.f32 v7, v8;
	v7 =	vunpack.i.u.bf16.f32 v9;
	v8 =	vadd.f32 v13, v12  }
0x77: {  	v25 =	vld [tilespmem:s12+$0x50];
	v9 =	vunpack.i.l.bf16.f32 v9;
	v13 =	vmul.bf16 v17, v19;
	v19 =	vmul.bf16 v21, v20  }
0x78: {  	v23 =	vld [tilespmem:s12+$0x30];
	v16 =	vunpack.i.u.bf16.f32 v14;
	v14 =	vunpack.i.l.bf16.f32 v14;
	v7 =	vadd.f32 v9, v7  }
0x79: {  	v4 =	vld [tilespmem:s12+$0x60];
	v11 =	vsel vm2, v22, v11;
	v20 =	vadd.f32 v14, v16;
	v17 =	vunpack.i.l.bf16.f32 v19  }
0x7a: {  	v16 =	vld [tilespmem:s24+$0x70];
	v22 =	vunpack.i.u.bf16.f32 v13;
	v8 =	vadd.f32 v7, v8;
	v7 =	vmul.bf16 v18, v15;
	v12, _, _ =	vpop (xrf2)  }
0x7b: {  	v27 =	vunpack.i.l.bf16.f32 v13;
	v21 =	vunpack.i.u.bf16.f32 v19;
	v18 =	vld [tilespmem:s24+$0x40];
	v9 =	vbroadcast v12, $0xF;
	v15, _, _ =	vpop (xrf2)  }
0x7c: {  	s20 =	simm.s32 $0x7;
	v12 =	vld [tilespmem:s12+$0x40];
	v19 =	vunpack.i.u.bf16.f32 v7;
	v7 =	vunpack.i.l.bf16.f32 v7;
	v13 =	vbroadcast v15, $0xF  }
0x7d: {  	s30 =	sshll.u32 s6, $0x4;
	v3 =	vmov s20;
	v14 =	vmul.bf16 v23, v63;
	v15 =	vld [tilespmem:s24+$0x60];
	v7 =	vadd.f32 v7, v19  }
0x7e: {  	s31 =	simm.s32 $0x4;
	s28 =	simm.s32 $0x8;
	v19 =	vld [tilespmem:s12+$0x70];
	s24 =	sadd.s32 $0x100, s24;
	v13 =	vsel vm1, v13, v11;
	v11 =	vadd.f32 v27, v22;
	v22 =	vmul.bf16 v25, v26  }
.LBB2_4:
0x7f: {  	s20 =	sadd.s32 $0x1, s28  }
0x80: {  	v23 =	vld [tilespmem:s24+$0xFFFFFF90];
	v6 =	vadd.f32 v6, v10;
	v10 =	vadd.f32 v17, v21;
	s12 =	sadd.s32 $0x100, s12;
	v9 =	vsel vm0, v9, v13;
	s17 =	smov.u32 s28;
	s19 =	sadd.s32 $0x4, s28  }
0x81: {  	p2 =	sne.s32 s28, $0xC;
	v13 =	vmov s20;
	v17 =	vld [tilespmem:s24+$0xFFFFFFD0];
	v12 =	vmul.bf16 v12, v18;
	v18 =	vunpack.i.u.bf16.f32 v22  }
0x82: {  	v5 =	vadd.f32 v20, v5;
	v20 =	vunpack.i.u.bf16.f32 v14;
	v22 =	vunpack.i.l.bf16.f32 v22;
	v21 =	vld [tilespmem:s12+$0xFFFFFFD0];
	(xrf2) =	vadd.scan.msk.f32 $0xffff, v6  }
0x83: {  	v4 =	vmul.bf16 v4, v15;
	v6 =	vld [tilespmem:s24+$0xFFFFFFC0];
	v24 =	vunpack.i.u.bf16.f32 v12;
	v12 =	vunpack.i.l.bf16.f32 v12  }
0x84: {  	v5 =	vadd.f32 v8, v5;
	v15 =	vld [tilespmem:s12+$0xFFFFFFC0];
	v8 =	vadd.f32 v12, v24;
	v12 =	vmul.bf16 v19, v16  }
0x85: {  	v14 =	vunpack.i.l.bf16.f32 v14;
	v18 =	vadd.f32 v22, v18;
	v19 =	vunpack.i.l.bf16.f32 v4;
	v16 =	vld [tilespmem:s12+$0xFFFFFFB0]  }
0x86: {  	v14 =	vadd.f32 v14, v20;
	v22 =	vld [tilespmem:s24+$0xFFFFFFB0];
	v20 =	vunpack.i.u.bf16.f32 v12;
	v12 =	vunpack.i.l.bf16.f32 v12;
	(xrf2) =	vadd.scan.msk.f32 $0xffff, v5  }
0x87: {  	s20 =	sadd.s32 $0x2, s17;
	v10 =	vadd.f32 v10, v11;
	v4 =	vunpack.i.u.bf16.f32 v4;
	v8 =	vadd.f32 v18, v8;
	v5 =	vld [tilespmem:s12+$0xFFFFFFA0]  }
0x88: {  	v4 =	vadd.f32 v19, v4;
	v18 =	vmov s20;
	s20 =	sadd.s32 $0x3, s17;
	v12 =	vadd.f32 v12, v20;
	v11 =	vld [tilespmem:s24+$0xFFFFFFA0]  }
0x89: {  	v7 =	vadd.f32 v14, v7;
	v20 =	vmov s20;
	v19 =	vld [tilespmem:s24+$0xFFFFFF80]  }
0x8a: {  	v4 =	vadd.f32 v12, v4;
	v14 =	vld [tilespmem:s12+$0xFFFFFF90]  }
0x8b: {  	v7 =	vadd.f32 v7, v10;
	v12 =	vld [tilespmem:s12+$0xFFFFFF80];
	v16 =	vmul.bf16 v16, v22  }
0x8c: {  	vm1 =	veq.s32 v2, v0;
	vm0 =	veq.s32 v3, v0;
	v4 =	vadd.f32 v4, v8;
	v10 =	vld [tilespmem:s12+$0xFFFFFFE0];
	v2, _, _ =	vpop (xrf2)  }
0x8d: {  	v3 =	vmovc v20;
	v6 =	vmul.bf16 v15, v6;
	v8 =	vunpack.i.u.bf16.f32 v16;
	v15 =	vld [tilespmem:s24+$0xFFFFFFE0];
	v22 =	vbroadcast v2, $0xF;
	v2 =	vmovc v18  }
0x8e: {  	v5 =	vmul.bf16 v5, v11;
	v11 =	vunpack.i.l.bf16.f32 v16;
	v18 =	vmov s31;
	s31 =	smov.u32 s17;
	v16 =	vld [tilespmem:s12+$0x10];
	(xrf2) =	vadd.scan.msk.f32 $0xffff, v4  }
0x8f: {  	v8 =	vadd.f32 v11, v8;
	v11 =	vunpack.i.u.bf16.f32 v6;
	v4 =	vmul.bf16 v14, v23;
	v14 =	vld [tilespmem:s12+$0xFFFFFFF0]  }
0x90: {  	v17 =	vmul.bf16 v21, v17;
	v6 =	vunpack.i.l.bf16.f32 v6;
	v20 =	vunpack.i.u.bf16.f32 v5;
	v21 =	vld [tilespmem:s24+$0xFFFFFFF0];
	v23, _, _ =	vpop (xrf2)  }
0x91: {  	vm2 =	veq.s32 v18, v0;
	v12 =	vmul.bf16 v12, v19;
	v19 =	vunpack.i.l.bf16.f32 v5;
	v24 =	vld [tilespmem:s24+$0x10];
	(xrf2) =	vadd.scan.msk.f32 $0xffff, v7  }
0x92: {  	v5 =	vadd.f32 v6, v11;
	v7 =	vunpack.i.l.bf16.f32 v4;
	v18 =	vbroadcast v23, $0xF;
	v11 =	vld [tilespmem:s12+$0x0]  }
0x93: {  	v9 =	vsel vm2, v22, v9;
	v4 =	vunpack.i.u.bf16.f32 v4;
	v10 =	vmul.bf16 v10, v15;
	v15 =	vld [tilespmem:s24+$0x0]  }
0x94: {  	v19 =	vadd.f32 v19, v20;
	v6 =	vunpack.i.u.bf16.f32 v12;
	v12 =	vunpack.i.l.bf16.f32 v12;
	v20 =	vld [tilespmem:s12+$0x20]  }
0x95: {  	v4 =	vadd.f32 v7, v4;
	v12 =	vadd.f32 v12, v6;
	v7 =	vmul.bf16 v14, v21;
	v14 =	vld [tilespmem:s24+$0x20]  }
0x96: {  	v6 =	vadd.f32 v8, v19;
	v8 =	vunpack.i.u.bf16.f32 v10;
	v21 =	vunpack.i.l.bf16.f32 v10;
	v22 =	vld [tilespmem:s12+$0x30]  }
0x97: {  	vm2 =	veq.s32 v1, v0;
	v1 =	vmovc v13;
	v10 =	vadd.f32 v4, v12;
	v12 =	vunpack.i.u.bf16.f32 v7;
	v23 =	vld [tilespmem:s24+$0x30]  }
0x98: {  	v13 =	vunpack.i.u.bf16.f32 v17;
	v8 =	vadd.f32 v21, v8;
	v7 =	vunpack.i.l.bf16.f32 v7;
	v4 =	vld [tilespmem:s12+$0x60];
	v19, _, _ =	vpop (xrf2)  }
0x99: {  	v7 =	vadd.f32 v7, v12;
	v11 =	vmul.bf16 v11, v15;
	v15 =	vmul.bf16 v16, v24;
	v24 =	vld [tilespmem:s12+$0x50]  }
0x9a: {  	v26 =	vsel vm2, v18, v9;
	v16 =	vunpack.i.l.bf16.f32 v17;
	v9 =	vbroadcast v19, $0xF;
	v25 =	vld [tilespmem:s24+$0x50]  }
.Ltmp0:
0x9b: {  	v8 =	vadd.f32 v7, v8;
	v17 =	vunpack.i.l.bf16.f32 v15;
	v7 =	vmul.bf16 v20, v14;
	v12 =	vld [tilespmem:s12+$0x40];
	v14, _, _ =	vpop (xrf2);
	(pc) =	sbr.rel @p2 .LBB2_4-.Ltmp0, $4  }
0x9c: {  	v19 =	vunpack.i.u.bf16.f32 v11;
	v11 =	vunpack.i.l.bf16.f32 v11;
	v18 =	vld [tilespmem:s24+$0x40];
	v14 =	vbroadcast v14, $0xF  }
0x9d: {  	v21 =	vunpack.i.u.bf16.f32 v15;
	v27 =	vunpack.i.u.bf16.f32 v7;
	v7 =	vunpack.i.l.bf16.f32 v7;
	v15 =	vld [tilespmem:s24+$0x60]  }
0x9e: {  	v20 =	vadd.f32 v16, v13;
	v7 =	vadd.f32 v7, v27;
	v16 =	vld [tilespmem:s24+$0x70];
	v13 =	vsel vm1, v14, v26  }
0x9f: {  	s28 =	smov.u32 s19;
	v11 =	vadd.f32 v11, v19;
	v14 =	vmul.bf16 v22, v23;
	s24 =	sadd.s32 $0x100, s24;
	v22 =	vmul.bf16 v24, v25;
	v19 =	vld [tilespmem:s12+$0x70]  }
0xa0: {  	_ = 	snop  }
0xa1: {  	v6 =	vadd.f32 v6, v10;
	v47 =	vadd.f32 v17, v21  }
0xa2: {  	v5 =	vadd.f32 v20, v5;
	v12 =	vmul.bf16 v12, v18;
	v48 =	vunpack.i.u.bf16.f32 v22  }
0xa3: {  	v49 =	vunpack.i.u.bf16.f32 v14;
	v50 =	vunpack.i.l.bf16.f32 v22;
	v4 =	vmul.bf16 v4, v15  }
0xa4: {  	v51 =	vunpack.i.u.bf16.f32 v12;
	v12 =	vunpack.i.l.bf16.f32 v12;
	v16 =	vmul.bf16 v19, v16  }
0xa5: {  	v52 =	vadd.f32 v50, v48;
	v12 =	vadd.f32 v12, v51;
	v53 =	vunpack.i.l.bf16.f32 v4  }
0xa6: {  	v4 =	vunpack.i.u.bf16.f32 v4;
	v19 =	vunpack.i.u.bf16.f32 v16;
	v16 =	vunpack.i.l.bf16.f32 v16  }
0xa7: {  	v54 =	vunpack.i.l.bf16.f32 v14;
	v4 =	vadd.f32 v53, v4;
	v16 =	vadd.f32 v16, v19  }
0xa8: {  	v5 =	vadd.f32 v8, v5;
	v55 =	vadd.f32 v54, v49  }
0xa9: {  	v12 =	vadd.f32 v52, v12;
	v4 =	vadd.f32 v16, v4  }
0xaa: {  	v10 =	vadd.f32 v47, v11;
	v7 =	vadd.f32 v55, v7  }
0xab: {  	(xrf2) =	vadd.scan.msk.f32 $0xffff, v6;
	v4 =	vadd.f32 v4, v12  }
0xac: {  	(xrf2) =	vadd.scan.msk.f32 $0xffff, v5;
	v56 =	vadd.f32 v7, v10  }
0xad: {  	(xrf2) =	vadd.scan.msk.f32 $0xffff, v4  }
0xae: {  	(xrf2) =	vadd.scan.msk.f32 $0xffff, v56;
	_ =	sdelay $0x6  }
0xaf: {  	v57, _, _ =	vpop (xrf2)  }
0xb0: {  	v58, _, _ =	vpop (xrf2)  }
0xb1: {  	v59 =	vmov s31;
	v4 =	vbroadcast v57, $0xF;
	v60, _, _ =	vpop (xrf2)  }
0xb2: {  	v61 =	vsel vm0, v9, v13;
	vm13 =	veq.s32 v59, v0;
	v5 =	vbroadcast v58, $0xF;
	v62, _, _ =	vpop (xrf2)  }
0xb3: {  	vm14 =	veq.s32 v1, v0;
	v4 =	vsel vm13, v4, v61;
	v1 =	vbroadcast v62, $0xF  }
0xb4: {  	vm1 =	veq.s32 v2, v0;
	v2 =	vsel vm14, v5, v4;
	v63 =	vbroadcast v60, $0xF  }
0xb5: {  	vm15 =	veq.s32 v3, v0;
	v1 =	vsel vm1, v1, v2  }
0xb6: {  	v1 =	vsel vm15, v63, v1  }
0xb7: {  	v1 =	vsub.f32 $0.0e+00, v1;
	_ =	sdelay $0x1  }
0xb8: {  	v1 =	vmul.f32 $1.442695020e+00, v1;
	_ =	sdelay $0x1  }
0xb9: {  	(erf) = vpow2.f32 v1;
	_ =	sdelay $0x8  }
0xba: {  	v1 =	vpop (erf)  }
0xbb: {  	v1 =	vadd.f32 $1.000000000e+00, v1;
	_ =	sdelay $0x1  }
0xbc: {  	(erf) = vrcp.f32 v1;
	_ =	sdelay $0x3  }
0xbd: {  	s6 =	sadd.s32 $0x1, s6  }
0xbe: {  	p2 =	sne.s32 s6, $0x5  }
.Ltmp1:
0xbf: {  	_ = 	snop;
	(pc) =	sbr.rel @p2 .LBB2_3-.Ltmp1, $3  }
0xc0: {  	_ =	sdelay $0x1  }
0xc1: {  	v1 =	vpop (erf)  }
0xc2: {  	s11 =	sadd.s32 $0x400, s11;
	s16 =	sadd.s32 $0x400, s16;
	[tilespmem:s30+$0x18A60] =	vst v1  }
0xc3: {  	s6 =	sadd.s32 s5, s7  }
0xc4: {  	s6 =	sshrl.u32 s6, $0x3  }
0xc5: {  	s6 =	sadd.s32 s2, s6  }
0xc6: {  	[hbm4b:s6+s4] =	stream.linear.scatter [tilespmem:s21], [sflag:$0x9], $0x50, $0x38;
	[tilespmem:$0x18BA0] =	vst v63  }
0xc7: {  	s28 =	sadd.s32 $0x9D80, s7;
	s8 =	simm.s32 $0xEA60  }
0xc8: {  	[tilespmem:s8], [sflag:$0x1] =	stream.indirect.gather [spmem:s3], $0x40, s28, s18, $0xb8;
	[tilespmem:$0x18BA0] =	vst v63  }
0xc9: {  	s30 =	sadd.s32 $0xC490, s7;
	s31 =	simm.s32 $0x13A60  }
0xca: {  	[tilespmem:s31], [sflag:$0x5] =	stream.indirect.gather [spmem:s3], $0x40, s30, s18, $0xb8;
	[tilespmem:$0x18BA0] =	vst v63  }
0xcb: {  	_ =	swait.ge [sflag:s22], $0x1400  }
0xcc: {  	[sflag:s22] =	ssyncset.done $0x0  }
0xcd: {  	[sflag:s22] =	ssyncadd.s32 $0xFFFFEC00  }
0xce: {  	_ =	swait.ge [sflag:s23], $0x1400  }
0xcf: {  	[sflag:s23] =	ssyncset.done $0x0  }
0xd0: {  	s6 =	simm.s32 @!p1 $0xA;
	[sflag:s23] =	ssyncadd.s32 $0xFFFFEC00  }
0xd1: {  	_ =	swait.ge @!p1 [sflag:s6], $0x50  }
0xd2: {  	s11 =	simm.s32 $0xFF50;
	s16 =	simm.s32 $0x14F50;
	[sflag:s6] =	ssyncset.done @!p1 $0x0  }
0xd3: {  	s8 =	simm.s32 $0x0;
	[sflag:s6] =	ssyncadd.s32 @!p1 $0xFFFFFFB0;
	s6 =	simm.s32 $0x0  }
.LBB2_7:
0xd4: {  	v1 =	vld [tilespmem:s11+$0xFFFFFF20]  }
0xd5: {  	v2 =	vld [tilespmem:s11+$0xFFFFFF60]  }
0xd6: {  	v3 =	vld [tilespmem:s16+$0xFFFFFF60]  }
0xd7: {  	v5 =	vld [tilespmem:s11+$0xFFFFFF50]  }
0xd8: {  	v7 =	vld [tilespmem:s16+$0xFFFFFF50]  }
0xd9: {  	v4 =	vld [tilespmem:s16+$0xFFFFFF40]  }
0xda: {  	v8 =	vld [tilespmem:s11+$0xFFFFFF40]  }
0xdb: {  	v9 =	vld [tilespmem:s16+$0xFFFFFF30]  }
0xdc: {  	v10 =	vld [tilespmem:s11+$0xFFFFFF30]  }
0xdd: {  	v11 =	vld [tilespmem:s11+$0xFFFFFF10]  }
0xde: {  	v12 =	vld [tilespmem:s16+$0xFFFFFF20]  }
0xdf: {  	v13 =	vld [tilespmem:s16+$0xFFFFFF10]  }
0xe0: {  	v14 =	vld [tilespmem:s16+$0xFFFFFF70]  }
0xe1: {  	v15 =	vld [tilespmem:s11+$0xFFFFFF70]  }
0xe2: {  	v16 =	vld [tilespmem:s16+$0xFFFFFFA0]  }
0xe3: {  	v17 =	vld [tilespmem:s16+$0xFFFFFF80]  }
0xe4: {  	s17 =	simm.s32 $0x2;
	v18 =	vld [tilespmem:s11+$0xFFFFFF80]  }
0xe5: {  	v22 =	vld [tilespmem:s11+$0xFFFFFFB0];
	v19 =	vmov s17;
	v8 =	vmul.bf16 v4, v8  }
0xe6: {  	s12 =	simm.s32 $0x1;
	v23 =	vld [tilespmem:s11+$0x0];
	s24 =	sadd.s32 $0x100, s11;
	vm1 =	veq.s32 v19, v0;
	v5 =	vmul.bf16 v7, v5;
	v9 =	vmul.bf16 v9, v10  }
0xe7: {  	v19 =	vld [tilespmem:s24+$0xFFFFFF70];
	v4 =	vmov s12;
	v1 =	vmul.bf16 v12, v1;
	v2 =	vmul.bf16 v3, v2  }
0xe8: {  	v7 =	vld [tilespmem:s11+$0xFFFFFFA0];
	v11 =	vmul.bf16 v13, v11;
	v20 =	vunpack.i.u.bf16.f32 v8;
	v8 =	vunpack.i.l.bf16.f32 v8  }
0xe9: {  	v10 =	vld [tilespmem:s16+$0xFFFFFF90];
	v12 =	vunpack.i.u.bf16.f32 v5;
	v21 =	vunpack.i.u.bf16.f32 v9;
	v5 =	vunpack.i.l.bf16.f32 v5  }
0xea: {  	v3 =	vld [tilespmem:s16+$0xFFFFFFB0];
	v9 =	vunpack.i.l.bf16.f32 v9;
	v13 =	vunpack.i.l.bf16.f32 v1;
	v1 =	vunpack.i.u.bf16.f32 v1  }
0xeb: {  	v8 =	vadd.f32 v8, v20;
	v20 =	vld [tilespmem:s11+$0xFFFFFF90];
	v5 =	vadd.f32 v5, v12;
	v12 =	vmul.bf16 v14, v15  }
0xec: {  	v14 =	vld [tilespmem:s16+$0xFFFFFFC0];
	v15 =	vunpack.i.u.bf16.f32 v11;
	v11 =	vunpack.i.l.bf16.f32 v11;
	v9 =	vadd.f32 v9, v21  }
0xed: {  	v1 =	vadd.f32 v13, v1;
	v13 =	vmul.bf16 v17, v18;
	v17 =	vld [tilespmem:s16+$0xFFFFFFE0];
	v11 =	vadd.f32 v11, v15  }
0xee: {  	v18 =	vld [tilespmem:s11+$0xFFFFFFE0];
	v8 =	vadd.f32 v8, v9;
	v9 =	vunpack.i.u.bf16.f32 v12;
	v12 =	vunpack.i.l.bf16.f32 v12  }
0xef: {  	v21 =	vld [tilespmem:s11+$0xFFFFFFC0];
	v7 =	vmul.bf16 v16, v7;
	v3 =	vmul.bf16 v3, v22;
	v1 =	vadd.f32 v1, v11  }
0xf0: {  	v15 =	vld [tilespmem:s16+$0xFFFFFFF0];
	v11 =	vunpack.i.u.bf16.f32 v13;
	v13 =	vunpack.i.l.bf16.f32 v13;
	v9 =	vadd.f32 v12, v9  }
0xf1: {  	v16 =	vld [tilespmem:s11+$0xFFFFFFD0];
	v11 =	vadd.f32 v13, v11;
	v13 =	vunpack.i.u.bf16.f32 v2;
	v2 =	vunpack.i.l.bf16.f32 v2  }
0xf2: {  	v12 =	vld [tilespmem:s16+$0xFFFFFFD0];
	v24 =	vunpack.i.u.bf16.f32 v3;
	v3 =	vunpack.i.l.bf16.f32 v3;
	v10 =	vmul.bf16 v10, v20  }
0xf3: {  	v20 =	vld [tilespmem:s11+$0xFFFFFFF0];
	v2 =	vadd.f32 v2, v13;
	v17 =	vmul.bf16 v17, v18;
	v1 =	vadd.f32 v8, v1  }
0xf4: {  	v13 =	vld [tilespmem:s16+$0x0];
	v9 =	vadd.f32 v11, v9;
	v11 =	vunpack.i.l.bf16.f32 v7;
	v7 =	vunpack.i.u.bf16.f32 v7  }
0xf5: {  	v18 =	vld [tilespmem:s24+$0xFFFFFF20];
	v22 =	vunpack.i.u.bf16.f32 v10;
	v10 =	vunpack.i.l.bf16.f32 v10;
	v7 =	vadd.f32 v11, v7  }
0xf6: {  	v11 =	vunpack.i.u.bf16.f32 v17;
	v2 =	vadd.f32 v2, v5;
	v5 =	vunpack.i.l.bf16.f32 v17;
	v17 =	vld [tilespmem:s24+$0xFFFFFF50]  }
0xf7: {  	s12 =	sadd.s32 $0x100, s16;
	v8 =	vadd.f32 v10, v22;
	v10 =	vmul.bf16 v14, v21;
	v14 =	vld [tilespmem:s24+$0xFFFFFF60];
	v12 =	vmul.bf16 v12, v16  }
0xf8: {  	v6 =	vimm.f32 $0.0e+00;
	v3 =	vadd.f32 v3, v24;
	v5 =	vadd.f32 v5, v11;
	v22 =	vld [tilespmem:s12+$0xFFFFFF30]  }
0xf9: {  	v21 =	vunpack.i.u.bf16.f32 v12;
	v12 =	vunpack.i.l.bf16.f32 v12;
	v15 =	vmul.bf16 v15, v20;
	v20 =	vld [tilespmem:s12+$0xFFFFFF50]  }
0xfa: {  	v2 =	vadd.f32 v9, v2;
	v9 =	vadd.f32 v12, v21;
	v12 =	vmul.bf16 v13, v23;
	v13 =	vld [tilespmem:s12+$0xFFFFFF40]  }
0xfb: {  	(xrf2) =	vadd.scan.msk.f32 $0xffff, v1;
	v1 =	vunpack.i.u.bf16.f32 v10;
	v10 =	vunpack.i.l.bf16.f32 v10;
	v7 =	vadd.f32 v7, v8;
	v21 =	vld [tilespmem:s24+$0xFFFFFF40]  }
0xfc: {  	v10 =	vadd.f32 v10, v1;
	(xrf2) =	vadd.scan.msk.f32 $0xffff, v2;
	v23 =	vld [tilespmem:s24+$0xFFFFFF30];
	v11 =	vunpack.i.l.bf16.f32 v15;
	v2 =	vunpack.i.u.bf16.f32 v15  }
0xfd: {  	s28 =	simm.s32 $0x3;
	v16 =	vld [tilespmem:s12+$0xFFFFFF60];
	v1 =	vunpack.i.u.bf16.f32 v12;
	v12 =	vunpack.i.l.bf16.f32 v12;
	v11 =	vadd.f32 v11, v2  }
0xfe: {  	s20 =	simm.s32 $0x6;
	v8 =	vld [tilespmem:s24+$0xFFFFFF10];
	v15 =	vmov s28;
	s28 =	simm.s32 $0x7;
	v10 =	vadd.f32 v10, v3;
	v12 =	vadd.f32 v12, v1  }
0xff: {  	v5 =	vadd.f32 v5, v9;
	v2 =	vmov s20;
	v9 =	vld [tilespmem:s12+$0xFFFFFF20];
	v3 =	vmov s28  }
0x100: {  	v7 =	vadd.f32 v10, v7;
	v10 =	vld [tilespmem:s12+$0xFFFFFF70];
	v17 =	vmul.bf16 v20, v17;
	v11 =	vadd.f32 v12, v11  }
0x101: {  	v12 =	vld [tilespmem:s12+$0xFFFFFF10];
	v13 =	vmul.bf16 v13, v21;
	v20 =	vmul.bf16 v22, v23;
	v22 =	vmov s8  }
0x102: {  	vm0 =	veq.s32 v15, v0;
	v14 =	vmul.bf16 v16, v14;
	vm2 =	veq.s32 v22, v0  }
0x103: {  	v16 =	vld [tilespmem:s24+$0xFFFFFF80];
	v5 =	vadd.f32 v11, v5;
	v15 =	vunpack.i.u.bf16.f32 v13;
	v13 =	vunpack.i.l.bf16.f32 v13  }
0x104: {  	v21 =	vld [tilespmem:s12+$0xFFFFFFA0];
	v9 =	vmul.bf16 v9, v18;
	v18 =	vunpack.i.u.bf16.f32 v20;
	v13 =	vadd.f32 v13, v15  }
0x105: {  	v15 =	vld [tilespmem:s12+$0xFFFFFF80];
	v11, _, _ =	vpop (xrf2);
	(xrf2) =	vadd.scan.msk.f32 $0xffff, v5;
	v5 =	vunpack.i.u.bf16.f32 v17;
	v17 =	vunpack.i.l.bf16.f32 v17;
	v10 =	vmul.bf16 v10, v19  }
0x106: {  	v19 =	vld [tilespmem:s24+$0xFFFFFF90];
	v11 =	vbroadcast v11, $0xF;
	v8 =	vmul.bf16 v12, v8;
	v12 =	vunpack.i.l.bf16.f32 v20  }
0x107: {  	v23, _, _ =	vpop (xrf2);
	v20 =	vld [tilespmem:s24+$0xFFFFFFA0];
	(xrf2) =	vadd.scan.msk.f32 $0xffff, v7;
	v7 =	vunpack.i.l.bf16.f32 v9;
	v5 =	vadd.f32 v17, v5;
	v9 =	vunpack.i.u.bf16.f32 v9  }
0x108: {  	v17 =	vld [tilespmem:s12+$0xFFFFFF90];
	v22 =	vbroadcast v23, $0xF;
	v12 =	vadd.f32 v12, v18;
	v7 =	vadd.f32 v7, v9  }
0x109: {  	v63 =	vld [tilespmem:s24+$0xFFFFFFC0];
	v11 =	vsel vm2, v11, v6;
	v6 =	vunpack.i.u.bf16.f32 v8;
	v8 =	vunpack.i.l.bf16.f32 v8  }
0x10a: {  	v18 =	vld [tilespmem:s12+$0xFFFFFFB0];
	vm2 =	veq.s32 v4, v0;
	v8 =	vadd.f32 v8, v6;
	v9 =	vmul.bf16 v15, v16  }
0x10b: {  	v15 =	vld [tilespmem:s24+$0xFFFFFFB0];
	v6 =	vadd.f32 v13, v12;
	v12 =	vunpack.i.u.bf16.f32 v10;
	v13 =	vunpack.i.l.bf16.f32 v10  }
0x10c: {  	v26 =	vld [tilespmem:s24+$0xFFFFFFE0];
	v10 =	vadd.f32 v7, v8;
	v7 =	vunpack.i.u.bf16.f32 v9;
	v8 =	vadd.f32 v13, v12  }
0x10d: {  	v25 =	vld [tilespmem:s12+$0xFFFFFFE0];
	v9 =	vunpack.i.l.bf16.f32 v9;
	v13 =	vmul.bf16 v17, v19;
	v19 =	vmul.bf16 v21, v20  }
0x10e: {  	v23 =	vld [tilespmem:s12+$0xFFFFFFC0];
	v16 =	vunpack.i.u.bf16.f32 v14;
	v14 =	vunpack.i.l.bf16.f32 v14;
	v7 =	vadd.f32 v9, v7  }
0x10f: {  	v4 =	vld [tilespmem:s12+$0xFFFFFFF0];
	v11 =	vsel vm2, v22, v11;
	v20 =	vadd.f32 v14, v16;
	v17 =	vunpack.i.l.bf16.f32 v19  }
0x110: {  	v16 =	vld [tilespmem:s24+$0x0];
	v22 =	vunpack.i.u.bf16.f32 v13;
	v8 =	vadd.f32 v7, v8;
	v7 =	vmul.bf16 v18, v15;
	v12, _, _ =	vpop (xrf2)  }
0x111: {  	v27 =	vunpack.i.l.bf16.f32 v13;
	v21 =	vunpack.i.u.bf16.f32 v19;
	v18 =	vld [tilespmem:s24+$0xFFFFFFD0];
	v9 =	vbroadcast v12, $0xF;
	v15, _, _ =	vpop (xrf2)  }
0x112: {  	s19 =	simm.s32 $0x5;
	v12 =	vld [tilespmem:s12+$0xFFFFFFD0];
	v19 =	vunpack.i.u.bf16.f32 v7;
	v7 =	vunpack.i.l.bf16.f32 v7;
	v13 =	vbroadcast v15, $0xF  }
0x113: {  	s30 =	sshll.u32 s6, $0x4;
	v1 =	vmov s19;
	v14 =	vmul.bf16 v23, v63;
	v15 =	vld [tilespmem:s24+$0xFFFFFFF0];
	v7 =	vadd.f32 v7, v19  }
0x114: {  	s31 =	simm.s32 $0x4;
	s19 =	simm.s32 $0x8;
	v19 =	vld [tilespmem:s12+$0x0];
	s24 =	sadd.s32 $0x100, s24;
	v13 =	vsel vm1, v13, v11;
	v11 =	vadd.f32 v27, v22;
	v22 =	vmul.bf16 v25, v26  }
.LBB2_8:
0x115: {  	s20 =	sadd.s32 $0x1, s19  }
0x116: {  	v23 =	vld [tilespmem:s24+$0xFFFFFF20];
	v6 =	vadd.f32 v6, v10;
	v10 =	vadd.f32 v17, v21;
	s12 =	sadd.s32 $0x100, s12;
	v9 =	vsel vm0, v9, v13;
	s17 =	smov.u32 s19;
	s28 =	sadd.s32 $0x4, s19  }
0x117: {  	p2 =	sne.s32 s19, $0xC;
	v13 =	vmov s20;
	v17 =	vld [tilespmem:s24+$0xFFFFFF60];
	v12 =	vmul.bf16 v12, v18;
	v18 =	vunpack.i.u.bf16.f32 v22  }
0x118: {  	v5 =	vadd.f32 v20, v5;
	v20 =	vunpack.i.u.bf16.f32 v14;
	v22 =	vunpack.i.l.bf16.f32 v22;
	v21 =	vld [tilespmem:s12+$0xFFFFFF60];
	(xrf2) =	vadd.scan.msk.f32 $0xffff, v6  }
0x119: {  	v4 =	vmul.bf16 v4, v15;
	v6 =	vld [tilespmem:s24+$0xFFFFFF50];
	v24 =	vunpack.i.u.bf16.f32 v12;
	v12 =	vunpack.i.l.bf16.f32 v12  }
0x11a: {  	v5 =	vadd.f32 v8, v5;
	v15 =	vld [tilespmem:s12+$0xFFFFFF50];
	v8 =	vadd.f32 v12, v24;
	v12 =	vmul.bf16 v19, v16  }
0x11b: {  	v14 =	vunpack.i.l.bf16.f32 v14;
	v18 =	vadd.f32 v22, v18;
	v19 =	vunpack.i.l.bf16.f32 v4;
	v16 =	vld [tilespmem:s12+$0xFFFFFF40]  }
0x11c: {  	v14 =	vadd.f32 v14, v20;
	v22 =	vld [tilespmem:s24+$0xFFFFFF40];
	v20 =	vunpack.i.u.bf16.f32 v12;
	v12 =	vunpack.i.l.bf16.f32 v12;
	(xrf2) =	vadd.scan.msk.f32 $0xffff, v5  }
0x11d: {  	s19 =	sadd.s32 $0x2, s17;
	v10 =	vadd.f32 v10, v11;
	v4 =	vunpack.i.u.bf16.f32 v4;
	v8 =	vadd.f32 v18, v8;
	v5 =	vld [tilespmem:s12+$0xFFFFFF30]  }
0x11e: {  	v4 =	vadd.f32 v19, v4;
	v18 =	vmov s19;
	s19 =	sadd.s32 $0x3, s17;
	v12 =	vadd.f32 v12, v20;
	v11 =	vld [tilespmem:s24+$0xFFFFFF30]  }
0x11f: {  	v7 =	vadd.f32 v14, v7;
	v20 =	vmov s19;
	v19 =	vld [tilespmem:s24+$0xFFFFFF10]  }
0x120: {  	v4 =	vadd.f32 v12, v4;
	v14 =	vld [tilespmem:s12+$0xFFFFFF20]  }
0x121: {  	v7 =	vadd.f32 v7, v10;
	v12 =	vld [tilespmem:s12+$0xFFFFFF10];
	v16 =	vmul.bf16 v16, v22  }
0x122: {  	vm1 =	veq.s32 v2, v0;
	vm0 =	veq.s32 v3, v0;
	v4 =	vadd.f32 v4, v8;
	v10 =	vld [tilespmem:s12+$0xFFFFFF70];
	v2, _, _ =	vpop (xrf2)  }
0x123: {  	v3 =	vmovc v20;
	v6 =	vmul.bf16 v15, v6;
	v8 =	vunpack.i.u.bf16.f32 v16;
	v15 =	vld [tilespmem:s24+$0xFFFFFF70];
	v22 =	vbroadcast v2, $0xF;
	v2 =	vmovc v18  }
0x124: {  	v5 =	vmul.bf16 v5, v11;
	v11 =	vunpack.i.l.bf16.f32 v16;
	v18 =	vmov s31;
	s31 =	smov.u32 s17;
	v16 =	vld [tilespmem:s12+$0xFFFFFFA0];
	(xrf2) =	vadd.scan.msk.f32 $0xffff, v4  }
0x125: {  	v8 =	vadd.f32 v11, v8;
	v11 =	vunpack.i.u.bf16.f32 v6;
	v4 =	vmul.bf16 v14, v23;
	v14 =	vld [tilespmem:s12+$0xFFFFFF80]  }
0x126: {  	v17 =	vmul.bf16 v21, v17;
	v6 =	vunpack.i.l.bf16.f32 v6;
	v20 =	vunpack.i.u.bf16.f32 v5;
	v21 =	vld [tilespmem:s24+$0xFFFFFF80];
	v23, _, _ =	vpop (xrf2)  }
0x127: {  	vm2 =	veq.s32 v18, v0;
	v12 =	vmul.bf16 v12, v19;
	v19 =	vunpack.i.l.bf16.f32 v5;
	v24 =	vld [tilespmem:s24+$0xFFFFFFA0];
	(xrf2) =	vadd.scan.msk.f32 $0xffff, v7  }
0x128: {  	v5 =	vadd.f32 v6, v11;
	v7 =	vunpack.i.l.bf16.f32 v4;
	v18 =	vbroadcast v23, $0xF;
	v11 =	vld [tilespmem:s12+$0xFFFFFF90]  }
0x129: {  	v9 =	vsel vm2, v22, v9;
	v4 =	vunpack.i.u.bf16.f32 v4;
	v10 =	vmul.bf16 v10, v15;
	v15 =	vld [tilespmem:s24+$0xFFFFFF90]  }
0x12a: {  	v19 =	vadd.f32 v19, v20;
	v6 =	vunpack.i.u.bf16.f32 v12;
	v12 =	vunpack.i.l.bf16.f32 v12;
	v20 =	vld [tilespmem:s12+$0xFFFFFFB0]  }
0x12b: {  	v4 =	vadd.f32 v7, v4;
	v12 =	vadd.f32 v12, v6;
	v7 =	vmul.bf16 v14, v21;
	v14 =	vld [tilespmem:s24+$0xFFFFFFB0]  }
0x12c: {  	v6 =	vadd.f32 v8, v19;
	v8 =	vunpack.i.u.bf16.f32 v10;
	v21 =	vunpack.i.l.bf16.f32 v10;
	v22 =	vld [tilespmem:s12+$0xFFFFFFC0]  }
0x12d: {  	vm2 =	veq.s32 v1, v0;
	v1 =	vmovc v13;
	v10 =	vadd.f32 v4, v12;
	v12 =	vunpack.i.u.bf16.f32 v7;
	v23 =	vld [tilespmem:s24+$0xFFFFFFC0]  }
0x12e: {  	v13 =	vunpack.i.u.bf16.f32 v17;
	v8 =	vadd.f32 v21, v8;
	v7 =	vunpack.i.l.bf16.f32 v7;
	v4 =	vld [tilespmem:s12+$0xFFFFFFF0];
	v19, _, _ =	vpop (xrf2)  }
0x12f: {  	v7 =	vadd.f32 v7, v12;
	v11 =	vmul.bf16 v11, v15;
	v15 =	vmul.bf16 v16, v24;
	v24 =	vld [tilespmem:s12+$0xFFFFFFE0]  }
0x130: {  	v26 =	vsel vm2, v18, v9;
	v16 =	vunpack.i.l.bf16.f32 v17;
	v9 =	vbroadcast v19, $0xF;
	v25 =	vld [tilespmem:s24+$0xFFFFFFE0]  }
.Ltmp2:
0x131: {  	v8 =	vadd.f32 v7, v8;
	v17 =	vunpack.i.l.bf16.f32 v15;
	v7 =	vmul.bf16 v20, v14;
	v12 =	vld [tilespmem:s12+$0xFFFFFFD0];
	v14, _, _ =	vpop (xrf2);
	(pc) =	sbr.rel @p2 .LBB2_8-.Ltmp2, $4  }
0x132: {  	v19 =	vunpack.i.u.bf16.f32 v11;
	v11 =	vunpack.i.l.bf16.f32 v11;
	v18 =	vld [tilespmem:s24+$0xFFFFFFD0];
	v14 =	vbroadcast v14, $0xF  }
0x133: {  	v21 =	vunpack.i.u.bf16.f32 v15;
	v27 =	vunpack.i.u.bf16.f32 v7;
	v7 =	vunpack.i.l.bf16.f32 v7;
	v15 =	vld [tilespmem:s24+$0xFFFFFFF0]  }
0x134: {  	v20 =	vadd.f32 v16, v13;
	v7 =	vadd.f32 v7, v27;
	v16 =	vld [tilespmem:s24+$0x0];
	v13 =	vsel vm1, v14, v26  }
0x135: {  	s19 =	smov.u32 s28;
	v11 =	vadd.f32 v11, v19;
	v14 =	vmul.bf16 v22, v23;
	s24 =	sadd.s32 $0x100, s24;
	v22 =	vmul.bf16 v24, v25;
	v19 =	vld [tilespmem:s12+$0x0]  }
0x136: {  	_ = 	snop  }
0x137: {  	v6 =	vadd.f32 v6, v10;
	v47 =	vadd.f32 v17, v21  }
0x138: {  	v5 =	vadd.f32 v20, v5;
	v12 =	vmul.bf16 v12, v18;
	v48 =	vunpack.i.u.bf16.f32 v22  }
0x139: {  	v49 =	vunpack.i.u.bf16.f32 v14;
	v50 =	vunpack.i.l.bf16.f32 v22;
	v4 =	vmul.bf16 v4, v15  }
0x13a: {  	v51 =	vunpack.i.u.bf16.f32 v12;
	v12 =	vunpack.i.l.bf16.f32 v12;
	v16 =	vmul.bf16 v19, v16  }
0x13b: {  	v52 =	vadd.f32 v50, v48;
	v12 =	vadd.f32 v12, v51;
	v53 =	vunpack.i.l.bf16.f32 v4  }
0x13c: {  	v4 =	vunpack.i.u.bf16.f32 v4;
	v19 =	vunpack.i.u.bf16.f32 v16;
	v16 =	vunpack.i.l.bf16.f32 v16  }
0x13d: {  	v54 =	vunpack.i.l.bf16.f32 v14;
	v4 =	vadd.f32 v53, v4;
	v16 =	vadd.f32 v16, v19  }
0x13e: {  	v5 =	vadd.f32 v8, v5;
	v55 =	vadd.f32 v54, v49  }
0x13f: {  	v12 =	vadd.f32 v52, v12;
	v4 =	vadd.f32 v16, v4  }
0x140: {  	v10 =	vadd.f32 v47, v11;
	v7 =	vadd.f32 v55, v7  }
0x141: {  	(xrf2) =	vadd.scan.msk.f32 $0xffff, v6;
	v4 =	vadd.f32 v4, v12  }
0x142: {  	(xrf2) =	vadd.scan.msk.f32 $0xffff, v5;
	v56 =	vadd.f32 v7, v10  }
0x143: {  	(xrf2) =	vadd.scan.msk.f32 $0xffff, v4  }
0x144: {  	(xrf2) =	vadd.scan.msk.f32 $0xffff, v56;
	_ =	sdelay $0x6  }
0x145: {  	v57, _, _ =	vpop (xrf2)  }
0x146: {  	v58, _, _ =	vpop (xrf2)  }
0x147: {  	v59 =	vmov s31;
	v4 =	vbroadcast v57, $0xF;
	v60, _, _ =	vpop (xrf2)  }
0x148: {  	v61 =	vsel vm0, v9, v13;
	vm13 =	veq.s32 v59, v0;
	v5 =	vbroadcast v58, $0xF;
	v62, _, _ =	vpop (xrf2)  }
0x149: {  	vm14 =	veq.s32 v1, v0;
	v4 =	vsel vm13, v4, v61;
	v1 =	vbroadcast v62, $0xF  }
0x14a: {  	vm1 =	veq.s32 v2, v0;
	v2 =	vsel vm14, v5, v4;
	v63 =	vbroadcast v60, $0xF  }
0x14b: {  	vm15 =	veq.s32 v3, v0;
	v1 =	vsel vm1, v1, v2  }
0x14c: {  	v1 =	vsel vm15, v63, v1  }
0x14d: {  	v1 =	vsub.f32 $0.0e+00, v1;
	_ =	sdelay $0x1  }
0x14e: {  	v1 =	vmul.f32 $1.442695020e+00, v1;
	_ =	sdelay $0x1  }
0x14f: {  	(erf) = vpow2.f32 v1;
	_ =	sdelay $0x8  }
0x150: {  	v1 =	vpop (erf)  }
0x151: {  	v1 =	vadd.f32 $1.000000000e+00, v1;
	_ =	sdelay $0x1  }
0x152: {  	(erf) = vrcp.f32 v1;
	_ =	sdelay $0x3  }
0x153: {  	s6 =	sadd.s32 $0x1, s6  }
0x154: {  	p2 =	sne.s32 s6, $0x5  }
.Ltmp3:
0x155: {  	_ = 	snop;
	(pc) =	sbr.rel @p2 .LBB2_7-.Ltmp3, $3  }
0x156: {  	_ =	sdelay $0x1  }
0x157: {  	v1 =	vpop (erf)  }
0x158: {  	s11 =	sadd.s32 $0x400, s11;
	s16 =	sadd.s32 $0x400, s16;
	[tilespmem:s30+$0x18AB0] =	vst v1  }
0x159: {  	s6 =	sadd.s32 s7, s9  }
0x15a: {  	s6 =	sshrl.u32 s6, $0x3  }
0x15b: {  	s8 =	simm.s32 $0x18AB0;
	p2 =	seq.s32 s13, $0x1E;
	s6 =	sadd.s32 s2, s6  }
0x15c: {  	[hbm4b:s6+s4] =	stream.linear.scatter [tilespmem:s8], [sflag:$0xA], $0x50, $0x38;
	[tilespmem:$0x18BA0] =	vst v63  }
0x15d: {  	s11 =	simm.s32 @!p2 $0xFE60;
	s6 =	sadd.s32 @!p2 $0x9DD0, s7;
	s8 =	simm.s32 @!p2 $0x50  }
0x15e: {  	[tilespmem:s11], [sflag:$0x2] =	stream.indirect.gather @!p2 [spmem:s3], $0x40, s6, s8, $0xb8;
	[tilespmem:$0x18BA0] =	vst v63  }
0x15f: {  	s6 =	sadd.s32 @!p2 $0xC4E0, s7;
	s11 =	simm.s32 @!p2 $0x14E60  }
0x160: {  	[tilespmem:s11], [sflag:$0x6] =	stream.indirect.gather @!p2 [spmem:s3], $0x40, s6, s8, $0xb8;
	[tilespmem:$0x18BA0] =	vst v63  }
0x161: {  	_ =	swait.ge [sflag:s25], $0x1400  }
0x162: {  	[sflag:s25] =	ssyncset.done $0x0  }
0x163: {  	[sflag:s25] =	ssyncadd.s32 $0xFFFFEC00  }
0x164: {  	_ =	swait.ge [sflag:s26], $0x1400  }
0x165: {  	[sflag:s26] =	ssyncset.done $0x0  }
0x166: {  	s6 =	simm.s32 @!p1 $0xB;
	[sflag:s26] =	ssyncadd.s32 $0xFFFFEC00  }
0x167: {  	_ =	swait.ge @!p1 [sflag:s6], $0x50  }
0x168: {  	s16 =	simm.s32 $0x16350;
	s8 =	simm.s32 $0x0;
	[sflag:s6] =	ssyncset.done @!p1 $0x0  }
0x169: {  	s11 =	simm.s32 $0x11350;
	[sflag:s6] =	ssyncadd.s32 @!p1 $0xFFFFFFB0;
	s6 =	simm.s32 $0x0  }
.LBB2_11:
0x16a: {  	v1 =	vld [tilespmem:s11+$0xFFFFFF20]  }
0x16b: {  	v2 =	vld [tilespmem:s11+$0xFFFFFF60]  }
0x16c: {  	v3 =	vld [tilespmem:s16+$0xFFFFFF60]  }
0x16d: {  	v5 =	vld [tilespmem:s11+$0xFFFFFF50]  }
0x16e: {  	v7 =	vld [tilespmem:s16+$0xFFFFFF50]  }
0x16f: {  	v4 =	vld [tilespmem:s16+$0xFFFFFF40]  }
0x170: {  	v8 =	vld [tilespmem:s11+$0xFFFFFF40]  }
0x171: {  	v9 =	vld [tilespmem:s16+$0xFFFFFF30]  }
0x172: {  	v10 =	vld [tilespmem:s11+$0xFFFFFF30]  }
0x173: {  	v11 =	vld [tilespmem:s11+$0xFFFFFF10]  }
0x174: {  	v12 =	vld [tilespmem:s16+$0xFFFFFF20]  }
0x175: {  	v13 =	vld [tilespmem:s16+$0xFFFFFF10]  }
0x176: {  	v14 =	vld [tilespmem:s16+$0xFFFFFF70]  }
0x177: {  	v15 =	vld [tilespmem:s11+$0xFFFFFF70]  }
0x178: {  	v16 =	vld [tilespmem:s16+$0xFFFFFFA0]  }
0x179: {  	v17 =	vld [tilespmem:s16+$0xFFFFFF80]  }
0x17a: {  	s17 =	simm.s32 $0x2;
	v18 =	vld [tilespmem:s11+$0xFFFFFF80]  }
0x17b: {  	v22 =	vld [tilespmem:s11+$0xFFFFFFB0];
	v19 =	vmov s17;
	v8 =	vmul.bf16 v4, v8  }
0x17c: {  	s12 =	simm.s32 $0x1;
	v23 =	vld [tilespmem:s11+$0x0];
	s24 =	sadd.s32 $0x100, s11;
	vm1 =	veq.s32 v19, v0;
	v5 =	vmul.bf16 v7, v5;
	v9 =	vmul.bf16 v9, v10  }
0x17d: {  	v19 =	vld [tilespmem:s24+$0xFFFFFF70];
	v4 =	vmov s12;
	v1 =	vmul.bf16 v12, v1;
	v2 =	vmul.bf16 v3, v2  }
0x17e: {  	v7 =	vld [tilespmem:s11+$0xFFFFFFA0];
	v11 =	vmul.bf16 v13, v11;
	v20 =	vunpack.i.u.bf16.f32 v8;
	v8 =	vunpack.i.l.bf16.f32 v8  }
0x17f: {  	v10 =	vld [tilespmem:s16+$0xFFFFFF90];
	v12 =	vunpack.i.u.bf16.f32 v5;
	v21 =	vunpack.i.u.bf16.f32 v9;
	v5 =	vunpack.i.l.bf16.f32 v5  }
0x180: {  	v3 =	vld [tilespmem:s16+$0xFFFFFFB0];
	v9 =	vunpack.i.l.bf16.f32 v9;
	v13 =	vunpack.i.l.bf16.f32 v1;
	v1 =	vunpack.i.u.bf16.f32 v1  }
0x181: {  	v8 =	vadd.f32 v8, v20;
	v20 =	vld [tilespmem:s11+$0xFFFFFF90];
	v5 =	vadd.f32 v5, v12;
	v12 =	vmul.bf16 v14, v15  }
0x182: {  	v14 =	vld [tilespmem:s16+$0xFFFFFFC0];
	v15 =	vunpack.i.u.bf16.f32 v11;
	v11 =	vunpack.i.l.bf16.f32 v11;
	v9 =	vadd.f32 v9, v21  }
0x183: {  	v1 =	vadd.f32 v13, v1;
	v13 =	vmul.bf16 v17, v18;
	v17 =	vld [tilespmem:s16+$0xFFFFFFE0];
	v11 =	vadd.f32 v11, v15  }
0x184: {  	v18 =	vld [tilespmem:s11+$0xFFFFFFE0];
	v8 =	vadd.f32 v8, v9;
	v9 =	vunpack.i.u.bf16.f32 v12;
	v12 =	vunpack.i.l.bf16.f32 v12  }
0x185: {  	v21 =	vld [tilespmem:s11+$0xFFFFFFC0];
	v7 =	vmul.bf16 v16, v7;
	v3 =	vmul.bf16 v3, v22;
	v1 =	vadd.f32 v1, v11  }
0x186: {  	v15 =	vld [tilespmem:s16+$0xFFFFFFF0];
	v11 =	vunpack.i.u.bf16.f32 v13;
	v13 =	vunpack.i.l.bf16.f32 v13;
	v9 =	vadd.f32 v12, v9  }
0x187: {  	v16 =	vld [tilespmem:s11+$0xFFFFFFD0];
	v11 =	vadd.f32 v13, v11;
	v13 =	vunpack.i.u.bf16.f32 v2;
	v2 =	vunpack.i.l.bf16.f32 v2  }
0x188: {  	v12 =	vld [tilespmem:s16+$0xFFFFFFD0];
	v24 =	vunpack.i.u.bf16.f32 v3;
	v3 =	vunpack.i.l.bf16.f32 v3;
	v10 =	vmul.bf16 v10, v20  }
0x189: {  	v20 =	vld [tilespmem:s11+$0xFFFFFFF0];
	v2 =	vadd.f32 v2, v13;
	v17 =	vmul.bf16 v17, v18;
	v1 =	vadd.f32 v8, v1  }
0x18a: {  	v13 =	vld [tilespmem:s16+$0x0];
	v9 =	vadd.f32 v11, v9;
	v11 =	vunpack.i.l.bf16.f32 v7;
	v7 =	vunpack.i.u.bf16.f32 v7  }
0x18b: {  	v18 =	vld [tilespmem:s24+$0xFFFFFF20];
	v22 =	vunpack.i.u.bf16.f32 v10;
	v10 =	vunpack.i.l.bf16.f32 v10;
	v7 =	vadd.f32 v11, v7  }
0x18c: {  	v11 =	vunpack.i.u.bf16.f32 v17;
	v2 =	vadd.f32 v2, v5;
	v5 =	vunpack.i.l.bf16.f32 v17;
	v17 =	vld [tilespmem:s24+$0xFFFFFF50]  }
0x18d: {  	s12 =	sadd.s32 $0x100, s16;
	v8 =	vadd.f32 v10, v22;
	v10 =	vmul.bf16 v14, v21;
	v14 =	vld [tilespmem:s24+$0xFFFFFF60];
	v12 =	vmul.bf16 v12, v16  }
0x18e: {  	v6 =	vimm.f32 $0.0e+00;
	v3 =	vadd.f32 v3, v24;
	v5 =	vadd.f32 v5, v11;
	v22 =	vld [tilespmem:s12+$0xFFFFFF30]  }
0x18f: {  	v21 =	vunpack.i.u.bf16.f32 v12;
	v12 =	vunpack.i.l.bf16.f32 v12;
	v15 =	vmul.bf16 v15, v20;
	v20 =	vld [tilespmem:s12+$0xFFFFFF50]  }
0x190: {  	v2 =	vadd.f32 v9, v2;
	v9 =	vadd.f32 v12, v21;
	v12 =	vmul.bf16 v13, v23;
	v13 =	vld [tilespmem:s12+$0xFFFFFF40]  }
0x191: {  	(xrf2) =	vadd.scan.msk.f32 $0xffff, v1;
	v1 =	vunpack.i.u.bf16.f32 v10;
	v10 =	vunpack.i.l.bf16.f32 v10;
	v7 =	vadd.f32 v7, v8;
	v21 =	vld [tilespmem:s24+$0xFFFFFF40]  }
0x192: {  	v10 =	vadd.f32 v10, v1;
	(xrf2) =	vadd.scan.msk.f32 $0xffff, v2;
	v23 =	vld [tilespmem:s24+$0xFFFFFF30];
	v11 =	vunpack.i.l.bf16.f32 v15;
	v2 =	vunpack.i.u.bf16.f32 v15  }
0x193: {  	s28 =	simm.s32 $0x3;
	v16 =	vld [tilespmem:s12+$0xFFFFFF60];
	v1 =	vunpack.i.u.bf16.f32 v12;
	v12 =	vunpack.i.l.bf16.f32 v12;
	v11 =	vadd.f32 v11, v2  }
0x194: {  	s20 =	simm.s32 $0x6;
	v8 =	vld [tilespmem:s24+$0xFFFFFF10];
	v15 =	vmov s28;
	s28 =	simm.s32 $0x7;
	v10 =	vadd.f32 v10, v3;
	v12 =	vadd.f32 v12, v1  }
0x195: {  	v5 =	vadd.f32 v5, v9;
	v2 =	vmov s20;
	v9 =	vld [tilespmem:s12+$0xFFFFFF20];
	v3 =	vmov s28  }
0x196: {  	v7 =	vadd.f32 v10, v7;
	v10 =	vld [tilespmem:s12+$0xFFFFFF70];
	v17 =	vmul.bf16 v20, v17;
	v11 =	vadd.f32 v12, v11  }
0x197: {  	v12 =	vld [tilespmem:s12+$0xFFFFFF10];
	v13 =	vmul.bf16 v13, v21;
	v20 =	vmul.bf16 v22, v23;
	v22 =	vmov s8  }
0x198: {  	vm0 =	veq.s32 v15, v0;
	v14 =	vmul.bf16 v16, v14;
	vm2 =	veq.s32 v22, v0  }
0x199: {  	v16 =	vld [tilespmem:s24+$0xFFFFFF80];
	v5 =	vadd.f32 v11, v5;
	v15 =	vunpack.i.u.bf16.f32 v13;
	v13 =	vunpack.i.l.bf16.f32 v13  }
0x19a: {  	v21 =	vld [tilespmem:s12+$0xFFFFFFA0];
	v9 =	vmul.bf16 v9, v18;
	v18 =	vunpack.i.u.bf16.f32 v20;
	v13 =	vadd.f32 v13, v15  }
0x19b: {  	v15 =	vld [tilespmem:s12+$0xFFFFFF80];
	v11, _, _ =	vpop (xrf2);
	(xrf2) =	vadd.scan.msk.f32 $0xffff, v5;
	v5 =	vunpack.i.u.bf16.f32 v17;
	v17 =	vunpack.i.l.bf16.f32 v17;
	v10 =	vmul.bf16 v10, v19  }
0x19c: {  	v19 =	vld [tilespmem:s24+$0xFFFFFF90];
	v11 =	vbroadcast v11, $0xF;
	v8 =	vmul.bf16 v12, v8;
	v12 =	vunpack.i.l.bf16.f32 v20  }
0x19d: {  	v23, _, _ =	vpop (xrf2);
	v20 =	vld [tilespmem:s24+$0xFFFFFFA0];
	(xrf2) =	vadd.scan.msk.f32 $0xffff, v7;
	v7 =	vunpack.i.l.bf16.f32 v9;
	v5 =	vadd.f32 v17, v5;
	v9 =	vunpack.i.u.bf16.f32 v9  }
0x19e: {  	v17 =	vld [tilespmem:s12+$0xFFFFFF90];
	v22 =	vbroadcast v23, $0xF;
	v12 =	vadd.f32 v12, v18;
	v7 =	vadd.f32 v7, v9  }
0x19f: {  	v63 =	vld [tilespmem:s24+$0xFFFFFFC0];
	v11 =	vsel vm2, v11, v6;
	v6 =	vunpack.i.u.bf16.f32 v8;
	v8 =	vunpack.i.l.bf16.f32 v8  }
0x1a0: {  	v18 =	vld [tilespmem:s12+$0xFFFFFFB0];
	vm2 =	veq.s32 v4, v0;
	v8 =	vadd.f32 v8, v6;
	v9 =	vmul.bf16 v15, v16  }
0x1a1: {  	v15 =	vld [tilespmem:s24+$0xFFFFFFB0];
	v6 =	vadd.f32 v13, v12;
	v12 =	vunpack.i.u.bf16.f32 v10;
	v13 =	vunpack.i.l.bf16.f32 v10  }
0x1a2: {  	v26 =	vld [tilespmem:s24+$0xFFFFFFE0];
	v10 =	vadd.f32 v7, v8;
	v7 =	vunpack.i.u.bf16.f32 v9;
	v8 =	vadd.f32 v13, v12  }
0x1a3: {  	v25 =	vld [tilespmem:s12+$0xFFFFFFE0];
	v9 =	vunpack.i.l.bf16.f32 v9;
	v13 =	vmul.bf16 v17, v19;
	v19 =	vmul.bf16 v21, v20  }
0x1a4: {  	v23 =	vld [tilespmem:s12+$0xFFFFFFC0];
	v16 =	vunpack.i.u.bf16.f32 v14;
	v14 =	vunpack.i.l.bf16.f32 v14;
	v7 =	vadd.f32 v9, v7  }
0x1a5: {  	v4 =	vld [tilespmem:s12+$0xFFFFFFF0];
	v11 =	vsel vm2, v22, v11;
	v20 =	vadd.f32 v14, v16;
	v17 =	vunpack.i.l.bf16.f32 v19  }
0x1a6: {  	v16 =	vld [tilespmem:s24+$0x0];
	v22 =	vunpack.i.u.bf16.f32 v13;
	v8 =	vadd.f32 v7, v8;
	v7 =	vmul.bf16 v18, v15;
	v12, _, _ =	vpop (xrf2)  }
0x1a7: {  	v27 =	vunpack.i.l.bf16.f32 v13;
	v21 =	vunpack.i.u.bf16.f32 v19;
	v18 =	vld [tilespmem:s24+$0xFFFFFFD0];
	v9 =	vbroadcast v12, $0xF;
	v15, _, _ =	vpop (xrf2)  }
0x1a8: {  	s19 =	simm.s32 $0x5;
	v12 =	vld [tilespmem:s12+$0xFFFFFFD0];
	v19 =	vunpack.i.u.bf16.f32 v7;
	v7 =	vunpack.i.l.bf16.f32 v7;
	v13 =	vbroadcast v15, $0xF  }
0x1a9: {  	s30 =	sshll.u32 s6, $0x4;
	v1 =	vmov s19;
	v14 =	vmul.bf16 v23, v63;
	v15 =	vld [tilespmem:s24+$0xFFFFFFF0];
	v7 =	vadd.f32 v7, v19  }
0x1aa: {  	s31 =	simm.s32 $0x4;
	s19 =	simm.s32 $0x8;
	v19 =	vld [tilespmem:s12+$0x0];
	s24 =	sadd.s32 $0x100, s24;
	v13 =	vsel vm1, v13, v11;
	v11 =	vadd.f32 v27, v22;
	v22 =	vmul.bf16 v25, v26  }
.LBB2_12:
0x1ab: {  	s20 =	sadd.s32 $0x1, s19  }
0x1ac: {  	v23 =	vld [tilespmem:s24+$0xFFFFFF20];
	v6 =	vadd.f32 v6, v10;
	v10 =	vadd.f32 v17, v21;
	s12 =	sadd.s32 $0x100, s12;
	v9 =	vsel vm0, v9, v13;
	s17 =	smov.u32 s19;
	s28 =	sadd.s32 $0x4, s19  }
0x1ad: {  	p3 =	sne.s32 s19, $0xC;
	v13 =	vmov s20;
	v17 =	vld [tilespmem:s24+$0xFFFFFF60];
	v12 =	vmul.bf16 v12, v18;
	v18 =	vunpack.i.u.bf16.f32 v22  }
0x1ae: {  	v5 =	vadd.f32 v20, v5;
	v20 =	vunpack.i.u.bf16.f32 v14;
	v22 =	vunpack.i.l.bf16.f32 v22;
	v21 =	vld [tilespmem:s12+$0xFFFFFF60];
	(xrf2) =	vadd.scan.msk.f32 $0xffff, v6  }
0x1af: {  	v4 =	vmul.bf16 v4, v15;
	v6 =	vld [tilespmem:s24+$0xFFFFFF50];
	v24 =	vunpack.i.u.bf16.f32 v12;
	v12 =	vunpack.i.l.bf16.f32 v12  }
0x1b0: {  	v5 =	vadd.f32 v8, v5;
	v15 =	vld [tilespmem:s12+$0xFFFFFF50];
	v8 =	vadd.f32 v12, v24;
	v12 =	vmul.bf16 v19, v16  }
0x1b1: {  	v14 =	vunpack.i.l.bf16.f32 v14;
	v18 =	vadd.f32 v22, v18;
	v19 =	vunpack.i.l.bf16.f32 v4;
	v16 =	vld [tilespmem:s12+$0xFFFFFF40]  }
0x1b2: {  	v14 =	vadd.f32 v14, v20;
	v22 =	vld [tilespmem:s24+$0xFFFFFF40];
	v20 =	vunpack.i.u.bf16.f32 v12;
	v12 =	vunpack.i.l.bf16.f32 v12;
	(xrf2) =	vadd.scan.msk.f32 $0xffff, v5  }
0x1b3: {  	s19 =	sadd.s32 $0x2, s17;
	v10 =	vadd.f32 v10, v11;
	v4 =	vunpack.i.u.bf16.f32 v4;
	v8 =	vadd.f32 v18, v8;
	v5 =	vld [tilespmem:s12+$0xFFFFFF30]  }
0x1b4: {  	v4 =	vadd.f32 v19, v4;
	v18 =	vmov s19;
	s19 =	sadd.s32 $0x3, s17;
	v12 =	vadd.f32 v12, v20;
	v11 =	vld [tilespmem:s24+$0xFFFFFF30]  }
0x1b5: {  	v7 =	vadd.f32 v14, v7;
	v20 =	vmov s19;
	v19 =	vld [tilespmem:s24+$0xFFFFFF10]  }
0x1b6: {  	v4 =	vadd.f32 v12, v4;
	v14 =	vld [tilespmem:s12+$0xFFFFFF20]  }
0x1b7: {  	v7 =	vadd.f32 v7, v10;
	v12 =	vld [tilespmem:s12+$0xFFFFFF10];
	v16 =	vmul.bf16 v16, v22  }
0x1b8: {  	vm1 =	veq.s32 v2, v0;
	vm0 =	veq.s32 v3, v0;
	v4 =	vadd.f32 v4, v8;
	v10 =	vld [tilespmem:s12+$0xFFFFFF70];
	v2, _, _ =	vpop (xrf2)  }
0x1b9: {  	v3 =	vmovc v20;
	v6 =	vmul.bf16 v15, v6;
	v8 =	vunpack.i.u.bf16.f32 v16;
	v15 =	vld [tilespmem:s24+$0xFFFFFF70];
	v22 =	vbroadcast v2, $0xF;
	v2 =	vmovc v18  }
0x1ba: {  	v5 =	vmul.bf16 v5, v11;
	v11 =	vunpack.i.l.bf16.f32 v16;
	v18 =	vmov s31;
	s31 =	smov.u32 s17;
	v16 =	vld [tilespmem:s12+$0xFFFFFFA0];
	(xrf2) =	vadd.scan.msk.f32 $0xffff, v4  }
0x1bb: {  	v8 =	vadd.f32 v11, v8;
	v11 =	vunpack.i.u.bf16.f32 v6;
	v4 =	vmul.bf16 v14, v23;
	v14 =	vld [tilespmem:s12+$0xFFFFFF80]  }
0x1bc: {  	v17 =	vmul.bf16 v21, v17;
	v6 =	vunpack.i.l.bf16.f32 v6;
	v20 =	vunpack.i.u.bf16.f32 v5;
	v21 =	vld [tilespmem:s24+$0xFFFFFF80];
	v23, _, _ =	vpop (xrf2)  }
0x1bd: {  	vm2 =	veq.s32 v18, v0;
	v12 =	vmul.bf16 v12, v19;
	v19 =	vunpack.i.l.bf16.f32 v5;
	v24 =	vld [tilespmem:s24+$0xFFFFFFA0];
	(xrf2) =	vadd.scan.msk.f32 $0xffff, v7  }
0x1be: {  	v5 =	vadd.f32 v6, v11;
	v7 =	vunpack.i.l.bf16.f32 v4;
	v18 =	vbroadcast v23, $0xF;
	v11 =	vld [tilespmem:s12+$0xFFFFFF90]  }
0x1bf: {  	v9 =	vsel vm2, v22, v9;
	v4 =	vunpack.i.u.bf16.f32 v4;
	v10 =	vmul.bf16 v10, v15;
	v15 =	vld [tilespmem:s24+$0xFFFFFF90]  }
0x1c0: {  	v19 =	vadd.f32 v19, v20;
	v6 =	vunpack.i.u.bf16.f32 v12;
	v12 =	vunpack.i.l.bf16.f32 v12;
	v20 =	vld [tilespmem:s12+$0xFFFFFFB0]  }
0x1c1: {  	v4 =	vadd.f32 v7, v4;
	v12 =	vadd.f32 v12, v6;
	v7 =	vmul.bf16 v14, v21;
	v14 =	vld [tilespmem:s24+$0xFFFFFFB0]  }
0x1c2: {  	v6 =	vadd.f32 v8, v19;
	v8 =	vunpack.i.u.bf16.f32 v10;
	v21 =	vunpack.i.l.bf16.f32 v10;
	v22 =	vld [tilespmem:s12+$0xFFFFFFC0]  }
0x1c3: {  	vm2 =	veq.s32 v1, v0;
	v1 =	vmovc v13;
	v10 =	vadd.f32 v4, v12;
	v12 =	vunpack.i.u.bf16.f32 v7;
	v23 =	vld [tilespmem:s24+$0xFFFFFFC0]  }
0x1c4: {  	v13 =	vunpack.i.u.bf16.f32 v17;
	v8 =	vadd.f32 v21, v8;
	v7 =	vunpack.i.l.bf16.f32 v7;
	v4 =	vld [tilespmem:s12+$0xFFFFFFF0];
	v19, _, _ =	vpop (xrf2)  }
0x1c5: {  	v7 =	vadd.f32 v7, v12;
	v11 =	vmul.bf16 v11, v15;
	v15 =	vmul.bf16 v16, v24;
	v24 =	vld [tilespmem:s12+$0xFFFFFFE0]  }
0x1c6: {  	v26 =	vsel vm2, v18, v9;
	v16 =	vunpack.i.l.bf16.f32 v17;
	v9 =	vbroadcast v19, $0xF;
	v25 =	vld [tilespmem:s24+$0xFFFFFFE0]  }
.Ltmp4:
0x1c7: {  	v8 =	vadd.f32 v7, v8;
	v17 =	vunpack.i.l.bf16.f32 v15;
	v7 =	vmul.bf16 v20, v14;
	v12 =	vld [tilespmem:s12+$0xFFFFFFD0];
	v14, _, _ =	vpop (xrf2);
	(pc) =	sbr.rel @p3 .LBB2_12-.Ltmp4, $4  }
0x1c8: {  	v19 =	vunpack.i.u.bf16.f32 v11;
	v11 =	vunpack.i.l.bf16.f32 v11;
	v18 =	vld [tilespmem:s24+$0xFFFFFFD0];
	v14 =	vbroadcast v14, $0xF  }
0x1c9: {  	v21 =	vunpack.i.u.bf16.f32 v15;
	v27 =	vunpack.i.u.bf16.f32 v7;
	v7 =	vunpack.i.l.bf16.f32 v7;
	v15 =	vld [tilespmem:s24+$0xFFFFFFF0]  }
0x1ca: {  	v20 =	vadd.f32 v16, v13;
	v7 =	vadd.f32 v7, v27;
	v16 =	vld [tilespmem:s24+$0x0];
	v13 =	vsel vm1, v14, v26  }
0x1cb: {  	s19 =	smov.u32 s28;
	v11 =	vadd.f32 v11, v19;
	v14 =	vmul.bf16 v22, v23;
	s24 =	sadd.s32 $0x100, s24;
	v22 =	vmul.bf16 v24, v25;
	v19 =	vld [tilespmem:s12+$0x0]  }
0x1cc: {  	_ = 	snop  }
0x1cd: {  	v6 =	vadd.f32 v6, v10;
	v47 =	vadd.f32 v17, v21  }
0x1ce: {  	v5 =	vadd.f32 v20, v5;
	v12 =	vmul.bf16 v12, v18;
	v48 =	vunpack.i.u.bf16.f32 v22  }
0x1cf: {  	v49 =	vunpack.i.u.bf16.f32 v14;
	v50 =	vunpack.i.l.bf16.f32 v22;
	v4 =	vmul.bf16 v4, v15  }
0x1d0: {  	v51 =	vunpack.i.u.bf16.f32 v12;
	v12 =	vunpack.i.l.bf16.f32 v12;
	v16 =	vmul.bf16 v19, v16  }
0x1d1: {  	v52 =	vadd.f32 v50, v48;
	v12 =	vadd.f32 v12, v51;
	v53 =	vunpack.i.l.bf16.f32 v4  }
0x1d2: {  	v4 =	vunpack.i.u.bf16.f32 v4;
	v19 =	vunpack.i.u.bf16.f32 v16;
	v16 =	vunpack.i.l.bf16.f32 v16  }
0x1d3: {  	v54 =	vunpack.i.l.bf16.f32 v14;
	v4 =	vadd.f32 v53, v4;
	v16 =	vadd.f32 v16, v19  }
0x1d4: {  	v5 =	vadd.f32 v8, v5;
	v55 =	vadd.f32 v54, v49  }
0x1d5: {  	v12 =	vadd.f32 v52, v12;
	v4 =	vadd.f32 v16, v4  }
0x1d6: {  	v10 =	vadd.f32 v47, v11;
	v7 =	vadd.f32 v55, v7  }
0x1d7: {  	(xrf2) =	vadd.scan.msk.f32 $0xffff, v6;
	v4 =	vadd.f32 v4, v12  }
0x1d8: {  	(xrf2) =	vadd.scan.msk.f32 $0xffff, v5;
	v56 =	vadd.f32 v7, v10  }
0x1d9: {  	(xrf2) =	vadd.scan.msk.f32 $0xffff, v4  }
0x1da: {  	(xrf2) =	vadd.scan.msk.f32 $0xffff, v56;
	_ =	sdelay $0x6  }
0x1db: {  	v57, _, _ =	vpop (xrf2)  }
0x1dc: {  	v58, _, _ =	vpop (xrf2)  }
0x1dd: {  	v59 =	vmov s31;
	v4 =	vbroadcast v57, $0xF;
	v60, _, _ =	vpop (xrf2)  }
0x1de: {  	v61 =	vsel vm0, v9, v13;
	vm13 =	veq.s32 v59, v0;
	v5 =	vbroadcast v58, $0xF;
	v62, _, _ =	vpop (xrf2)  }
0x1df: {  	vm14 =	veq.s32 v1, v0;
	v4 =	vsel vm13, v4, v61;
	v1 =	vbroadcast v62, $0xF  }
0x1e0: {  	vm1 =	veq.s32 v2, v0;
	v2 =	vsel vm14, v5, v4;
	v63 =	vbroadcast v60, $0xF  }
0x1e1: {  	vm15 =	veq.s32 v3, v0;
	v1 =	vsel vm1, v1, v2  }
0x1e2: {  	v1 =	vsel vm15, v63, v1  }
0x1e3: {  	v1 =	vsub.f32 $0.0e+00, v1;
	_ =	sdelay $0x1  }
0x1e4: {  	v1 =	vmul.f32 $1.442695020e+00, v1;
	_ =	sdelay $0x1  }
0x1e5: {  	(erf) = vpow2.f32 v1;
	_ =	sdelay $0x8  }
0x1e6: {  	v1 =	vpop (erf)  }
0x1e7: {  	v1 =	vadd.f32 $1.000000000e+00, v1;
	_ =	sdelay $0x1  }
0x1e8: {  	(erf) = vrcp.f32 v1;
	_ =	sdelay $0x3  }
0x1e9: {  	s6 =	sadd.s32 $0x1, s6  }
0x1ea: {  	p3 =	sne.s32 s6, $0x5  }
.Ltmp5:
0x1eb: {  	_ = 	snop;
	(pc) =	sbr.rel @p3 .LBB2_11-.Ltmp5, $3  }
0x1ec: {  	_ =	sdelay $0x1  }
0x1ed: {  	v1 =	vpop (erf)  }
0x1ee: {  	s11 =	sadd.s32 $0x400, s11;
	s16 =	sadd.s32 $0x400, s16;
	[tilespmem:s30+$0x18B00] =	vst v1  }
0x1ef: {  	s6 =	sadd.s32 s7, s10  }
0x1f0: {  	s6 =	sshrl.u32 s6, $0x3  }
0x1f1: {  	s8 =	simm.s32 $0x18B00;
	s6 =	sadd.s32 s2, s6  }
0x1f2: {  	[hbm4b:s6+s4] =	stream.linear.scatter [tilespmem:s8], [sflag:$0xB], $0x50, $0x38;
	[tilespmem:$0x18BA0] =	vst v63  }
0x1f3: {  	s11 =	simm.s32 @!p2 $0x11260;
	s6 =	sadd.s32 @!p2 $0x9E20, s7;
	s8 =	simm.s32 @!p2 $0x50  }
0x1f4: {  	[tilespmem:s11], [sflag:$0x3] =	stream.indirect.gather @!p2 [spmem:s3], $0x40, s6, s8, $0xb8;
	[tilespmem:$0x18BA0] =	vst v63  }
0x1f5: {  	s6 =	sadd.s32 @!p2 $0xC530, s7;
	s7 =	simm.s32 @!p2 $0x16260  }
0x1f6: {  	[tilespmem:s7], [sflag:$0x7] =	stream.indirect.gather @!p2 [spmem:s3], $0x40, s6, s8, $0xb8;
	[tilespmem:$0x18BA0] =	vst v63  }
0x1f7: {  	_ =	swait.ge [sflag:s29], $0x1400  }
0x1f8: {  	[sflag:s29] =	ssyncset.done $0x0  }
0x1f9: {  	[sflag:s29] =	ssyncadd.s32 $0xFFFFEC00  }
0x1fa: {  	_ =	swait.ge [sflag:s15], $0x1400  }
0x1fb: {  	[sflag:s15] =	ssyncset.done $0x0  }
0x1fc: {  	s6 =	simm.s32 @!p1 $0xC;
	[sflag:s15] =	ssyncadd.s32 $0xFFFFEC00  }
0x1fd: {  	_ =	swait.ge @!p1 [sflag:s6], $0x50  }
0x1fe: {  	s11 =	simm.s32 $0x17750;
	s7 =	simm.s32 $0x0;
	[sflag:s6] =	ssyncset.done @!p1 $0x0  }
0x1ff: {  	s8 =	simm.s32 $0x12750;
	[sflag:s6] =	ssyncadd.s32 @!p1 $0xFFFFFFB0;
	s6 =	simm.s32 $0x0  }
.LBB2_15:
0x200: {  	v1 =	vld [tilespmem:s8+$0xFFFFFF20]  }
0x201: {  	v2 =	vld [tilespmem:s8+$0xFFFFFF60]  }
0x202: {  	v3 =	vld [tilespmem:s11+$0xFFFFFF60]  }
0x203: {  	v5 =	vld [tilespmem:s8+$0xFFFFFF50]  }
0x204: {  	v7 =	vld [tilespmem:s11+$0xFFFFFF50]  }
0x205: {  	v4 =	vld [tilespmem:s11+$0xFFFFFF40]  }
0x206: {  	v8 =	vld [tilespmem:s8+$0xFFFFFF40]  }
0x207: {  	v9 =	vld [tilespmem:s11+$0xFFFFFF30]  }
0x208: {  	v10 =	vld [tilespmem:s8+$0xFFFFFF30]  }
0x209: {  	v11 =	vld [tilespmem:s8+$0xFFFFFF10]  }
0x20a: {  	v12 =	vld [tilespmem:s11+$0xFFFFFF20]  }
0x20b: {  	v13 =	vld [tilespmem:s11+$0xFFFFFF10]  }
0x20c: {  	v14 =	vld [tilespmem:s11+$0xFFFFFF70]  }
0x20d: {  	v15 =	vld [tilespmem:s8+$0xFFFFFF70]  }
0x20e: {  	v16 =	vld [tilespmem:s11+$0xFFFFFFA0]  }
0x20f: {  	v17 =	vld [tilespmem:s11+$0xFFFFFF80]  }
0x210: {  	s16 =	simm.s32 $0x2;
	v18 =	vld [tilespmem:s8+$0xFFFFFF80]  }
0x211: {  	v22 =	vld [tilespmem:s8+$0xFFFFFFB0];
	v19 =	vmov s16;
	v8 =	vmul.bf16 v4, v8  }
0x212: {  	s12 =	simm.s32 $0x1;
	v23 =	vld [tilespmem:s8+$0x0];
	s24 =	sadd.s32 $0x100, s8;
	vm1 =	veq.s32 v19, v0;
	v5 =	vmul.bf16 v7, v5;
	v9 =	vmul.bf16 v9, v10  }
0x213: {  	v19 =	vld [tilespmem:s24+$0xFFFFFF70];
	v4 =	vmov s12;
	v1 =	vmul.bf16 v12, v1;
	v2 =	vmul.bf16 v3, v2  }
0x214: {  	v7 =	vld [tilespmem:s8+$0xFFFFFFA0];
	v11 =	vmul.bf16 v13, v11;
	v20 =	vunpack.i.u.bf16.f32 v8;
	v8 =	vunpack.i.l.bf16.f32 v8  }
0x215: {  	v10 =	vld [tilespmem:s11+$0xFFFFFF90];
	v12 =	vunpack.i.u.bf16.f32 v5;
	v21 =	vunpack.i.u.bf16.f32 v9;
	v5 =	vunpack.i.l.bf16.f32 v5  }
0x216: {  	v3 =	vld [tilespmem:s11+$0xFFFFFFB0];
	v9 =	vunpack.i.l.bf16.f32 v9;
	v13 =	vunpack.i.l.bf16.f32 v1;
	v1 =	vunpack.i.u.bf16.f32 v1  }
0x217: {  	v8 =	vadd.f32 v8, v20;
	v20 =	vld [tilespmem:s8+$0xFFFFFF90];
	v5 =	vadd.f32 v5, v12;
	v12 =	vmul.bf16 v14, v15  }
0x218: {  	v14 =	vld [tilespmem:s11+$0xFFFFFFC0];
	v15 =	vunpack.i.u.bf16.f32 v11;
	v11 =	vunpack.i.l.bf16.f32 v11;
	v9 =	vadd.f32 v9, v21  }
0x219: {  	v1 =	vadd.f32 v13, v1;
	v13 =	vmul.bf16 v17, v18;
	v17 =	vld [tilespmem:s11+$0xFFFFFFE0];
	v11 =	vadd.f32 v11, v15  }
0x21a: {  	v18 =	vld [tilespmem:s8+$0xFFFFFFE0];
	v8 =	vadd.f32 v8, v9;
	v9 =	vunpack.i.u.bf16.f32 v12;
	v12 =	vunpack.i.l.bf16.f32 v12  }
0x21b: {  	v21 =	vld [tilespmem:s8+$0xFFFFFFC0];
	v7 =	vmul.bf16 v16, v7;
	v3 =	vmul.bf16 v3, v22;
	v1 =	vadd.f32 v1, v11  }
0x21c: {  	v15 =	vld [tilespmem:s11+$0xFFFFFFF0];
	v11 =	vunpack.i.u.bf16.f32 v13;
	v13 =	vunpack.i.l.bf16.f32 v13;
	v9 =	vadd.f32 v12, v9  }
0x21d: {  	v16 =	vld [tilespmem:s8+$0xFFFFFFD0];
	v11 =	vadd.f32 v13, v11;
	v13 =	vunpack.i.u.bf16.f32 v2;
	v2 =	vunpack.i.l.bf16.f32 v2  }
0x21e: {  	v12 =	vld [tilespmem:s11+$0xFFFFFFD0];
	v24 =	vunpack.i.u.bf16.f32 v3;
	v3 =	vunpack.i.l.bf16.f32 v3;
	v10 =	vmul.bf16 v10, v20  }
0x21f: {  	v20 =	vld [tilespmem:s8+$0xFFFFFFF0];
	v2 =	vadd.f32 v2, v13;
	v17 =	vmul.bf16 v17, v18;
	v1 =	vadd.f32 v8, v1  }
0x220: {  	v13 =	vld [tilespmem:s11+$0x0];
	v9 =	vadd.f32 v11, v9;
	v11 =	vunpack.i.l.bf16.f32 v7;
	v7 =	vunpack.i.u.bf16.f32 v7  }
0x221: {  	v18 =	vld [tilespmem:s24+$0xFFFFFF20];
	v22 =	vunpack.i.u.bf16.f32 v10;
	v10 =	vunpack.i.l.bf16.f32 v10;
	v7 =	vadd.f32 v11, v7  }
0x222: {  	v11 =	vunpack.i.u.bf16.f32 v17;
	v2 =	vadd.f32 v2, v5;
	v5 =	vunpack.i.l.bf16.f32 v17;
	v17 =	vld [tilespmem:s24+$0xFFFFFF50]  }
0x223: {  	s12 =	sadd.s32 $0x100, s11;
	v8 =	vadd.f32 v10, v22;
	v10 =	vmul.bf16 v14, v21;
	v14 =	vld [tilespmem:s24+$0xFFFFFF60];
	v12 =	vmul.bf16 v12, v16  }
0x224: {  	v6 =	vimm.f32 $0.0e+00;
	v3 =	vadd.f32 v3, v24;
	v5 =	vadd.f32 v5, v11;
	v22 =	vld [tilespmem:s12+$0xFFFFFF30]  }
0x225: {  	v21 =	vunpack.i.u.bf16.f32 v12;
	v12 =	vunpack.i.l.bf16.f32 v12;
	v15 =	vmul.bf16 v15, v20;
	v20 =	vld [tilespmem:s12+$0xFFFFFF50]  }
0x226: {  	v2 =	vadd.f32 v9, v2;
	v9 =	vadd.f32 v12, v21;
	v12 =	vmul.bf16 v13, v23;
	v13 =	vld [tilespmem:s12+$0xFFFFFF40]  }
0x227: {  	(xrf2) =	vadd.scan.msk.f32 $0xffff, v1;
	v1 =	vunpack.i.u.bf16.f32 v10;
	v10 =	vunpack.i.l.bf16.f32 v10;
	v7 =	vadd.f32 v7, v8;
	v21 =	vld [tilespmem:s24+$0xFFFFFF40]  }
0x228: {  	v10 =	vadd.f32 v10, v1;
	(xrf2) =	vadd.scan.msk.f32 $0xffff, v2;
	v23 =	vld [tilespmem:s24+$0xFFFFFF30];
	v11 =	vunpack.i.l.bf16.f32 v15;
	v2 =	vunpack.i.u.bf16.f32 v15  }
0x229: {  	s19 =	simm.s32 $0x3;
	v16 =	vld [tilespmem:s12+$0xFFFFFF60];
	v1 =	vunpack.i.u.bf16.f32 v12;
	v12 =	vunpack.i.l.bf16.f32 v12;
	v11 =	vadd.f32 v11, v2  }
0x22a: {  	s28 =	simm.s32 $0x6;
	s31 =	simm.s32 $0x7;
	v8 =	vld [tilespmem:s24+$0xFFFFFF10];
	v15 =	vmov s19;
	v10 =	vadd.f32 v10, v3;
	v12 =	vadd.f32 v12, v1  }
0x22b: {  	v5 =	vadd.f32 v5, v9;
	v2 =	vmov s28;
	v9 =	vld [tilespmem:s12+$0xFFFFFF20];
	v3 =	vmov s31  }
0x22c: {  	v7 =	vadd.f32 v10, v7;
	v10 =	vld [tilespmem:s12+$0xFFFFFF70];
	v17 =	vmul.bf16 v20, v17;
	v11 =	vadd.f32 v12, v11  }
0x22d: {  	v12 =	vld [tilespmem:s12+$0xFFFFFF10];
	v13 =	vmul.bf16 v13, v21;
	v20 =	vmul.bf16 v22, v23;
	v22 =	vmov s7  }
0x22e: {  	vm0 =	veq.s32 v15, v0;
	v14 =	vmul.bf16 v16, v14;
	vm2 =	veq.s32 v22, v0  }
0x22f: {  	v16 =	vld [tilespmem:s24+$0xFFFFFF80];
	v5 =	vadd.f32 v11, v5;
	v15 =	vunpack.i.u.bf16.f32 v13;
	v13 =	vunpack.i.l.bf16.f32 v13  }
0x230: {  	v21 =	vld [tilespmem:s12+$0xFFFFFFA0];
	v9 =	vmul.bf16 v9, v18;
	v18 =	vunpack.i.u.bf16.f32 v20;
	v13 =	vadd.f32 v13, v15  }
0x231: {  	v15 =	vld [tilespmem:s12+$0xFFFFFF80];
	v11, _, _ =	vpop (xrf2);
	(xrf2) =	vadd.scan.msk.f32 $0xffff, v5;
	v5 =	vunpack.i.u.bf16.f32 v17;
	v17 =	vunpack.i.l.bf16.f32 v17;
	v10 =	vmul.bf16 v10, v19  }
0x232: {  	v19 =	vld [tilespmem:s24+$0xFFFFFF90];
	v11 =	vbroadcast v11, $0xF;
	v8 =	vmul.bf16 v12, v8;
	v12 =	vunpack.i.l.bf16.f32 v20  }
0x233: {  	v23, _, _ =	vpop (xrf2);
	v20 =	vld [tilespmem:s24+$0xFFFFFFA0];
	(xrf2) =	vadd.scan.msk.f32 $0xffff, v7;
	v7 =	vunpack.i.l.bf16.f32 v9;
	v5 =	vadd.f32 v17, v5;
	v9 =	vunpack.i.u.bf16.f32 v9  }
0x234: {  	v17 =	vld [tilespmem:s12+$0xFFFFFF90];
	v22 =	vbroadcast v23, $0xF;
	v12 =	vadd.f32 v12, v18;
	v7 =	vadd.f32 v7, v9  }
0x235: {  	v63 =	vld [tilespmem:s24+$0xFFFFFFC0];
	v11 =	vsel vm2, v11, v6;
	v6 =	vunpack.i.u.bf16.f32 v8;
	v8 =	vunpack.i.l.bf16.f32 v8  }
0x236: {  	v18 =	vld [tilespmem:s12+$0xFFFFFFB0];
	vm2 =	veq.s32 v4, v0;
	v8 =	vadd.f32 v8, v6;
	v9 =	vmul.bf16 v15, v16  }
0x237: {  	v15 =	vld [tilespmem:s24+$0xFFFFFFB0];
	v6 =	vadd.f32 v13, v12;
	v12 =	vunpack.i.u.bf16.f32 v10;
	v13 =	vunpack.i.l.bf16.f32 v10  }
0x238: {  	v26 =	vld [tilespmem:s24+$0xFFFFFFE0];
	v10 =	vadd.f32 v7, v8;
	v7 =	vunpack.i.u.bf16.f32 v9;
	v8 =	vadd.f32 v13, v12  }
0x239: {  	v25 =	vld [tilespmem:s12+$0xFFFFFFE0];
	v9 =	vunpack.i.l.bf16.f32 v9;
	v13 =	vmul.bf16 v17, v19;
	v19 =	vmul.bf16 v21, v20  }
0x23a: {  	v23 =	vld [tilespmem:s12+$0xFFFFFFC0];
	v16 =	vunpack.i.u.bf16.f32 v14;
	v14 =	vunpack.i.l.bf16.f32 v14;
	v7 =	vadd.f32 v9, v7  }
0x23b: {  	v4 =	vld [tilespmem:s12+$0xFFFFFFF0];
	v11 =	vsel vm2, v22, v11;
	v20 =	vadd.f32 v14, v16;
	v17 =	vunpack.i.l.bf16.f32 v19  }
0x23c: {  	v16 =	vld [tilespmem:s24+$0x0];
	v22 =	vunpack.i.u.bf16.f32 v13;
	v8 =	vadd.f32 v7, v8;
	v7 =	vmul.bf16 v18, v15;
	v12, _, _ =	vpop (xrf2)  }
0x23d: {  	v27 =	vunpack.i.l.bf16.f32 v13;
	v21 =	vunpack.i.u.bf16.f32 v19;
	v18 =	vld [tilespmem:s24+$0xFFFFFFD0];
	v9 =	vbroadcast v12, $0xF;
	v15, _, _ =	vpop (xrf2)  }
0x23e: {  	s20 =	simm.s32 $0x5;
	v12 =	vld [tilespmem:s12+$0xFFFFFFD0];
	v19 =	vunpack.i.u.bf16.f32 v7;
	v7 =	vunpack.i.l.bf16.f32 v7;
	v13 =	vbroadcast v15, $0xF  }
0x23f: {  	s30 =	simm.s32 $0x4;
	v1 =	vmov s20;
	v14 =	vmul.bf16 v23, v63;
	v15 =	vld [tilespmem:s24+$0xFFFFFFF0];
	v7 =	vadd.f32 v7, v19  }
0x240: {  	s16 =	sshll.u32 s6, $0x4;
	s19 =	simm.s32 $0x8;
	v19 =	vld [tilespmem:s12+$0x0];
	s24 =	sadd.s32 $0x100, s24;
	v13 =	vsel vm1, v13, v11;
	v11 =	vadd.f32 v27, v22;
	v22 =	vmul.bf16 v25, v26  }
.LBB2_16:
0x241: {  	s20 =	sadd.s32 $0x1, s19  }
0x242: {  	v23 =	vld [tilespmem:s24+$0xFFFFFF20];
	v6 =	vadd.f32 v6, v10;
	v10 =	vadd.f32 v17, v21;
	s12 =	sadd.s32 $0x100, s12;
	v9 =	vsel vm0, v9, v13;
	s17 =	smov.u32 s19;
	s28 =	sadd.s32 $0x4, s19  }
0x243: {  	p1 =	sne.s32 s19, $0xC;
	v13 =	vmov s20;
	v17 =	vld [tilespmem:s24+$0xFFFFFF60];
	v12 =	vmul.bf16 v12, v18;
	v18 =	vunpack.i.u.bf16.f32 v22  }
0x244: {  	v5 =	vadd.f32 v20, v5;
	v20 =	vunpack.i.u.bf16.f32 v14;
	v22 =	vunpack.i.l.bf16.f32 v22;
	v21 =	vld [tilespmem:s12+$0xFFFFFF60];
	(xrf2) =	vadd.scan.msk.f32 $0xffff, v6  }
0x245: {  	v4 =	vmul.bf16 v4, v15;
	v6 =	vld [tilespmem:s24+$0xFFFFFF50];
	v24 =	vunpack.i.u.bf16.f32 v12;
	v12 =	vunpack.i.l.bf16.f32 v12  }
0x246: {  	v5 =	vadd.f32 v8, v5;
	v15 =	vld [tilespmem:s12+$0xFFFFFF50];
	v8 =	vadd.f32 v12, v24;
	v12 =	vmul.bf16 v19, v16  }
0x247: {  	v14 =	vunpack.i.l.bf16.f32 v14;
	v18 =	vadd.f32 v22, v18;
	v19 =	vunpack.i.l.bf16.f32 v4;
	v16 =	vld [tilespmem:s12+$0xFFFFFF40]  }
0x248: {  	v14 =	vadd.f32 v14, v20;
	v22 =	vld [tilespmem:s24+$0xFFFFFF40];
	v20 =	vunpack.i.u.bf16.f32 v12;
	v12 =	vunpack.i.l.bf16.f32 v12;
	(xrf2) =	vadd.scan.msk.f32 $0xffff, v5  }
0x249: {  	s19 =	sadd.s32 $0x2, s17;
	v10 =	vadd.f32 v10, v11;
	v4 =	vunpack.i.u.bf16.f32 v4;
	v8 =	vadd.f32 v18, v8;
	v5 =	vld [tilespmem:s12+$0xFFFFFF30]  }
0x24a: {  	v4 =	vadd.f32 v19, v4;
	v18 =	vmov s19;
	s19 =	sadd.s32 $0x3, s17;
	v12 =	vadd.f32 v12, v20;
	v11 =	vld [tilespmem:s24+$0xFFFFFF30]  }
0x24b: {  	v7 =	vadd.f32 v14, v7;
	v20 =	vmov s19;
	v19 =	vld [tilespmem:s24+$0xFFFFFF10]  }
0x24c: {  	v4 =	vadd.f32 v12, v4;
	v14 =	vld [tilespmem:s12+$0xFFFFFF20]  }
0x24d: {  	v7 =	vadd.f32 v7, v10;
	v12 =	vld [tilespmem:s12+$0xFFFFFF10];
	v16 =	vmul.bf16 v16, v22  }
0x24e: {  	vm1 =	veq.s32 v2, v0;
	vm0 =	veq.s32 v3, v0;
	v4 =	vadd.f32 v4, v8;
	v10 =	vld [tilespmem:s12+$0xFFFFFF70];
	v2, _, _ =	vpop (xrf2)  }
0x24f: {  	v3 =	vmovc v20;
	v6 =	vmul.bf16 v15, v6;
	v8 =	vunpack.i.u.bf16.f32 v16;
	v15 =	vld [tilespmem:s24+$0xFFFFFF70];
	v22 =	vbroadcast v2, $0xF;
	v2 =	vmovc v18  }
0x250: {  	v5 =	vmul.bf16 v5, v11;
	v11 =	vunpack.i.l.bf16.f32 v16;
	v18 =	vmov s30;
	s30 =	smov.u32 s17;
	v16 =	vld [tilespmem:s12+$0xFFFFFFA0];
	(xrf2) =	vadd.scan.msk.f32 $0xffff, v4  }
0x251: {  	v8 =	vadd.f32 v11, v8;
	v11 =	vunpack.i.u.bf16.f32 v6;
	v4 =	vmul.bf16 v14, v23;
	v14 =	vld [tilespmem:s12+$0xFFFFFF80]  }
0x252: {  	v17 =	vmul.bf16 v21, v17;
	v6 =	vunpack.i.l.bf16.f32 v6;
	v20 =	vunpack.i.u.bf16.f32 v5;
	v21 =	vld [tilespmem:s24+$0xFFFFFF80];
	v23, _, _ =	vpop (xrf2)  }
0x253: {  	vm2 =	veq.s32 v18, v0;
	v12 =	vmul.bf16 v12, v19;
	v19 =	vunpack.i.l.bf16.f32 v5;
	v24 =	vld [tilespmem:s24+$0xFFFFFFA0];
	(xrf2) =	vadd.scan.msk.f32 $0xffff, v7  }
0x254: {  	v5 =	vadd.f32 v6, v11;
	v7 =	vunpack.i.l.bf16.f32 v4;
	v18 =	vbroadcast v23, $0xF;
	v11 =	vld [tilespmem:s12+$0xFFFFFF90]  }
0x255: {  	v9 =	vsel vm2, v22, v9;
	v4 =	vunpack.i.u.bf16.f32 v4;
	v10 =	vmul.bf16 v10, v15;
	v15 =	vld [tilespmem:s24+$0xFFFFFF90]  }
0x256: {  	v19 =	vadd.f32 v19, v20;
	v6 =	vunpack.i.u.bf16.f32 v12;
	v12 =	vunpack.i.l.bf16.f32 v12;
	v20 =	vld [tilespmem:s12+$0xFFFFFFB0]  }
0x257: {  	v4 =	vadd.f32 v7, v4;
	v12 =	vadd.f32 v12, v6;
	v7 =	vmul.bf16 v14, v21;
	v14 =	vld [tilespmem:s24+$0xFFFFFFB0]  }
0x258: {  	v6 =	vadd.f32 v8, v19;
	v8 =	vunpack.i.u.bf16.f32 v10;
	v21 =	vunpack.i.l.bf16.f32 v10;
	v22 =	vld [tilespmem:s12+$0xFFFFFFC0]  }
0x259: {  	vm2 =	veq.s32 v1, v0;
	v1 =	vmovc v13;
	v10 =	vadd.f32 v4, v12;
	v12 =	vunpack.i.u.bf16.f32 v7;
	v23 =	vld [tilespmem:s24+$0xFFFFFFC0]  }
0x25a: {  	v13 =	vunpack.i.u.bf16.f32 v17;
	v8 =	vadd.f32 v21, v8;
	v7 =	vunpack.i.l.bf16.f32 v7;
	v4 =	vld [tilespmem:s12+$0xFFFFFFF0];
	v19, _, _ =	vpop (xrf2)  }
0x25b: {  	v7 =	vadd.f32 v7, v12;
	v11 =	vmul.bf16 v11, v15;
	v15 =	vmul.bf16 v16, v24;
	v24 =	vld [tilespmem:s12+$0xFFFFFFE0]  }
0x25c: {  	v26 =	vsel vm2, v18, v9;
	v16 =	vunpack.i.l.bf16.f32 v17;
	v9 =	vbroadcast v19, $0xF;
	v25 =	vld [tilespmem:s24+$0xFFFFFFE0]  }
.Ltmp6:
0x25d: {  	v8 =	vadd.f32 v7, v8;
	v17 =	vunpack.i.l.bf16.f32 v15;
	v7 =	vmul.bf16 v20, v14;
	v12 =	vld [tilespmem:s12+$0xFFFFFFD0];
	v14, _, _ =	vpop (xrf2);
	(pc) =	sbr.rel @p1 .LBB2_16-.Ltmp6, $4  }
0x25e: {  	v19 =	vunpack.i.u.bf16.f32 v11;
	v11 =	vunpack.i.l.bf16.f32 v11;
	v18 =	vld [tilespmem:s24+$0xFFFFFFD0];
	v14 =	vbroadcast v14, $0xF  }
0x25f: {  	v21 =	vunpack.i.u.bf16.f32 v15;
	v27 =	vunpack.i.u.bf16.f32 v7;
	v7 =	vunpack.i.l.bf16.f32 v7;
	v15 =	vld [tilespmem:s24+$0xFFFFFFF0]  }
0x260: {  	v20 =	vadd.f32 v16, v13;
	v7 =	vadd.f32 v7, v27;
	v16 =	vld [tilespmem:s24+$0x0];
	v13 =	vsel vm1, v14, v26  }
0x261: {  	s19 =	smov.u32 s28;
	v11 =	vadd.f32 v11, v19;
	v14 =	vmul.bf16 v22, v23;
	s24 =	sadd.s32 $0x100, s24;
	v22 =	vmul.bf16 v24, v25;
	v19 =	vld [tilespmem:s12+$0x0]  }
0x262: {  	_ = 	snop  }
0x263: {  	v6 =	vadd.f32 v6, v10;
	v47 =	vadd.f32 v17, v21  }
0x264: {  	v5 =	vadd.f32 v20, v5;
	v12 =	vmul.bf16 v12, v18;
	v48 =	vunpack.i.u.bf16.f32 v22  }
0x265: {  	v49 =	vunpack.i.u.bf16.f32 v14;
	v50 =	vunpack.i.l.bf16.f32 v22;
	v4 =	vmul.bf16 v4, v15  }
0x266: {  	v51 =	vunpack.i.u.bf16.f32 v12;
	v12 =	vunpack.i.l.bf16.f32 v12;
	v16 =	vmul.bf16 v19, v16  }
0x267: {  	v52 =	vadd.f32 v50, v48;
	v12 =	vadd.f32 v12, v51;
	v53 =	vunpack.i.l.bf16.f32 v4  }
0x268: {  	v4 =	vunpack.i.u.bf16.f32 v4;
	v19 =	vunpack.i.u.bf16.f32 v16;
	v16 =	vunpack.i.l.bf16.f32 v16  }
0x269: {  	v54 =	vunpack.i.l.bf16.f32 v14;
	v4 =	vadd.f32 v53, v4;
	v16 =	vadd.f32 v16, v19  }
0x26a: {  	v5 =	vadd.f32 v8, v5;
	v55 =	vadd.f32 v54, v49  }
0x26b: {  	v12 =	vadd.f32 v52, v12;
	v4 =	vadd.f32 v16, v4  }
0x26c: {  	v10 =	vadd.f32 v47, v11;
	v7 =	vadd.f32 v55, v7  }
0x26d: {  	(xrf2) =	vadd.scan.msk.f32 $0xffff, v6;
	v4 =	vadd.f32 v4, v12  }
0x26e: {  	(xrf2) =	vadd.scan.msk.f32 $0xffff, v5;
	v56 =	vadd.f32 v7, v10  }
0x26f: {  	(xrf2) =	vadd.scan.msk.f32 $0xffff, v4  }
0x270: {  	(xrf2) =	vadd.scan.msk.f32 $0xffff, v56;
	_ =	sdelay $0x6  }
0x271: {  	v57, _, _ =	vpop (xrf2)  }
0x272: {  	v58, _, _ =	vpop (xrf2)  }
0x273: {  	v59 =	vmov s30;
	v4 =	vbroadcast v57, $0xF;
	v60, _, _ =	vpop (xrf2)  }
0x274: {  	v61 =	vsel vm0, v9, v13;
	vm13 =	veq.s32 v59, v0;
	v5 =	vbroadcast v58, $0xF;
	v62, _, _ =	vpop (xrf2)  }
0x275: {  	vm14 =	veq.s32 v1, v0;
	v4 =	vsel vm13, v4, v61;
	v1 =	vbroadcast v62, $0xF  }
0x276: {  	vm1 =	veq.s32 v2, v0;
	v2 =	vsel vm14, v5, v4;
	v63 =	vbroadcast v60, $0xF  }
0x277: {  	vm15 =	veq.s32 v3, v0;
	v1 =	vsel vm1, v1, v2  }
0x278: {  	v1 =	vsel vm15, v63, v1  }
0x279: {  	v1 =	vsub.f32 $0.0e+00, v1;
	_ =	sdelay $0x1  }
0x27a: {  	v1 =	vmul.f32 $1.442695020e+00, v1;
	_ =	sdelay $0x1  }
0x27b: {  	(erf) = vpow2.f32 v1;
	_ =	sdelay $0x8  }
0x27c: {  	v1 =	vpop (erf)  }
0x27d: {  	v1 =	vadd.f32 $1.000000000e+00, v1;
	_ =	sdelay $0x1  }
0x27e: {  	(erf) = vrcp.f32 v1;
	_ =	sdelay $0x3  }
0x27f: {  	s6 =	sadd.s32 $0x1, s6  }
0x280: {  	p1 =	sne.s32 s6, $0x5  }
.Ltmp7:
0x281: {  	_ = 	snop;
	(pc) =	sbr.rel @p1 .LBB2_15-.Ltmp7, $3  }
0x282: {  	_ =	sdelay $0x1  }
0x283: {  	v1 =	vpop (erf)  }
0x284: {  	s8 =	sadd.s32 $0x400, s8;
	s11 =	sadd.s32 $0x400, s11;
	[tilespmem:s16+$0x18B50] =	vst v1  }
0x285: {  	s13 =	sadd.s32 $0x1, s13  }
0x286: {  	p1 =	sne.s32 s13, $0x1F  }
.Ltmp8:
0x287: {  	_ = 	snop;
	(pc) =	sbr.rel @p1 .LBB2_2-.Ltmp8, $4  }
0x288: {  	s6 =	sadd.s32 s5, s14  }
0x289: {  	s6 =	sshrl.u32 s6, $0x3  }
0x28a: {  	s7 =	simm.s32 $0x18B50;
	s6 =	sadd.s32 s2, s6  }
0x28b: {  	[hbm4b:s6+s4] =	stream.linear.scatter [tilespmem:s7], [sflag:$0xC], $0x50, $0x38;
	[tilespmem:$0x18BA0] =	vst v63  }
0x28c: {  	_ =	swait.ge [sflag:s1], $0x1400  }
0x28d: {  	[sflag:s1] =	ssyncset.done $0x0  }
0x28e: {  	[sflag:s1] =	ssyncadd.s32 $0xFFFFEC00  }
0x28f: {  	_ =	swait.ge [sflag:s0], $0x1400  }
0x290: {  	[sflag:s0] =	ssyncset.done $0x0  }
0x291: {  	s28 =	simm.s32 $0x9;
	[sflag:s0] =	ssyncadd.s32 $0xFFFFEC00  }
0x292: {  	_ =	swait.ge [sflag:s28], $0x50  }
0x293: {  	s7 =	simm.s32 $0x0;
	s8 =	simm.s32 $0xEAE0;
	[sflag:s28] =	ssyncset.done $0x0  }
0x294: {  	s11 =	simm.s32 $0x13AE0;
	s6 =	simm.s32 $0x0;
	[sflag:s28] =	ssyncadd.s32 $0xFFFFFFB0  }
.LBB2_20:
0x295: {  	v1 =	vld [tilespmem:s8+$0xFFFFFF90]  }
0x296: {  	v2 =	vld [tilespmem:s8+$0xFFFFFFD0]  }
0x297: {  	v3 =	vld [tilespmem:s11+$0xFFFFFFD0]  }
0x298: {  	v5 =	vld [tilespmem:s8+$0xFFFFFFC0]  }
0x299: {  	v7 =	vld [tilespmem:s11+$0xFFFFFFC0]  }
0x29a: {  	v4 =	vld [tilespmem:s11+$0xFFFFFFB0]  }
0x29b: {  	v8 =	vld [tilespmem:s8+$0xFFFFFFB0]  }
0x29c: {  	v9 =	vld [tilespmem:s11+$0xFFFFFFA0]  }
0x29d: {  	v10 =	vld [tilespmem:s8+$0xFFFFFFA0]  }
0x29e: {  	v11 =	vld [tilespmem:s8+$0xFFFFFF80]  }
0x29f: {  	v12 =	vld [tilespmem:s11+$0xFFFFFF90]  }
0x2a0: {  	v13 =	vld [tilespmem:s11+$0xFFFFFF80]  }
0x2a1: {  	v14 =	vld [tilespmem:s11+$0xFFFFFFE0]  }
0x2a2: {  	v15 =	vld [tilespmem:s8+$0xFFFFFFE0]  }
0x2a3: {  	v16 =	vld [tilespmem:s11+$0x10]  }
0x2a4: {  	v17 =	vld [tilespmem:s11+$0xFFFFFFF0]  }
0x2a5: {  	s13 =	simm.s32 $0x2;
	v18 =	vld [tilespmem:s8+$0xFFFFFFF0]  }
0x2a6: {  	v22 =	vld [tilespmem:s8+$0x20];
	v19 =	vmov s13;
	v8 =	vmul.bf16 v4, v8  }
0x2a7: {  	s12 =	simm.s32 $0x1;
	v23 =	vld [tilespmem:s8+$0x70];
	s16 =	sadd.s32 $0x100, s8;
	vm1 =	veq.s32 v19, v0;
	v5 =	vmul.bf16 v7, v5;
	v9 =	vmul.bf16 v9, v10  }
0x2a8: {  	v19 =	vld [tilespmem:s16+$0xFFFFFFE0];
	v4 =	vmov s12;
	v1 =	vmul.bf16 v12, v1;
	v2 =	vmul.bf16 v3, v2  }
0x2a9: {  	v7 =	vld [tilespmem:s8+$0x10];
	v11 =	vmul.bf16 v13, v11;
	v20 =	vunpack.i.u.bf16.f32 v8;
	v8 =	vunpack.i.l.bf16.f32 v8  }
0x2aa: {  	v10 =	vld [tilespmem:s11+$0x0];
	v12 =	vunpack.i.u.bf16.f32 v5;
	v21 =	vunpack.i.u.bf16.f32 v9;
	v5 =	vunpack.i.l.bf16.f32 v5  }
0x2ab: {  	v3 =	vld [tilespmem:s11+$0x20];
	v9 =	vunpack.i.l.bf16.f32 v9;
	v13 =	vunpack.i.l.bf16.f32 v1;
	v1 =	vunpack.i.u.bf16.f32 v1  }
0x2ac: {  	v8 =	vadd.f32 v8, v20;
	v20 =	vld [tilespmem:s8+$0x0];
	v5 =	vadd.f32 v5, v12;
	v12 =	vmul.bf16 v14, v15  }
0x2ad: {  	v14 =	vld [tilespmem:s11+$0x30];
	v15 =	vunpack.i.u.bf16.f32 v11;
	v11 =	vunpack.i.l.bf16.f32 v11;
	v9 =	vadd.f32 v9, v21  }
0x2ae: {  	v1 =	vadd.f32 v13, v1;
	v13 =	vmul.bf16 v17, v18;
	v17 =	vld [tilespmem:s11+$0x50];
	v11 =	vadd.f32 v11, v15  }
0x2af: {  	v18 =	vld [tilespmem:s8+$0x50];
	v8 =	vadd.f32 v8, v9;
	v9 =	vunpack.i.u.bf16.f32 v12;
	v12 =	vunpack.i.l.bf16.f32 v12  }
0x2b0: {  	v21 =	vld [tilespmem:s8+$0x30];
	v7 =	vmul.bf16 v16, v7;
	v3 =	vmul.bf16 v3, v22;
	v1 =	vadd.f32 v1, v11  }
0x2b1: {  	v15 =	vld [tilespmem:s11+$0x60];
	v11 =	vunpack.i.u.bf16.f32 v13;
	v13 =	vunpack.i.l.bf16.f32 v13;
	v9 =	vadd.f32 v12, v9  }
0x2b2: {  	v16 =	vld [tilespmem:s8+$0x40];
	v11 =	vadd.f32 v13, v11;
	v13 =	vunpack.i.u.bf16.f32 v2;
	v2 =	vunpack.i.l.bf16.f32 v2  }
0x2b3: {  	v12 =	vld [tilespmem:s11+$0x40];
	v24 =	vunpack.i.u.bf16.f32 v3;
	v3 =	vunpack.i.l.bf16.f32 v3;
	v10 =	vmul.bf16 v10, v20  }
0x2b4: {  	v20 =	vld [tilespmem:s8+$0x60];
	v2 =	vadd.f32 v2, v13;
	v17 =	vmul.bf16 v17, v18;
	v1 =	vadd.f32 v8, v1  }
0x2b5: {  	v13 =	vld [tilespmem:s11+$0x70];
	v9 =	vadd.f32 v11, v9;
	v11 =	vunpack.i.l.bf16.f32 v7;
	v7 =	vunpack.i.u.bf16.f32 v7  }
0x2b6: {  	v18 =	vld [tilespmem:s16+$0xFFFFFF90];
	v22 =	vunpack.i.u.bf16.f32 v10;
	v10 =	vunpack.i.l.bf16.f32 v10;
	v7 =	vadd.f32 v11, v7  }
0x2b7: {  	v11 =	vunpack.i.u.bf16.f32 v17;
	v2 =	vadd.f32 v2, v5;
	v5 =	vunpack.i.l.bf16.f32 v17;
	v17 =	vld [tilespmem:s16+$0xFFFFFFC0]  }
0x2b8: {  	s12 =	sadd.s32 $0x100, s11;
	v8 =	vadd.f32 v10, v22;
	v10 =	vmul.bf16 v14, v21;
	v14 =	vld [tilespmem:s16+$0xFFFFFFD0];
	v12 =	vmul.bf16 v12, v16  }
0x2b9: {  	v6 =	vimm.f32 $0.0e+00;
	v3 =	vadd.f32 v3, v24;
	v5 =	vadd.f32 v5, v11;
	v22 =	vld [tilespmem:s12+$0xFFFFFFA0]  }
0x2ba: {  	v21 =	vunpack.i.u.bf16.f32 v12;
	v12 =	vunpack.i.l.bf16.f32 v12;
	v15 =	vmul.bf16 v15, v20;
	v20 =	vld [tilespmem:s12+$0xFFFFFFC0]  }
0x2bb: {  	v2 =	vadd.f32 v9, v2;
	v9 =	vadd.f32 v12, v21;
	v12 =	vmul.bf16 v13, v23;
	v13 =	vld [tilespmem:s12+$0xFFFFFFB0]  }
0x2bc: {  	(xrf2) =	vadd.scan.msk.f32 $0xffff, v1;
	v1 =	vunpack.i.u.bf16.f32 v10;
	v10 =	vunpack.i.l.bf16.f32 v10;
	v7 =	vadd.f32 v7, v8;
	v21 =	vld [tilespmem:s16+$0xFFFFFFB0]  }
0x2bd: {  	v10 =	vadd.f32 v10, v1;
	(xrf2) =	vadd.scan.msk.f32 $0xffff, v2;
	v23 =	vld [tilespmem:s16+$0xFFFFFFA0];
	v11 =	vunpack.i.l.bf16.f32 v15;
	v2 =	vunpack.i.u.bf16.f32 v15  }
0x2be: {  	s20 =	simm.s32 $0x3;
	v16 =	vld [tilespmem:s12+$0xFFFFFFD0];
	v1 =	vunpack.i.u.bf16.f32 v12;
	v12 =	vunpack.i.l.bf16.f32 v12;
	v11 =	vadd.f32 v11, v2  }
0x2bf: {  	s30 =	simm.s32 $0x6;
	s31 =	simm.s32 $0x7;
	v8 =	vld [tilespmem:s16+$0xFFFFFF80];
	v15 =	vmov s20;
	v10 =	vadd.f32 v10, v3;
	v12 =	vadd.f32 v12, v1  }
0x2c0: {  	v5 =	vadd.f32 v5, v9;
	v2 =	vmov s30;
	v9 =	vld [tilespmem:s12+$0xFFFFFF90];
	v3 =	vmov s31  }
0x2c1: {  	v7 =	vadd.f32 v10, v7;
	v10 =	vld [tilespmem:s12+$0xFFFFFFE0];
	v17 =	vmul.bf16 v20, v17;
	v11 =	vadd.f32 v12, v11  }
0x2c2: {  	v12 =	vld [tilespmem:s12+$0xFFFFFF80];
	v13 =	vmul.bf16 v13, v21;
	v20 =	vmul.bf16 v22, v23;
	v22 =	vmov s7  }
0x2c3: {  	vm0 =	veq.s32 v15, v0;
	v14 =	vmul.bf16 v16, v14;
	vm2 =	veq.s32 v22, v0  }
0x2c4: {  	v16 =	vld [tilespmem:s16+$0xFFFFFFF0];
	v5 =	vadd.f32 v11, v5;
	v15 =	vunpack.i.u.bf16.f32 v13;
	v13 =	vunpack.i.l.bf16.f32 v13  }
0x2c5: {  	v21 =	vld [tilespmem:s12+$0x10];
	v9 =	vmul.bf16 v9, v18;
	v18 =	vunpack.i.u.bf16.f32 v20;
	v13 =	vadd.f32 v13, v15  }
0x2c6: {  	v15 =	vld [tilespmem:s12+$0xFFFFFFF0];
	v11, _, _ =	vpop (xrf2);
	(xrf2) =	vadd.scan.msk.f32 $0xffff, v5;
	v5 =	vunpack.i.u.bf16.f32 v17;
	v17 =	vunpack.i.l.bf16.f32 v17;
	v10 =	vmul.bf16 v10, v19  }
0x2c7: {  	v19 =	vld [tilespmem:s16+$0x0];
	v11 =	vbroadcast v11, $0xF;
	v8 =	vmul.bf16 v12, v8;
	v12 =	vunpack.i.l.bf16.f32 v20  }
0x2c8: {  	v23, _, _ =	vpop (xrf2);
	v20 =	vld [tilespmem:s16+$0x10];
	(xrf2) =	vadd.scan.msk.f32 $0xffff, v7;
	v7 =	vunpack.i.l.bf16.f32 v9;
	v5 =	vadd.f32 v17, v5;
	v9 =	vunpack.i.u.bf16.f32 v9  }
0x2c9: {  	v17 =	vld [tilespmem:s12+$0x0];
	v22 =	vbroadcast v23, $0xF;
	v12 =	vadd.f32 v12, v18;
	v7 =	vadd.f32 v7, v9  }
0x2ca: {  	v63 =	vld [tilespmem:s16+$0x30];
	v11 =	vsel vm2, v11, v6;
	v6 =	vunpack.i.u.bf16.f32 v8;
	v8 =	vunpack.i.l.bf16.f32 v8  }
0x2cb: {  	v18 =	vld [tilespmem:s12+$0x20];
	vm2 =	veq.s32 v4, v0;
	v8 =	vadd.f32 v8, v6;
	v9 =	vmul.bf16 v15, v16  }
0x2cc: {  	v15 =	vld [tilespmem:s16+$0x20];
	v6 =	vadd.f32 v13, v12;
	v12 =	vunpack.i.u.bf16.f32 v10;
	v13 =	vunpack.i.l.bf16.f32 v10  }
0x2cd: {  	v26 =	vld [tilespmem:s16+$0x50];
	v10 =	vadd.f32 v7, v8;
	v7 =	vunpack.i.u.bf16.f32 v9;
	v8 =	vadd.f32 v13, v12  }
0x2ce: {  	v25 =	vld [tilespmem:s12+$0x50];
	v9 =	vunpack.i.l.bf16.f32 v9;
	v13 =	vmul.bf16 v17, v19;
	v19 =	vmul.bf16 v21, v20  }
0x2cf: {  	v23 =	vld [tilespmem:s12+$0x30];
	v16 =	vunpack.i.u.bf16.f32 v14;
	v14 =	vunpack.i.l.bf16.f32 v14;
	v7 =	vadd.f32 v9, v7  }
0x2d0: {  	v4 =	vld [tilespmem:s12+$0x60];
	v11 =	vsel vm2, v22, v11;
	v20 =	vadd.f32 v14, v16;
	v17 =	vunpack.i.l.bf16.f32 v19  }
0x2d1: {  	v16 =	vld [tilespmem:s16+$0x70];
	v22 =	vunpack.i.u.bf16.f32 v13;
	v8 =	vadd.f32 v7, v8;
	v7 =	vmul.bf16 v18, v15;
	v12, _, _ =	vpop (xrf2)  }
0x2d2: {  	v27 =	vunpack.i.l.bf16.f32 v13;
	v21 =	vunpack.i.u.bf16.f32 v19;
	v18 =	vld [tilespmem:s16+$0x40];
	v9 =	vbroadcast v12, $0xF;
	v15, _, _ =	vpop (xrf2)  }
0x2d3: {  	s24 =	simm.s32 $0x5;
	v12 =	vld [tilespmem:s12+$0x40];
	v19 =	vunpack.i.u.bf16.f32 v7;
	v7 =	vunpack.i.l.bf16.f32 v7;
	v13 =	vbroadcast v15, $0xF  }
0x2d4: {  	s14 =	simm.s32 $0x4;
	v1 =	vmov s24;
	v14 =	vmul.bf16 v23, v63;
	v15 =	vld [tilespmem:s16+$0x60];
	v7 =	vadd.f32 v7, v19  }
0x2d5: {  	s19 =	simm.s32 $0x8;
	s13 =	sshll.u32 s6, $0x4;
	v19 =	vld [tilespmem:s12+$0x70];
	s16 =	sadd.s32 $0x100, s16;
	v13 =	vsel vm1, v13, v11;
	v11 =	vadd.f32 v27, v22;
	v22 =	vmul.bf16 v25, v26  }
.LBB2_21:
0x2d6: {  	s20 =	sadd.s32 $0x1, s19  }
0x2d7: {  	v23 =	vld [tilespmem:s16+$0xFFFFFF90];
	v6 =	vadd.f32 v6, v10;
	v10 =	vadd.f32 v17, v21;
	s12 =	sadd.s32 $0x100, s12;
	v9 =	vsel vm0, v9, v13;
	s17 =	smov.u32 s19;
	s24 =	sadd.s32 $0x4, s19  }
0x2d8: {  	p1 =	sne.s32 s19, $0xC;
	v13 =	vmov s20;
	v17 =	vld [tilespmem:s16+$0xFFFFFFD0];
	v12 =	vmul.bf16 v12, v18;
	v18 =	vunpack.i.u.bf16.f32 v22  }
0x2d9: {  	v5 =	vadd.f32 v20, v5;
	v20 =	vunpack.i.u.bf16.f32 v14;
	v22 =	vunpack.i.l.bf16.f32 v22;
	v21 =	vld [tilespmem:s12+$0xFFFFFFD0];
	(xrf2) =	vadd.scan.msk.f32 $0xffff, v6  }
0x2da: {  	v4 =	vmul.bf16 v4, v15;
	v6 =	vld [tilespmem:s16+$0xFFFFFFC0];
	v24 =	vunpack.i.u.bf16.f32 v12;
	v12 =	vunpack.i.l.bf16.f32 v12  }
0x2db: {  	v5 =	vadd.f32 v8, v5;
	v15 =	vld [tilespmem:s12+$0xFFFFFFC0];
	v8 =	vadd.f32 v12, v24;
	v12 =	vmul.bf16 v19, v16  }
0x2dc: {  	v14 =	vunpack.i.l.bf16.f32 v14;
	v18 =	vadd.f32 v22, v18;
	v19 =	vunpack.i.l.bf16.f32 v4;
	v16 =	vld [tilespmem:s12+$0xFFFFFFB0]  }
0x2dd: {  	v14 =	vadd.f32 v14, v20;
	v22 =	vld [tilespmem:s16+$0xFFFFFFB0];
	v20 =	vunpack.i.u.bf16.f32 v12;
	v12 =	vunpack.i.l.bf16.f32 v12;
	(xrf2) =	vadd.scan.msk.f32 $0xffff, v5  }
0x2de: {  	s19 =	sadd.s32 $0x2, s17;
	v10 =	vadd.f32 v10, v11;
	v4 =	vunpack.i.u.bf16.f32 v4;
	v8 =	vadd.f32 v18, v8;
	v5 =	vld [tilespmem:s12+$0xFFFFFFA0]  }
0x2df: {  	v4 =	vadd.f32 v19, v4;
	v18 =	vmov s19;
	s19 =	sadd.s32 $0x3, s17;
	v12 =	vadd.f32 v12, v20;
	v11 =	vld [tilespmem:s16+$0xFFFFFFA0]  }
0x2e0: {  	v7 =	vadd.f32 v14, v7;
	v20 =	vmov s19;
	v19 =	vld [tilespmem:s16+$0xFFFFFF80]  }
0x2e1: {  	v4 =	vadd.f32 v12, v4;
	v14 =	vld [tilespmem:s12+$0xFFFFFF90]  }
0x2e2: {  	v7 =	vadd.f32 v7, v10;
	v12 =	vld [tilespmem:s12+$0xFFFFFF80];
	v16 =	vmul.bf16 v16, v22  }
0x2e3: {  	vm1 =	veq.s32 v2, v0;
	vm0 =	veq.s32 v3, v0;
	v4 =	vadd.f32 v4, v8;
	v10 =	vld [tilespmem:s12+$0xFFFFFFE0];
	v2, _, _ =	vpop (xrf2)  }
0x2e4: {  	v3 =	vmovc v20;
	v6 =	vmul.bf16 v15, v6;
	v8 =	vunpack.i.u.bf16.f32 v16;
	v15 =	vld [tilespmem:s16+$0xFFFFFFE0];
	v22 =	vbroadcast v2, $0xF;
	v2 =	vmovc v18  }
0x2e5: {  	v5 =	vmul.bf16 v5, v11;
	v11 =	vunpack.i.l.bf16.f32 v16;
	v18 =	vmov s14;
	s14 =	smov.u32 s17;
	v16 =	vld [tilespmem:s12+$0x10];
	(xrf2) =	vadd.scan.msk.f32 $0xffff, v4  }
0x2e6: {  	v8 =	vadd.f32 v11, v8;
	v11 =	vunpack.i.u.bf16.f32 v6;
	v4 =	vmul.bf16 v14, v23;
	v14 =	vld [tilespmem:s12+$0xFFFFFFF0]  }
0x2e7: {  	v17 =	vmul.bf16 v21, v17;
	v6 =	vunpack.i.l.bf16.f32 v6;
	v20 =	vunpack.i.u.bf16.f32 v5;
	v21 =	vld [tilespmem:s16+$0xFFFFFFF0];
	v23, _, _ =	vpop (xrf2)  }
0x2e8: {  	vm2 =	veq.s32 v18, v0;
	v12 =	vmul.bf16 v12, v19;
	v19 =	vunpack.i.l.bf16.f32 v5;
	v24 =	vld [tilespmem:s16+$0x10];
	(xrf2) =	vadd.scan.msk.f32 $0xffff, v7  }
0x2e9: {  	v5 =	vadd.f32 v6, v11;
	v7 =	vunpack.i.l.bf16.f32 v4;
	v18 =	vbroadcast v23, $0xF;
	v11 =	vld [tilespmem:s12+$0x0]  }
0x2ea: {  	v9 =	vsel vm2, v22, v9;
	v4 =	vunpack.i.u.bf16.f32 v4;
	v10 =	vmul.bf16 v10, v15;
	v15 =	vld [tilespmem:s16+$0x0]  }
0x2eb: {  	v19 =	vadd.f32 v19, v20;
	v6 =	vunpack.i.u.bf16.f32 v12;
	v12 =	vunpack.i.l.bf16.f32 v12;
	v20 =	vld [tilespmem:s12+$0x20]  }
0x2ec: {  	v4 =	vadd.f32 v7, v4;
	v12 =	vadd.f32 v12, v6;
	v7 =	vmul.bf16 v14, v21;
	v14 =	vld [tilespmem:s16+$0x20]  }
0x2ed: {  	v6 =	vadd.f32 v8, v19;
	v8 =	vunpack.i.u.bf16.f32 v10;
	v21 =	vunpack.i.l.bf16.f32 v10;
	v22 =	vld [tilespmem:s12+$0x30]  }
0x2ee: {  	vm2 =	veq.s32 v1, v0;
	v1 =	vmovc v13;
	v10 =	vadd.f32 v4, v12;
	v12 =	vunpack.i.u.bf16.f32 v7;
	v23 =	vld [tilespmem:s16+$0x30]  }
0x2ef: {  	v13 =	vunpack.i.u.bf16.f32 v17;
	v8 =	vadd.f32 v21, v8;
	v7 =	vunpack.i.l.bf16.f32 v7;
	v4 =	vld [tilespmem:s12+$0x60];
	v19, _, _ =	vpop (xrf2)  }
0x2f0: {  	v7 =	vadd.f32 v7, v12;
	v11 =	vmul.bf16 v11, v15;
	v15 =	vmul.bf16 v16, v24;
	v24 =	vld [tilespmem:s12+$0x50]  }
0x2f1: {  	v26 =	vsel vm2, v18, v9;
	v16 =	vunpack.i.l.bf16.f32 v17;
	v9 =	vbroadcast v19, $0xF;
	v25 =	vld [tilespmem:s16+$0x50]  }
.Ltmp9:
0x2f2: {  	v8 =	vadd.f32 v7, v8;
	v17 =	vunpack.i.l.bf16.f32 v15;
	v7 =	vmul.bf16 v20, v14;
	v12 =	vld [tilespmem:s12+$0x40];
	v14, _, _ =	vpop (xrf2);
	(pc) =	sbr.rel @p1 .LBB2_21-.Ltmp9, $4  }
0x2f3: {  	v19 =	vunpack.i.u.bf16.f32 v11;
	v11 =	vunpack.i.l.bf16.f32 v11;
	v18 =	vld [tilespmem:s16+$0x40];
	v14 =	vbroadcast v14, $0xF  }
0x2f4: {  	v21 =	vunpack.i.u.bf16.f32 v15;
	v27 =	vunpack.i.u.bf16.f32 v7;
	v7 =	vunpack.i.l.bf16.f32 v7;
	v15 =	vld [tilespmem:s16+$0x60]  }
0x2f5: {  	v20 =	vadd.f32 v16, v13;
	v7 =	vadd.f32 v7, v27;
	v16 =	vld [tilespmem:s16+$0x70];
	v13 =	vsel vm1, v14, v26  }
0x2f6: {  	s19 =	smov.u32 s24;
	v11 =	vadd.f32 v11, v19;
	v14 =	vmul.bf16 v22, v23;
	s16 =	sadd.s32 $0x100, s16;
	v22 =	vmul.bf16 v24, v25;
	v19 =	vld [tilespmem:s12+$0x70]  }
0x2f7: {  	_ = 	snop  }
0x2f8: {  	v6 =	vadd.f32 v6, v10;
	v47 =	vadd.f32 v17, v21  }
0x2f9: {  	v5 =	vadd.f32 v20, v5;
	v12 =	vmul.bf16 v12, v18;
	v48 =	vunpack.i.u.bf16.f32 v22  }
0x2fa: {  	v49 =	vunpack.i.u.bf16.f32 v14;
	v50 =	vunpack.i.l.bf16.f32 v22;
	v4 =	vmul.bf16 v4, v15  }
0x2fb: {  	v51 =	vunpack.i.u.bf16.f32 v12;
	v12 =	vunpack.i.l.bf16.f32 v12;
	v16 =	vmul.bf16 v19, v16  }
0x2fc: {  	v52 =	vadd.f32 v50, v48;
	v12 =	vadd.f32 v12, v51;
	v53 =	vunpack.i.l.bf16.f32 v4  }
0x2fd: {  	v4 =	vunpack.i.u.bf16.f32 v4;
	v19 =	vunpack.i.u.bf16.f32 v16;
	v16 =	vunpack.i.l.bf16.f32 v16  }
0x2fe: {  	v54 =	vunpack.i.l.bf16.f32 v14;
	v4 =	vadd.f32 v53, v4;
	v16 =	vadd.f32 v16, v19  }
0x2ff: {  	v5 =	vadd.f32 v8, v5;
	v55 =	vadd.f32 v54, v49  }
0x300: {  	v12 =	vadd.f32 v52, v12;
	v4 =	vadd.f32 v16, v4  }
0x301: {  	v10 =	vadd.f32 v47, v11;
	v7 =	vadd.f32 v55, v7  }
0x302: {  	(xrf2) =	vadd.scan.msk.f32 $0xffff, v6;
	v4 =	vadd.f32 v4, v12  }
0x303: {  	(xrf2) =	vadd.scan.msk.f32 $0xffff, v5;
	v56 =	vadd.f32 v7, v10  }
0x304: {  	(xrf2) =	vadd.scan.msk.f32 $0xffff, v4  }
0x305: {  	(xrf2) =	vadd.scan.msk.f32 $0xffff, v56;
	_ =	sdelay $0x6  }
0x306: {  	v57, _, _ =	vpop (xrf2)  }
0x307: {  	v58, _, _ =	vpop (xrf2)  }
0x308: {  	v59 =	vmov s14;
	v4 =	vbroadcast v57, $0xF;
	v60, _, _ =	vpop (xrf2)  }
0x309: {  	v61 =	vsel vm0, v9, v13;
	vm13 =	veq.s32 v59, v0;
	v5 =	vbroadcast v58, $0xF;
	v62, _, _ =	vpop (xrf2)  }
0x30a: {  	vm14 =	veq.s32 v1, v0;
	v4 =	vsel vm13, v4, v61;
	v1 =	vbroadcast v62, $0xF  }
0x30b: {  	vm1 =	veq.s32 v2, v0;
	v2 =	vsel vm14, v5, v4;
	v63 =	vbroadcast v60, $0xF  }
0x30c: {  	vm15 =	veq.s32 v3, v0;
	v1 =	vsel vm1, v1, v2  }
0x30d: {  	v1 =	vsel vm15, v63, v1  }
0x30e: {  	v1 =	vsub.f32 $0.0e+00, v1;
	_ =	sdelay $0x1  }
0x30f: {  	v1 =	vmul.f32 $1.442695020e+00, v1;
	_ =	sdelay $0x1  }
0x310: {  	(erf) = vpow2.f32 v1;
	_ =	sdelay $0x8  }
0x311: {  	v1 =	vpop (erf)  }
0x312: {  	v1 =	vadd.f32 $1.000000000e+00, v1;
	_ =	sdelay $0x1  }
0x313: {  	(erf) = vrcp.f32 v1;
	_ =	sdelay $0x3  }
0x314: {  	s6 =	sadd.s32 $0x1, s6  }
0x315: {  	p1 =	sne.s32 s6, $0x5  }
.Ltmp10:
0x316: {  	_ = 	snop;
	(pc) =	sbr.rel @p1 .LBB2_20-.Ltmp10, $3  }
0x317: {  	_ =	sdelay $0x1  }
0x318: {  	v1 =	vpop (erf)  }
0x319: {  	s8 =	sadd.s32 $0x400, s8;
	s11 =	sadd.s32 $0x400, s11;
	[tilespmem:s13+$0x18A60] =	vst v1  }
0x31a: {  	s6 =	rddreg [dreg:$0x7]  }
0x31b: {  	[hbm4b:s6+s4] =	stream.linear.scatter [tilespmem:s21], [sflag:$0x9], $0x50, $0x38;
	[tilespmem:$0x18BA0] =	vst v63  }
0x31c: {  	_ =	swait.ge [sflag:s28], $0x50  }
0x31d: {  	[sflag:s28] =	ssyncset.done $0x0  }
0x31e: {  	[sflag:s28] =	ssyncadd.s32 $0xFFFFFFB0;
	s28 =	simm.s32 $0xA  }
0x31f: {  	_ =	swait.ge [sflag:s28], $0x50  }
0x320: {  	[sflag:s28] =	ssyncset.done $0x0  }
0x321: {  	s30 =	simm.s32 $0xB;
	[sflag:s28] =	ssyncadd.s32 $0xFFFFFFB0  }
0x322: {  	_ =	swait.ge [sflag:s30], $0x50  }
0x323: {  	[sflag:s30] =	ssyncset.done $0x0  }
0x324: {  	s7 =	simm.s32 $0xC;
	[sflag:s30] =	ssyncadd.s32 $0xFFFFFFB0  }
0x325: {  	_ =	swait.ge [sflag:s7], $0x50  }
0x326: {  	s8 =	rddreg [dreg:$0xb]  }
0x327: {  	s31 =	rddreg [dreg:$0x8];
	s8 =	sadd.s32 $0x1, s8  }
0x328: {  	p1 =	sne.s32 s8, s31  }
.Ltmp11:
0x329: {  	_ = 	snop;
	(pc) =	sbr.rel @p1 .LBB2_1-.Ltmp11, $3  }
0x32a: {  	_ =	sdelay $0x1  }
0x32b: {  	[sflag:s7] =	ssyncset.done $0x0  }
0x32c: {  	[sflag:s7] =	ssyncadd.s32 $0xFFFFFFB0  }
0x32d: {  	_ =	sfence.sel $0x180000  }
0x32e: {  	[bflag:$0x0] =	sbarrier.arrive $0xFFFF  }
0x32f: {  	_ =	strace $0x90000047  }
0x330: {  	s0 =	stileid.u32;
	[bflag:$0x2] =	sbarrier.arrive $0xFFFF  }
0x331: {  	p0 =	sne.s32 s0, $0x0;
	s0 =	rddreg [dreg:$0x3]  }
0x332: {  	s0 =	sadd.s32 @!p0 $0x100000, s0  }
0x333: {  	[sflag:s0] =	ssyncadd.tile.s32 @!p0 $0x1;
	_ =	shalt  }
.Lfunc_end2:
_tile_overlayer_lowered:
.L_overlay_start_2:
0x334: {  	(tag) =	ssettag $0x2  }
0x335: {  	s0 =	rddreg [dreg:$0x0];
	s2 =	stileid.u32  }
0x336: {  	s1 =	rddreg [dreg:$0x1];
	p0 =	sne.s32 s2, $0x0  }
0x337: {  	s3 =	rddreg [dreg:$0x2];
	[bflag:$0x3] =	sbarrier.arrive $0xFFFF;
	s2 =	simm.s32 @!p0 $0x1C0D  }
0x338: {  	[timem:s3], [sflag:s2] =	dma.local @!p0 [hbm:s0], s1  }
0x339: {  	s0 =	simm.s32 @!p0 $0xD  }
0x33a: {  	_ =	swait.ge @!p0 [sflag:s0], s1  }
0x33b: {  	s1 =	ssub.s32 @!p0 $0x0, s1;
	[sflag:s0] =	ssyncset.done @!p0 $0x0  }
0x33c: {  	[sflag:s0] =	ssyncadd.s32 @!p0 s1  }
0x33d: {  	[bflag:$0x3] =	sbarrier.arrive $0xFFFF  }
0x33e: {  	_ =	shalt  }

</sc_bundles>
